<compile_context>
chip_gen: v7x
topology: tpu7x:2x2x1
jax: 0.10.2.dev20260603
libtpu: 0.0.44.dev20260713+nightly
codegen_flags: <defaults>
</compile_context>

<pallas_src>
import functools
import jax
import jax.numpy as jnp
from jax import lax
from jax.experimental import pallas as pl
from jax.experimental.pallas import tpu as pltpu
from jax.experimental.pallas import tpu_sc as plsc

N = 10000
F_IN = 128
HID = 128
C = 40
CP = 48
ROWS = 1000

NW = 32
CH = 128
NCH = 80
EPW = CH * NCH
EP = NW * EPW
NCHP = 40
NPAD = 10240
RPS = NPAD // 16

_mesh = plsc.VectorSubcoreMesh(core_axis_name="c", subcore_axis_name="s")


def _sc_deg(dst_pad, ones_rows, zeros_d):

    @functools.partial(
        pl.kernel,
        out_type=jax.ShapeDtypeStruct((2, NPAD, 16), jnp.float32),
        mesh=_mesh,
        compiler_params=pltpu.CompilerParams(use_tc_tiling_on_sc=False),
        scratch_types=[
            pltpu.VMEM((CH,), jnp.int32),
            pltpu.VMEM((CH, 16), jnp.float32),
            pltpu.VMEM_SHARED((NPAD, 16), jnp.float32),
            pltpu.SemaphoreType.DMA,
        ],
    )
    def k(dst_hbm, ones_hbm, zeros_hbm, out_hbm, dvv, ones_v, acc_sh, sem):
        cid = lax.axis_index("c")
        sid = lax.axis_index("s")
        w = sid * 2 + cid
        pltpu.sync_copy(zeros_hbm, acc_sh.at[pl.ds(sid * RPS, RPS)])
        pltpu.sync_copy(ones_hbm, ones_v)
        plsc.subcore_barrier()

        @pl.loop(0, NCH)
        def _(c):
            base = w * EPW + c * CH
            pltpu.sync_copy(dst_hbm.at[pl.ds(base, CH)], dvv)
            pltpu.sync_copy(ones_v, acc_sh.at[dvv], add=True)

        plsc.subcore_barrier()
        pltpu.sync_copy(
            acc_sh.at[pl.ds(sid * RPS, RPS)],
            out_hbm.at[cid, pl.ds(sid * RPS, RPS)],
        )

    return k(dst_pad, ones_rows, zeros_d)


def _make_sc_agg(D, tab_in_spmem=False):

    @functools.partial(
        pl.kernel,
        out_type=jax.ShapeDtypeStruct((2, NPAD, D), jnp.float32),
        mesh=_mesh,
        compiler_params=pltpu.CompilerParams(use_tc_tiling_on_sc=False),
        scratch_types=[
            pltpu.VMEM((NCHP * CH,), jnp.int32),
            pltpu.VMEM((NCHP * CH,), jnp.int32),
            pltpu.VMEM((CH,), jnp.int32),
            pltpu.VMEM((CH,), jnp.int32),
            pltpu.VMEM((CH,), jnp.int32),
            pltpu.VMEM((CH,), jnp.int32),
            pltpu.VMEM((CH, D), jnp.float32),
            pltpu.VMEM((CH, D), jnp.float32),
            pltpu.VMEM_SHARED((NPAD, D), jnp.float32),
        ]
        + ([pltpu.VMEM_SHARED((N, D), jnp.float32)] if tab_in_spmem else [])
        + [
            pltpu.SemaphoreType.DMA,
            pltpu.SemaphoreType.DMA,
        ],
    )
    def k(tab_hbm, src_hbm, dst_hbm, zeros_hbm, out_hbm,
          src_v, dst_v, sva, svb, dva, dvb,
          rows_a, rows_b, acc_sh, *rest):
        if tab_in_spmem:
            tab_sh, sem_a, sem_b = rest
        else:
            sem_a, sem_b = rest
        cid = lax.axis_index("c")
        sid = lax.axis_index("s")
        w = sid * 2 + cid
        pltpu.sync_copy(zeros_hbm, acc_sh.at[pl.ds(sid * RPS, RPS)])
        if tab_in_spmem:
            nrs = N // 16
            pltpu.sync_copy(
                tab_hbm.at[pl.ds(sid * nrs, nrs)],
                tab_sh.at[pl.ds(sid * nrs, nrs)],
            )
            tab = tab_sh
        else:
            tab = tab_hbm
        plsc.subcore_barrier()

        def stage(idx1d, c, buf):
            for j in range(CH // 16):
                buf[pl.ds(j * 16, 16)] = idx1d[pl.ds(c * CH + j * 16, 16)]

        def gather(buf, rows, sem):
            return pltpu.make_async_copy(tab.at[buf], rows, sem)

        for p in range(NCH // NCHP):
            base = w * EPW + p * NCHP * CH
            pltpu.sync_copy(src_hbm.at[pl.ds(base, NCHP * CH)], src_v)
            pltpu.sync_copy(dst_hbm.at[pl.ds(base, NCHP * CH)], dst_v)
            stage(src_v, 0, sva)
            gather(sva, rows_a, sem_a).start()
            stage(src_v, 1, svb)
            gather(svb, rows_b, sem_b).start()

            @pl.loop(0, NCHP, step=2)
            def _(c):
                gather(sva, rows_a, sem_a).wait()
                stage(dst_v, c, dva)
                pltpu.sync_copy(rows_a, acc_sh.at[dva], add=True)

                @pl.when(c + 2 < NCHP)
                def _():
                    stage(src_v, c + 2, sva)
                    gather(sva, rows_a, sem_a).start()

                gather(svb, rows_b, sem_b).wait()
                stage(dst_v, c + 1, dvb)
                pltpu.sync_copy(rows_b, acc_sh.at[dvb], add=True)

                @pl.when(c + 3 < NCHP)
                def _():
                    stage(src_v, c + 3, svb)
                    gather(svb, rows_b, sem_b).start()

        plsc.subcore_barrier()
        pltpu.sync_copy(
            acc_sh.at[pl.ds(sid * RPS, RPS)],
            out_hbm.at[cid, pl.ds(sid * RPS, RPS)],
        )

    return k


_sc_agg_c = _make_sc_agg(CP, tab_in_spmem=True)

HH = HID // 2
EPC = EP // 16
NCHL = EPC // CH


def _sc_agg_split():

    @functools.partial(
        pl.kernel,
        out_type=jax.ShapeDtypeStruct((2, NPAD, HH), jnp.float32),
        mesh=_mesh,
        compiler_params=pltpu.CompilerParams(use_tc_tiling_on_sc=False),
        scratch_types=[
            pltpu.VMEM((NCHP * CH,), jnp.int32),
            pltpu.VMEM((NCHP * CH,), jnp.int32),
            pltpu.VMEM((CH,), jnp.int32),
            pltpu.VMEM((CH,), jnp.int32),
            pltpu.VMEM((CH,), jnp.int32),
            pltpu.VMEM((CH,), jnp.int32),
            pltpu.VMEM((CH, HH), jnp.float32),
            pltpu.VMEM((CH, HH), jnp.float32),
            pltpu.VMEM_SHARED((NPAD, HH), jnp.float32),
            pltpu.VMEM_SHARED((N, HH), jnp.float32),
            pltpu.SemaphoreType.DMA,
            pltpu.SemaphoreType.DMA,
        ],
    )
    def k(tabs_hbm, src_hbm, dst_hbm, zeros_hbm, out_hbm,
          src_v, dst_v, sva, svb, dva, dvb,
          rows_a, rows_b, acc_sh, tab_sh, sem_a, sem_b):
        cid = lax.axis_index("c")
        sid = lax.axis_index("s")
        pltpu.sync_copy(zeros_hbm, acc_sh.at[pl.ds(sid * RPS, RPS)])
        nrs = N // 16
        pltpu.sync_copy(
            tabs_hbm.at[cid, pl.ds(sid * nrs, nrs)],
            tab_sh.at[pl.ds(sid * nrs, nrs)],
        )
        plsc.subcore_barrier()

        def stage(idx1d, c, buf):
            for j in range(CH // 16):
                buf[pl.ds(j * 16, 16)] = idx1d[pl.ds(c * CH + j * 16, 16)]

        def gather(buf, rows, sem):
            return pltpu.make_async_copy(tab_sh.at[buf], rows, sem)

        for p in range(NCHL // NCHP):
            base = sid * EPC + p * NCHP * CH
            pltpu.sync_copy(src_hbm.at[pl.ds(base, NCHP * CH)], src_v)
            pltpu.sync_copy(dst_hbm.at[pl.ds(base, NCHP * CH)], dst_v)
            stage(src_v, 0, sva)
            gather(sva, rows_a, sem_a).start()
            stage(src_v, 1, svb)
            gather(svb, rows_b, sem_b).start()

            @pl.loop(0, NCHP, step=2)
            def _(c):
                gather(sva, rows_a, sem_a).wait()
                stage(dst_v, c, dva)
                pltpu.sync_copy(rows_a, acc_sh.at[dva], add=True)

                @pl.when(c + 2 < NCHP)
                def _():
                    stage(src_v, c + 2, sva)
                    gather(sva, rows_a, sem_a).start()

                gather(svb, rows_b, sem_b).wait()
                stage(dst_v, c + 1, dvb)
                pltpu.sync_copy(rows_b, acc_sh.at[dvb], add=True)

                @pl.when(c + 3 < NCHP)
                def _():
                    stage(src_v, c + 3, svb)
                    gather(svb, rows_b, sem_b).start()

        plsc.subcore_barrier()
        pltpu.sync_copy(
            acc_sh.at[pl.ds(sid * RPS, RPS)],
            out_hbm.at[cid, pl.ds(sid * RPS, RPS)],
        )

    return k


_sc_agg_h_split = _sc_agg_split()


def _mm1_body(x_ref, degp_ref, w_ref, o_ref, dinv_ref):
    deg = 1.0 + degp_ref[0, :, 0] + degp_ref[1, :, 0]
    dinv = lax.rsqrt(deg)[:, None]
    dinv_ref[...] = dinv
    xs = x_ref[...] * dinv
    o_ref[...] = jnp.dot(xs, w_ref[...], preferred_element_type=jnp.float32)


def _tc_mm1(x, degp, W1):
    return pl.pallas_call(
        _mm1_body,
        grid=(N // ROWS,),
        in_specs=[
            pl.BlockSpec((ROWS, F_IN), lambda i: (i, 0)),
            pl.BlockSpec((2, ROWS, 16), lambda i: (0, i, 0)),
            pl.BlockSpec((F_IN, HID), lambda i: (0, 0)),
        ],
        out_specs=[
            pl.BlockSpec((ROWS, HID), lambda i: (i, 0)),
            pl.BlockSpec((ROWS, 1), lambda i: (i, 0)),
        ],
        out_shape=[
            jax.ShapeDtypeStruct((N, HID), jnp.float32),
            jax.ShapeDtypeStruct((N, 1), jnp.float32),
        ],
    )(x, degp, W1)


def _mid_body(s1_ref, h1p_ref, dinv_ref, b1_ref, w2_ref, o_ref):
    dinv = dinv_ref[...]
    s1 = jnp.concatenate([s1_ref[0], s1_ref[1]], axis=1)
    agg = dinv * (s1 + h1p_ref[...]) + b1_ref[...]
    h = jnp.maximum(agg, 0.0) * dinv
    o_ref[...] = jnp.dot(h, w2_ref[...], preferred_element_type=jnp.float32)


def _tc_mid(S1p, h1p, dinv, b1, W2p):
    return pl.pallas_call(
        _mid_body,
        grid=(N // ROWS,),
        in_specs=[
            pl.BlockSpec((2, ROWS, HH), lambda i: (0, i, 0)),
            pl.BlockSpec((ROWS, HID), lambda i: (i, 0)),
            pl.BlockSpec((ROWS, 1), lambda i: (i, 0)),
            pl.BlockSpec((1, HID), lambda i: (0, 0)),
            pl.BlockSpec((HID, CP), lambda i: (0, 0)),
        ],
        out_specs=pl.BlockSpec((ROWS, CP), lambda i: (i, 0)),
        out_shape=jax.ShapeDtypeStruct((N, CP), jnp.float32),
    )(S1p, h1p, dinv, b1, W2p)


def _fin_body(s2_ref, h2p_ref, dinv_ref, b2_ref, o_ref):
    o = dinv_ref[...] * (
        s2_ref[0, :, :C] + s2_ref[1, :, :C] + h2p_ref[:, :C]
    ) + b2_ref[...]
    m = jnp.max(o, axis=1, keepdims=True)
    e = jnp.exp(o - m)
    lse = m + jnp.log(jnp.sum(e, axis=1, keepdims=True))
    o_ref[...] = o - lse


def _tc_fin(S2p, h2p, dinv, b2):
    return pl.pallas_call(
        _fin_body,
        grid=(N // ROWS,),
        in_specs=[
            pl.BlockSpec((2, ROWS, CP), lambda i: (0, i, 0)),
            pl.BlockSpec((ROWS, CP), lambda i: (i, 0)),
            pl.BlockSpec((ROWS, 1), lambda i: (i, 0)),
            pl.BlockSpec((1, C), lambda i: (0, 0)),
        ],
        out_specs=pl.BlockSpec((ROWS, C), lambda i: (i, 0)),
        out_shape=jax.ShapeDtypeStruct((N, C), jnp.float32),
    )(S2p, h2p, dinv, b2)


def kernel(x, edge_index, W1, b1, W2, b2):
    E = edge_index.shape[1]
    npad_e = EP - E
    pad_dst = N + jnp.arange(npad_e, dtype=jnp.int32) % (NPAD - N)
    src = jnp.concatenate(
        [edge_index[0], jnp.zeros((npad_e,), jnp.int32)])
    dst = jnp.concatenate([edge_index[1], pad_dst])

    ones_rows = jnp.ones((CH, 16), jnp.float32)
    zeros_d = jnp.zeros((RPS, 16), jnp.float32)
    zeros_h = jnp.zeros((RPS, HH), jnp.float32)
    zeros_c = jnp.zeros((RPS, CP), jnp.float32)
    W2p = jnp.pad(W2, ((0, 0), (0, CP - C)))

    degp = _sc_deg(dst, ones_rows, zeros_d)
    h1p, dinv = _tc_mm1(x, degp, W1)
    h1s = jnp.stack([h1p[:, :HH], h1p[:, HH:]])
    S1p = _sc_agg_h_split(h1s, src, dst, zeros_h)
    h2p = _tc_mid(S1p, h1p, dinv, b1[None, :], W2p)
    S2p = _sc_agg_c(h2p, src, dst, zeros_c)
    return _tc_fin(S2p, h2p, dinv, b2[None, :])

# --- scband reference (transcript-rebuilt; emitter-appended) ---
"""Pipeline reference for scband-gcn-55241869361249 (READ-ONLY COPY).

The authoritative reference and input builder live on the scoring server;
editing this copy changes nothing except your own understanding.
"""

import jax, jax.numpy as jnp
import numpy as np

N = 10000
E = 320000
F_IN = 128
HID = 128
C = 40


def setup_inputs(seed: int = 0):
    key = jax.random.key(seed)
    k1, k2, k3, k4, k5, k6 = jax.random.split(key, 6)
    x = jax.random.normal(k1, (N, F_IN), dtype=jnp.float32)
    edge_index = jax.random.randint(k2, (2, E), 0, N, dtype=jnp.int32)
    W1 = jax.random.normal(k3, (F_IN, HID), dtype=jnp.float32) * (1.0 / np.sqrt(F_IN))
    b1 = jnp.zeros((HID,), dtype=jnp.float32)
    W2 = jax.random.normal(k4, (HID, C), dtype=jnp.float32) * (1.0 / np.sqrt(HID))
    b2 = jnp.zeros((C,), dtype=jnp.float32)
    return {"x": x, "edge_index": edge_index, "W1": W1, "b1": b1, "W2": W2, "b2": b2}


def _gcn_conv(x, src, dst, W, b, num_nodes):
    # GCNConv: D^{-1/2} (A + I) D^{-1/2} X W + b  (add_self_loops=True, normalize=True)
    h = x @ W
    deg = jnp.zeros((num_nodes,), dtype=jnp.float32).at[dst].add(1.0)
    deg_inv_sqrt = jnp.where(deg > 0, 1.0 / jnp.sqrt(deg), 0.0)
    norm = deg_inv_sqrt[src] * deg_inv_sqrt[dst]
    msg = h[src] * norm[:, None]
    out = jnp.zeros((num_nodes, h.shape[1]), dtype=h.dtype).at[dst].add(msg)
    return out + b


def reference(x, edge_index, W1, b1, W2, b2):
    num_nodes = x.shape[0]
    loop = jnp.arange(num_nodes, dtype=edge_index.dtype)
    src = jnp.concatenate([edge_index[0], loop])
    dst = jnp.concatenate([edge_index[1], loop])
    h = jax.nn.relu(_gcn_conv(x, src, dst, W1, b1, num_nodes))
    # dropout is identity at inference (training=False)
    o = _gcn_conv(h, src, dst, W2, b2, num_nodes)
    return jax.nn.log_softmax(o, axis=1)

if __name__ == "__main__":
    import jax
    _d = setup_inputs()
    print(jax.jit(kernel)(*tuple(_d.values())))

</pallas_src>

<mosaic_0001>
#map = affine_map<(d0, d1) -> (0, 0, 0)>
#map1 = affine_map<(d0, d1) -> (0)>
#map2 = affine_map<(d0, d1) -> (0, 0)>
module attributes {stable_mosaic.version = 14 : i64} {
  func.func @k(%arg0: i32, %arg1: i32, %arg2: memref<2x10000x64xf32, #tpu.memory_space<hbm>>, %arg3: memref<327680xi32, #tpu.memory_space<hbm>>, %arg4: memref<327680xi32, #tpu.memory_space<hbm>>, %arg5: memref<640x64xf32, #tpu.memory_space<hbm>>, %arg6: memref<2x10240x64xf32, #tpu.memory_space<hbm>>, %arg7: memref<5120xi32, #tpu.memory_space<vmem>>, %arg8: memref<5120xi32, #tpu.memory_space<vmem>>, %arg9: memref<128xi32, #tpu.memory_space<vmem>>, %arg10: memref<128xi32, #tpu.memory_space<vmem>>, %arg11: memref<128xi32, #tpu.memory_space<vmem>>, %arg12: memref<128xi32, #tpu.memory_space<vmem>>, %arg13: memref<128x64xf32, #tpu.memory_space<vmem>>, %arg14: memref<128x64xf32, #tpu.memory_space<vmem>>, %arg15: memref<10240x64xf32, #tpu.memory_space<vmem_shared>>, %arg16: memref<10000x64xf32, #tpu.memory_space<vmem_shared>>, %arg17: memref<!tpu.dma_semaphore, #tpu.memory_space<semaphore_mem>>, %arg18: memref<!tpu.dma_semaphore, #tpu.memory_space<semaphore_mem>>) attributes {dimension_semantics = [#tpu.dimension_semantics<core_parallel>, #tpu.dimension_semantics<subcore_parallel>], iteration_bounds = array<i64: 2, 16>, scalar_prefetch = 0 : i64, scratch_operands = 12 : i64, tpu.core_type = #tpu.core_type<sc_vector_subcore>, window_params = [{transform_indices = #map}, {transform_indices = #map1}, {transform_indices = #map1}, {transform_indices = #map2}, {transform_indices = #map}]} {
    %mul3A = arith.constant 640 : i32
    %mul3A_0 = arith.muli %arg1, %mul3A : i32
    "tpu.region"() ({
      %run_scoped3A = tpu.sem_alloc : memref<!tpu.dma_semaphore, #tpu.memory_space<semaphore_mem>>
      %dma_start3A_513 = arith.constant 0 : i32
      %dma_start3A_514 = tpu.memref_slice %arg15[%mul3A_0, %dma_start3A_513] : memref<10240x64xf32, #tpu.memory_space<vmem_shared>> -> memref<640x64xf32, #tpu.memory_space<vmem_shared>>
      tpu.enqueue_dma source(%arg5 : memref<640x64xf32, #tpu.memory_space<hbm>>) target(%dma_start3A_514 : memref<640x64xf32, #tpu.memory_space<vmem_shared>>) target_semaphore(%run_scoped3A : memref<!tpu.dma_semaphore, #tpu.memory_space<semaphore_mem>>)
      %dma_wait3A = arith.constant 0 : i32
      %dma_wait3A_515 = tpu.memref_slice %arg15[%mul3A_0, %dma_wait3A] : memref<10240x64xf32, #tpu.memory_space<vmem_shared>> -> memref<640x64xf32, #tpu.memory_space<vmem_shared>>
      tpu.wait_dma2 semaphore(%run_scoped3A : memref<!tpu.dma_semaphore, #tpu.memory_space<semaphore_mem>>) src(%arg5 : memref<640x64xf32, #tpu.memory_space<hbm>>) dst(%dma_wait3A_515 : memref<640x64xf32, #tpu.memory_space<vmem_shared>>)
      tpu.yield
    }) : () -> ()
    %mul3A_1 = arith.constant 625 : i32
    %mul3A_2 = arith.muli %arg1, %mul3A_1 : i32
    %mul3A_3 = arith.constant 625 : i32
    %mul3A_4 = arith.muli %arg1, %mul3A_3 : i32
    "tpu.region"() ({
      %run_scoped3A = tpu.sem_alloc : memref<!tpu.dma_semaphore, #tpu.memory_space<semaphore_mem>>
      %dma_start3A_513 = arith.constant 0 : i32
      %dma_start3A_514 = tpu.memref_slice %arg16[%mul3A_4, %dma_start3A_513] : memref<10000x64xf32, #tpu.memory_space<vmem_shared>> -> memref<625x64xf32, #tpu.memory_space<vmem_shared>>
      %dma_start3A_515 = arith.constant 0 : i32
      %dma_start3A_516 = tpu.memref_slice %arg2[%arg0, %mul3A_2, %dma_start3A_515] : memref<2x10000x64xf32, #tpu.memory_space<hbm>> -> memref<1x625x64xf32, #tpu.memory_space<hbm>>
      %dma_start3A_517 = tpu.memref_squeeze %dma_start3A_516 : memref<1x625x64xf32, #tpu.memory_space<hbm>> -> memref<625x64xf32, #tpu.memory_space<hbm>>
      tpu.enqueue_dma source(%dma_start3A_517 : memref<625x64xf32, #tpu.memory_space<hbm>>) target(%dma_start3A_514 : memref<625x64xf32, #tpu.memory_space<vmem_shared>>) target_semaphore(%run_scoped3A : memref<!tpu.dma_semaphore, #tpu.memory_space<semaphore_mem>>)
      %dma_wait3A = arith.constant 0 : i32
      %dma_wait3A_518 = tpu.memref_slice %arg16[%mul3A_4, %dma_wait3A] : memref<10000x64xf32, #tpu.memory_space<vmem_shared>> -> memref<625x64xf32, #tpu.memory_space<vmem_shared>>
      %dma_wait3A_519 = arith.constant 0 : i32
      %dma_wait3A_520 = tpu.memref_slice %arg2[%arg0, %mul3A_2, %dma_wait3A_519] : memref<2x10000x64xf32, #tpu.memory_space<hbm>> -> memref<1x625x64xf32, #tpu.memory_space<hbm>>
      %dma_wait3A_521 = tpu.memref_squeeze %dma_wait3A_520 : memref<1x625x64xf32, #tpu.memory_space<hbm>> -> memref<625x64xf32, #tpu.memory_space<hbm>>
      tpu.wait_dma2 semaphore(%run_scoped3A : memref<!tpu.dma_semaphore, #tpu.memory_space<semaphore_mem>>) src(%dma_wait3A_521 : memref<625x64xf32, #tpu.memory_space<hbm>>) dst(%dma_wait3A_518 : memref<625x64xf32, #tpu.memory_space<vmem_shared>>)
      tpu.yield
    }) : () -> ()
    %barrier3A = arith.constant 0 : index
    tpu.barrier barrier_id(%barrier3A)
    %mul3A_5 = arith.constant 20480 : i32
    %mul3A_6 = arith.muli %arg1, %mul3A_5 : i32
    %add3A = arith.constant 0 : i32
    %add3A_7 = arith.addi %mul3A_6, %add3A : i32
    "tpu.region"() ({
      %run_scoped3A = tpu.sem_alloc : memref<!tpu.dma_semaphore, #tpu.memory_space<semaphore_mem>>
      %dma_start3A_513 = tpu.memref_slice %arg3[%add3A_7] : memref<327680xi32, #tpu.memory_space<hbm>> -> memref<5120xi32, #tpu.memory_space<hbm>>
      %dma_start3A_514 = tpu.memref_slice %arg3[%add3A_7] : memref<327680xi32, #tpu.memory_space<hbm>> -> memref<5120xi32, #tpu.memory_space<hbm>>
      tpu.enqueue_dma source(%dma_start3A_514 : memref<5120xi32, #tpu.memory_space<hbm>>) target(%arg7 : memref<5120xi32, #tpu.memory_space<vmem>>) target_semaphore(%run_scoped3A : memref<!tpu.dma_semaphore, #tpu.memory_space<semaphore_mem>>)
      %dma_wait3A = tpu.memref_slice %arg3[%add3A_7] : memref<327680xi32, #tpu.memory_space<hbm>> -> memref<5120xi32, #tpu.memory_space<hbm>>
      %dma_wait3A_515 = tpu.memref_slice %arg3[%add3A_7] : memref<327680xi32, #tpu.memory_space<hbm>> -> memref<5120xi32, #tpu.memory_space<hbm>>
      tpu.wait_dma2 semaphore(%run_scoped3A : memref<!tpu.dma_semaphore, #tpu.memory_space<semaphore_mem>>) src(%dma_wait3A_515 : memref<5120xi32, #tpu.memory_space<hbm>>) dst(%arg7 : memref<5120xi32, #tpu.memory_space<vmem>>)
      tpu.yield
    }) : () -> ()
    "tpu.region"() ({
      %run_scoped3A = tpu.sem_alloc : memref<!tpu.dma_semaphore, #tpu.memory_space<semaphore_mem>>
      %dma_start3A_513 = tpu.memref_slice %arg4[%add3A_7] : memref<327680xi32, #tpu.memory_space<hbm>> -> memref<5120xi32, #tpu.memory_space<hbm>>
      %dma_start3A_514 = tpu.memref_slice %arg4[%add3A_7] : memref<327680xi32, #tpu.memory_space<hbm>> -> memref<5120xi32, #tpu.memory_space<hbm>>
      tpu.enqueue_dma source(%dma_start3A_514 : memref<5120xi32, #tpu.memory_space<hbm>>) target(%arg8 : memref<5120xi32, #tpu.memory_space<vmem>>) target_semaphore(%run_scoped3A : memref<!tpu.dma_semaphore, #tpu.memory_space<semaphore_mem>>)
      %dma_wait3A = tpu.memref_slice %arg4[%add3A_7] : memref<327680xi32, #tpu.memory_space<hbm>> -> memref<5120xi32, #tpu.memory_space<hbm>>
      %dma_wait3A_515 = tpu.memref_slice %arg4[%add3A_7] : memref<327680xi32, #tpu.memory_space<hbm>> -> memref<5120xi32, #tpu.memory_space<hbm>>
      tpu.wait_dma2 semaphore(%run_scoped3A : memref<!tpu.dma_semaphore, #tpu.memory_space<semaphore_mem>>) src(%dma_wait3A_515 : memref<5120xi32, #tpu.memory_space<hbm>>) dst(%arg8 : memref<5120xi32, #tpu.memory_space<vmem>>)
      tpu.yield
    }) : () -> ()
    %get3A = arith.constant 0 : index
    %get3A_8 = tpu.vector_load %arg7[%get3A] {strides = array<i32>} : memref<5120xi32, #tpu.memory_space<vmem>>, vector<16xi32>,
    %get3A_9 = vector.shape_cast %get3A_8 : vector<16xi32> to vector<16xi32>
    %swap3A = arith.constant 0 : index
    %swap3A_10 = tpu.vector_load %arg9[%swap3A] {strides = array<i32>} : memref<128xi32, #tpu.memory_space<vmem>>, vector<16xi32>,
    %swap3A_11 = vector.shape_cast %swap3A_10 : vector<16xi32> to vector<16xi32>
    %swap3A_12 = vector.shape_cast %get3A_9 : vector<16xi32> to vector<16xi32>
    tpu.vector_store %arg9[%swap3A], %swap3A_12 {strides = array<i32>} : memref<128xi32, #tpu.memory_space<vmem>>, vector<16xi32>,
    %get3A_13 = arith.constant 16 : index
    %get3A_14 = tpu.vector_load %arg7[%get3A_13] {strides = array<i32>} : memref<5120xi32, #tpu.memory_space<vmem>>, vector<16xi32>,
    %get3A_15 = vector.shape_cast %get3A_14 : vector<16xi32> to vector<16xi32>
    %swap3A_16 = arith.constant 16 : index
    %swap3A_17 = tpu.vector_load %arg9[%swap3A_16] {strides = array<i32>} : memref<128xi32, #tpu.memory_space<vmem>>, vector<16xi32>,
    %swap3A_18 = vector.shape_cast %swap3A_17 : vector<16xi32> to vector<16xi32>
    %swap3A_19 = vector.shape_cast %get3A_15 : vector<16xi32> to vector<16xi32>
    tpu.vector_store %arg9[%swap3A_16], %swap3A_19 {strides = array<i32>} : memref<128xi32, #tpu.memory_space<vmem>>, vector<16xi32>,
    %get3A_20 = arith.constant 32 : index
    %get3A_21 = tpu.vector_load %arg7[%get3A_20] {strides = array<i32>} : memref<5120xi32, #tpu.memory_space<vmem>>, vector<16xi32>,
    %get3A_22 = vector.shape_cast %get3A_21 : vector<16xi32> to vector<16xi32>
    %swap3A_23 = arith.constant 32 : index
    %swap3A_24 = tpu.vector_load %arg9[%swap3A_23] {strides = array<i32>} : memref<128xi32, #tpu.memory_space<vmem>>, vector<16xi32>,
    %swap3A_25 = vector.shape_cast %swap3A_24 : vector<16xi32> to vector<16xi32>
    %swap3A_26 = vector.shape_cast %get3A_22 : vector<16xi32> to vector<16xi32>
    tpu.vector_store %arg9[%swap3A_23], %swap3A_26 {strides = array<i32>} : memref<128xi32, #tpu.memory_space<vmem>>, vector<16xi32>,
    %get3A_27 = arith.constant 48 : index
    %get3A_28 = tpu.vector_load %arg7[%get3A_27] {strides = array<i32>} : memref<5120xi32, #tpu.memory_space<vmem>>, vector<16xi32>,
    %get3A_29 = vector.shape_cast %get3A_28 : vector<16xi32> to vector<16xi32>
    %swap3A_30 = arith.constant 48 : index
    %swap3A_31 = tpu.vector_load %arg9[%swap3A_30] {strides = array<i32>} : memref<128xi32, #tpu.memory_space<vmem>>, vector<16xi32>,
    %swap3A_32 = vector.shape_cast %swap3A_31 : vector<16xi32> to vector<16xi32>
    %swap3A_33 = vector.shape_cast %get3A_29 : vector<16xi32> to vector<16xi32>
    tpu.vector_store %arg9[%swap3A_30], %swap3A_33 {strides = array<i32>} : memref<128xi32, #tpu.memory_space<vmem>>, vector<16xi32>,
    %get3A_34 = arith.constant 64 : index
    %get3A_35 = tpu.vector_load %arg7[%get3A_34] {strides = array<i32>} : memref<5120xi32, #tpu.memory_space<vmem>>, vector<16xi32>,
    %get3A_36 = vector.shape_cast %get3A_35 : vector<16xi32> to vector<16xi32>
    %swap3A_37 = arith.constant 64 : index
    %swap3A_38 = tpu.vector_load %arg9[%swap3A_37] {strides = array<i32>} : memref<128xi32, #tpu.memory_space<vmem>>, vector<16xi32>,
    %swap3A_39 = vector.shape_cast %swap3A_38 : vector<16xi32> to vector<16xi32>
    %swap3A_40 = vector.shape_cast %get3A_36 : vector<16xi32> to vector<16xi32>
    tpu.vector_store %arg9[%swap3A_37], %swap3A_40 {strides = array<i32>} : memref<128xi32, #tpu.memory_space<vmem>>, vector<16xi32>,
    %get3A_41 = arith.constant 80 : index
    %get3A_42 = tpu.vector_load %arg7[%get3A_41] {strides = array<i32>} : memref<5120xi32, #tpu.memory_space<vmem>>, vector<16xi32>,
    %get3A_43 = vector.shape_cast %get3A_42 : vector<16xi32> to vector<16xi32>
    %swap3A_44 = arith.constant 80 : index
    %swap3A_45 = tpu.vector_load %arg9[%swap3A_44] {strides = array<i32>} : memref<128xi32, #tpu.memory_space<vmem>>, vector<16xi32>,
    %swap3A_46 = vector.shape_cast %swap3A_45 : vector<16xi32> to vector<16xi32>
    %swap3A_47 = vector.shape_cast %get3A_43 : vector<16xi32> to vector<16xi32>
    tpu.vector_store %arg9[%swap3A_44], %swap3A_47 {strides = array<i32>} : memref<128xi32, #tpu.memory_space<vmem>>, vector<16xi32>,
    %get3A_48 = arith.constant 96 : index
    %get3A_49 = tpu.vector_load %arg7[%get3A_48] {strides = array<i32>} : memref<5120xi32, #tpu.memory_space<vmem>>, vector<16xi32>,
    %get3A_50 = vector.shape_cast %get3A_49 : vector<16xi32> to vector<16xi32>
    %swap3A_51 = arith.constant 96 : index
    %swap3A_52 = tpu.vector_load %arg9[%swap3A_51] {strides = array<i32>} : memref<128xi32, #tpu.memory_space<vmem>>, vector<16xi32>,
    %swap3A_53 = vector.shape_cast %swap3A_52 : vector<16xi32> to vector<16xi32>
    %swap3A_54 = vector.shape_cast %get3A_50 : vector<16xi32> to vector<16xi32>
    tpu.vector_store %arg9[%swap3A_51], %swap3A_54 {strides = array<i32>} : memref<128xi32, #tpu.memory_space<vmem>>, vector<16xi32>,
    %get3A_55 = arith.constant 112 : index
    %get3A_56 = tpu.vector_load %arg7[%get3A_55] {strides = array<i32>} : memref<5120xi32, #tpu.memory_space<vmem>>, vector<16xi32>,
    %get3A_57 = vector.shape_cast %get3A_56 : vector<16xi32> to vector<16xi32>
    %swap3A_58 = arith.constant 112 : index
    %swap3A_59 = tpu.vector_load %arg9[%swap3A_58] {strides = array<i32>} : memref<128xi32, #tpu.memory_space<vmem>>, vector<16xi32>,
    %swap3A_60 = vector.shape_cast %swap3A_59 : vector<16xi32> to vector<16xi32>
    %swap3A_61 = vector.shape_cast %get3A_57 : vector<16xi32> to vector<16xi32>
    tpu.vector_store %arg9[%swap3A_58], %swap3A_61 {strides = array<i32>} : memref<128xi32, #tpu.memory_space<vmem>>, vector<16xi32>,
    %dma_start3A = arith.constant 0 : i32
    %dma_start3A_62 = arith.constant 0 : i32
    %dma_start3A_63 = tpu.memref_slice %arg16[%dma_start3A, %dma_start3A_62] : memref<10000x64xf32, #tpu.memory_space<vmem_shared>> -> memref<10000x64xf32, #tpu.memory_space<vmem_shared>>
    tpu.enqueue_indirect_dma source(%dma_start3A_63 : memref<10000x64xf32, #tpu.memory_space<vmem_shared>>) target(%arg13 : memref<128x64xf32, #tpu.memory_space<vmem>>) offsets(%arg9 : memref<128xi32, #tpu.memory_space<vmem>>) semaphore(%arg17 : memref<!tpu.dma_semaphore, #tpu.memory_space<semaphore_mem>>)
    %get3A_64 = arith.constant 128 : index
    %get3A_65 = tpu.vector_load %arg7[%get3A_64] {strides = array<i32>} : memref<5120xi32, #tpu.memory_space<vmem>>, vector<16xi32>,
    %get3A_66 = vector.shape_cast %get3A_65 : vector<16xi32> to vector<16xi32>
    %swap3A_67 = arith.constant 0 : index
    %swap3A_68 = tpu.vector_load %arg10[%swap3A_67] {strides = array<i32>} : memref<128xi32, #tpu.memory_space<vmem>>, vector<16xi32>,
    %swap3A_69 = vector.shape_cast %swap3A_68 : vector<16xi32> to vector<16xi32>
    %swap3A_70 = vector.shape_cast %get3A_66 : vector<16xi32> to vector<16xi32>
    tpu.vector_store %arg10[%swap3A_67], %swap3A_70 {strides = array<i32>} : memref<128xi32, #tpu.memory_space<vmem>>, vector<16xi32>,
    %get3A_71 = arith.constant 144 : index
    %get3A_72 = tpu.vector_load %arg7[%get3A_71] {strides = array<i32>} : memref<5120xi32, #tpu.memory_space<vmem>>, vector<16xi32>,
    %get3A_73 = vector.shape_cast %get3A_72 : vector<16xi32> to vector<16xi32>
    %swap3A_74 = arith.constant 16 : index
    %swap3A_75 = tpu.vector_load %arg10[%swap3A_74] {strides = array<i32>} : memref<128xi32, #tpu.memory_space<vmem>>, vector<16xi32>,
    %swap3A_76 = vector.shape_cast %swap3A_75 : vector<16xi32> to vector<16xi32>
    %swap3A_77 = vector.shape_cast %get3A_73 : vector<16xi32> to vector<16xi32>
    tpu.vector_store %arg10[%swap3A_74], %swap3A_77 {strides = array<i32>} : memref<128xi32, #tpu.memory_space<vmem>>, vector<16xi32>,
    %get3A_78 = arith.constant 160 : index
    %get3A_79 = tpu.vector_load %arg7[%get3A_78] {strides = array<i32>} : memref<5120xi32, #tpu.memory_space<vmem>>, vector<16xi32>,
    %get3A_80 = vector.shape_cast %get3A_79 : vector<16xi32> to vector<16xi32>
    %swap3A_81 = arith.constant 32 : index
    %swap3A_82 = tpu.vector_load %arg10[%swap3A_81] {strides = array<i32>} : memref<128xi32, #tpu.memory_space<vmem>>, vector<16xi32>,
    %swap3A_83 = vector.shape_cast %swap3A_82 : vector<16xi32> to vector<16xi32>
    %swap3A_84 = vector.shape_cast %get3A_80 : vector<16xi32> to vector<16xi32>
    tpu.vector_store %arg10[%swap3A_81], %swap3A_84 {strides = array<i32>} : memref<128xi32, #tpu.memory_space<vmem>>, vector<16xi32>,
    %get3A_85 = arith.constant 176 : index
    %get3A_86 = tpu.vector_load %arg7[%get3A_85] {strides = array<i32>} : memref<5120xi32, #tpu.memory_space<vmem>>, vector<16xi32>,
    %get3A_87 = vector.shape_cast %get3A_86 : vector<16xi32> to vector<16xi32>
    %swap3A_88 = arith.constant 48 : index
    %swap3A_89 = tpu.vector_load %arg10[%swap3A_88] {strides = array<i32>} : memref<128xi32, #tpu.memory_space<vmem>>, vector<16xi32>,
    %swap3A_90 = vector.shape_cast %swap3A_89 : vector<16xi32> to vector<16xi32>
    %swap3A_91 = vector.shape_cast %get3A_87 : vector<16xi32> to vector<16xi32>
    tpu.vector_store %arg10[%swap3A_88], %swap3A_91 {strides = array<i32>} : memref<128xi32, #tpu.memory_space<vmem>>, vector<16xi32>,
    %get3A_92 = arith.constant 192 : index
    %get3A_93 = tpu.vector_load %arg7[%get3A_92] {strides = array<i32>} : memref<5120xi32, #tpu.memory_space<vmem>>, vector<16xi32>,
    %get3A_94 = vector.shape_cast %get3A_93 : vector<16xi32> to vector<16xi32>
    %swap3A_95 = arith.constant 64 : index
    %swap3A_96 = tpu.vector_load %arg10[%swap3A_95] {strides = array<i32>} : memref<128xi32, #tpu.memory_space<vmem>>, vector<16xi32>,
    %swap3A_97 = vector.shape_cast %swap3A_96 : vector<16xi32> to vector<16xi32>
    %swap3A_98 = vector.shape_cast %get3A_94 : vector<16xi32> to vector<16xi32>
    tpu.vector_store %arg10[%swap3A_95], %swap3A_98 {strides = array<i32>} : memref<128xi32, #tpu.memory_space<vmem>>, vector<16xi32>,
    %get3A_99 = arith.constant 208 : index
    %get3A_100 = tpu.vector_load %arg7[%get3A_99] {strides = array<i32>} : memref<5120xi32, #tpu.memory_space<vmem>>, vector<16xi32>,
    %get3A_101 = vector.shape_cast %get3A_100 : vector<16xi32> to vector<16xi32>
    %swap3A_102 = arith.constant 80 : index
    %swap3A_103 = tpu.vector_load %arg10[%swap3A_102] {strides = array<i32>} : memref<128xi32, #tpu.memory_space<vmem>>, vector<16xi32>,
    %swap3A_104 = vector.shape_cast %swap3A_103 : vector<16xi32> to vector<16xi32>
    %swap3A_105 = vector.shape_cast %get3A_101 : vector<16xi32> to vector<16xi32>
    tpu.vector_store %arg10[%swap3A_102], %swap3A_105 {strides = array<i32>} : memref<128xi32, #tpu.memory_space<vmem>>, vector<16xi32>,
    %get3A_106 = arith.constant 224 : index
    %get3A_107 = tpu.vector_load %arg7[%get3A_106] {strides = array<i32>} : memref<5120xi32, #tpu.memory_space<vmem>>, vector<16xi32>,
    %get3A_108 = vector.shape_cast %get3A_107 : vector<16xi32> to vector<16xi32>
    %swap3A_109 = arith.constant 96 : index
    %swap3A_110 = tpu.vector_load %arg10[%swap3A_109] {strides = array<i32>} : memref<128xi32, #tpu.memory_space<vmem>>, vector<16xi32>,
    %swap3A_111 = vector.shape_cast %swap3A_110 : vector<16xi32> to vector<16xi32>
    %swap3A_112 = vector.shape_cast %get3A_108 : vector<16xi32> to vector<16xi32>
    tpu.vector_store %arg10[%swap3A_109], %swap3A_112 {strides = array<i32>} : memref<128xi32, #tpu.memory_space<vmem>>, vector<16xi32>,
    %get3A_113 = arith.constant 240 : index
    %get3A_114 = tpu.vector_load %arg7[%get3A_113] {strides = array<i32>} : memref<5120xi32, #tpu.memory_space<vmem>>, vector<16xi32>,
    %get3A_115 = vector.shape_cast %get3A_114 : vector<16xi32> to vector<16xi32>
    %swap3A_116 = arith.constant 112 : index
    %swap3A_117 = tpu.vector_load %arg10[%swap3A_116] {strides = array<i32>} : memref<128xi32, #tpu.memory_space<vmem>>, vector<16xi32>,
    %swap3A_118 = vector.shape_cast %swap3A_117 : vector<16xi32> to vector<16xi32>
    %swap3A_119 = vector.shape_cast %get3A_115 : vector<16xi32> to vector<16xi32>
    tpu.vector_store %arg10[%swap3A_116], %swap3A_119 {strides = array<i32>} : memref<128xi32, #tpu.memory_space<vmem>>, vector<16xi32>,
    %dma_start3A_120 = arith.constant 0 : i32
    %dma_start3A_121 = arith.constant 0 : i32
    %dma_start3A_122 = tpu.memref_slice %arg16[%dma_start3A_120, %dma_start3A_121] : memref<10000x64xf32, #tpu.memory_space<vmem_shared>> -> memref<10000x64xf32, #tpu.memory_space<vmem_shared>>
    tpu.enqueue_indirect_dma source(%dma_start3A_122 : memref<10000x64xf32, #tpu.memory_space<vmem_shared>>) target(%arg14 : memref<128x64xf32, #tpu.memory_space<vmem>>) offsets(%arg10 : memref<128xi32, #tpu.memory_space<vmem>>) semaphore(%arg18 : memref<!tpu.dma_semaphore, #tpu.memory_space<semaphore_mem>>)
    %scan3A = arith.constant 0 : i32
    %scan3A_123 = arith.constant 20 : i32
    %scan3A_124 = arith.addi %scan3A, %scan3A_123 : i32
    %scan3A_125 = arith.constant 1 : i32
    scf.for %scan3A_513 = %scan3A to %scan3A_124 step %scan3A_125  : i32 {
      %mul3A_514 = arith.constant 2 : i32
      %mul3A_515 = arith.muli %scan3A_513, %mul3A_514 : i32
      %add3A_516 = arith.constant 0 : i32
      %add3A_517 = arith.addi %add3A_516, %mul3A_515 : i32
      %dma_wait3A = arith.constant 0 : i32
      %dma_wait3A_518 = arith.constant 0 : i32
      %dma_wait3A_519 = tpu.memref_slice %arg16[%dma_wait3A, %dma_wait3A_518] : memref<10000x64xf32, #tpu.memory_space<vmem_shared>> -> memref<10000x64xf32, #tpu.memory_space<vmem_shared>>
      tpu.wait_indirect_dma semaphore(%arg17 : memref<!tpu.dma_semaphore, #tpu.memory_space<semaphore_mem>>) src(%dma_wait3A_519 : memref<10000x64xf32, #tpu.memory_space<vmem_shared>>) dst(%arg13 : memref<128x64xf32, #tpu.memory_space<vmem>>)
      %mul3A_520 = arith.constant 128 : i32
      %mul3A_521 = arith.muli %add3A_517, %mul3A_520 : i32
      %add3A_522 = arith.constant 0 : i32
      %add3A_523 = arith.addi %mul3A_521, %add3A_522 : i32
      %get3A_524 = arith.index_cast %add3A_523 : i32 to index
      %get3A_525 = tpu.vector_load %arg8[%get3A_524] {strides = array<i32>} : memref<5120xi32, #tpu.memory_space<vmem>>, vector<16xi32>,
      %get3A_526 = vector.shape_cast %get3A_525 : vector<16xi32> to vector<16xi32>
      %swap3A_527 = arith.constant 0 : index
      %swap3A_528 = tpu.vector_load %arg11[%swap3A_527] {strides = array<i32>} : memref<128xi32, #tpu.memory_space<vmem>>, vector<16xi32>,
      %swap3A_529 = vector.shape_cast %swap3A_528 : vector<16xi32> to vector<16xi32>
      %swap3A_530 = vector.shape_cast %get3A_526 : vector<16xi32> to vector<16xi32>
      tpu.vector_store %arg11[%swap3A_527], %swap3A_530 {strides = array<i32>} : memref<128xi32, #tpu.memory_space<vmem>>, vector<16xi32>,
      %mul3A_531 = arith.constant 128 : i32
      %mul3A_532 = arith.muli %add3A_517, %mul3A_531 : i32
      %add3A_533 = arith.constant 16 : i32
      %add3A_534 = arith.addi %mul3A_532, %add3A_533 : i32
      %get3A_535 = arith.index_cast %add3A_534 : i32 to index
      %get3A_536 = tpu.vector_load %arg8[%get3A_535] {strides = array<i32>} : memref<5120xi32, #tpu.memory_space<vmem>>, vector<16xi32>,
      %get3A_537 = vector.shape_cast %get3A_536 : vector<16xi32> to vector<16xi32>
      %swap3A_538 = arith.constant 16 : index
      %swap3A_539 = tpu.vector_load %arg11[%swap3A_538] {strides = array<i32>} : memref<128xi32, #tpu.memory_space<vmem>>, vector<16xi32>,
      %swap3A_540 = vector.shape_cast %swap3A_539 : vector<16xi32> to vector<16xi32>
      %swap3A_541 = vector.shape_cast %get3A_537 : vector<16xi32> to vector<16xi32>
      tpu.vector_store %arg11[%swap3A_538], %swap3A_541 {strides = array<i32>} : memref<128xi32, #tpu.memory_space<vmem>>, vector<16xi32>,
      %mul3A_542 = arith.constant 128 : i32
      %mul3A_543 = arith.muli %add3A_517, %mul3A_542 : i32
      %add3A_544 = arith.constant 32 : i32
      %add3A_545 = arith.addi %mul3A_543, %add3A_544 : i32
      %get3A_546 = arith.index_cast %add3A_545 : i32 to index
      %get3A_547 = tpu.vector_load %arg8[%get3A_546] {strides = array<i32>} : memref<5120xi32, #tpu.memory_space<vmem>>, vector<16xi32>,
      %get3A_548 = vector.shape_cast %get3A_547 : vector<16xi32> to vector<16xi32>
      %swap3A_549 = arith.constant 32 : index
      %swap3A_550 = tpu.vector_load %arg11[%swap3A_549] {strides = array<i32>} : memref<128xi32, #tpu.memory_space<vmem>>, vector<16xi32>,
      %swap3A_551 = vector.shape_cast %swap3A_550 : vector<16xi32> to vector<16xi32>
      %swap3A_552 = vector.shape_cast %get3A_548 : vector<16xi32> to vector<16xi32>
      tpu.vector_store %arg11[%swap3A_549], %swap3A_552 {strides = array<i32>} : memref<128xi32, #tpu.memory_space<vmem>>, vector<16xi32>,
      %mul3A_553 = arith.constant 128 : i32
      %mul3A_554 = arith.muli %add3A_517, %mul3A_553 : i32
      %add3A_555 = arith.constant 48 : i32
      %add3A_556 = arith.addi %mul3A_554, %add3A_555 : i32
      %get3A_557 = arith.index_cast %add3A_556 : i32 to index
      %get3A_558 = tpu.vector_load %arg8[%get3A_557] {strides = array<i32>} : memref<5120xi32, #tpu.memory_space<vmem>>, vector<16xi32>,
      %get3A_559 = vector.shape_cast %get3A_558 : vector<16xi32> to vector<16xi32>
      %swap3A_560 = arith.constant 48 : index
      %swap3A_561 = tpu.vector_load %arg11[%swap3A_560] {strides = array<i32>} : memref<128xi32, #tpu.memory_space<vmem>>, vector<16xi32>,
      %swap3A_562 = vector.shape_cast %swap3A_561 : vector<16xi32> to vector<16xi32>
      %swap3A_563 = vector.shape_cast %get3A_559 : vector<16xi32> to vector<16xi32>
      tpu.vector_store %arg11[%swap3A_560], %swap3A_563 {strides = array<i32>} : memref<128xi32, #tpu.memory_space<vmem>>, vector<16xi32>,
      %mul3A_564 = arith.constant 128 : i32
      %mul3A_565 = arith.muli %add3A_517, %mul3A_564 : i32
      %add3A_566 = arith.constant 64 : i32
      %add3A_567 = arith.addi %mul3A_565, %add3A_566 : i32
      %get3A_568 = arith.index_cast %add3A_567 : i32 to index
      %get3A_569 = tpu.vector_load %arg8[%get3A_568] {strides = array<i32>} : memref<5120xi32, #tpu.memory_space<vmem>>, vector<16xi32>,
      %get3A_570 = vector.shape_cast %get3A_569 : vector<16xi32> to vector<16xi32>
      %swap3A_571 = arith.constant 64 : index
      %swap3A_572 = tpu.vector_load %arg11[%swap3A_571] {strides = array<i32>} : memref<128xi32, #tpu.memory_space<vmem>>, vector<16xi32>,
      %swap3A_573 = vector.shape_cast %swap3A_572 : vector<16xi32> to vector<16xi32>
      %swap3A_574 = vector.shape_cast %get3A_570 : vector<16xi32> to vector<16xi32>
      tpu.vector_store %arg11[%swap3A_571], %swap3A_574 {strides = array<i32>} : memref<128xi32, #tpu.memory_space<vmem>>, vector<16xi32>,
      %mul3A_575 = arith.constant 128 : i32
      %mul3A_576 = arith.muli %add3A_517, %mul3A_575 : i32
      %add3A_577 = arith.constant 80 : i32
      %add3A_578 = arith.addi %mul3A_576, %add3A_577 : i32
      %get3A_579 = arith.index_cast %add3A_578 : i32 to index
      %get3A_580 = tpu.vector_load %arg8[%get3A_579] {strides = array<i32>} : memref<5120xi32, #tpu.memory_space<vmem>>, vector<16xi32>,
      %get3A_581 = vector.shape_cast %get3A_580 : vector<16xi32> to vector<16xi32>
      %swap3A_582 = arith.constant 80 : index
      %swap3A_583 = tpu.vector_load %arg11[%swap3A_582] {strides = array<i32>} : memref<128xi32, #tpu.memory_space<vmem>>, vector<16xi32>,
      %swap3A_584 = vector.shape_cast %swap3A_583 : vector<16xi32> to vector<16xi32>
      %swap3A_585 = vector.shape_cast %get3A_581 : vector<16xi32> to vector<16xi32>
      tpu.vector_store %arg11[%swap3A_582], %swap3A_585 {strides = array<i32>} : memref<128xi32, #tpu.memory_space<vmem>>, vector<16xi32>,
      %mul3A_586 = arith.constant 128 : i32
      %mul3A_587 = arith.muli %add3A_517, %mul3A_586 : i32
      %add3A_588 = arith.constant 96 : i32
      %add3A_589 = arith.addi %mul3A_587, %add3A_588 : i32
      %get3A_590 = arith.index_cast %add3A_589 : i32 to index
      %get3A_591 = tpu.vector_load %arg8[%get3A_590] {strides = array<i32>} : memref<5120xi32, #tpu.memory_space<vmem>>, vector<16xi32>,
      %get3A_592 = vector.shape_cast %get3A_591 : vector<16xi32> to vector<16xi32>
      %swap3A_593 = arith.constant 96 : index
      %swap3A_594 = tpu.vector_load %arg11[%swap3A_593] {strides = array<i32>} : memref<128xi32, #tpu.memory_space<vmem>>, vector<16xi32>,
      %swap3A_595 = vector.shape_cast %swap3A_594 : vector<16xi32> to vector<16xi32>
      %swap3A_596 = vector.shape_cast %get3A_592 : vector<16xi32> to vector<16xi32>
      tpu.vector_store %arg11[%swap3A_593], %swap3A_596 {strides = array<i32>} : memref<128xi32, #tpu.memory_space<vmem>>, vector<16xi32>,
      %mul3A_597 = arith.constant 128 : i32
      %mul3A_598 = arith.muli %add3A_517, %mul3A_597 : i32
      %add3A_599 = arith.constant 112 : i32
      %add3A_600 = arith.addi %mul3A_598, %add3A_599 : i32
      %get3A_601 = arith.index_cast %add3A_600 : i32 to index
      %get3A_602 = tpu.vector_load %arg8[%get3A_601] {strides = array<i32>} : memref<5120xi32, #tpu.memory_space<vmem>>, vector<16xi32>,
      %get3A_603 = vector.shape_cast %get3A_602 : vector<16xi32> to vector<16xi32>
      %swap3A_604 = arith.constant 112 : index
      %swap3A_605 = tpu.vector_load %arg11[%swap3A_604] {strides = array<i32>} : memref<128xi32, #tpu.memory_space<vmem>>, vector<16xi32>,
      %swap3A_606 = vector.shape_cast %swap3A_605 : vector<16xi32> to vector<16xi32>
      %swap3A_607 = vector.shape_cast %get3A_603 : vector<16xi32> to vector<16xi32>
      tpu.vector_store %arg11[%swap3A_604], %swap3A_607 {strides = array<i32>} : memref<128xi32, #tpu.memory_space<vmem>>, vector<16xi32>,
      "tpu.region"() ({
        %run_scoped3A = tpu.sem_alloc : memref<!tpu.dma_semaphore, #tpu.memory_space<semaphore_mem>>
        %dma_start3A_712 = arith.constant 0 : i32
        %dma_start3A_713 = arith.constant 0 : i32
        %dma_start3A_714 = tpu.memref_slice %arg15[%dma_start3A_712, %dma_start3A_713] : memref<10240x64xf32, #tpu.memory_space<vmem_shared>> -> memref<10240x64xf32, #tpu.memory_space<vmem_shared>>
        tpu.enqueue_indirect_dma source(%arg13 : memref<128x64xf32, #tpu.memory_space<vmem>>) target(%dma_start3A_714 : memref<10240x64xf32, #tpu.memory_space<vmem_shared>>) offsets(%arg11 : memref<128xi32, #tpu.memory_space<vmem>>) semaphore(%run_scoped3A : memref<!tpu.dma_semaphore, #tpu.memory_space<semaphore_mem>>) {add = true}
        %dma_wait3A_715 = arith.constant 0 : i32
        %dma_wait3A_716 = arith.constant 0 : i32
        %dma_wait3A_717 = tpu.memref_slice %arg15[%dma_wait3A_715, %dma_wait3A_716] : memref<10240x64xf32, #tpu.memory_space<vmem_shared>> -> memref<10240x64xf32, #tpu.memory_space<vmem_shared>>
        tpu.wait_indirect_dma semaphore(%run_scoped3A : memref<!tpu.dma_semaphore, #tpu.memory_space<semaphore_mem>>) src(%arg13 : memref<128x64xf32, #tpu.memory_space<vmem>>) dst(%dma_wait3A_717 : memref<10240x64xf32, #tpu.memory_space<vmem_shared>>)
        tpu.yield
      }) : () -> ()
      %add3A_608 = arith.constant 2 : i32
      %add3A_609 = arith.addi %add3A_517, %add3A_608 : i32
      %lt3A = arith.constant 40 : i32
      %lt3A_610 = arith.cmpi slt, %add3A_609, %lt3A : i32
      %convert_element_type3A = arith.extui %lt3A_610 : i1 to i32
      %cond3A = arith.constant 0 : i32
      %cond3A_611 = arith.cmpi ne, %convert_element_type3A, %cond3A : i32
      scf.if %cond3A_611 {
        %add3A_712 = arith.constant 2 : i32
        %add3A_713 = arith.addi %add3A_517, %add3A_712 : i32
        %mul3A_714 = arith.constant 128 : i32
        %mul3A_715 = arith.muli %add3A_713, %mul3A_714 : i32
        %add3A_716 = arith.constant 0 : i32
        %add3A_717 = arith.addi %mul3A_715, %add3A_716 : i32
        %get3A_718 = arith.index_cast %add3A_717 : i32 to index
        %get3A_719 = tpu.vector_load %arg7[%get3A_718] {strides = array<i32>} : memref<5120xi32, #tpu.memory_space<vmem>>, vector<16xi32>,
        %get3A_720 = vector.shape_cast %get3A_719 : vector<16xi32> to vector<16xi32>
        %swap3A_721 = arith.constant 0 : index
        %swap3A_722 = tpu.vector_load %arg9[%swap3A_721] {strides = array<i32>} : memref<128xi32, #tpu.memory_space<vmem>>, vector<16xi32>,
        %swap3A_723 = vector.shape_cast %swap3A_722 : vector<16xi32> to vector<16xi32>
        %swap3A_724 = vector.shape_cast %get3A_720 : vector<16xi32> to vector<16xi32>
        tpu.vector_store %arg9[%swap3A_721], %swap3A_724 {strides = array<i32>} : memref<128xi32, #tpu.memory_space<vmem>>, vector<16xi32>,
        %mul3A_725 = arith.constant 128 : i32
        %mul3A_726 = arith.muli %add3A_713, %mul3A_725 : i32
        %add3A_727 = arith.constant 16 : i32
        %add3A_728 = arith.addi %mul3A_726, %add3A_727 : i32
        %get3A_729 = arith.index_cast %add3A_728 : i32 to index
        %get3A_730 = tpu.vector_load %arg7[%get3A_729] {strides = array<i32>} : memref<5120xi32, #tpu.memory_space<vmem>>, vector<16xi32>,
        %get3A_731 = vector.shape_cast %get3A_730 : vector<16xi32> to vector<16xi32>
        %swap3A_732 = arith.constant 16 : index
        %swap3A_733 = tpu.vector_load %arg9[%swap3A_732] {strides = array<i32>} : memref<128xi32, #tpu.memory_space<vmem>>, vector<16xi32>,
        %swap3A_734 = vector.shape_cast %swap3A_733 : vector<16xi32> to vector<16xi32>
        %swap3A_735 = vector.shape_cast %get3A_731 : vector<16xi32> to vector<16xi32>
        tpu.vector_store %arg9[%swap3A_732], %swap3A_735 {strides = array<i32>} : memref<128xi32, #tpu.memory_space<vmem>>, vector<16xi32>,
        %mul3A_736 = arith.constant 128 : i32
        %mul3A_737 = arith.muli %add3A_713, %mul3A_736 : i32
        %add3A_738 = arith.constant 32 : i32
        %add3A_739 = arith.addi %mul3A_737, %add3A_738 : i32
        %get3A_740 = arith.index_cast %add3A_739 : i32 to index
        %get3A_741 = tpu.vector_load %arg7[%get3A_740] {strides = array<i32>} : memref<5120xi32, #tpu.memory_space<vmem>>, vector<16xi32>,
        %get3A_742 = vector.shape_cast %get3A_741 : vector<16xi32> to vector<16xi32>
        %swap3A_743 = arith.constant 32 : index
        %swap3A_744 = tpu.vector_load %arg9[%swap3A_743] {strides = array<i32>} : memref<128xi32, #tpu.memory_space<vmem>>, vector<16xi32>,
        %swap3A_745 = vector.shape_cast %swap3A_744 : vector<16xi32> to vector<16xi32>
        %swap3A_746 = vector.shape_cast %get3A_742 : vector<16xi32> to vector<16xi32>
        tpu.vector_store %arg9[%swap3A_743], %swap3A_746 {strides = array<i32>} : memref<128xi32, #tpu.memory_space<vmem>>, vector<16xi32>,
        %mul3A_747 = arith.constant 128 : i32
        %mul3A_748 = arith.muli %add3A_713, %mul3A_747 : i32
        %add3A_749 = arith.constant 48 : i32
        %add3A_750 = arith.addi %mul3A_748, %add3A_749 : i32
        %get3A_751 = arith.index_cast %add3A_750 : i32 to index
        %get3A_752 = tpu.vector_load %arg7[%get3A_751] {strides = array<i32>} : memref<5120xi32, #tpu.memory_space<vmem>>, vector<16xi32>,
        %get3A_753 = vector.shape_cast %get3A_752 : vector<16xi32> to vector<16xi32>
        %swap3A_754 = arith.constant 48 : index
        %swap3A_755 = tpu.vector_load %arg9[%swap3A_754] {strides = array<i32>} : memref<128xi32, #tpu.memory_space<vmem>>, vector<16xi32>,
        %swap3A_756 = vector.shape_cast %swap3A_755 : vector<16xi32> to vector<16xi32>
        %swap3A_757 = vector.shape_cast %get3A_753 : vector<16xi32> to vector<16xi32>
        tpu.vector_store %arg9[%swap3A_754], %swap3A_757 {strides = array<i32>} : memref<128xi32, #tpu.memory_space<vmem>>, vector<16xi32>,
        %mul3A_758 = arith.constant 128 : i32
        %mul3A_759 = arith.muli %add3A_713, %mul3A_758 : i32
        %add3A_760 = arith.constant 64 : i32
        %add3A_761 = arith.addi %mul3A_759, %add3A_760 : i32
        %get3A_762 = arith.index_cast %add3A_761 : i32 to index
        %get3A_763 = tpu.vector_load %arg7[%get3A_762] {strides = array<i32>} : memref<5120xi32, #tpu.memory_space<vmem>>, vector<16xi32>,
        %get3A_764 = vector.shape_cast %get3A_763 : vector<16xi32> to vector<16xi32>
        %swap3A_765 = arith.constant 64 : index
        %swap3A_766 = tpu.vector_load %arg9[%swap3A_765] {strides = array<i32>} : memref<128xi32, #tpu.memory_space<vmem>>, vector<16xi32>,
        %swap3A_767 = vector.shape_cast %swap3A_766 : vector<16xi32> to vector<16xi32>
        %swap3A_768 = vector.shape_cast %get3A_764 : vector<16xi32> to vector<16xi32>
        tpu.vector_store %arg9[%swap3A_765], %swap3A_768 {strides = array<i32>} : memref<128xi32, #tpu.memory_space<vmem>>, vector<16xi32>,
        %mul3A_769 = arith.constant 128 : i32
        %mul3A_770 = arith.muli %add3A_713, %mul3A_769 : i32
        %add3A_771 = arith.constant 80 : i32
        %add3A_772 = arith.addi %mul3A_770, %add3A_771 : i32
        %get3A_773 = arith.index_cast %add3A_772 : i32 to index
        %get3A_774 = tpu.vector_load %arg7[%get3A_773] {strides = array<i32>} : memref<5120xi32, #tpu.memory_space<vmem>>, vector<16xi32>,
        %get3A_775 = vector.shape_cast %get3A_774 : vector<16xi32> to vector<16xi32>
        %swap3A_776 = arith.constant 80 : index
        %swap3A_777 = tpu.vector_load %arg9[%swap3A_776] {strides = array<i32>} : memref<128xi32, #tpu.memory_space<vmem>>, vector<16xi32>,
        %swap3A_778 = vector.shape_cast %swap3A_777 : vector<16xi32> to vector<16xi32>
        %swap3A_779 = vector.shape_cast %get3A_775 : vector<16xi32> to vector<16xi32>
        tpu.vector_store %arg9[%swap3A_776], %swap3A_779 {strides = array<i32>} : memref<128xi32, #tpu.memory_space<vmem>>, vector<16xi32>,
        %mul3A_780 = arith.constant 128 : i32
        %mul3A_781 = arith.muli %add3A_713, %mul3A_780 : i32
        %add3A_782 = arith.constant 96 : i32
        %add3A_783 = arith.addi %mul3A_781, %add3A_782 : i32
        %get3A_784 = arith.index_cast %add3A_783 : i32 to index
        %get3A_785 = tpu.vector_load %arg7[%get3A_784] {strides = array<i32>} : memref<5120xi32, #tpu.memory_space<vmem>>, vector<16xi32>,
        %get3A_786 = vector.shape_cast %get3A_785 : vector<16xi32> to vector<16xi32>
        %swap3A_787 = arith.constant 96 : index
        %swap3A_788 = tpu.vector_load %arg9[%swap3A_787] {strides = array<i32>} : memref<128xi32, #tpu.memory_space<vmem>>, vector<16xi32>,
        %swap3A_789 = vector.shape_cast %swap3A_788 : vector<16xi32> to vector<16xi32>
        %swap3A_790 = vector.shape_cast %get3A_786 : vector<16xi32> to vector<16xi32>
        tpu.vector_store %arg9[%swap3A_787], %swap3A_790 {strides = array<i32>} : memref<128xi32, #tpu.memory_space<vmem>>, vector<16xi32>,
        %mul3A_791 = arith.constant 128 : i32
        %mul3A_792 = arith.muli %add3A_713, %mul3A_791 : i32
        %add3A_793 = arith.constant 112 : i32
        %add3A_794 = arith.addi %mul3A_792, %add3A_793 : i32
        %get3A_795 = arith.index_cast %add3A_794 : i32 to index
        %get3A_796 = tpu.vector_load %arg7[%get3A_795] {strides = array<i32>} : memref<5120xi32, #tpu.memory_space<vmem>>, vector<16xi32>,
        %get3A_797 = vector.shape_cast %get3A_796 : vector<16xi32> to vector<16xi32>
        %swap3A_798 = arith.constant 112 : index
        %swap3A_799 = tpu.vector_load %arg9[%swap3A_798] {strides = array<i32>} : memref<128xi32, #tpu.memory_space<vmem>>, vector<16xi32>,
        %swap3A_800 = vector.shape_cast %swap3A_799 : vector<16xi32> to vector<16xi32>
        %swap3A_801 = vector.shape_cast %get3A_797 : vector<16xi32> to vector<16xi32>
        tpu.vector_store %arg9[%swap3A_798], %swap3A_801 {strides = array<i32>} : memref<128xi32, #tpu.memory_space<vmem>>, vector<16xi32>,
        %dma_start3A_802 = arith.constant 0 : i32
        %dma_start3A_803 = arith.constant 0 : i32
        %dma_start3A_804 = tpu.memref_slice %arg16[%dma_start3A_802, %dma_start3A_803] : memref<10000x64xf32, #tpu.memory_space<vmem_shared>> -> memref<10000x64xf32, #tpu.memory_space<vmem_shared>>
        tpu.enqueue_indirect_dma source(%dma_start3A_804 : memref<10000x64xf32, #tpu.memory_space<vmem_shared>>) target(%arg13 : memref<128x64xf32, #tpu.memory_space<vmem>>) offsets(%arg9 : memref<128xi32, #tpu.memory_space<vmem>>) semaphore(%arg17 : memref<!tpu.dma_semaphore, #tpu.memory_space<semaphore_mem>>)
      } else {
      }
      %dma_wait3A_612 = arith.constant 0 : i32
      %dma_wait3A_613 = arith.constant 0 : i32
      %dma_wait3A_614 = tpu.memref_slice %arg16[%dma_wait3A_612, %dma_wait3A_613] : memref<10000x64xf32, #tpu.memory_space<vmem_shared>> -> memref<10000x64xf32, #tpu.memory_space<vmem_shared>>
      tpu.wait_indirect_dma semaphore(%arg18 : memref<!tpu.dma_semaphore, #tpu.memory_space<semaphore_mem>>) src(%dma_wait3A_614 : memref<10000x64xf32, #tpu.memory_space<vmem_shared>>) dst(%arg14 : memref<128x64xf32, #tpu.memory_space<vmem>>)
      %add3A_615 = arith.constant 1 : i32
      %add3A_616 = arith.addi %add3A_517, %add3A_615 : i32
      %mul3A_617 = arith.constant 128 : i32
      %mul3A_618 = arith.muli %add3A_616, %mul3A_617 : i32
      %add3A_619 = arith.constant 0 : i32
      %add3A_620 = arith.addi %mul3A_618, %add3A_619 : i32
      %get3A_621 = arith.index_cast %add3A_620 : i32 to index
      %get3A_622 = tpu.vector_load %arg8[%get3A_621] {strides = array<i32>} : memref<5120xi32, #tpu.memory_space<vmem>>, vector<16xi32>,
      %get3A_623 = vector.shape_cast %get3A_622 : vector<16xi32> to vector<16xi32>
      %swap3A_624 = arith.constant 0 : index
      %swap3A_625 = tpu.vector_load %arg12[%swap3A_624] {strides = array<i32>} : memref<128xi32, #tpu.memory_space<vmem>>, vector<16xi32>,
      %swap3A_626 = vector.shape_cast %swap3A_625 : vector<16xi32> to vector<16xi32>
      %swap3A_627 = vector.shape_cast %get3A_623 : vector<16xi32> to vector<16xi32>
      tpu.vector_store %arg12[%swap3A_624], %swap3A_627 {strides = array<i32>} : memref<128xi32, #tpu.memory_space<vmem>>, vector<16xi32>,
      %mul3A_628 = arith.constant 128 : i32
      %mul3A_629 = arith.muli %add3A_616, %mul3A_628 : i32
      %add3A_630 = arith.constant 16 : i32
      %add3A_631 = arith.addi %mul3A_629, %add3A_630 : i32
      %get3A_632 = arith.index_cast %add3A_631 : i32 to index
      %get3A_633 = tpu.vector_load %arg8[%get3A_632] {strides = array<i32>} : memref<5120xi32, #tpu.memory_space<vmem>>, vector<16xi32>,
      %get3A_634 = vector.shape_cast %get3A_633 : vector<16xi32> to vector<16xi32>
      %swap3A_635 = arith.constant 16 : index
      %swap3A_636 = tpu.vector_load %arg12[%swap3A_635] {strides = array<i32>} : memref<128xi32, #tpu.memory_space<vmem>>, vector<16xi32>,
      %swap3A_637 = vector.shape_cast %swap3A_636 : vector<16xi32> to vector<16xi32>
      %swap3A_638 = vector.shape_cast %get3A_634 : vector<16xi32> to vector<16xi32>
      tpu.vector_store %arg12[%swap3A_635], %swap3A_638 {strides = array<i32>} : memref<128xi32, #tpu.memory_space<vmem>>, vector<16xi32>,
      %mul3A_639 = arith.constant 128 : i32
      %mul3A_640 = arith.muli %add3A_616, %mul3A_639 : i32
      %add3A_641 = arith.constant 32 : i32
      %add3A_642 = arith.addi %mul3A_640, %add3A_641 : i32
      %get3A_643 = arith.index_cast %add3A_642 : i32 to index
      %get3A_644 = tpu.vector_load %arg8[%get3A_643] {strides = array<i32>} : memref<5120xi32, #tpu.memory_space<vmem>>, vector<16xi32>,
      %get3A_645 = vector.shape_cast %get3A_644 : vector<16xi32> to vector<16xi32>
      %swap3A_646 = arith.constant 32 : index
      %swap3A_647 = tpu.vector_load %arg12[%swap3A_646] {strides = array<i32>} : memref<128xi32, #tpu.memory_space<vmem>>, vector<16xi32>,
      %swap3A_648 = vector.shape_cast %swap3A_647 : vector<16xi32> to vector<16xi32>
      %swap3A_649 = vector.shape_cast %get3A_645 : vector<16xi32> to vector<16xi32>
      tpu.vector_store %arg12[%swap3A_646], %swap3A_649 {strides = array<i32>} : memref<128xi32, #tpu.memory_space<vmem>>, vector<16xi32>,
      %mul3A_650 = arith.constant 128 : i32
      %mul3A_651 = arith.muli %add3A_616, %mul3A_650 : i32
      %add3A_652 = arith.constant 48 : i32
      %add3A_653 = arith.addi %mul3A_651, %add3A_652 : i32
      %get3A_654 = arith.index_cast %add3A_653 : i32 to index
      %get3A_655 = tpu.vector_load %arg8[%get3A_654] {strides = array<i32>} : memref<5120xi32, #tpu.memory_space<vmem>>, vector<16xi32>,
      %get3A_656 = vector.shape_cast %get3A_655 : vector<16xi32> to vector<16xi32>
      %swap3A_657 = arith.constant 48 : index
      %swap3A_658 = tpu.vector_load %arg12[%swap3A_657] {strides = array<i32>} : memref<128xi32, #tpu.memory_space<vmem>>, vector<16xi32>,
      %swap3A_659 = vector.shape_cast %swap3A_658 : vector<16xi32> to vector<16xi32>
      %swap3A_660 = vector.shape_cast %get3A_656 : vector<16xi32> to vector<16xi32>
      tpu.vector_store %arg12[%swap3A_657], %swap3A_660 {strides = array<i32>} : memref<128xi32, #tpu.memory_space<vmem>>, vector<16xi32>,
      %mul3A_661 = arith.constant 128 : i32
      %mul3A_662 = arith.muli %add3A_616, %mul3A_661 : i32
      %add3A_663 = arith.constant 64 : i32
      %add3A_664 = arith.addi %mul3A_662, %add3A_663 : i32
      %get3A_665 = arith.index_cast %add3A_664 : i32 to index
      %get3A_666 = tpu.vector_load %arg8[%get3A_665] {strides = array<i32>} : memref<5120xi32, #tpu.memory_space<vmem>>, vector<16xi32>,
      %get3A_667 = vector.shape_cast %get3A_666 : vector<16xi32> to vector<16xi32>
      %swap3A_668 = arith.constant 64 : index
      %swap3A_669 = tpu.vector_load %arg12[%swap3A_668] {strides = array<i32>} : memref<128xi32, #tpu.memory_space<vmem>>, vector<16xi32>,
      %swap3A_670 = vector.shape_cast %swap3A_669 : vector<16xi32> to vector<16xi32>
      %swap3A_671 = vector.shape_cast %get3A_667 : vector<16xi32> to vector<16xi32>
      tpu.vector_store %arg12[%swap3A_668], %swap3A_671 {strides = array<i32>} : memref<128xi32, #tpu.memory_space<vmem>>, vector<16xi32>,
      %mul3A_672 = arith.constant 128 : i32
      %mul3A_673 = arith.muli %add3A_616, %mul3A_672 : i32
      %add3A_674 = arith.constant 80 : i32
      %add3A_675 = arith.addi %mul3A_673, %add3A_674 : i32
      %get3A_676 = arith.index_cast %add3A_675 : i32 to index
      %get3A_677 = tpu.vector_load %arg8[%get3A_676] {strides = array<i32>} : memref<5120xi32, #tpu.memory_space<vmem>>, vector<16xi32>,
      %get3A_678 = vector.shape_cast %get3A_677 : vector<16xi32> to vector<16xi32>
      %swap3A_679 = arith.constant 80 : index
      %swap3A_680 = tpu.vector_load %arg12[%swap3A_679] {strides = array<i32>} : memref<128xi32, #tpu.memory_space<vmem>>, vector<16xi32>,
      %swap3A_681 = vector.shape_cast %swap3A_680 : vector<16xi32> to vector<16xi32>
      %swap3A_682 = vector.shape_cast %get3A_678 : vector<16xi32> to vector<16xi32>
      tpu.vector_store %arg12[%swap3A_679], %swap3A_682 {strides = array<i32>} : memref<128xi32, #tpu.memory_space<vmem>>, vector<16xi32>,
      %mul3A_683 = arith.constant 128 : i32
      %mul3A_684 = arith.muli %add3A_616, %mul3A_683 : i32
      %add3A_685 = arith.constant 96 : i32
      %add3A_686 = arith.addi %mul3A_684, %add3A_685 : i32
      %get3A_687 = arith.index_cast %add3A_686 : i32 to index
      %get3A_688 = tpu.vector_load %arg8[%get3A_687] {strides = array<i32>} : memref<5120xi32, #tpu.memory_space<vmem>>, vector<16xi32>,
      %get3A_689 = vector.shape_cast %get3A_688 : vector<16xi32> to vector<16xi32>
      %swap3A_690 = arith.constant 96 : index
      %swap3A_691 = tpu.vector_load %arg12[%swap3A_690] {strides = array<i32>} : memref<128xi32, #tpu.memory_space<vmem>>, vector<16xi32>,
      %swap3A_692 = vector.shape_cast %swap3A_691 : vector<16xi32> to vector<16xi32>
      %swap3A_693 = vector.shape_cast %get3A_689 : vector<16xi32> to vector<16xi32>
      tpu.vector_store %arg12[%swap3A_690], %swap3A_693 {strides = array<i32>} : memref<128xi32, #tpu.memory_space<vmem>>, vector<16xi32>,
      %mul3A_694 = arith.constant 128 : i32
      %mul3A_695 = arith.muli %add3A_616, %mul3A_694 : i32
      %add3A_696 = arith.constant 112 : i32
      %add3A_697 = arith.addi %mul3A_695, %add3A_696 : i32
      %get3A_698 = arith.index_cast %add3A_697 : i32 to index
      %get3A_699 = tpu.vector_load %arg8[%get3A_698] {strides = array<i32>} : memref<5120xi32, #tpu.memory_space<vmem>>, vector<16xi32>,
      %get3A_700 = vector.shape_cast %get3A_699 : vector<16xi32> to vector<16xi32>
      %swap3A_701 = arith.constant 112 : index
      %swap3A_702 = tpu.vector_load %arg12[%swap3A_701] {strides = array<i32>} : memref<128xi32, #tpu.memory_space<vmem>>, vector<16xi32>,
      %swap3A_703 = vector.shape_cast %swap3A_702 : vector<16xi32> to vector<16xi32>
      %swap3A_704 = vector.shape_cast %get3A_700 : vector<16xi32> to vector<16xi32>
      tpu.vector_store %arg12[%swap3A_701], %swap3A_704 {strides = array<i32>} : memref<128xi32, #tpu.memory_space<vmem>>, vector<16xi32>,
      "tpu.region"() ({
        %run_scoped3A = tpu.sem_alloc : memref<!tpu.dma_semaphore, #tpu.memory_space<semaphore_mem>>
        %dma_start3A_712 = arith.constant 0 : i32
        %dma_start3A_713 = arith.constant 0 : i32
        %dma_start3A_714 = tpu.memref_slice %arg15[%dma_start3A_712, %dma_start3A_713] : memref<10240x64xf32, #tpu.memory_space<vmem_shared>> -> memref<10240x64xf32, #tpu.memory_space<vmem_shared>>
        tpu.enqueue_indirect_dma source(%arg14 : memref<128x64xf32, #tpu.memory_space<vmem>>) target(%dma_start3A_714 : memref<10240x64xf32, #tpu.memory_space<vmem_shared>>) offsets(%arg12 : memref<128xi32, #tpu.memory_space<vmem>>) semaphore(%run_scoped3A : memref<!tpu.dma_semaphore, #tpu.memory_space<semaphore_mem>>) {add = true}
        %dma_wait3A_715 = arith.constant 0 : i32
        %dma_wait3A_716 = arith.constant 0 : i32
        %dma_wait3A_717 = tpu.memref_slice %arg15[%dma_wait3A_715, %dma_wait3A_716] : memref<10240x64xf32, #tpu.memory_space<vmem_shared>> -> memref<10240x64xf32, #tpu.memory_space<vmem_shared>>
        tpu.wait_indirect_dma semaphore(%run_scoped3A : memref<!tpu.dma_semaphore, #tpu.memory_space<semaphore_mem>>) src(%arg14 : memref<128x64xf32, #tpu.memory_space<vmem>>) dst(%dma_wait3A_717 : memref<10240x64xf32, #tpu.memory_space<vmem_shared>>)
        tpu.yield
      }) : () -> ()
      %add3A_705 = arith.constant 3 : i32
      %add3A_706 = arith.addi %add3A_517, %add3A_705 : i32
      %lt3A_707 = arith.constant 40 : i32
      %lt3A_708 = arith.cmpi slt, %add3A_706, %lt3A_707 : i32
      %convert_element_type3A_709 = arith.extui %lt3A_708 : i1 to i32
      %cond3A_710 = arith.constant 0 : i32
      %cond3A_711 = arith.cmpi ne, %convert_element_type3A_709, %cond3A_710 : i32
      scf.if %cond3A_711 {
        %add3A_712 = arith.constant 3 : i32
        %add3A_713 = arith.addi %add3A_517, %add3A_712 : i32
        %mul3A_714 = arith.constant 128 : i32
        %mul3A_715 = arith.muli %add3A_713, %mul3A_714 : i32
        %add3A_716 = arith.constant 0 : i32
        %add3A_717 = arith.addi %mul3A_715, %add3A_716 : i32
        %get3A_718 = arith.index_cast %add3A_717 : i32 to index
        %get3A_719 = tpu.vector_load %arg7[%get3A_718] {strides = array<i32>} : memref<5120xi32, #tpu.memory_space<vmem>>, vector<16xi32>,
        %get3A_720 = vector.shape_cast %get3A_719 : vector<16xi32> to vector<16xi32>
        %swap3A_721 = arith.constant 0 : index
        %swap3A_722 = tpu.vector_load %arg10[%swap3A_721] {strides = array<i32>} : memref<128xi32, #tpu.memory_space<vmem>>, vector<16xi32>,
        %swap3A_723 = vector.shape_cast %swap3A_722 : vector<16xi32> to vector<16xi32>
        %swap3A_724 = vector.shape_cast %get3A_720 : vector<16xi32> to vector<16xi32>
        tpu.vector_store %arg10[%swap3A_721], %swap3A_724 {strides = array<i32>} : memref<128xi32, #tpu.memory_space<vmem>>, vector<16xi32>,
        %mul3A_725 = arith.constant 128 : i32
        %mul3A_726 = arith.muli %add3A_713, %mul3A_725 : i32
        %add3A_727 = arith.constant 16 : i32
        %add3A_728 = arith.addi %mul3A_726, %add3A_727 : i32
        %get3A_729 = arith.index_cast %add3A_728 : i32 to index
        %get3A_730 = tpu.vector_load %arg7[%get3A_729] {strides = array<i32>} : memref<5120xi32, #tpu.memory_space<vmem>>, vector<16xi32>,
        %get3A_731 = vector.shape_cast %get3A_730 : vector<16xi32> to vector<16xi32>
        %swap3A_732 = arith.constant 16 : index
        %swap3A_733 = tpu.vector_load %arg10[%swap3A_732] {strides = array<i32>} : memref<128xi32, #tpu.memory_space<vmem>>, vector<16xi32>,
        %swap3A_734 = vector.shape_cast %swap3A_733 : vector<16xi32> to vector<16xi32>
        %swap3A_735 = vector.shape_cast %get3A_731 : vector<16xi32> to vector<16xi32>
        tpu.vector_store %arg10[%swap3A_732], %swap3A_735 {strides = array<i32>} : memref<128xi32, #tpu.memory_space<vmem>>, vector<16xi32>,
        %mul3A_736 = arith.constant 128 : i32
        %mul3A_737 = arith.muli %add3A_713, %mul3A_736 : i32
        %add3A_738 = arith.constant 32 : i32
        %add3A_739 = arith.addi %mul3A_737, %add3A_738 : i32
        %get3A_740 = arith.index_cast %add3A_739 : i32 to index
        %get3A_741 = tpu.vector_load %arg7[%get3A_740] {strides = array<i32>} : memref<5120xi32, #tpu.memory_space<vmem>>, vector<16xi32>,
        %get3A_742 = vector.shape_cast %get3A_741 : vector<16xi32> to vector<16xi32>
        %swap3A_743 = arith.constant 32 : index
        %swap3A_744 = tpu.vector_load %arg10[%swap3A_743] {strides = array<i32>} : memref<128xi32, #tpu.memory_space<vmem>>, vector<16xi32>,
        %swap3A_745 = vector.shape_cast %swap3A_744 : vector<16xi32> to vector<16xi32>
        %swap3A_746 = vector.shape_cast %get3A_742 : vector<16xi32> to vector<16xi32>
        tpu.vector_store %arg10[%swap3A_743], %swap3A_746 {strides = array<i32>} : memref<128xi32, #tpu.memory_space<vmem>>, vector<16xi32>,
        %mul3A_747 = arith.constant 128 : i32
        %mul3A_748 = arith.muli %add3A_713, %mul3A_747 : i32
        %add3A_749 = arith.constant 48 : i32
        %add3A_750 = arith.addi %mul3A_748, %add3A_749 : i32
        %get3A_751 = arith.index_cast %add3A_750 : i32 to index
        %get3A_752 = tpu.vector_load %arg7[%get3A_751] {strides = array<i32>} : memref<5120xi32, #tpu.memory_space<vmem>>, vector<16xi32>,
        %get3A_753 = vector.shape_cast %get3A_752 : vector<16xi32> to vector<16xi32>
        %swap3A_754 = arith.constant 48 : index
        %swap3A_755 = tpu.vector_load %arg10[%swap3A_754] {strides = array<i32>} : memref<128xi32, #tpu.memory_space<vmem>>, vector<16xi32>,
        %swap3A_756 = vector.shape_cast %swap3A_755 : vector<16xi32> to vector<16xi32>
        %swap3A_757 = vector.shape_cast %get3A_753 : vector<16xi32> to vector<16xi32>
        tpu.vector_store %arg10[%swap3A_754], %swap3A_757 {strides = array<i32>} : memref<128xi32, #tpu.memory_space<vmem>>, vector<16xi32>,
        %mul3A_758 = arith.constant 128 : i32
        %mul3A_759 = arith.muli %add3A_713, %mul3A_758 : i32
        %add3A_760 = arith.constant 64 : i32
        %add3A_761 = arith.addi %mul3A_759, %add3A_760 : i32
        %get3A_762 = arith.index_cast %add3A_761 : i32 to index
        %get3A_763 = tpu.vector_load %arg7[%get3A_762] {strides = array<i32>} : memref<5120xi32, #tpu.memory_space<vmem>>, vector<16xi32>,
        %get3A_764 = vector.shape_cast %get3A_763 : vector<16xi32> to vector<16xi32>
        %swap3A_765 = arith.constant 64 : index
        %swap3A_766 = tpu.vector_load %arg10[%swap3A_765] {strides = array<i32>} : memref<128xi32, #tpu.memory_space<vmem>>, vector<16xi32>,
        %swap3A_767 = vector.shape_cast %swap3A_766 : vector<16xi32> to vector<16xi32>
        %swap3A_768 = vector.shape_cast %get3A_764 : vector<16xi32> to vector<16xi32>
        tpu.vector_store %arg10[%swap3A_765], %swap3A_768 {strides = array<i32>} : memref<128xi32, #tpu.memory_space<vmem>>, vector<16xi32>,
        %mul3A_769 = arith.constant 128 : i32
        %mul3A_770 = arith.muli %add3A_713, %mul3A_769 : i32
        %add3A_771 = arith.constant 80 : i32
        %add3A_772 = arith.addi %mul3A_770, %add3A_771 : i32
        %get3A_773 = arith.index_cast %add3A_772 : i32 to index
        %get3A_774 = tpu.vector_load %arg7[%get3A_773] {strides = array<i32>} : memref<5120xi32, #tpu.memory_space<vmem>>, vector<16xi32>,
        %get3A_775 = vector.shape_cast %get3A_774 : vector<16xi32> to vector<16xi32>
        %swap3A_776 = arith.constant 80 : index
        %swap3A_777 = tpu.vector_load %arg10[%swap3A_776] {strides = array<i32>} : memref<128xi32, #tpu.memory_space<vmem>>, vector<16xi32>,
        %swap3A_778 = vector.shape_cast %swap3A_777 : vector<16xi32> to vector<16xi32>
        %swap3A_779 = vector.shape_cast %get3A_775 : vector<16xi32> to vector<16xi32>
        tpu.vector_store %arg10[%swap3A_776], %swap3A_779 {strides = array<i32>} : memref<128xi32, #tpu.memory_space<vmem>>, vector<16xi32>,
        %mul3A_780 = arith.constant 128 : i32
        %mul3A_781 = arith.muli %add3A_713, %mul3A_780 : i32
        %add3A_782 = arith.constant 96 : i32
        %add3A_783 = arith.addi %mul3A_781, %add3A_782 : i32
        %get3A_784 = arith.index_cast %add3A_783 : i32 to index
        %get3A_785 = tpu.vector_load %arg7[%get3A_784] {strides = array<i32>} : memref<5120xi32, #tpu.memory_space<vmem>>, vector<16xi32>,
        %get3A_786 = vector.shape_cast %get3A_785 : vector<16xi32> to vector<16xi32>
        %swap3A_787 = arith.constant 96 : index
        %swap3A_788 = tpu.vector_load %arg10[%swap3A_787] {strides = array<i32>} : memref<128xi32, #tpu.memory_space<vmem>>, vector<16xi32>,
        %swap3A_789 = vector.shape_cast %swap3A_788 : vector<16xi32> to vector<16xi32>
        %swap3A_790 = vector.shape_cast %get3A_786 : vector<16xi32> to vector<16xi32>
        tpu.vector_store %arg10[%swap3A_787], %swap3A_790 {strides = array<i32>} : memref<128xi32, #tpu.memory_space<vmem>>, vector<16xi32>,
        %mul3A_791 = arith.constant 128 : i32
        %mul3A_792 = arith.muli %add3A_713, %mul3A_791 : i32
        %add3A_793 = arith.constant 112 : i32
        %add3A_794 = arith.addi %mul3A_792, %add3A_793 : i32
        %get3A_795 = arith.index_cast %add3A_794 : i32 to index
        %get3A_796 = tpu.vector_load %arg7[%get3A_795] {strides = array<i32>} : memref<5120xi32, #tpu.memory_space<vmem>>, vector<16xi32>,
        %get3A_797 = vector.shape_cast %get3A_796 : vector<16xi32> to vector<16xi32>
        %swap3A_798 = arith.constant 112 : index
        %swap3A_799 = tpu.vector_load %arg10[%swap3A_798] {strides = array<i32>} : memref<128xi32, #tpu.memory_space<vmem>>, vector<16xi32>,
        %swap3A_800 = vector.shape_cast %swap3A_799 : vector<16xi32> to vector<16xi32>
        %swap3A_801 = vector.shape_cast %get3A_797 : vector<16xi32> to vector<16xi32>
        tpu.vector_store %arg10[%swap3A_798], %swap3A_801 {strides = array<i32>} : memref<128xi32, #tpu.memory_space<vmem>>, vector<16xi32>,
        %dma_start3A_802 = arith.constant 0 : i32
        %dma_start3A_803 = arith.constant 0 : i32
        %dma_start3A_804 = tpu.memref_slice %arg16[%dma_start3A_802, %dma_start3A_803] : memref<10000x64xf32, #tpu.memory_space<vmem_shared>> -> memref<10000x64xf32, #tpu.memory_space<vmem_shared>>
        tpu.enqueue_indirect_dma source(%dma_start3A_804 : memref<10000x64xf32, #tpu.memory_space<vmem_shared>>) target(%arg14 : memref<128x64xf32, #tpu.memory_space<vmem>>) offsets(%arg10 : memref<128xi32, #tpu.memory_space<vmem>>) semaphore(%arg18 : memref<!tpu.dma_semaphore, #tpu.memory_space<semaphore_mem>>)
      } else {
      }
    }
    %scan3A_126 = arith.constant 20 : i32
    %mul3A_127 = arith.constant 20480 : i32
    %mul3A_128 = arith.muli %arg1, %mul3A_127 : i32
    %add3A_129 = arith.constant 5120 : i32
    %add3A_130 = arith.addi %mul3A_128, %add3A_129 : i32
    "tpu.region"() ({
      %run_scoped3A = tpu.sem_alloc : memref<!tpu.dma_semaphore, #tpu.memory_space<semaphore_mem>>
      %dma_start3A_513 = tpu.memref_slice %arg3[%add3A_130] : memref<327680xi32, #tpu.memory_space<hbm>> -> memref<5120xi32, #tpu.memory_space<hbm>>
      %dma_start3A_514 = tpu.memref_slice %arg3[%add3A_130] : memref<327680xi32, #tpu.memory_space<hbm>> -> memref<5120xi32, #tpu.memory_space<hbm>>
      tpu.enqueue_dma source(%dma_start3A_514 : memref<5120xi32, #tpu.memory_space<hbm>>) target(%arg7 : memref<5120xi32, #tpu.memory_space<vmem>>) target_semaphore(%run_scoped3A : memref<!tpu.dma_semaphore, #tpu.memory_space<semaphore_mem>>)
      %dma_wait3A = tpu.memref_slice %arg3[%add3A_130] : memref<327680xi32, #tpu.memory_space<hbm>> -> memref<5120xi32, #tpu.memory_space<hbm>>
      %dma_wait3A_515 = tpu.memref_slice %arg3[%add3A_130] : memref<327680xi32, #tpu.memory_space<hbm>> -> memref<5120xi32, #tpu.memory_space<hbm>>
      tpu.wait_dma2 semaphore(%run_scoped3A : memref<!tpu.dma_semaphore, #tpu.memory_space<semaphore_mem>>) src(%dma_wait3A_515 : memref<5120xi32, #tpu.memory_space<hbm>>) dst(%arg7 : memref<5120xi32, #tpu.memory_space<vmem>>)
      tpu.yield
    }) : () -> ()
    "tpu.region"() ({
      %run_scoped3A = tpu.sem_alloc : memref<!tpu.dma_semaphore, #tpu.memory_space<semaphore_mem>>
      %dma_start3A_513 = tpu.memref_slice %arg4[%add3A_130] : memref<327680xi32, #tpu.memory_space<hbm>> -> memref<5120xi32, #tpu.memory_space<hbm>>
      %dma_start3A_514 = tpu.memref_slice %arg4[%add3A_130] : memref<327680xi32, #tpu.memory_space<hbm>> -> memref<5120xi32, #tpu.memory_space<hbm>>
      tpu.enqueue_dma source(%dma_start3A_514 : memref<5120xi32, #tpu.memory_space<hbm>>) target(%arg8 : memref<5120xi32, #tpu.memory_space<vmem>>) target_semaphore(%run_scoped3A : memref<!tpu.dma_semaphore, #tpu.memory_space<semaphore_mem>>)
      %dma_wait3A = tpu.memref_slice %arg4[%add3A_130] : memref<327680xi32, #tpu.memory_space<hbm>> -> memref<5120xi32, #tpu.memory_space<hbm>>
      %dma_wait3A_515 = tpu.memref_slice %arg4[%add3A_130] : memref<327680xi32, #tpu.memory_space<hbm>> -> memref<5120xi32, #tpu.memory_space<hbm>>
      tpu.wait_dma2 semaphore(%run_scoped3A : memref<!tpu.dma_semaphore, #tpu.memory_space<semaphore_mem>>) src(%dma_wait3A_515 : memref<5120xi32, #tpu.memory_space<hbm>>) dst(%arg8 : memref<5120xi32, #tpu.memory_space<vmem>>)
      tpu.yield
    }) : () -> ()
    %get3A_131 = arith.constant 0 : index
    %get3A_132 = tpu.vector_load %arg7[%get3A_131] {strides = array<i32>} : memref<5120xi32, #tpu.memory_space<vmem>>, vector<16xi32>,
    %get3A_133 = vector.shape_cast %get3A_132 : vector<16xi32> to vector<16xi32>
    %swap3A_134 = arith.constant 0 : index
    %swap3A_135 = tpu.vector_load %arg9[%swap3A_134] {strides = array<i32>} : memref<128xi32, #tpu.memory_space<vmem>>, vector<16xi32>,
    %swap3A_136 = vector.shape_cast %swap3A_135 : vector<16xi32> to vector<16xi32>
    %swap3A_137 = vector.shape_cast %get3A_133 : vector<16xi32> to vector<16xi32>
    tpu.vector_store %arg9[%swap3A_134], %swap3A_137 {strides = array<i32>} : memref<128xi32, #tpu.memory_space<vmem>>, vector<16xi32>,
    %get3A_138 = arith.constant 16 : index
    %get3A_139 = tpu.vector_load %arg7[%get3A_138] {strides = array<i32>} : memref<5120xi32, #tpu.memory_space<vmem>>, vector<16xi32>,
    %get3A_140 = vector.shape_cast %get3A_139 : vector<16xi32> to vector<16xi32>
    %swap3A_141 = arith.constant 16 : index
    %swap3A_142 = tpu.vector_load %arg9[%swap3A_141] {strides = array<i32>} : memref<128xi32, #tpu.memory_space<vmem>>, vector<16xi32>,
    %swap3A_143 = vector.shape_cast %swap3A_142 : vector<16xi32> to vector<16xi32>
    %swap3A_144 = vector.shape_cast %get3A_140 : vector<16xi32> to vector<16xi32>
    tpu.vector_store %arg9[%swap3A_141], %swap3A_144 {strides = array<i32>} : memref<128xi32, #tpu.memory_space<vmem>>, vector<16xi32>,
    %get3A_145 = arith.constant 32 : index
    %get3A_146 = tpu.vector_load %arg7[%get3A_145] {strides = array<i32>} : memref<5120xi32, #tpu.memory_space<vmem>>, vector<16xi32>,
    %get3A_147 = vector.shape_cast %get3A_146 : vector<16xi32> to vector<16xi32>
    %swap3A_148 = arith.constant 32 : index
    %swap3A_149 = tpu.vector_load %arg9[%swap3A_148] {strides = array<i32>} : memref<128xi32, #tpu.memory_space<vmem>>, vector<16xi32>,
    %swap3A_150 = vector.shape_cast %swap3A_149 : vector<16xi32> to vector<16xi32>
    %swap3A_151 = vector.shape_cast %get3A_147 : vector<16xi32> to vector<16xi32>
    tpu.vector_store %arg9[%swap3A_148], %swap3A_151 {strides = array<i32>} : memref<128xi32, #tpu.memory_space<vmem>>, vector<16xi32>,
    %get3A_152 = arith.constant 48 : index
    %get3A_153 = tpu.vector_load %arg7[%get3A_152] {strides = array<i32>} : memref<5120xi32, #tpu.memory_space<vmem>>, vector<16xi32>,
    %get3A_154 = vector.shape_cast %get3A_153 : vector<16xi32> to vector<16xi32>
    %swap3A_155 = arith.constant 48 : index
    %swap3A_156 = tpu.vector_load %arg9[%swap3A_155] {strides = array<i32>} : memref<128xi32, #tpu.memory_space<vmem>>, vector<16xi32>,
    %swap3A_157 = vector.shape_cast %swap3A_156 : vector<16xi32> to vector<16xi32>
    %swap3A_158 = vector.shape_cast %get3A_154 : vector<16xi32> to vector<16xi32>
    tpu.vector_store %arg9[%swap3A_155], %swap3A_158 {strides = array<i32>} : memref<128xi32, #tpu.memory_space<vmem>>, vector<16xi32>,
    %get3A_159 = arith.constant 64 : index
    %get3A_160 = tpu.vector_load %arg7[%get3A_159] {strides = array<i32>} : memref<5120xi32, #tpu.memory_space<vmem>>, vector<16xi32>,
    %get3A_161 = vector.shape_cast %get3A_160 : vector<16xi32> to vector<16xi32>
    %swap3A_162 = arith.constant 64 : index
    %swap3A_163 = tpu.vector_load %arg9[%swap3A_162] {strides = array<i32>} : memref<128xi32, #tpu.memory_space<vmem>>, vector<16xi32>,
    %swap3A_164 = vector.shape_cast %swap3A_163 : vector<16xi32> to vector<16xi32>
    %swap3A_165 = vector.shape_cast %get3A_161 : vector<16xi32> to vector<16xi32>
    tpu.vector_store %arg9[%swap3A_162], %swap3A_165 {strides = array<i32>} : memref<128xi32, #tpu.memory_space<vmem>>, vector<16xi32>,
    %get3A_166 = arith.constant 80 : index
    %get3A_167 = tpu.vector_load %arg7[%get3A_166] {strides = array<i32>} : memref<5120xi32, #tpu.memory_space<vmem>>, vector<16xi32>,
    %get3A_168 = vector.shape_cast %get3A_167 : vector<16xi32> to vector<16xi32>
    %swap3A_169 = arith.constant 80 : index
    %swap3A_170 = tpu.vector_load %arg9[%swap3A_169] {strides = array<i32>} : memref<128xi32, #tpu.memory_space<vmem>>, vector<16xi32>,
    %swap3A_171 = vector.shape_cast %swap3A_170 : vector<16xi32> to vector<16xi32>
    %swap3A_172 = vector.shape_cast %get3A_168 : vector<16xi32> to vector<16xi32>
    tpu.vector_store %arg9[%swap3A_169], %swap3A_172 {strides = array<i32>} : memref<128xi32, #tpu.memory_space<vmem>>, vector<16xi32>,
    %get3A_173 = arith.constant 96 : index
    %get3A_174 = tpu.vector_load %arg7[%get3A_173] {strides = array<i32>} : memref<5120xi32, #tpu.memory_space<vmem>>, vector<16xi32>,
    %get3A_175 = vector.shape_cast %get3A_174 : vector<16xi32> to vector<16xi32>
    %swap3A_176 = arith.constant 96 : index
    %swap3A_177 = tpu.vector_load %arg9[%swap3A_176] {strides = array<i32>} : memref<128xi32, #tpu.memory_space<vmem>>, vector<16xi32>,
    %swap3A_178 = vector.shape_cast %swap3A_177 : vector<16xi32> to vector<16xi32>
    %swap3A_179 = vector.shape_cast %get3A_175 : vector<16xi32> to vector<16xi32>
    tpu.vector_store %arg9[%swap3A_176], %swap3A_179 {strides = array<i32>} : memref<128xi32, #tpu.memory_space<vmem>>, vector<16xi32>,
    %get3A_180 = arith.constant 112 : index
    %get3A_181 = tpu.vector_load %arg7[%get3A_180] {strides = array<i32>} : memref<5120xi32, #tpu.memory_space<vmem>>, vector<16xi32>,
    %get3A_182 = vector.shape_cast %get3A_181 : vector<16xi32> to vector<16xi32>
    %swap3A_183 = arith.constant 112 : index
    %swap3A_184 = tpu.vector_load %arg9[%swap3A_183] {strides = array<i32>} : memref<128xi32, #tpu.memory_space<vmem>>, vector<16xi32>,
    %swap3A_185 = vector.shape_cast %swap3A_184 : vector<16xi32> to vector<16xi32>
    %swap3A_186 = vector.shape_cast %get3A_182 : vector<16xi32> to vector<16xi32>
    tpu.vector_store %arg9[%swap3A_183], %swap3A_186 {strides = array<i32>} : memref<128xi32, #tpu.memory_space<vmem>>, vector<16xi32>,
    %dma_start3A_187 = arith.constant 0 : i32
    %dma_start3A_188 = arith.constant 0 : i32
    %dma_start3A_189 = tpu.memref_slice %arg16[%dma_start3A_187, %dma_start3A_188] : memref<10000x64xf32, #tpu.memory_space<vmem_shared>> -> memref<10000x64xf32, #tpu.memory_space<vmem_shared>>
    tpu.enqueue_indirect_dma source(%dma_start3A_189 : memref<10000x64xf32, #tpu.memory_space<vmem_shared>>) target(%arg13 : memref<128x64xf32, #tpu.memory_space<vmem>>) offsets(%arg9 : memref<128xi32, #tpu.memory_space<vmem>>) semaphore(%arg17 : memref<!tpu.dma_semaphore, #tpu.memory_space<semaphore_mem>>)
    %get3A_190 = arith.constant 128 : index
    %get3A_191 = tpu.vector_load %arg7[%get3A_190] {strides = array<i32>} : memref<5120xi32, #tpu.memory_space<vmem>>, vector<16xi32>,
    %get3A_192 = vector.shape_cast %get3A_191 : vector<16xi32> to vector<16xi32>
    %swap3A_193 = arith.constant 0 : index
    %swap3A_194 = tpu.vector_load %arg10[%swap3A_193] {strides = array<i32>} : memref<128xi32, #tpu.memory_space<vmem>>, vector<16xi32>,
    %swap3A_195 = vector.shape_cast %swap3A_194 : vector<16xi32> to vector<16xi32>
    %swap3A_196 = vector.shape_cast %get3A_192 : vector<16xi32> to vector<16xi32>
    tpu.vector_store %arg10[%swap3A_193], %swap3A_196 {strides = array<i32>} : memref<128xi32, #tpu.memory_space<vmem>>, vector<16xi32>,
    %get3A_197 = arith.constant 144 : index
    %get3A_198 = tpu.vector_load %arg7[%get3A_197] {strides = array<i32>} : memref<5120xi32, #tpu.memory_space<vmem>>, vector<16xi32>,
    %get3A_199 = vector.shape_cast %get3A_198 : vector<16xi32> to vector<16xi32>
    %swap3A_200 = arith.constant 16 : index
    %swap3A_201 = tpu.vector_load %arg10[%swap3A_200] {strides = array<i32>} : memref<128xi32, #tpu.memory_space<vmem>>, vector<16xi32>,
    %swap3A_202 = vector.shape_cast %swap3A_201 : vector<16xi32> to vector<16xi32>
    %swap3A_203 = vector.shape_cast %get3A_199 : vector<16xi32> to vector<16xi32>
    tpu.vector_store %arg10[%swap3A_200], %swap3A_203 {strides = array<i32>} : memref<128xi32, #tpu.memory_space<vmem>>, vector<16xi32>,
    %get3A_204 = arith.constant 160 : index
    %get3A_205 = tpu.vector_load %arg7[%get3A_204] {strides = array<i32>} : memref<5120xi32, #tpu.memory_space<vmem>>, vector<16xi32>,
    %get3A_206 = vector.shape_cast %get3A_205 : vector<16xi32> to vector<16xi32>
    %swap3A_207 = arith.constant 32 : index
    %swap3A_208 = tpu.vector_load %arg10[%swap3A_207] {strides = array<i32>} : memref<128xi32, #tpu.memory_space<vmem>>, vector<16xi32>,
    %swap3A_209 = vector.shape_cast %swap3A_208 : vector<16xi32> to vector<16xi32>
    %swap3A_210 = vector.shape_cast %get3A_206 : vector<16xi32> to vector<16xi32>
    tpu.vector_store %arg10[%swap3A_207], %swap3A_210 {strides = array<i32>} : memref<128xi32, #tpu.memory_space<vmem>>, vector<16xi32>,
    %get3A_211 = arith.constant 176 : index
    %get3A_212 = tpu.vector_load %arg7[%get3A_211] {strides = array<i32>} : memref<5120xi32, #tpu.memory_space<vmem>>, vector<16xi32>,
    %get3A_213 = vector.shape_cast %get3A_212 : vector<16xi32> to vector<16xi32>
    %swap3A_214 = arith.constant 48 : index
    %swap3A_215 = tpu.vector_load %arg10[%swap3A_214] {strides = array<i32>} : memref<128xi32, #tpu.memory_space<vmem>>, vector<16xi32>,
    %swap3A_216 = vector.shape_cast %swap3A_215 : vector<16xi32> to vector<16xi32>
    %swap3A_217 = vector.shape_cast %get3A_213 : vector<16xi32> to vector<16xi32>
    tpu.vector_store %arg10[%swap3A_214], %swap3A_217 {strides = array<i32>} : memref<128xi32, #tpu.memory_space<vmem>>, vector<16xi32>,
    %get3A_218 = arith.constant 192 : index
    %get3A_219 = tpu.vector_load %arg7[%get3A_218] {strides = array<i32>} : memref<5120xi32, #tpu.memory_space<vmem>>, vector<16xi32>,
    %get3A_220 = vector.shape_cast %get3A_219 : vector<16xi32> to vector<16xi32>
    %swap3A_221 = arith.constant 64 : index
    %swap3A_222 = tpu.vector_load %arg10[%swap3A_221] {strides = array<i32>} : memref<128xi32, #tpu.memory_space<vmem>>, vector<16xi32>,
    %swap3A_223 = vector.shape_cast %swap3A_222 : vector<16xi32> to vector<16xi32>
    %swap3A_224 = vector.shape_cast %get3A_220 : vector<16xi32> to vector<16xi32>
    tpu.vector_store %arg10[%swap3A_221], %swap3A_224 {strides = array<i32>} : memref<128xi32, #tpu.memory_space<vmem>>, vector<16xi32>,
    %get3A_225 = arith.constant 208 : index
    %get3A_226 = tpu.vector_load %arg7[%get3A_225] {strides = array<i32>} : memref<5120xi32, #tpu.memory_space<vmem>>, vector<16xi32>,
    %get3A_227 = vector.shape_cast %get3A_226 : vector<16xi32> to vector<16xi32>
    %swap3A_228 = arith.constant 80 : index
    %swap3A_229 = tpu.vector_load %arg10[%swap3A_228] {strides = array<i32>} : memref<128xi32, #tpu.memory_space<vmem>>, vector<16xi32>,
    %swap3A_230 = vector.shape_cast %swap3A_229 : vector<16xi32> to vector<16xi32>
    %swap3A_231 = vector.shape_cast %get3A_227 : vector<16xi32> to vector<16xi32>
    tpu.vector_store %arg10[%swap3A_228], %swap3A_231 {strides = array<i32>} : memref<128xi32, #tpu.memory_space<vmem>>, vector<16xi32>,
    %get3A_232 = arith.constant 224 : index
    %get3A_233 = tpu.vector_load %arg7[%get3A_232] {strides = array<i32>} : memref<5120xi32, #tpu.memory_space<vmem>>, vector<16xi32>,
    %get3A_234 = vector.shape_cast %get3A_233 : vector<16xi32> to vector<16xi32>
    %swap3A_235 = arith.constant 96 : index
    %swap3A_236 = tpu.vector_load %arg10[%swap3A_235] {strides = array<i32>} : memref<128xi32, #tpu.memory_space<vmem>>, vector<16xi32>,
    %swap3A_237 = vector.shape_cast %swap3A_236 : vector<16xi32> to vector<16xi32>
    %swap3A_238 = vector.shape_cast %get3A_234 : vector<16xi32> to vector<16xi32>
    tpu.vector_store %arg10[%swap3A_235], %swap3A_238 {strides = array<i32>} : memref<128xi32, #tpu.memory_space<vmem>>, vector<16xi32>,
    %get3A_239 = arith.constant 240 : index
    %get3A_240 = tpu.vector_load %arg7[%get3A_239] {strides = array<i32>} : memref<5120xi32, #tpu.memory_space<vmem>>, vector<16xi32>,
    %get3A_241 = vector.shape_cast %get3A_240 : vector<16xi32> to vector<16xi32>
    %swap3A_242 = arith.constant 112 : index
    %swap3A_243 = tpu.vector_load %arg10[%swap3A_242] {strides = array<i32>} : memref<128xi32, #tpu.memory_space<vmem>>, vector<16xi32>,
    %swap3A_244 = vector.shape_cast %swap3A_243 : vector<16xi32> to vector<16xi32>
    %swap3A_245 = vector.shape_cast %get3A_241 : vector<16xi32> to vector<16xi32>
    tpu.vector_store %arg10[%swap3A_242], %swap3A_245 {strides = array<i32>} : memref<128xi32, #tpu.memory_space<vmem>>, vector<16xi32>,
    %dma_start3A_246 = arith.constant 0 : i32
    %dma_start3A_247 = arith.constant 0 : i32
    %dma_start3A_248 = tpu.memref_slice %arg16[%dma_start3A_246, %dma_start3A_247] : memref<10000x64xf32, #tpu.memory_space<vmem_shared>> -> memref<10000x64xf32, #tpu.memory_space<vmem_shared>>
    tpu.enqueue_indirect_dma source(%dma_start3A_248 : memref<10000x64xf32, #tpu.memory_space<vmem_shared>>) target(%arg14 : memref<128x64xf32, #tpu.memory_space<vmem>>) offsets(%arg10 : memref<128xi32, #tpu.memory_space<vmem>>) semaphore(%arg18 : memref<!tpu.dma_semaphore, #tpu.memory_space<semaphore_mem>>)
    %scan3A_249 = arith.constant 0 : i32
    %scan3A_250 = arith.constant 20 : i32
    %scan3A_251 = arith.addi %scan3A_249, %scan3A_250 : i32
    %scan3A_252 = arith.constant 1 : i32
    scf.for %scan3A_513 = %scan3A_249 to %scan3A_251 step %scan3A_252  : i32 {
      %mul3A_514 = arith.constant 2 : i32
      %mul3A_515 = arith.muli %scan3A_513, %mul3A_514 : i32
      %add3A_516 = arith.constant 0 : i32
      %add3A_517 = arith.addi %add3A_516, %mul3A_515 : i32
      %dma_wait3A = arith.constant 0 : i32
      %dma_wait3A_518 = arith.constant 0 : i32
      %dma_wait3A_519 = tpu.memref_slice %arg16[%dma_wait3A, %dma_wait3A_518] : memref<10000x64xf32, #tpu.memory_space<vmem_shared>> -> memref<10000x64xf32, #tpu.memory_space<vmem_shared>>
      tpu.wait_indirect_dma semaphore(%arg17 : memref<!tpu.dma_semaphore, #tpu.memory_space<semaphore_mem>>) src(%dma_wait3A_519 : memref<10000x64xf32, #tpu.memory_space<vmem_shared>>) dst(%arg13 : memref<128x64xf32, #tpu.memory_space<vmem>>)
      %mul3A_520 = arith.constant 128 : i32
      %mul3A_521 = arith.muli %add3A_517, %mul3A_520 : i32
      %add3A_522 = arith.constant 0 : i32
      %add3A_523 = arith.addi %mul3A_521, %add3A_522 : i32
      %get3A_524 = arith.index_cast %add3A_523 : i32 to index
      %get3A_525 = tpu.vector_load %arg8[%get3A_524] {strides = array<i32>} : memref<5120xi32, #tpu.memory_space<vmem>>, vector<16xi32>,
      %get3A_526 = vector.shape_cast %get3A_525 : vector<16xi32> to vector<16xi32>
      %swap3A_527 = arith.constant 0 : index
      %swap3A_528 = tpu.vector_load %arg11[%swap3A_527] {strides = array<i32>} : memref<128xi32, #tpu.memory_space<vmem>>, vector<16xi32>,
      %swap3A_529 = vector.shape_cast %swap3A_528 : vector<16xi32> to vector<16xi32>
      %swap3A_530 = vector.shape_cast %get3A_526 : vector<16xi32> to vector<16xi32>
      tpu.vector_store %arg11[%swap3A_527], %swap3A_530 {strides = array<i32>} : memref<128xi32, #tpu.memory_space<vmem>>, vector<16xi32>,
      %mul3A_531 = arith.constant 128 : i32
      %mul3A_532 = arith.muli %add3A_517, %mul3A_531 : i32
      %add3A_533 = arith.constant 16 : i32
      %add3A_534 = arith.addi %mul3A_532, %add3A_533 : i32
      %get3A_535 = arith.index_cast %add3A_534 : i32 to index
      %get3A_536 = tpu.vector_load %arg8[%get3A_535] {strides = array<i32>} : memref<5120xi32, #tpu.memory_space<vmem>>, vector<16xi32>,
      %get3A_537 = vector.shape_cast %get3A_536 : vector<16xi32> to vector<16xi32>
      %swap3A_538 = arith.constant 16 : index
      %swap3A_539 = tpu.vector_load %arg11[%swap3A_538] {strides = array<i32>} : memref<128xi32, #tpu.memory_space<vmem>>, vector<16xi32>,
      %swap3A_540 = vector.shape_cast %swap3A_539 : vector<16xi32> to vector<16xi32>
      %swap3A_541 = vector.shape_cast %get3A_537 : vector<16xi32> to vector<16xi32>
      tpu.vector_store %arg11[%swap3A_538], %swap3A_541 {strides = array<i32>} : memref<128xi32, #tpu.memory_space<vmem>>, vector<16xi32>,
      %mul3A_542 = arith.constant 128 : i32
      %mul3A_543 = arith.muli %add3A_517, %mul3A_542 : i32
      %add3A_544 = arith.constant 32 : i32
      %add3A_545 = arith.addi %mul3A_543, %add3A_544 : i32
      %get3A_546 = arith.index_cast %add3A_545 : i32 to index
      %get3A_547 = tpu.vector_load %arg8[%get3A_546] {strides = array<i32>} : memref<5120xi32, #tpu.memory_space<vmem>>, vector<16xi32>,
      %get3A_548 = vector.shape_cast %get3A_547 : vector<16xi32> to vector<16xi32>
      %swap3A_549 = arith.constant 32 : index
      %swap3A_550 = tpu.vector_load %arg11[%swap3A_549] {strides = array<i32>} : memref<128xi32, #tpu.memory_space<vmem>>, vector<16xi32>,
      %swap3A_551 = vector.shape_cast %swap3A_550 : vector<16xi32> to vector<16xi32>
      %swap3A_552 = vector.shape_cast %get3A_548 : vector<16xi32> to vector<16xi32>
      tpu.vector_store %arg11[%swap3A_549], %swap3A_552 {strides = array<i32>} : memref<128xi32, #tpu.memory_space<vmem>>, vector<16xi32>,
      %mul3A_553 = arith.constant 128 : i32
      %mul3A_554 = arith.muli %add3A_517, %mul3A_553 : i32
      %add3A_555 = arith.constant 48 : i32
      %add3A_556 = arith.addi %mul3A_554, %add3A_555 : i32
      %get3A_557 = arith.index_cast %add3A_556 : i32 to index
      %get3A_558 = tpu.vector_load %arg8[%get3A_557] {strides = array<i32>} : memref<5120xi32, #tpu.memory_space<vmem>>, vector<16xi32>,
      %get3A_559 = vector.shape_cast %get3A_558 : vector<16xi32> to vector<16xi32>
      %swap3A_560 = arith.constant 48 : index
      %swap3A_561 = tpu.vector_load %arg11[%swap3A_560] {strides = array<i32>} : memref<128xi32, #tpu.memory_space<vmem>>, vector<16xi32>,
      %swap3A_562 = vector.shape_cast %swap3A_561 : vector<16xi32> to vector<16xi32>
      %swap3A_563 = vector.shape_cast %get3A_559 : vector<16xi32> to vector<16xi32>
      tpu.vector_store %arg11[%swap3A_560], %swap3A_563 {strides = array<i32>} : memref<128xi32, #tpu.memory_space<vmem>>, vector<16xi32>,
      %mul3A_564 = arith.constant 128 : i32
      %mul3A_565 = arith.muli %add3A_517, %mul3A_564 : i32
      %add3A_566 = arith.constant 64 : i32
      %add3A_567 = arith.addi %mul3A_565, %add3A_566 : i32
      %get3A_568 = arith.index_cast %add3A_567 : i32 to index
      %get3A_569 = tpu.vector_load %arg8[%get3A_568] {strides = array<i32>} : memref<5120xi32, #tpu.memory_space<vmem>>, vector<16xi32>,
      %get3A_570 = vector.shape_cast %get3A_569 : vector<16xi32> to vector<16xi32>
      %swap3A_571 = arith.constant 64 : index
      %swap3A_572 = tpu.vector_load %arg11[%swap3A_571] {strides = array<i32>} : memref<128xi32, #tpu.memory_space<vmem>>, vector<16xi32>,
      %swap3A_573 = vector.shape_cast %swap3A_572 : vector<16xi32> to vector<16xi32>
      %swap3A_574 = vector.shape_cast %get3A_570 : vector<16xi32> to vector<16xi32>
      tpu.vector_store %arg11[%swap3A_571], %swap3A_574 {strides = array<i32>} : memref<128xi32, #tpu.memory_space<vmem>>, vector<16xi32>,
      %mul3A_575 = arith.constant 128 : i32
      %mul3A_576 = arith.muli %add3A_517, %mul3A_575 : i32
      %add3A_577 = arith.constant 80 : i32
      %add3A_578 = arith.addi %mul3A_576, %add3A_577 : i32
      %get3A_579 = arith.index_cast %add3A_578 : i32 to index
      %get3A_580 = tpu.vector_load %arg8[%get3A_579] {strides = array<i32>} : memref<5120xi32, #tpu.memory_space<vmem>>, vector<16xi32>,
      %get3A_581 = vector.shape_cast %get3A_580 : vector<16xi32> to vector<16xi32>
      %swap3A_582 = arith.constant 80 : index
      %swap3A_583 = tpu.vector_load %arg11[%swap3A_582] {strides = array<i32>} : memref<128xi32, #tpu.memory_space<vmem>>, vector<16xi32>,
      %swap3A_584 = vector.shape_cast %swap3A_583 : vector<16xi32> to vector<16xi32>
      %swap3A_585 = vector.shape_cast %get3A_581 : vector<16xi32> to vector<16xi32>
      tpu.vector_store %arg11[%swap3A_582], %swap3A_585 {strides = array<i32>} : memref<128xi32, #tpu.memory_space<vmem>>, vector<16xi32>,
      %mul3A_586 = arith.constant 128 : i32
      %mul3A_587 = arith.muli %add3A_517, %mul3A_586 : i32
      %add3A_588 = arith.constant 96 : i32
      %add3A_589 = arith.addi %mul3A_587, %add3A_588 : i32
      %get3A_590 = arith.index_cast %add3A_589 : i32 to index
      %get3A_591 = tpu.vector_load %arg8[%get3A_590] {strides = array<i32>} : memref<5120xi32, #tpu.memory_space<vmem>>, vector<16xi32>,
      %get3A_592 = vector.shape_cast %get3A_591 : vector<16xi32> to vector<16xi32>
      %swap3A_593 = arith.constant 96 : index
      %swap3A_594 = tpu.vector_load %arg11[%swap3A_593] {strides = array<i32>} : memref<128xi32, #tpu.memory_space<vmem>>, vector<16xi32>,
      %swap3A_595 = vector.shape_cast %swap3A_594 : vector<16xi32> to vector<16xi32>
      %swap3A_596 = vector.shape_cast %get3A_592 : vector<16xi32> to vector<16xi32>
      tpu.vector_store %arg11[%swap3A_593], %swap3A_596 {strides = array<i32>} : memref<128xi32, #tpu.memory_space<vmem>>, vector<16xi32>,
      %mul3A_597 = arith.constant 128 : i32
      %mul3A_598 = arith.muli %add3A_517, %mul3A_597 : i32
      %add3A_599 = arith.constant 112 : i32
      %add3A_600 = arith.addi %mul3A_598, %add3A_599 : i32
      %get3A_601 = arith.index_cast %add3A_600 : i32 to index
      %get3A_602 = tpu.vector_load %arg8[%get3A_601] {strides = array<i32>} : memref<5120xi32, #tpu.memory_space<vmem>>, vector<16xi32>,
      %get3A_603 = vector.shape_cast %get3A_602 : vector<16xi32> to vector<16xi32>
      %swap3A_604 = arith.constant 112 : index
      %swap3A_605 = tpu.vector_load %arg11[%swap3A_604] {strides = array<i32>} : memref<128xi32, #tpu.memory_space<vmem>>, vector<16xi32>,
      %swap3A_606 = vector.shape_cast %swap3A_605 : vector<16xi32> to vector<16xi32>
      %swap3A_607 = vector.shape_cast %get3A_603 : vector<16xi32> to vector<16xi32>
      tpu.vector_store %arg11[%swap3A_604], %swap3A_607 {strides = array<i32>} : memref<128xi32, #tpu.memory_space<vmem>>, vector<16xi32>,
      "tpu.region"() ({
        %run_scoped3A = tpu.sem_alloc : memref<!tpu.dma_semaphore, #tpu.memory_space<semaphore_mem>>
        %dma_start3A_712 = arith.constant 0 : i32
        %dma_start3A_713 = arith.constant 0 : i32
        %dma_start3A_714 = tpu.memref_slice %arg15[%dma_start3A_712, %dma_start3A_713] : memref<10240x64xf32, #tpu.memory_space<vmem_shared>> -> memref<10240x64xf32, #tpu.memory_space<vmem_shared>>
        tpu.enqueue_indirect_dma source(%arg13 : memref<128x64xf32, #tpu.memory_space<vmem>>) target(%dma_start3A_714 : memref<10240x64xf32, #tpu.memory_space<vmem_shared>>) offsets(%arg11 : memref<128xi32, #tpu.memory_space<vmem>>) semaphore(%run_scoped3A : memref<!tpu.dma_semaphore, #tpu.memory_space<semaphore_mem>>) {add = true}
        %dma_wait3A_715 = arith.constant 0 : i32
        %dma_wait3A_716 = arith.constant 0 : i32
        %dma_wait3A_717 = tpu.memref_slice %arg15[%dma_wait3A_715, %dma_wait3A_716] : memref<10240x64xf32, #tpu.memory_space<vmem_shared>> -> memref<10240x64xf32, #tpu.memory_space<vmem_shared>>
        tpu.wait_indirect_dma semaphore(%run_scoped3A : memref<!tpu.dma_semaphore, #tpu.memory_space<semaphore_mem>>) src(%arg13 : memref<128x64xf32, #tpu.memory_space<vmem>>) dst(%dma_wait3A_717 : memref<10240x64xf32, #tpu.memory_space<vmem_shared>>)
        tpu.yield
      }) : () -> ()
      %add3A_608 = arith.constant 2 : i32
      %add3A_609 = arith.addi %add3A_517, %add3A_608 : i32
      %lt3A = arith.constant 40 : i32
      %lt3A_610 = arith.cmpi slt, %add3A_609, %lt3A : i32
      %convert_element_type3A = arith.extui %lt3A_610 : i1 to i32
      %cond3A = arith.constant 0 : i32
      %cond3A_611 = arith.cmpi ne, %convert_element_type3A, %cond3A : i32
      scf.if %cond3A_611 {
        %add3A_712 = arith.constant 2 : i32
        %add3A_713 = arith.addi %add3A_517, %add3A_712 : i32
        %mul3A_714 = arith.constant 128 : i32
        %mul3A_715 = arith.muli %add3A_713, %mul3A_714 : i32
        %add3A_716 = arith.constant 0 : i32
        %add3A_717 = arith.addi %mul3A_715, %add3A_716 : i32
        %get3A_718 = arith.index_cast %add3A_717 : i32 to index
        %get3A_719 = tpu.vector_load %arg7[%get3A_718] {strides = array<i32>} : memref<5120xi32, #tpu.memory_space<vmem>>, vector<16xi32>,
        %get3A_720 = vector.shape_cast %get3A_719 : vector<16xi32> to vector<16xi32>
        %swap3A_721 = arith.constant 0 : index
        %swap3A_722 = tpu.vector_load %arg9[%swap3A_721] {strides = array<i32>} : memref<128xi32, #tpu.memory_space<vmem>>, vector<16xi32>,
        %swap3A_723 = vector.shape_cast %swap3A_722 : vector<16xi32> to vector<16xi32>
        %swap3A_724 = vector.shape_cast %get3A_720 : vector<16xi32> to vector<16xi32>
        tpu.vector_store %arg9[%swap3A_721], %swap3A_724 {strides = array<i32>} : memref<128xi32, #tpu.memory_space<vmem>>, vector<16xi32>,
        %mul3A_725 = arith.constant 128 : i32
        %mul3A_726 = arith.muli %add3A_713, %mul3A_725 : i32
        %add3A_727 = arith.constant 16 : i32
        %add3A_728 = arith.addi %mul3A_726, %add3A_727 : i32
        %get3A_729 = arith.index_cast %add3A_728 : i32 to index
        %get3A_730 = tpu.vector_load %arg7[%get3A_729] {strides = array<i32>} : memref<5120xi32, #tpu.memory_space<vmem>>, vector<16xi32>,
        %get3A_731 = vector.shape_cast %get3A_730 : vector<16xi32> to vector<16xi32>
        %swap3A_732 = arith.constant 16 : index
        %swap3A_733 = tpu.vector_load %arg9[%swap3A_732] {strides = array<i32>} : memref<128xi32, #tpu.memory_space<vmem>>, vector<16xi32>,
        %swap3A_734 = vector.shape_cast %swap3A_733 : vector<16xi32> to vector<16xi32>
        %swap3A_735 = vector.shape_cast %get3A_731 : vector<16xi32> to vector<16xi32>
        tpu.vector_store %arg9[%swap3A_732], %swap3A_735 {strides = array<i32>} : memref<128xi32, #tpu.memory_space<vmem>>, vector<16xi32>,
        %mul3A_736 = arith.constant 128 : i32
        %mul3A_737 = arith.muli %add3A_713, %mul3A_736 : i32
        %add3A_738 = arith.constant 32 : i32
        %add3A_739 = arith.addi %mul3A_737, %add3A_738 : i32
        %get3A_740 = arith.index_cast %add3A_739 : i32 to index
        %get3A_741 = tpu.vector_load %arg7[%get3A_740] {strides = array<i32>} : memref<5120xi32, #tpu.memory_space<vmem>>, vector<16xi32>,
        %get3A_742 = vector.shape_cast %get3A_741 : vector<16xi32> to vector<16xi32>
        %swap3A_743 = arith.constant 32 : index
        %swap3A_744 = tpu.vector_load %arg9[%swap3A_743] {strides = array<i32>} : memref<128xi32, #tpu.memory_space<vmem>>, vector<16xi32>,
        %swap3A_745 = vector.shape_cast %swap3A_744 : vector<16xi32> to vector<16xi32>
        %swap3A_746 = vector.shape_cast %get3A_742 : vector<16xi32> to vector<16xi32>
        tpu.vector_store %arg9[%swap3A_743], %swap3A_746 {strides = array<i32>} : memref<128xi32, #tpu.memory_space<vmem>>, vector<16xi32>,
        %mul3A_747 = arith.constant 128 : i32
        %mul3A_748 = arith.muli %add3A_713, %mul3A_747 : i32
        %add3A_749 = arith.constant 48 : i32
        %add3A_750 = arith.addi %mul3A_748, %add3A_749 : i32
        %get3A_751 = arith.index_cast %add3A_750 : i32 to index
        %get3A_752 = tpu.vector_load %arg7[%get3A_751] {strides = array<i32>} : memref<5120xi32, #tpu.memory_space<vmem>>, vector<16xi32>,
        %get3A_753 = vector.shape_cast %get3A_752 : vector<16xi32> to vector<16xi32>
        %swap3A_754 = arith.constant 48 : index
        %swap3A_755 = tpu.vector_load %arg9[%swap3A_754] {strides = array<i32>} : memref<128xi32, #tpu.memory_space<vmem>>, vector<16xi32>,
        %swap3A_756 = vector.shape_cast %swap3A_755 : vector<16xi32> to vector<16xi32>
        %swap3A_757 = vector.shape_cast %get3A_753 : vector<16xi32> to vector<16xi32>
        tpu.vector_store %arg9[%swap3A_754], %swap3A_757 {strides = array<i32>} : memref<128xi32, #tpu.memory_space<vmem>>, vector<16xi32>,
        %mul3A_758 = arith.constant 128 : i32
        %mul3A_759 = arith.muli %add3A_713, %mul3A_758 : i32
        %add3A_760 = arith.constant 64 : i32
        %add3A_761 = arith.addi %mul3A_759, %add3A_760 : i32
        %get3A_762 = arith.index_cast %add3A_761 : i32 to index
        %get3A_763 = tpu.vector_load %arg7[%get3A_762] {strides = array<i32>} : memref<5120xi32, #tpu.memory_space<vmem>>, vector<16xi32>,
        %get3A_764 = vector.shape_cast %get3A_763 : vector<16xi32> to vector<16xi32>
        %swap3A_765 = arith.constant 64 : index
        %swap3A_766 = tpu.vector_load %arg9[%swap3A_765] {strides = array<i32>} : memref<128xi32, #tpu.memory_space<vmem>>, vector<16xi32>,
        %swap3A_767 = vector.shape_cast %swap3A_766 : vector<16xi32> to vector<16xi32>
        %swap3A_768 = vector.shape_cast %get3A_764 : vector<16xi32> to vector<16xi32>
        tpu.vector_store %arg9[%swap3A_765], %swap3A_768 {strides = array<i32>} : memref<128xi32, #tpu.memory_space<vmem>>, vector<16xi32>,
        %mul3A_769 = arith.constant 128 : i32
        %mul3A_770 = arith.muli %add3A_713, %mul3A_769 : i32
        %add3A_771 = arith.constant 80 : i32
        %add3A_772 = arith.addi %mul3A_770, %add3A_771 : i32
        %get3A_773 = arith.index_cast %add3A_772 : i32 to index
        %get3A_774 = tpu.vector_load %arg7[%get3A_773] {strides = array<i32>} : memref<5120xi32, #tpu.memory_space<vmem>>, vector<16xi32>,
        %get3A_775 = vector.shape_cast %get3A_774 : vector<16xi32> to vector<16xi32>
        %swap3A_776 = arith.constant 80 : index
        %swap3A_777 = tpu.vector_load %arg9[%swap3A_776] {strides = array<i32>} : memref<128xi32, #tpu.memory_space<vmem>>, vector<16xi32>,
        %swap3A_778 = vector.shape_cast %swap3A_777 : vector<16xi32> to vector<16xi32>
        %swap3A_779 = vector.shape_cast %get3A_775 : vector<16xi32> to vector<16xi32>
        tpu.vector_store %arg9[%swap3A_776], %swap3A_779 {strides = array<i32>} : memref<128xi32, #tpu.memory_space<vmem>>, vector<16xi32>,
        %mul3A_780 = arith.constant 128 : i32
        %mul3A_781 = arith.muli %add3A_713, %mul3A_780 : i32
        %add3A_782 = arith.constant 96 : i32
        %add3A_783 = arith.addi %mul3A_781, %add3A_782 : i32
        %get3A_784 = arith.index_cast %add3A_783 : i32 to index
        %get3A_785 = tpu.vector_load %arg7[%get3A_784] {strides = array<i32>} : memref<5120xi32, #tpu.memory_space<vmem>>, vector<16xi32>,
        %get3A_786 = vector.shape_cast %get3A_785 : vector<16xi32> to vector<16xi32>
        %swap3A_787 = arith.constant 96 : index
        %swap3A_788 = tpu.vector_load %arg9[%swap3A_787] {strides = array<i32>} : memref<128xi32, #tpu.memory_space<vmem>>, vector<16xi32>,
        %swap3A_789 = vector.shape_cast %swap3A_788 : vector<16xi32> to vector<16xi32>
        %swap3A_790 = vector.shape_cast %get3A_786 : vector<16xi32> to vector<16xi32>
        tpu.vector_store %arg9[%swap3A_787], %swap3A_790 {strides = array<i32>} : memref<128xi32, #tpu.memory_space<vmem>>, vector<16xi32>,
        %mul3A_791 = arith.constant 128 : i32
        %mul3A_792 = arith.muli %add3A_713, %mul3A_791 : i32
        %add3A_793 = arith.constant 112 : i32
        %add3A_794 = arith.addi %mul3A_792, %add3A_793 : i32
        %get3A_795 = arith.index_cast %add3A_794 : i32 to index
        %get3A_796 = tpu.vector_load %arg7[%get3A_795] {strides = array<i32>} : memref<5120xi32, #tpu.memory_space<vmem>>, vector<16xi32>,
        %get3A_797 = vector.shape_cast %get3A_796 : vector<16xi32> to vector<16xi32>
        %swap3A_798 = arith.constant 112 : index
        %swap3A_799 = tpu.vector_load %arg9[%swap3A_798] {strides = array<i32>} : memref<128xi32, #tpu.memory_space<vmem>>, vector<16xi32>,
        %swap3A_800 = vector.shape_cast %swap3A_799 : vector<16xi32> to vector<16xi32>
        %swap3A_801 = vector.shape_cast %get3A_797 : vector<16xi32> to vector<16xi32>
        tpu.vector_store %arg9[%swap3A_798], %swap3A_801 {strides = array<i32>} : memref<128xi32, #tpu.memory_space<vmem>>, vector<16xi32>,
        %dma_start3A_802 = arith.constant 0 : i32
        %dma_start3A_803 = arith.constant 0 : i32
        %dma_start3A_804 = tpu.memref_slice %arg16[%dma_start3A_802, %dma_start3A_803] : memref<10000x64xf32, #tpu.memory_space<vmem_shared>> -> memref<10000x64xf32, #tpu.memory_space<vmem_shared>>
        tpu.enqueue_indirect_dma source(%dma_start3A_804 : memref<10000x64xf32, #tpu.memory_space<vmem_shared>>) target(%arg13 : memref<128x64xf32, #tpu.memory_space<vmem>>) offsets(%arg9 : memref<128xi32, #tpu.memory_space<vmem>>) semaphore(%arg17 : memref<!tpu.dma_semaphore, #tpu.memory_space<semaphore_mem>>)
      } else {
      }
      %dma_wait3A_612 = arith.constant 0 : i32
      %dma_wait3A_613 = arith.constant 0 : i32
      %dma_wait3A_614 = tpu.memref_slice %arg16[%dma_wait3A_612, %dma_wait3A_613] : memref<10000x64xf32, #tpu.memory_space<vmem_shared>> -> memref<10000x64xf32, #tpu.memory_space<vmem_shared>>
      tpu.wait_indirect_dma semaphore(%arg18 : memref<!tpu.dma_semaphore, #tpu.memory_space<semaphore_mem>>) src(%dma_wait3A_614 : memref<10000x64xf32, #tpu.memory_space<vmem_shared>>) dst(%arg14 : memref<128x64xf32, #tpu.memory_space<vmem>>)
      %add3A_615 = arith.constant 1 : i32
      %add3A_616 = arith.addi %add3A_517, %add3A_615 : i32
      %mul3A_617 = arith.constant 128 : i32
      %mul3A_618 = arith.muli %add3A_616, %mul3A_617 : i32
      %add3A_619 = arith.constant 0 : i32
      %add3A_620 = arith.addi %mul3A_618, %add3A_619 : i32
      %get3A_621 = arith.index_cast %add3A_620 : i32 to index
      %get3A_622 = tpu.vector_load %arg8[%get3A_621] {strides = array<i32>} : memref<5120xi32, #tpu.memory_space<vmem>>, vector<16xi32>,
      %get3A_623 = vector.shape_cast %get3A_622 : vector<16xi32> to vector<16xi32>
      %swap3A_624 = arith.constant 0 : index
      %swap3A_625 = tpu.vector_load %arg12[%swap3A_624] {strides = array<i32>} : memref<128xi32, #tpu.memory_space<vmem>>, vector<16xi32>,
      %swap3A_626 = vector.shape_cast %swap3A_625 : vector<16xi32> to vector<16xi32>
      %swap3A_627 = vector.shape_cast %get3A_623 : vector<16xi32> to vector<16xi32>
      tpu.vector_store %arg12[%swap3A_624], %swap3A_627 {strides = array<i32>} : memref<128xi32, #tpu.memory_space<vmem>>, vector<16xi32>,
      %mul3A_628 = arith.constant 128 : i32
      %mul3A_629 = arith.muli %add3A_616, %mul3A_628 : i32
      %add3A_630 = arith.constant 16 : i32
      %add3A_631 = arith.addi %mul3A_629, %add3A_630 : i32
      %get3A_632 = arith.index_cast %add3A_631 : i32 to index
      %get3A_633 = tpu.vector_load %arg8[%get3A_632] {strides = array<i32>} : memref<5120xi32, #tpu.memory_space<vmem>>, vector<16xi32>,
      %get3A_634 = vector.shape_cast %get3A_633 : vector<16xi32> to vector<16xi32>
      %swap3A_635 = arith.constant 16 : index
      %swap3A_636 = tpu.vector_load %arg12[%swap3A_635] {strides = array<i32>} : memref<128xi32, #tpu.memory_space<vmem>>, vector<16xi32>,
      %swap3A_637 = vector.shape_cast %swap3A_636 : vector<16xi32> to vector<16xi32>
      %swap3A_638 = vector.shape_cast %get3A_634 : vector<16xi32> to vector<16xi32>
      tpu.vector_store %arg12[%swap3A_635], %swap3A_638 {strides = array<i32>} : memref<128xi32, #tpu.memory_space<vmem>>, vector<16xi32>,
      %mul3A_639 = arith.constant 128 : i32
      %mul3A_640 = arith.muli %add3A_616, %mul3A_639 : i32
      %add3A_641 = arith.constant 32 : i32
      %add3A_642 = arith.addi %mul3A_640, %add3A_641 : i32
      %get3A_643 = arith.index_cast %add3A_642 : i32 to index
      %get3A_644 = tpu.vector_load %arg8[%get3A_643] {strides = array<i32>} : memref<5120xi32, #tpu.memory_space<vmem>>, vector<16xi32>,
      %get3A_645 = vector.shape_cast %get3A_644 : vector<16xi32> to vector<16xi32>
      %swap3A_646 = arith.constant 32 : index
      %swap3A_647 = tpu.vector_load %arg12[%swap3A_646] {strides = array<i32>} : memref<128xi32, #tpu.memory_space<vmem>>, vector<16xi32>,
      %swap3A_648 = vector.shape_cast %swap3A_647 : vector<16xi32> to vector<16xi32>
      %swap3A_649 = vector.shape_cast %get3A_645 : vector<16xi32> to vector<16xi32>
      tpu.vector_store %arg12[%swap3A_646], %swap3A_649 {strides = array<i32>} : memref<128xi32, #tpu.memory_space<vmem>>, vector<16xi32>,
      %mul3A_650 = arith.constant 128 : i32
      %mul3A_651 = arith.muli %add3A_616, %mul3A_650 : i32
      %add3A_652 = arith.constant 48 : i32
      %add3A_653 = arith.addi %mul3A_651, %add3A_652 : i32
      %get3A_654 = arith.index_cast %add3A_653 : i32 to index
      %get3A_655 = tpu.vector_load %arg8[%get3A_654] {strides = array<i32>} : memref<5120xi32, #tpu.memory_space<vmem>>, vector<16xi32>,
      %get3A_656 = vector.shape_cast %get3A_655 : vector<16xi32> to vector<16xi32>
      %swap3A_657 = arith.constant 48 : index
      %swap3A_658 = tpu.vector_load %arg12[%swap3A_657] {strides = array<i32>} : memref<128xi32, #tpu.memory_space<vmem>>, vector<16xi32>,
      %swap3A_659 = vector.shape_cast %swap3A_658 : vector<16xi32> to vector<16xi32>
      %swap3A_660 = vector.shape_cast %get3A_656 : vector<16xi32> to vector<16xi32>
      tpu.vector_store %arg12[%swap3A_657], %swap3A_660 {strides = array<i32>} : memref<128xi32, #tpu.memory_space<vmem>>, vector<16xi32>,
      %mul3A_661 = arith.constant 128 : i32
      %mul3A_662 = arith.muli %add3A_616, %mul3A_661 : i32
      %add3A_663 = arith.constant 64 : i32
      %add3A_664 = arith.addi %mul3A_662, %add3A_663 : i32
      %get3A_665 = arith.index_cast %add3A_664 : i32 to index
      %get3A_666 = tpu.vector_load %arg8[%get3A_665] {strides = array<i32>} : memref<5120xi32, #tpu.memory_space<vmem>>, vector<16xi32>,
      %get3A_667 = vector.shape_cast %get3A_666 : vector<16xi32> to vector<16xi32>
      %swap3A_668 = arith.constant 64 : index
      %swap3A_669 = tpu.vector_load %arg12[%swap3A_668] {strides = array<i32>} : memref<128xi32, #tpu.memory_space<vmem>>, vector<16xi32>,
      %swap3A_670 = vector.shape_cast %swap3A_669 : vector<16xi32> to vector<16xi32>
      %swap3A_671 = vector.shape_cast %get3A_667 : vector<16xi32> to vector<16xi32>
      tpu.vector_store %arg12[%swap3A_668], %swap3A_671 {strides = array<i32>} : memref<128xi32, #tpu.memory_space<vmem>>, vector<16xi32>,
      %mul3A_672 = arith.constant 128 : i32
      %mul3A_673 = arith.muli %add3A_616, %mul3A_672 : i32
      %add3A_674 = arith.constant 80 : i32
      %add3A_675 = arith.addi %mul3A_673, %add3A_674 : i32
      %get3A_676 = arith.index_cast %add3A_675 : i32 to index
      %get3A_677 = tpu.vector_load %arg8[%get3A_676] {strides = array<i32>} : memref<5120xi32, #tpu.memory_space<vmem>>, vector<16xi32>,
      %get3A_678 = vector.shape_cast %get3A_677 : vector<16xi32> to vector<16xi32>
      %swap3A_679 = arith.constant 80 : index
      %swap3A_680 = tpu.vector_load %arg12[%swap3A_679] {strides = array<i32>} : memref<128xi32, #tpu.memory_space<vmem>>, vector<16xi32>,
      %swap3A_681 = vector.shape_cast %swap3A_680 : vector<16xi32> to vector<16xi32>
      %swap3A_682 = vector.shape_cast %get3A_678 : vector<16xi32> to vector<16xi32>
      tpu.vector_store %arg12[%swap3A_679], %swap3A_682 {strides = array<i32>} : memref<128xi32, #tpu.memory_space<vmem>>, vector<16xi32>,
      %mul3A_683 = arith.constant 128 : i32
      %mul3A_684 = arith.muli %add3A_616, %mul3A_683 : i32
      %add3A_685 = arith.constant 96 : i32
      %add3A_686 = arith.addi %mul3A_684, %add3A_685 : i32
      %get3A_687 = arith.index_cast %add3A_686 : i32 to index
      %get3A_688 = tpu.vector_load %arg8[%get3A_687] {strides = array<i32>} : memref<5120xi32, #tpu.memory_space<vmem>>, vector<16xi32>,
      %get3A_689 = vector.shape_cast %get3A_688 : vector<16xi32> to vector<16xi32>
      %swap3A_690 = arith.constant 96 : index
      %swap3A_691 = tpu.vector_load %arg12[%swap3A_690] {strides = array<i32>} : memref<128xi32, #tpu.memory_space<vmem>>, vector<16xi32>,
      %swap3A_692 = vector.shape_cast %swap3A_691 : vector<16xi32> to vector<16xi32>
      %swap3A_693 = vector.shape_cast %get3A_689 : vector<16xi32> to vector<16xi32>
      tpu.vector_store %arg12[%swap3A_690], %swap3A_693 {strides = array<i32>} : memref<128xi32, #tpu.memory_space<vmem>>, vector<16xi32>,
      %mul3A_694 = arith.constant 128 : i32
      %mul3A_695 = arith.muli %add3A_616, %mul3A_694 : i32
      %add3A_696 = arith.constant 112 : i32
      %add3A_697 = arith.addi %mul3A_695, %add3A_696 : i32
      %get3A_698 = arith.index_cast %add3A_697 : i32 to index
      %get3A_699 = tpu.vector_load %arg8[%get3A_698] {strides = array<i32>} : memref<5120xi32, #tpu.memory_space<vmem>>, vector<16xi32>,
      %get3A_700 = vector.shape_cast %get3A_699 : vector<16xi32> to vector<16xi32>
      %swap3A_701 = arith.constant 112 : index
      %swap3A_702 = tpu.vector_load %arg12[%swap3A_701] {strides = array<i32>} : memref<128xi32, #tpu.memory_space<vmem>>, vector<16xi32>,
      %swap3A_703 = vector.shape_cast %swap3A_702 : vector<16xi32> to vector<16xi32>
      %swap3A_704 = vector.shape_cast %get3A_700 : vector<16xi32> to vector<16xi32>
      tpu.vector_store %arg12[%swap3A_701], %swap3A_704 {strides = array<i32>} : memref<128xi32, #tpu.memory_space<vmem>>, vector<16xi32>,
      "tpu.region"() ({
        %run_scoped3A = tpu.sem_alloc : memref<!tpu.dma_semaphore, #tpu.memory_space<semaphore_mem>>
        %dma_start3A_712 = arith.constant 0 : i32
        %dma_start3A_713 = arith.constant 0 : i32
        %dma_start3A_714 = tpu.memref_slice %arg15[%dma_start3A_712, %dma_start3A_713] : memref<10240x64xf32, #tpu.memory_space<vmem_shared>> -> memref<10240x64xf32, #tpu.memory_space<vmem_shared>>
        tpu.enqueue_indirect_dma source(%arg14 : memref<128x64xf32, #tpu.memory_space<vmem>>) target(%dma_start3A_714 : memref<10240x64xf32, #tpu.memory_space<vmem_shared>>) offsets(%arg12 : memref<128xi32, #tpu.memory_space<vmem>>) semaphore(%run_scoped3A : memref<!tpu.dma_semaphore, #tpu.memory_space<semaphore_mem>>) {add = true}
        %dma_wait3A_715 = arith.constant 0 : i32
        %dma_wait3A_716 = arith.constant 0 : i32
        %dma_wait3A_717 = tpu.memref_slice %arg15[%dma_wait3A_715, %dma_wait3A_716] : memref<10240x64xf32, #tpu.memory_space<vmem_shared>> -> memref<10240x64xf32, #tpu.memory_space<vmem_shared>>
        tpu.wait_indirect_dma semaphore(%run_scoped3A : memref<!tpu.dma_semaphore, #tpu.memory_space<semaphore_mem>>) src(%arg14 : memref<128x64xf32, #tpu.memory_space<vmem>>) dst(%dma_wait3A_717 : memref<10240x64xf32, #tpu.memory_space<vmem_shared>>)
        tpu.yield
      }) : () -> ()
      %add3A_705 = arith.constant 3 : i32
      %add3A_706 = arith.addi %add3A_517, %add3A_705 : i32
      %lt3A_707 = arith.constant 40 : i32
      %lt3A_708 = arith.cmpi slt, %add3A_706, %lt3A_707 : i32
      %convert_element_type3A_709 = arith.extui %lt3A_708 : i1 to i32
      %cond3A_710 = arith.constant 0 : i32
      %cond3A_711 = arith.cmpi ne, %convert_element_type3A_709, %cond3A_710 : i32
      scf.if %cond3A_711 {
        %add3A_712 = arith.constant 3 : i32
        %add3A_713 = arith.addi %add3A_517, %add3A_712 : i32
        %mul3A_714 = arith.constant 128 : i32
        %mul3A_715 = arith.muli %add3A_713, %mul3A_714 : i32
        %add3A_716 = arith.constant 0 : i32
        %add3A_717 = arith.addi %mul3A_715, %add3A_716 : i32
        %get3A_718 = arith.index_cast %add3A_717 : i32 to index
        %get3A_719 = tpu.vector_load %arg7[%get3A_718] {strides = array<i32>} : memref<5120xi32, #tpu.memory_space<vmem>>, vector<16xi32>,
        %get3A_720 = vector.shape_cast %get3A_719 : vector<16xi32> to vector<16xi32>
        %swap3A_721 = arith.constant 0 : index
        %swap3A_722 = tpu.vector_load %arg10[%swap3A_721] {strides = array<i32>} : memref<128xi32, #tpu.memory_space<vmem>>, vector<16xi32>,
        %swap3A_723 = vector.shape_cast %swap3A_722 : vector<16xi32> to vector<16xi32>
        %swap3A_724 = vector.shape_cast %get3A_720 : vector<16xi32> to vector<16xi32>
        tpu.vector_store %arg10[%swap3A_721], %swap3A_724 {strides = array<i32>} : memref<128xi32, #tpu.memory_space<vmem>>, vector<16xi32>,
        %mul3A_725 = arith.constant 128 : i32
        %mul3A_726 = arith.muli %add3A_713, %mul3A_725 : i32
        %add3A_727 = arith.constant 16 : i32
        %add3A_728 = arith.addi %mul3A_726, %add3A_727 : i32
        %get3A_729 = arith.index_cast %add3A_728 : i32 to index
        %get3A_730 = tpu.vector_load %arg7[%get3A_729] {strides = array<i32>} : memref<5120xi32, #tpu.memory_space<vmem>>, vector<16xi32>,
        %get3A_731 = vector.shape_cast %get3A_730 : vector<16xi32> to vector<16xi32>
        %swap3A_732 = arith.constant 16 : index
        %swap3A_733 = tpu.vector_load %arg10[%swap3A_732] {strides = array<i32>} : memref<128xi32, #tpu.memory_space<vmem>>, vector<16xi32>,
        %swap3A_734 = vector.shape_cast %swap3A_733 : vector<16xi32> to vector<16xi32>
        %swap3A_735 = vector.shape_cast %get3A_731 : vector<16xi32> to vector<16xi32>
        tpu.vector_store %arg10[%swap3A_732], %swap3A_735 {strides = array<i32>} : memref<128xi32, #tpu.memory_space<vmem>>, vector<16xi32>,
        %mul3A_736 = arith.constant 128 : i32
        %mul3A_737 = arith.muli %add3A_713, %mul3A_736 : i32
        %add3A_738 = arith.constant 32 : i32
        %add3A_739 = arith.addi %mul3A_737, %add3A_738 : i32
        %get3A_740 = arith.index_cast %add3A_739 : i32 to index
        %get3A_741 = tpu.vector_load %arg7[%get3A_740] {strides = array<i32>} : memref<5120xi32, #tpu.memory_space<vmem>>, vector<16xi32>,
        %get3A_742 = vector.shape_cast %get3A_741 : vector<16xi32> to vector<16xi32>
        %swap3A_743 = arith.constant 32 : index
        %swap3A_744 = tpu.vector_load %arg10[%swap3A_743] {strides = array<i32>} : memref<128xi32, #tpu.memory_space<vmem>>, vector<16xi32>,
        %swap3A_745 = vector.shape_cast %swap3A_744 : vector<16xi32> to vector<16xi32>
        %swap3A_746 = vector.shape_cast %get3A_742 : vector<16xi32> to vector<16xi32>
        tpu.vector_store %arg10[%swap3A_743], %swap3A_746 {strides = array<i32>} : memref<128xi32, #tpu.memory_space<vmem>>, vector<16xi32>,
        %mul3A_747 = arith.constant 128 : i32
        %mul3A_748 = arith.muli %add3A_713, %mul3A_747 : i32
        %add3A_749 = arith.constant 48 : i32
        %add3A_750 = arith.addi %mul3A_748, %add3A_749 : i32
        %get3A_751 = arith.index_cast %add3A_750 : i32 to index
        %get3A_752 = tpu.vector_load %arg7[%get3A_751] {strides = array<i32>} : memref<5120xi32, #tpu.memory_space<vmem>>, vector<16xi32>,
        %get3A_753 = vector.shape_cast %get3A_752 : vector<16xi32> to vector<16xi32>
        %swap3A_754 = arith.constant 48 : index
        %swap3A_755 = tpu.vector_load %arg10[%swap3A_754] {strides = array<i32>} : memref<128xi32, #tpu.memory_space<vmem>>, vector<16xi32>,
        %swap3A_756 = vector.shape_cast %swap3A_755 : vector<16xi32> to vector<16xi32>
        %swap3A_757 = vector.shape_cast %get3A_753 : vector<16xi32> to vector<16xi32>
        tpu.vector_store %arg10[%swap3A_754], %swap3A_757 {strides = array<i32>} : memref<128xi32, #tpu.memory_space<vmem>>, vector<16xi32>,
        %mul3A_758 = arith.constant 128 : i32
        %mul3A_759 = arith.muli %add3A_713, %mul3A_758 : i32
        %add3A_760 = arith.constant 64 : i32
        %add3A_761 = arith.addi %mul3A_759, %add3A_760 : i32
        %get3A_762 = arith.index_cast %add3A_761 : i32 to index
        %get3A_763 = tpu.vector_load %arg7[%get3A_762] {strides = array<i32>} : memref<5120xi32, #tpu.memory_space<vmem>>, vector<16xi32>,
        %get3A_764 = vector.shape_cast %get3A_763 : vector<16xi32> to vector<16xi32>
        %swap3A_765 = arith.constant 64 : index
        %swap3A_766 = tpu.vector_load %arg10[%swap3A_765] {strides = array<i32>} : memref<128xi32, #tpu.memory_space<vmem>>, vector<16xi32>,
        %swap3A_767 = vector.shape_cast %swap3A_766 : vector<16xi32> to vector<16xi32>
        %swap3A_768 = vector.shape_cast %get3A_764 : vector<16xi32> to vector<16xi32>
        tpu.vector_store %arg10[%swap3A_765], %swap3A_768 {strides = array<i32>} : memref<128xi32, #tpu.memory_space<vmem>>, vector<16xi32>,
        %mul3A_769 = arith.constant 128 : i32
        %mul3A_770 = arith.muli %add3A_713, %mul3A_769 : i32
        %add3A_771 = arith.constant 80 : i32
        %add3A_772 = arith.addi %mul3A_770, %add3A_771 : i32
        %get3A_773 = arith.index_cast %add3A_772 : i32 to index
        %get3A_774 = tpu.vector_load %arg7[%get3A_773] {strides = array<i32>} : memref<5120xi32, #tpu.memory_space<vmem>>, vector<16xi32>,
        %get3A_775 = vector.shape_cast %get3A_774 : vector<16xi32> to vector<16xi32>
        %swap3A_776 = arith.constant 80 : index
        %swap3A_777 = tpu.vector_load %arg10[%swap3A_776] {strides = array<i32>} : memref<128xi32, #tpu.memory_space<vmem>>, vector<16xi32>,
        %swap3A_778 = vector.shape_cast %swap3A_777 : vector<16xi32> to vector<16xi32>
        %swap3A_779 = vector.shape_cast %get3A_775 : vector<16xi32> to vector<16xi32>
        tpu.vector_store %arg10[%swap3A_776], %swap3A_779 {strides = array<i32>} : memref<128xi32, #tpu.memory_space<vmem>>, vector<16xi32>,
        %mul3A_780 = arith.constant 128 : i32
        %mul3A_781 = arith.muli %add3A_713, %mul3A_780 : i32
        %add3A_782 = arith.constant 96 : i32
        %add3A_783 = arith.addi %mul3A_781, %add3A_782 : i32
        %get3A_784 = arith.index_cast %add3A_783 : i32 to index
        %get3A_785 = tpu.vector_load %arg7[%get3A_784] {strides = array<i32>} : memref<5120xi32, #tpu.memory_space<vmem>>, vector<16xi32>,
        %get3A_786 = vector.shape_cast %get3A_785 : vector<16xi32> to vector<16xi32>
        %swap3A_787 = arith.constant 96 : index
        %swap3A_788 = tpu.vector_load %arg10[%swap3A_787] {strides = array<i32>} : memref<128xi32, #tpu.memory_space<vmem>>, vector<16xi32>,
        %swap3A_789 = vector.shape_cast %swap3A_788 : vector<16xi32> to vector<16xi32>
        %swap3A_790 = vector.shape_cast %get3A_786 : vector<16xi32> to vector<16xi32>
        tpu.vector_store %arg10[%swap3A_787], %swap3A_790 {strides = array<i32>} : memref<128xi32, #tpu.memory_space<vmem>>, vector<16xi32>,
        %mul3A_791 = arith.constant 128 : i32
        %mul3A_792 = arith.muli %add3A_713, %mul3A_791 : i32
        %add3A_793 = arith.constant 112 : i32
        %add3A_794 = arith.addi %mul3A_792, %add3A_793 : i32
        %get3A_795 = arith.index_cast %add3A_794 : i32 to index
        %get3A_796 = tpu.vector_load %arg7[%get3A_795] {strides = array<i32>} : memref<5120xi32, #tpu.memory_space<vmem>>, vector<16xi32>,
        %get3A_797 = vector.shape_cast %get3A_796 : vector<16xi32> to vector<16xi32>
        %swap3A_798 = arith.constant 112 : index
        %swap3A_799 = tpu.vector_load %arg10[%swap3A_798] {strides = array<i32>} : memref<128xi32, #tpu.memory_space<vmem>>, vector<16xi32>,
        %swap3A_800 = vector.shape_cast %swap3A_799 : vector<16xi32> to vector<16xi32>
        %swap3A_801 = vector.shape_cast %get3A_797 : vector<16xi32> to vector<16xi32>
        tpu.vector_store %arg10[%swap3A_798], %swap3A_801 {strides = array<i32>} : memref<128xi32, #tpu.memory_space<vmem>>, vector<16xi32>,
        %dma_start3A_802 = arith.constant 0 : i32
        %dma_start3A_803 = arith.constant 0 : i32
        %dma_start3A_804 = tpu.memref_slice %arg16[%dma_start3A_802, %dma_start3A_803] : memref<10000x64xf32, #tpu.memory_space<vmem_shared>> -> memref<10000x64xf32, #tpu.memory_space<vmem_shared>>
        tpu.enqueue_indirect_dma source(%dma_start3A_804 : memref<10000x64xf32, #tpu.memory_space<vmem_shared>>) target(%arg14 : memref<128x64xf32, #tpu.memory_space<vmem>>) offsets(%arg10 : memref<128xi32, #tpu.memory_space<vmem>>) semaphore(%arg18 : memref<!tpu.dma_semaphore, #tpu.memory_space<semaphore_mem>>)
      } else {
      }
    }
    %scan3A_253 = arith.constant 20 : i32
    %mul3A_254 = arith.constant 20480 : i32
    %mul3A_255 = arith.muli %arg1, %mul3A_254 : i32
    %add3A_256 = arith.constant 10240 : i32
    %add3A_257 = arith.addi %mul3A_255, %add3A_256 : i32
    "tpu.region"() ({
      %run_scoped3A = tpu.sem_alloc : memref<!tpu.dma_semaphore, #tpu.memory_space<semaphore_mem>>
      %dma_start3A_513 = tpu.memref_slice %arg3[%add3A_257] : memref<327680xi32, #tpu.memory_space<hbm>> -> memref<5120xi32, #tpu.memory_space<hbm>>
      %dma_start3A_514 = tpu.memref_slice %arg3[%add3A_257] : memref<327680xi32, #tpu.memory_space<hbm>> -> memref<5120xi32, #tpu.memory_space<hbm>>
      tpu.enqueue_dma source(%dma_start3A_514 : memref<5120xi32, #tpu.memory_space<hbm>>) target(%arg7 : memref<5120xi32, #tpu.memory_space<vmem>>) target_semaphore(%run_scoped3A : memref<!tpu.dma_semaphore, #tpu.memory_space<semaphore_mem>>)
      %dma_wait3A = tpu.memref_slice %arg3[%add3A_257] : memref<327680xi32, #tpu.memory_space<hbm>> -> memref<5120xi32, #tpu.memory_space<hbm>>
      %dma_wait3A_515 = tpu.memref_slice %arg3[%add3A_257] : memref<327680xi32, #tpu.memory_space<hbm>> -> memref<5120xi32, #tpu.memory_space<hbm>>
      tpu.wait_dma2 semaphore(%run_scoped3A : memref<!tpu.dma_semaphore, #tpu.memory_space<semaphore_mem>>) src(%dma_wait3A_515 : memref<5120xi32, #tpu.memory_space<hbm>>) dst(%arg7 : memref<5120xi32, #tpu.memory_space<vmem>>)
      tpu.yield
    }) : () -> ()
    "tpu.region"() ({
      %run_scoped3A = tpu.sem_alloc : memref<!tpu.dma_semaphore, #tpu.memory_space<semaphore_mem>>
      %dma_start3A_513 = tpu.memref_slice %arg4[%add3A_257] : memref<327680xi32, #tpu.memory_space<hbm>> -> memref<5120xi32, #tpu.memory_space<hbm>>
      %dma_start3A_514 = tpu.memref_slice %arg4[%add3A_257] : memref<327680xi32, #tpu.memory_space<hbm>> -> memref<5120xi32, #tpu.memory_space<hbm>>
      tpu.enqueue_dma source(%dma_start3A_514 : memref<5120xi32, #tpu.memory_space<hbm>>) target(%arg8 : memref<5120xi32, #tpu.memory_space<vmem>>) target_semaphore(%run_scoped3A : memref<!tpu.dma_semaphore, #tpu.memory_space<semaphore_mem>>)
      %dma_wait3A = tpu.memref_slice %arg4[%add3A_257] : memref<327680xi32, #tpu.memory_space<hbm>> -> memref<5120xi32, #tpu.memory_space<hbm>>
      %dma_wait3A_515 = tpu.memref_slice %arg4[%add3A_257] : memref<327680xi32, #tpu.memory_space<hbm>> -> memref<5120xi32, #tpu.memory_space<hbm>>
      tpu.wait_dma2 semaphore(%run_scoped3A : memref<!tpu.dma_semaphore, #tpu.memory_space<semaphore_mem>>) src(%dma_wait3A_515 : memref<5120xi32, #tpu.memory_space<hbm>>) dst(%arg8 : memref<5120xi32, #tpu.memory_space<vmem>>)
      tpu.yield
    }) : () -> ()
    %get3A_258 = arith.constant 0 : index
    %get3A_259 = tpu.vector_load %arg7[%get3A_258] {strides = array<i32>} : memref<5120xi32, #tpu.memory_space<vmem>>, vector<16xi32>,
    %get3A_260 = vector.shape_cast %get3A_259 : vector<16xi32> to vector<16xi32>
    %swap3A_261 = arith.constant 0 : index
    %swap3A_262 = tpu.vector_load %arg9[%swap3A_261] {strides = array<i32>} : memref<128xi32, #tpu.memory_space<vmem>>, vector<16xi32>,
    %swap3A_263 = vector.shape_cast %swap3A_262 : vector<16xi32> to vector<16xi32>
    %swap3A_264 = vector.shape_cast %get3A_260 : vector<16xi32> to vector<16xi32>
    tpu.vector_store %arg9[%swap3A_261], %swap3A_264 {strides = array<i32>} : memref<128xi32, #tpu.memory_space<vmem>>, vector<16xi32>,
    %get3A_265 = arith.constant 16 : index
    %get3A_266 = tpu.vector_load %arg7[%get3A_265] {strides = array<i32>} : memref<5120xi32, #tpu.memory_space<vmem>>, vector<16xi32>,
    %get3A_267 = vector.shape_cast %get3A_266 : vector<16xi32> to vector<16xi32>
    %swap3A_268 = arith.constant 16 : index
    %swap3A_269 = tpu.vector_load %arg9[%swap3A_268] {strides = array<i32>} : memref<128xi32, #tpu.memory_space<vmem>>, vector<16xi32>,
    %swap3A_270 = vector.shape_cast %swap3A_269 : vector<16xi32> to vector<16xi32>
    %swap3A_271 = vector.shape_cast %get3A_267 : vector<16xi32> to vector<16xi32>
    tpu.vector_store %arg9[%swap3A_268], %swap3A_271 {strides = array<i32>} : memref<128xi32, #tpu.memory_space<vmem>>, vector<16xi32>,
    %get3A_272 = arith.constant 32 : index
    %get3A_273 = tpu.vector_load %arg7[%get3A_272] {strides = array<i32>} : memref<5120xi32, #tpu.memory_space<vmem>>, vector<16xi32>,
    %get3A_274 = vector.shape_cast %get3A_273 : vector<16xi32> to vector<16xi32>
    %swap3A_275 = arith.constant 32 : index
    %swap3A_276 = tpu.vector_load %arg9[%swap3A_275] {strides = array<i32>} : memref<128xi32, #tpu.memory_space<vmem>>, vector<16xi32>,
    %swap3A_277 = vector.shape_cast %swap3A_276 : vector<16xi32> to vector<16xi32>
    %swap3A_278 = vector.shape_cast %get3A_274 : vector<16xi32> to vector<16xi32>
    tpu.vector_store %arg9[%swap3A_275], %swap3A_278 {strides = array<i32>} : memref<128xi32, #tpu.memory_space<vmem>>, vector<16xi32>,
    %get3A_279 = arith.constant 48 : index
    %get3A_280 = tpu.vector_load %arg7[%get3A_279] {strides = array<i32>} : memref<5120xi32, #tpu.memory_space<vmem>>, vector<16xi32>,
    %get3A_281 = vector.shape_cast %get3A_280 : vector<16xi32> to vector<16xi32>
    %swap3A_282 = arith.constant 48 : index
    %swap3A_283 = tpu.vector_load %arg9[%swap3A_282] {strides = array<i32>} : memref<128xi32, #tpu.memory_space<vmem>>, vector<16xi32>,
    %swap3A_284 = vector.shape_cast %swap3A_283 : vector<16xi32> to vector<16xi32>
    %swap3A_285 = vector.shape_cast %get3A_281 : vector<16xi32> to vector<16xi32>
    tpu.vector_store %arg9[%swap3A_282], %swap3A_285 {strides = array<i32>} : memref<128xi32, #tpu.memory_space<vmem>>, vector<16xi32>,
    %get3A_286 = arith.constant 64 : index
    %get3A_287 = tpu.vector_load %arg7[%get3A_286] {strides = array<i32>} : memref<5120xi32, #tpu.memory_space<vmem>>, vector<16xi32>,
    %get3A_288 = vector.shape_cast %get3A_287 : vector<16xi32> to vector<16xi32>
    %swap3A_289 = arith.constant 64 : index
    %swap3A_290 = tpu.vector_load %arg9[%swap3A_289] {strides = array<i32>} : memref<128xi32, #tpu.memory_space<vmem>>, vector<16xi32>,
    %swap3A_291 = vector.shape_cast %swap3A_290 : vector<16xi32> to vector<16xi32>
    %swap3A_292 = vector.shape_cast %get3A_288 : vector<16xi32> to vector<16xi32>
    tpu.vector_store %arg9[%swap3A_289], %swap3A_292 {strides = array<i32>} : memref<128xi32, #tpu.memory_space<vmem>>, vector<16xi32>,
    %get3A_293 = arith.constant 80 : index
    %get3A_294 = tpu.vector_load %arg7[%get3A_293] {strides = array<i32>} : memref<5120xi32, #tpu.memory_space<vmem>>, vector<16xi32>,
    %get3A_295 = vector.shape_cast %get3A_294 : vector<16xi32> to vector<16xi32>
    %swap3A_296 = arith.constant 80 : index
    %swap3A_297 = tpu.vector_load %arg9[%swap3A_296] {strides = array<i32>} : memref<128xi32, #tpu.memory_space<vmem>>, vector<16xi32>,
    %swap3A_298 = vector.shape_cast %swap3A_297 : vector<16xi32> to vector<16xi32>
    %swap3A_299 = vector.shape_cast %get3A_295 : vector<16xi32> to vector<16xi32>
    tpu.vector_store %arg9[%swap3A_296], %swap3A_299 {strides = array<i32>} : memref<128xi32, #tpu.memory_space<vmem>>, vector<16xi32>,
    %get3A_300 = arith.constant 96 : index
    %get3A_301 = tpu.vector_load %arg7[%get3A_300] {strides = array<i32>} : memref<5120xi32, #tpu.memory_space<vmem>>, vector<16xi32>,
    %get3A_302 = vector.shape_cast %get3A_301 : vector<16xi32> to vector<16xi32>
    %swap3A_303 = arith.constant 96 : index
    %swap3A_304 = tpu.vector_load %arg9[%swap3A_303] {strides = array<i32>} : memref<128xi32, #tpu.memory_space<vmem>>, vector<16xi32>,
    %swap3A_305 = vector.shape_cast %swap3A_304 : vector<16xi32> to vector<16xi32>
    %swap3A_306 = vector.shape_cast %get3A_302 : vector<16xi32> to vector<16xi32>
    tpu.vector_store %arg9[%swap3A_303], %swap3A_306 {strides = array<i32>} : memref<128xi32, #tpu.memory_space<vmem>>, vector<16xi32>,
    %get3A_307 = arith.constant 112 : index
    %get3A_308 = tpu.vector_load %arg7[%get3A_307] {strides = array<i32>} : memref<5120xi32, #tpu.memory_space<vmem>>, vector<16xi32>,
    %get3A_309 = vector.shape_cast %get3A_308 : vector<16xi32> to vector<16xi32>
    %swap3A_310 = arith.constant 112 : index
    %swap3A_311 = tpu.vector_load %arg9[%swap3A_310] {strides = array<i32>} : memref<128xi32, #tpu.memory_space<vmem>>, vector<16xi32>,
    %swap3A_312 = vector.shape_cast %swap3A_311 : vector<16xi32> to vector<16xi32>
    %swap3A_313 = vector.shape_cast %get3A_309 : vector<16xi32> to vector<16xi32>
    tpu.vector_store %arg9[%swap3A_310], %swap3A_313 {strides = array<i32>} : memref<128xi32, #tpu.memory_space<vmem>>, vector<16xi32>,
    %dma_start3A_314 = arith.constant 0 : i32
    %dma_start3A_315 = arith.constant 0 : i32
    %dma_start3A_316 = tpu.memref_slice %arg16[%dma_start3A_314, %dma_start3A_315] : memref<10000x64xf32, #tpu.memory_space<vmem_shared>> -> memref<10000x64xf32, #tpu.memory_space<vmem_shared>>
    tpu.enqueue_indirect_dma source(%dma_start3A_316 : memref<10000x64xf32, #tpu.memory_space<vmem_shared>>) target(%arg13 : memref<128x64xf32, #tpu.memory_space<vmem>>) offsets(%arg9 : memref<128xi32, #tpu.memory_space<vmem>>) semaphore(%arg17 : memref<!tpu.dma_semaphore, #tpu.memory_space<semaphore_mem>>)
    %get3A_317 = arith.constant 128 : index
    %get3A_318 = tpu.vector_load %arg7[%get3A_317] {strides = array<i32>} : memref<5120xi32, #tpu.memory_space<vmem>>, vector<16xi32>,
    %get3A_319 = vector.shape_cast %get3A_318 : vector<16xi32> to vector<16xi32>
    %swap3A_320 = arith.constant 0 : index
    %swap3A_321 = tpu.vector_load %arg10[%swap3A_320] {strides = array<i32>} : memref<128xi32, #tpu.memory_space<vmem>>, vector<16xi32>,
    %swap3A_322 = vector.shape_cast %swap3A_321 : vector<16xi32> to vector<16xi32>
    %swap3A_323 = vector.shape_cast %get3A_319 : vector<16xi32> to vector<16xi32>
    tpu.vector_store %arg10[%swap3A_320], %swap3A_323 {strides = array<i32>} : memref<128xi32, #tpu.memory_space<vmem>>, vector<16xi32>,
    %get3A_324 = arith.constant 144 : index
    %get3A_325 = tpu.vector_load %arg7[%get3A_324] {strides = array<i32>} : memref<5120xi32, #tpu.memory_space<vmem>>, vector<16xi32>,
    %get3A_326 = vector.shape_cast %get3A_325 : vector<16xi32> to vector<16xi32>
    %swap3A_327 = arith.constant 16 : index
    %swap3A_328 = tpu.vector_load %arg10[%swap3A_327] {strides = array<i32>} : memref<128xi32, #tpu.memory_space<vmem>>, vector<16xi32>,
    %swap3A_329 = vector.shape_cast %swap3A_328 : vector<16xi32> to vector<16xi32>
    %swap3A_330 = vector.shape_cast %get3A_326 : vector<16xi32> to vector<16xi32>
    tpu.vector_store %arg10[%swap3A_327], %swap3A_330 {strides = array<i32>} : memref<128xi32, #tpu.memory_space<vmem>>, vector<16xi32>,
    %get3A_331 = arith.constant 160 : index
    %get3A_332 = tpu.vector_load %arg7[%get3A_331] {strides = array<i32>} : memref<5120xi32, #tpu.memory_space<vmem>>, vector<16xi32>,
    %get3A_333 = vector.shape_cast %get3A_332 : vector<16xi32> to vector<16xi32>
    %swap3A_334 = arith.constant 32 : index
    %swap3A_335 = tpu.vector_load %arg10[%swap3A_334] {strides = array<i32>} : memref<128xi32, #tpu.memory_space<vmem>>, vector<16xi32>,
    %swap3A_336 = vector.shape_cast %swap3A_335 : vector<16xi32> to vector<16xi32>
    %swap3A_337 = vector.shape_cast %get3A_333 : vector<16xi32> to vector<16xi32>
    tpu.vector_store %arg10[%swap3A_334], %swap3A_337 {strides = array<i32>} : memref<128xi32, #tpu.memory_space<vmem>>, vector<16xi32>,
    %get3A_338 = arith.constant 176 : index
    %get3A_339 = tpu.vector_load %arg7[%get3A_338] {strides = array<i32>} : memref<5120xi32, #tpu.memory_space<vmem>>, vector<16xi32>,
    %get3A_340 = vector.shape_cast %get3A_339 : vector<16xi32> to vector<16xi32>
    %swap3A_341 = arith.constant 48 : index
    %swap3A_342 = tpu.vector_load %arg10[%swap3A_341] {strides = array<i32>} : memref<128xi32, #tpu.memory_space<vmem>>, vector<16xi32>,
    %swap3A_343 = vector.shape_cast %swap3A_342 : vector<16xi32> to vector<16xi32>
    %swap3A_344 = vector.shape_cast %get3A_340 : vector<16xi32> to vector<16xi32>
    tpu.vector_store %arg10[%swap3A_341], %swap3A_344 {strides = array<i32>} : memref<128xi32, #tpu.memory_space<vmem>>, vector<16xi32>,
    %get3A_345 = arith.constant 192 : index
    %get3A_346 = tpu.vector_load %arg7[%get3A_345] {strides = array<i32>} : memref<5120xi32, #tpu.memory_space<vmem>>, vector<16xi32>,
    %get3A_347 = vector.shape_cast %get3A_346 : vector<16xi32> to vector<16xi32>
    %swap3A_348 = arith.constant 64 : index
    %swap3A_349 = tpu.vector_load %arg10[%swap3A_348] {strides = array<i32>} : memref<128xi32, #tpu.memory_space<vmem>>, vector<16xi32>,
    %swap3A_350 = vector.shape_cast %swap3A_349 : vector<16xi32> to vector<16xi32>
    %swap3A_351 = vector.shape_cast %get3A_347 : vector<16xi32> to vector<16xi32>
    tpu.vector_store %arg10[%swap3A_348], %swap3A_351 {strides = array<i32>} : memref<128xi32, #tpu.memory_space<vmem>>, vector<16xi32>,
    %get3A_352 = arith.constant 208 : index
    %get3A_353 = tpu.vector_load %arg7[%get3A_352] {strides = array<i32>} : memref<5120xi32, #tpu.memory_space<vmem>>, vector<16xi32>,
    %get3A_354 = vector.shape_cast %get3A_353 : vector<16xi32> to vector<16xi32>
    %swap3A_355 = arith.constant 80 : index
    %swap3A_356 = tpu.vector_load %arg10[%swap3A_355] {strides = array<i32>} : memref<128xi32, #tpu.memory_space<vmem>>, vector<16xi32>,
    %swap3A_357 = vector.shape_cast %swap3A_356 : vector<16xi32> to vector<16xi32>
    %swap3A_358 = vector.shape_cast %get3A_354 : vector<16xi32> to vector<16xi32>
    tpu.vector_store %arg10[%swap3A_355], %swap3A_358 {strides = array<i32>} : memref<128xi32, #tpu.memory_space<vmem>>, vector<16xi32>,
    %get3A_359 = arith.constant 224 : index
    %get3A_360 = tpu.vector_load %arg7[%get3A_359] {strides = array<i32>} : memref<5120xi32, #tpu.memory_space<vmem>>, vector<16xi32>,
    %get3A_361 = vector.shape_cast %get3A_360 : vector<16xi32> to vector<16xi32>
    %swap3A_362 = arith.constant 96 : index
    %swap3A_363 = tpu.vector_load %arg10[%swap3A_362] {strides = array<i32>} : memref<128xi32, #tpu.memory_space<vmem>>, vector<16xi32>,
    %swap3A_364 = vector.shape_cast %swap3A_363 : vector<16xi32> to vector<16xi32>
    %swap3A_365 = vector.shape_cast %get3A_361 : vector<16xi32> to vector<16xi32>
    tpu.vector_store %arg10[%swap3A_362], %swap3A_365 {strides = array<i32>} : memref<128xi32, #tpu.memory_space<vmem>>, vector<16xi32>,
    %get3A_366 = arith.constant 240 : index
    %get3A_367 = tpu.vector_load %arg7[%get3A_366] {strides = array<i32>} : memref<5120xi32, #tpu.memory_space<vmem>>, vector<16xi32>,
    %get3A_368 = vector.shape_cast %get3A_367 : vector<16xi32> to vector<16xi32>
    %swap3A_369 = arith.constant 112 : index
    %swap3A_370 = tpu.vector_load %arg10[%swap3A_369] {strides = array<i32>} : memref<128xi32, #tpu.memory_space<vmem>>, vector<16xi32>,
    %swap3A_371 = vector.shape_cast %swap3A_370 : vector<16xi32> to vector<16xi32>
    %swap3A_372 = vector.shape_cast %get3A_368 : vector<16xi32> to vector<16xi32>
    tpu.vector_store %arg10[%swap3A_369], %swap3A_372 {strides = array<i32>} : memref<128xi32, #tpu.memory_space<vmem>>, vector<16xi32>,
    %dma_start3A_373 = arith.constant 0 : i32
    %dma_start3A_374 = arith.constant 0 : i32
    %dma_start3A_375 = tpu.memref_slice %arg16[%dma_start3A_373, %dma_start3A_374] : memref<10000x64xf32, #tpu.memory_space<vmem_shared>> -> memref<10000x64xf32, #tpu.memory_space<vmem_shared>>
    tpu.enqueue_indirect_dma source(%dma_start3A_375 : memref<10000x64xf32, #tpu.memory_space<vmem_shared>>) target(%arg14 : memref<128x64xf32, #tpu.memory_space<vmem>>) offsets(%arg10 : memref<128xi32, #tpu.memory_space<vmem>>) semaphore(%arg18 : memref<!tpu.dma_semaphore, #tpu.memory_space<semaphore_mem>>)
    %scan3A_376 = arith.constant 0 : i32
    %scan3A_377 = arith.constant 20 : i32
    %scan3A_378 = arith.addi %scan3A_376, %scan3A_377 : i32
    %scan3A_379 = arith.constant 1 : i32
    scf.for %scan3A_513 = %scan3A_376 to %scan3A_378 step %scan3A_379  : i32 {
      %mul3A_514 = arith.constant 2 : i32
      %mul3A_515 = arith.muli %scan3A_513, %mul3A_514 : i32
      %add3A_516 = arith.constant 0 : i32
      %add3A_517 = arith.addi %add3A_516, %mul3A_515 : i32
      %dma_wait3A = arith.constant 0 : i32
      %dma_wait3A_518 = arith.constant 0 : i32
      %dma_wait3A_519 = tpu.memref_slice %arg16[%dma_wait3A, %dma_wait3A_518] : memref<10000x64xf32, #tpu.memory_space<vmem_shared>> -> memref<10000x64xf32, #tpu.memory_space<vmem_shared>>
      tpu.wait_indirect_dma semaphore(%arg17 : memref<!tpu.dma_semaphore, #tpu.memory_space<semaphore_mem>>) src(%dma_wait3A_519 : memref<10000x64xf32, #tpu.memory_space<vmem_shared>>) dst(%arg13 : memref<128x64xf32, #tpu.memory_space<vmem>>)
      %mul3A_520 = arith.constant 128 : i32
      %mul3A_521 = arith.muli %add3A_517, %mul3A_520 : i32
      %add3A_522 = arith.constant 0 : i32
      %add3A_523 = arith.addi %mul3A_521, %add3A_522 : i32
      %get3A_524 = arith.index_cast %add3A_523 : i32 to index
      %get3A_525 = tpu.vector_load %arg8[%get3A_524] {strides = array<i32>} : memref<5120xi32, #tpu.memory_space<vmem>>, vector<16xi32>,
      %get3A_526 = vector.shape_cast %get3A_525 : vector<16xi32> to vector<16xi32>
      %swap3A_527 = arith.constant 0 : index
      %swap3A_528 = tpu.vector_load %arg11[%swap3A_527] {strides = array<i32>} : memref<128xi32, #tpu.memory_space<vmem>>, vector<16xi32>,
      %swap3A_529 = vector.shape_cast %swap3A_528 : vector<16xi32> to vector<16xi32>
      %swap3A_530 = vector.shape_cast %get3A_526 : vector<16xi32> to vector<16xi32>
      tpu.vector_store %arg11[%swap3A_527], %swap3A_530 {strides = array<i32>} : memref<128xi32, #tpu.memory_space<vmem>>, vector<16xi32>,
      %mul3A_531 = arith.constant 128 : i32
      %mul3A_532 = arith.muli %add3A_517, %mul3A_531 : i32
      %add3A_533 = arith.constant 16 : i32
      %add3A_534 = arith.addi %mul3A_532, %add3A_533 : i32
      %get3A_535 = arith.index_cast %add3A_534 : i32 to index
      %get3A_536 = tpu.vector_load %arg8[%get3A_535] {strides = array<i32>} : memref<5120xi32, #tpu.memory_space<vmem>>, vector<16xi32>,
      %get3A_537 = vector.shape_cast %get3A_536 : vector<16xi32> to vector<16xi32>
      %swap3A_538 = arith.constant 16 : index
      %swap3A_539 = tpu.vector_load %arg11[%swap3A_538] {strides = array<i32>} : memref<128xi32, #tpu.memory_space<vmem>>, vector<16xi32>,
      %swap3A_540 = vector.shape_cast %swap3A_539 : vector<16xi32> to vector<16xi32>
      %swap3A_541 = vector.shape_cast %get3A_537 : vector<16xi32> to vector<16xi32>
      tpu.vector_store %arg11[%swap3A_538], %swap3A_541 {strides = array<i32>} : memref<128xi32, #tpu.memory_space<vmem>>, vector<16xi32>,
      %mul3A_542 = arith.constant 128 : i32
      %mul3A_543 = arith.muli %add3A_517, %mul3A_542 : i32
      %add3A_544 = arith.constant 32 : i32
      %add3A_545 = arith.addi %mul3A_543, %add3A_544 : i32
      %get3A_546 = arith.index_cast %add3A_545 : i32 to index
      %get3A_547 = tpu.vector_load %arg8[%get3A_546] {strides = array<i32>} : memref<5120xi32, #tpu.memory_space<vmem>>, vector<16xi32>,
      %get3A_548 = vector.shape_cast %get3A_547 : vector<16xi32> to vector<16xi32>
      %swap3A_549 = arith.constant 32 : index
      %swap3A_550 = tpu.vector_load %arg11[%swap3A_549] {strides = array<i32>} : memref<128xi32, #tpu.memory_space<vmem>>, vector<16xi32>,
      %swap3A_551 = vector.shape_cast %swap3A_550 : vector<16xi32> to vector<16xi32>
      %swap3A_552 = vector.shape_cast %get3A_548 : vector<16xi32> to vector<16xi32>
      tpu.vector_store %arg11[%swap3A_549], %swap3A_552 {strides = array<i32>} : memref<128xi32, #tpu.memory_space<vmem>>, vector<16xi32>,
      %mul3A_553 = arith.constant 128 : i32
      %mul3A_554 = arith.muli %add3A_517, %mul3A_553 : i32
      %add3A_555 = arith.constant 48 : i32
      %add3A_556 = arith.addi %mul3A_554, %add3A_555 : i32
      %get3A_557 = arith.index_cast %add3A_556 : i32 to index
      %get3A_558 = tpu.vector_load %arg8[%get3A_557] {strides = array<i32>} : memref<5120xi32, #tpu.memory_space<vmem>>, vector<16xi32>,
      %get3A_559 = vector.shape_cast %get3A_558 : vector<16xi32> to vector<16xi32>
      %swap3A_560 = arith.constant 48 : index
      %swap3A_561 = tpu.vector_load %arg11[%swap3A_560] {strides = array<i32>} : memref<128xi32, #tpu.memory_space<vmem>>, vector<16xi32>,
      %swap3A_562 = vector.shape_cast %swap3A_561 : vector<16xi32> to vector<16xi32>
      %swap3A_563 = vector.shape_cast %get3A_559 : vector<16xi32> to vector<16xi32>
      tpu.vector_store %arg11[%swap3A_560], %swap3A_563 {strides = array<i32>} : memref<128xi32, #tpu.memory_space<vmem>>, vector<16xi32>,
      %mul3A_564 = arith.constant 128 : i32
      %mul3A_565 = arith.muli %add3A_517, %mul3A_564 : i32
      %add3A_566 = arith.constant 64 : i32
      %add3A_567 = arith.addi %mul3A_565, %add3A_566 : i32
      %get3A_568 = arith.index_cast %add3A_567 : i32 to index
      %get3A_569 = tpu.vector_load %arg8[%get3A_568] {strides = array<i32>} : memref<5120xi32, #tpu.memory_space<vmem>>, vector<16xi32>,
      %get3A_570 = vector.shape_cast %get3A_569 : vector<16xi32> to vector<16xi32>
      %swap3A_571 = arith.constant 64 : index
      %swap3A_572 = tpu.vector_load %arg11[%swap3A_571] {strides = array<i32>} : memref<128xi32, #tpu.memory_space<vmem>>, vector<16xi32>,
      %swap3A_573 = vector.shape_cast %swap3A_572 : vector<16xi32> to vector<16xi32>
      %swap3A_574 = vector.shape_cast %get3A_570 : vector<16xi32> to vector<16xi32>
      tpu.vector_store %arg11[%swap3A_571], %swap3A_574 {strides = array<i32>} : memref<128xi32, #tpu.memory_space<vmem>>, vector<16xi32>,
      %mul3A_575 = arith.constant 128 : i32
      %mul3A_576 = arith.muli %add3A_517, %mul3A_575 : i32
      %add3A_577 = arith.constant 80 : i32
      %add3A_578 = arith.addi %mul3A_576, %add3A_577 : i32
      %get3A_579 = arith.index_cast %add3A_578 : i32 to index
      %get3A_580 = tpu.vector_load %arg8[%get3A_579] {strides = array<i32>} : memref<5120xi32, #tpu.memory_space<vmem>>, vector<16xi32>,
      %get3A_581 = vector.shape_cast %get3A_580 : vector<16xi32> to vector<16xi32>
      %swap3A_582 = arith.constant 80 : index
      %swap3A_583 = tpu.vector_load %arg11[%swap3A_582] {strides = array<i32>} : memref<128xi32, #tpu.memory_space<vmem>>, vector<16xi32>,
      %swap3A_584 = vector.shape_cast %swap3A_583 : vector<16xi32> to vector<16xi32>
      %swap3A_585 = vector.shape_cast %get3A_581 : vector<16xi32> to vector<16xi32>
      tpu.vector_store %arg11[%swap3A_582], %swap3A_585 {strides = array<i32>} : memref<128xi32, #tpu.memory_space<vmem>>, vector<16xi32>,
      %mul3A_586 = arith.constant 128 : i32
      %mul3A_587 = arith.muli %add3A_517, %mul3A_586 : i32
      %add3A_588 = arith.constant 96 : i32
      %add3A_589 = arith.addi %mul3A_587, %add3A_588 : i32
      %get3A_590 = arith.index_cast %add3A_589 : i32 to index
      %get3A_591 = tpu.vector_load %arg8[%get3A_590] {strides = array<i32>} : memref<5120xi32, #tpu.memory_space<vmem>>, vector<16xi32>,
      %get3A_592 = vector.shape_cast %get3A_591 : vector<16xi32> to vector<16xi32>
      %swap3A_593 = arith.constant 96 : index
      %swap3A_594 = tpu.vector_load %arg11[%swap3A_593] {strides = array<i32>} : memref<128xi32, #tpu.memory_space<vmem>>, vector<16xi32>,
      %swap3A_595 = vector.shape_cast %swap3A_594 : vector<16xi32> to vector<16xi32>
      %swap3A_596 = vector.shape_cast %get3A_592 : vector<16xi32> to vector<16xi32>
      tpu.vector_store %arg11[%swap3A_593], %swap3A_596 {strides = array<i32>} : memref<128xi32, #tpu.memory_space<vmem>>, vector<16xi32>,
      %mul3A_597 = arith.constant 128 : i32
      %mul3A_598 = arith.muli %add3A_517, %mul3A_597 : i32
      %add3A_599 = arith.constant 112 : i32
      %add3A_600 = arith.addi %mul3A_598, %add3A_599 : i32
      %get3A_601 = arith.index_cast %add3A_600 : i32 to index
      %get3A_602 = tpu.vector_load %arg8[%get3A_601] {strides = array<i32>} : memref<5120xi32, #tpu.memory_space<vmem>>, vector<16xi32>,
      %get3A_603 = vector.shape_cast %get3A_602 : vector<16xi32> to vector<16xi32>
      %swap3A_604 = arith.constant 112 : index
      %swap3A_605 = tpu.vector_load %arg11[%swap3A_604] {strides = array<i32>} : memref<128xi32, #tpu.memory_space<vmem>>, vector<16xi32>,
      %swap3A_606 = vector.shape_cast %swap3A_605 : vector<16xi32> to vector<16xi32>
      %swap3A_607 = vector.shape_cast %get3A_603 : vector<16xi32> to vector<16xi32>
      tpu.vector_store %arg11[%swap3A_604], %swap3A_607 {strides = array<i32>} : memref<128xi32, #tpu.memory_space<vmem>>, vector<16xi32>,
      "tpu.region"() ({
        %run_scoped3A = tpu.sem_alloc : memref<!tpu.dma_semaphore, #tpu.memory_space<semaphore_mem>>
        %dma_start3A_712 = arith.constant 0 : i32
        %dma_start3A_713 = arith.constant 0 : i32
        %dma_start3A_714 = tpu.memref_slice %arg15[%dma_start3A_712, %dma_start3A_713] : memref<10240x64xf32, #tpu.memory_space<vmem_shared>> -> memref<10240x64xf32, #tpu.memory_space<vmem_shared>>
        tpu.enqueue_indirect_dma source(%arg13 : memref<128x64xf32, #tpu.memory_space<vmem>>) target(%dma_start3A_714 : memref<10240x64xf32, #tpu.memory_space<vmem_shared>>) offsets(%arg11 : memref<128xi32, #tpu.memory_space<vmem>>) semaphore(%run_scoped3A : memref<!tpu.dma_semaphore, #tpu.memory_space<semaphore_mem>>) {add = true}
        %dma_wait3A_715 = arith.constant 0 : i32
        %dma_wait3A_716 = arith.constant 0 : i32
        %dma_wait3A_717 = tpu.memref_slice %arg15[%dma_wait3A_715, %dma_wait3A_716] : memref<10240x64xf32, #tpu.memory_space<vmem_shared>> -> memref<10240x64xf32, #tpu.memory_space<vmem_shared>>
        tpu.wait_indirect_dma semaphore(%run_scoped3A : memref<!tpu.dma_semaphore, #tpu.memory_space<semaphore_mem>>) src(%arg13 : memref<128x64xf32, #tpu.memory_space<vmem>>) dst(%dma_wait3A_717 : memref<10240x64xf32, #tpu.memory_space<vmem_shared>>)
        tpu.yield
      }) : () -> ()
      %add3A_608 = arith.constant 2 : i32
      %add3A_609 = arith.addi %add3A_517, %add3A_608 : i32
      %lt3A = arith.constant 40 : i32
      %lt3A_610 = arith.cmpi slt, %add3A_609, %lt3A : i32
      %convert_element_type3A = arith.extui %lt3A_610 : i1 to i32
      %cond3A = arith.constant 0 : i32
      %cond3A_611 = arith.cmpi ne, %convert_element_type3A, %cond3A : i32
      scf.if %cond3A_611 {
        %add3A_712 = arith.constant 2 : i32
        %add3A_713 = arith.addi %add3A_517, %add3A_712 : i32
        %mul3A_714 = arith.constant 128 : i32
        %mul3A_715 = arith.muli %add3A_713, %mul3A_714 : i32
        %add3A_716 = arith.constant 0 : i32
        %add3A_717 = arith.addi %mul3A_715, %add3A_716 : i32
        %get3A_718 = arith.index_cast %add3A_717 : i32 to index
        %get3A_719 = tpu.vector_load %arg7[%get3A_718] {strides = array<i32>} : memref<5120xi32, #tpu.memory_space<vmem>>, vector<16xi32>,
        %get3A_720 = vector.shape_cast %get3A_719 : vector<16xi32> to vector<16xi32>
        %swap3A_721 = arith.constant 0 : index
        %swap3A_722 = tpu.vector_load %arg9[%swap3A_721] {strides = array<i32>} : memref<128xi32, #tpu.memory_space<vmem>>, vector<16xi32>,
        %swap3A_723 = vector.shape_cast %swap3A_722 : vector<16xi32> to vector<16xi32>
        %swap3A_724 = vector.shape_cast %get3A_720 : vector<16xi32> to vector<16xi32>
        tpu.vector_store %arg9[%swap3A_721], %swap3A_724 {strides = array<i32>} : memref<128xi32, #tpu.memory_space<vmem>>, vector<16xi32>,
        %mul3A_725 = arith.constant 128 : i32
        %mul3A_726 = arith.muli %add3A_713, %mul3A_725 : i32
        %add3A_727 = arith.constant 16 : i32
        %add3A_728 = arith.addi %mul3A_726, %add3A_727 : i32
        %get3A_729 = arith.index_cast %add3A_728 : i32 to index
        %get3A_730 = tpu.vector_load %arg7[%get3A_729] {strides = array<i32>} : memref<5120xi32, #tpu.memory_space<vmem>>, vector<16xi32>,
        %get3A_731 = vector.shape_cast %get3A_730 : vector<16xi32> to vector<16xi32>
        %swap3A_732 = arith.constant 16 : index
        %swap3A_733 = tpu.vector_load %arg9[%swap3A_732] {strides = array<i32>} : memref<128xi32, #tpu.memory_space<vmem>>, vector<16xi32>,
        %swap3A_734 = vector.shape_cast %swap3A_733 : vector<16xi32> to vector<16xi32>
        %swap3A_735 = vector.shape_cast %get3A_731 : vector<16xi32> to vector<16xi32>
        tpu.vector_store %arg9[%swap3A_732], %swap3A_735 {strides = array<i32>} : memref<128xi32, #tpu.memory_space<vmem>>, vector<16xi32>,
        %mul3A_736 = arith.constant 128 : i32
        %mul3A_737 = arith.muli %add3A_713, %mul3A_736 : i32
        %add3A_738 = arith.constant 32 : i32
        %add3A_739 = arith.addi %mul3A_737, %add3A_738 : i32
        %get3A_740 = arith.index_cast %add3A_739 : i32 to index
        %get3A_741 = tpu.vector_load %arg7[%get3A_740] {strides = array<i32>} : memref<5120xi32, #tpu.memory_space<vmem>>, vector<16xi32>,
        %get3A_742 = vector.shape_cast %get3A_741 : vector<16xi32> to vector<16xi32>
        %swap3A_743 = arith.constant 32 : index
        %swap3A_744 = tpu.vector_load %arg9[%swap3A_743] {strides = array<i32>} : memref<128xi32, #tpu.memory_space<vmem>>, vector<16xi32>,
        %swap3A_745 = vector.shape_cast %swap3A_744 : vector<16xi32> to vector<16xi32>
        %swap3A_746 = vector.shape_cast %get3A_742 : vector<16xi32> to vector<16xi32>
        tpu.vector_store %arg9[%swap3A_743], %swap3A_746 {strides = array<i32>} : memref<128xi32, #tpu.memory_space<vmem>>, vector<16xi32>,
        %mul3A_747 = arith.constant 128 : i32
        %mul3A_748 = arith.muli %add3A_713, %mul3A_747 : i32
        %add3A_749 = arith.constant 48 : i32
        %add3A_750 = arith.addi %mul3A_748, %add3A_749 : i32
        %get3A_751 = arith.index_cast %add3A_750 : i32 to index
        %get3A_752 = tpu.vector_load %arg7[%get3A_751] {strides = array<i32>} : memref<5120xi32, #tpu.memory_space<vmem>>, vector<16xi32>,
        %get3A_753 = vector.shape_cast %get3A_752 : vector<16xi32> to vector<16xi32>
        %swap3A_754 = arith.constant 48 : index
        %swap3A_755 = tpu.vector_load %arg9[%swap3A_754] {strides = array<i32>} : memref<128xi32, #tpu.memory_space<vmem>>, vector<16xi32>,
        %swap3A_756 = vector.shape_cast %swap3A_755 : vector<16xi32> to vector<16xi32>
        %swap3A_757 = vector.shape_cast %get3A_753 : vector<16xi32> to vector<16xi32>
        tpu.vector_store %arg9[%swap3A_754], %swap3A_757 {strides = array<i32>} : memref<128xi32, #tpu.memory_space<vmem>>, vector<16xi32>,
        %mul3A_758 = arith.constant 128 : i32
        %mul3A_759 = arith.muli %add3A_713, %mul3A_758 : i32
        %add3A_760 = arith.constant 64 : i32
        %add3A_761 = arith.addi %mul3A_759, %add3A_760 : i32
        %get3A_762 = arith.index_cast %add3A_761 : i32 to index
        %get3A_763 = tpu.vector_load %arg7[%get3A_762] {strides = array<i32>} : memref<5120xi32, #tpu.memory_space<vmem>>, vector<16xi32>,
        %get3A_764 = vector.shape_cast %get3A_763 : vector<16xi32> to vector<16xi32>
        %swap3A_765 = arith.constant 64 : index
        %swap3A_766 = tpu.vector_load %arg9[%swap3A_765] {strides = array<i32>} : memref<128xi32, #tpu.memory_space<vmem>>, vector<16xi32>,
        %swap3A_767 = vector.shape_cast %swap3A_766 : vector<16xi32> to vector<16xi32>
        %swap3A_768 = vector.shape_cast %get3A_764 : vector<16xi32> to vector<16xi32>
        tpu.vector_store %arg9[%swap3A_765], %swap3A_768 {strides = array<i32>} : memref<128xi32, #tpu.memory_space<vmem>>, vector<16xi32>,
        %mul3A_769 = arith.constant 128 : i32
        %mul3A_770 = arith.muli %add3A_713, %mul3A_769 : i32
        %add3A_771 = arith.constant 80 : i32
        %add3A_772 = arith.addi %mul3A_770, %add3A_771 : i32
        %get3A_773 = arith.index_cast %add3A_772 : i32 to index
        %get3A_774 = tpu.vector_load %arg7[%get3A_773] {strides = array<i32>} : memref<5120xi32, #tpu.memory_space<vmem>>, vector<16xi32>,
        %get3A_775 = vector.shape_cast %get3A_774 : vector<16xi32> to vector<16xi32>
        %swap3A_776 = arith.constant 80 : index
        %swap3A_777 = tpu.vector_load %arg9[%swap3A_776] {strides = array<i32>} : memref<128xi32, #tpu.memory_space<vmem>>, vector<16xi32>,
        %swap3A_778 = vector.shape_cast %swap3A_777 : vector<16xi32> to vector<16xi32>
        %swap3A_779 = vector.shape_cast %get3A_775 : vector<16xi32> to vector<16xi32>
        tpu.vector_store %arg9[%swap3A_776], %swap3A_779 {strides = array<i32>} : memref<128xi32, #tpu.memory_space<vmem>>, vector<16xi32>,
        %mul3A_780 = arith.constant 128 : i32
        %mul3A_781 = arith.muli %add3A_713, %mul3A_780 : i32
        %add3A_782 = arith.constant 96 : i32
        %add3A_783 = arith.addi %mul3A_781, %add3A_782 : i32
        %get3A_784 = arith.index_cast %add3A_783 : i32 to index
        %get3A_785 = tpu.vector_load %arg7[%get3A_784] {strides = array<i32>} : memref<5120xi32, #tpu.memory_space<vmem>>, vector<16xi32>,
        %get3A_786 = vector.shape_cast %get3A_785 : vector<16xi32> to vector<16xi32>
        %swap3A_787 = arith.constant 96 : index
        %swap3A_788 = tpu.vector_load %arg9[%swap3A_787] {strides = array<i32>} : memref<128xi32, #tpu.memory_space<vmem>>, vector<16xi32>,
        %swap3A_789 = vector.shape_cast %swap3A_788 : vector<16xi32> to vector<16xi32>
        %swap3A_790 = vector.shape_cast %get3A_786 : vector<16xi32> to vector<16xi32>
        tpu.vector_store %arg9[%swap3A_787], %swap3A_790 {strides = array<i32>} : memref<128xi32, #tpu.memory_space<vmem>>, vector<16xi32>,
        %mul3A_791 = arith.constant 128 : i32
        %mul3A_792 = arith.muli %add3A_713, %mul3A_791 : i32
        %add3A_793 = arith.constant 112 : i32
        %add3A_794 = arith.addi %mul3A_792, %add3A_793 : i32
        %get3A_795 = arith.index_cast %add3A_794 : i32 to index
        %get3A_796 = tpu.vector_load %arg7[%get3A_795] {strides = array<i32>} : memref<5120xi32, #tpu.memory_space<vmem>>, vector<16xi32>,
        %get3A_797 = vector.shape_cast %get3A_796 : vector<16xi32> to vector<16xi32>
        %swap3A_798 = arith.constant 112 : index
        %swap3A_799 = tpu.vector_load %arg9[%swap3A_798] {strides = array<i32>} : memref<128xi32, #tpu.memory_space<vmem>>, vector<16xi32>,
        %swap3A_800 = vector.shape_cast %swap3A_799 : vector<16xi32> to vector<16xi32>
        %swap3A_801 = vector.shape_cast %get3A_797 : vector<16xi32> to vector<16xi32>
        tpu.vector_store %arg9[%swap3A_798], %swap3A_801 {strides = array<i32>} : memref<128xi32, #tpu.memory_space<vmem>>, vector<16xi32>,
        %dma_start3A_802 = arith.constant 0 : i32
        %dma_start3A_803 = arith.constant 0 : i32
        %dma_start3A_804 = tpu.memref_slice %arg16[%dma_start3A_802, %dma_start3A_803] : memref<10000x64xf32, #tpu.memory_space<vmem_shared>> -> memref<10000x64xf32, #tpu.memory_space<vmem_shared>>
        tpu.enqueue_indirect_dma source(%dma_start3A_804 : memref<10000x64xf32, #tpu.memory_space<vmem_shared>>) target(%arg13 : memref<128x64xf32, #tpu.memory_space<vmem>>) offsets(%arg9 : memref<128xi32, #tpu.memory_space<vmem>>) semaphore(%arg17 : memref<!tpu.dma_semaphore, #tpu.memory_space<semaphore_mem>>)
      } else {
      }
      %dma_wait3A_612 = arith.constant 0 : i32
      %dma_wait3A_613 = arith.constant 0 : i32
      %dma_wait3A_614 = tpu.memref_slice %arg16[%dma_wait3A_612, %dma_wait3A_613] : memref<10000x64xf32, #tpu.memory_space<vmem_shared>> -> memref<10000x64xf32, #tpu.memory_space<vmem_shared>>
      tpu.wait_indirect_dma semaphore(%arg18 : memref<!tpu.dma_semaphore, #tpu.memory_space<semaphore_mem>>) src(%dma_wait3A_614 : memref<10000x64xf32, #tpu.memory_space<vmem_shared>>) dst(%arg14 : memref<128x64xf32, #tpu.memory_space<vmem>>)
      %add3A_615 = arith.constant 1 : i32
      %add3A_616 = arith.addi %add3A_517, %add3A_615 : i32
      %mul3A_617 = arith.constant 128 : i32
      %mul3A_618 = arith.muli %add3A_616, %mul3A_617 : i32
      %add3A_619 = arith.constant 0 : i32
      %add3A_620 = arith.addi %mul3A_618, %add3A_619 : i32
      %get3A_621 = arith.index_cast %add3A_620 : i32 to index
      %get3A_622 = tpu.vector_load %arg8[%get3A_621] {strides = array<i32>} : memref<5120xi32, #tpu.memory_space<vmem>>, vector<16xi32>,
      %get3A_623 = vector.shape_cast %get3A_622 : vector<16xi32> to vector<16xi32>
      %swap3A_624 = arith.constant 0 : index
      %swap3A_625 = tpu.vector_load %arg12[%swap3A_624] {strides = array<i32>} : memref<128xi32, #tpu.memory_space<vmem>>, vector<16xi32>,
      %swap3A_626 = vector.shape_cast %swap3A_625 : vector<16xi32> to vector<16xi32>
      %swap3A_627 = vector.shape_cast %get3A_623 : vector<16xi32> to vector<16xi32>
      tpu.vector_store %arg12[%swap3A_624], %swap3A_627 {strides = array<i32>} : memref<128xi32, #tpu.memory_space<vmem>>, vector<16xi32>,
      %mul3A_628 = arith.constant 128 : i32
      %mul3A_629 = arith.muli %add3A_616, %mul3A_628 : i32
      %add3A_630 = arith.constant 16 : i32
      %add3A_631 = arith.addi %mul3A_629, %add3A_630 : i32
      %get3A_632 = arith.index_cast %add3A_631 : i32 to index
      %get3A_633 = tpu.vector_load %arg8[%get3A_632] {strides = array<i32>} : memref<5120xi32, #tpu.memory_space<vmem>>, vector<16xi32>,
      %get3A_634 = vector.shape_cast %get3A_633 : vector<16xi32> to vector<16xi32>
      %swap3A_635 = arith.constant 16 : index
      %swap3A_636 = tpu.vector_load %arg12[%swap3A_635] {strides = array<i32>} : memref<128xi32, #tpu.memory_space<vmem>>, vector<16xi32>,
      %swap3A_637 = vector.shape_cast %swap3A_636 : vector<16xi32> to vector<16xi32>
      %swap3A_638 = vector.shape_cast %get3A_634 : vector<16xi32> to vector<16xi32>
      tpu.vector_store %arg12[%swap3A_635], %swap3A_638 {strides = array<i32>} : memref<128xi32, #tpu.memory_space<vmem>>, vector<16xi32>,
      %mul3A_639 = arith.constant 128 : i32
      %mul3A_640 = arith.muli %add3A_616, %mul3A_639 : i32
      %add3A_641 = arith.constant 32 : i32
      %add3A_642 = arith.addi %mul3A_640, %add3A_641 : i32
      %get3A_643 = arith.index_cast %add3A_642 : i32 to index
      %get3A_644 = tpu.vector_load %arg8[%get3A_643] {strides = array<i32>} : memref<5120xi32, #tpu.memory_space<vmem>>, vector<16xi32>,
      %get3A_645 = vector.shape_cast %get3A_644 : vector<16xi32> to vector<16xi32>
      %swap3A_646 = arith.constant 32 : index
      %swap3A_647 = tpu.vector_load %arg12[%swap3A_646] {strides = array<i32>} : memref<128xi32, #tpu.memory_space<vmem>>, vector<16xi32>,
      %swap3A_648 = vector.shape_cast %swap3A_647 : vector<16xi32> to vector<16xi32>
      %swap3A_649 = vector.shape_cast %get3A_645 : vector<16xi32> to vector<16xi32>
      tpu.vector_store %arg12[%swap3A_646], %swap3A_649 {strides = array<i32>} : memref<128xi32, #tpu.memory_space<vmem>>, vector<16xi32>,
      %mul3A_650 = arith.constant 128 : i32
      %mul3A_651 = arith.muli %add3A_616, %mul3A_650 : i32
      %add3A_652 = arith.constant 48 : i32
      %add3A_653 = arith.addi %mul3A_651, %add3A_652 : i32
      %get3A_654 = arith.index_cast %add3A_653 : i32 to index
      %get3A_655 = tpu.vector_load %arg8[%get3A_654] {strides = array<i32>} : memref<5120xi32, #tpu.memory_space<vmem>>, vector<16xi32>,
      %get3A_656 = vector.shape_cast %get3A_655 : vector<16xi32> to vector<16xi32>
      %swap3A_657 = arith.constant 48 : index
      %swap3A_658 = tpu.vector_load %arg12[%swap3A_657] {strides = array<i32>} : memref<128xi32, #tpu.memory_space<vmem>>, vector<16xi32>,
      %swap3A_659 = vector.shape_cast %swap3A_658 : vector<16xi32> to vector<16xi32>
      %swap3A_660 = vector.shape_cast %get3A_656 : vector<16xi32> to vector<16xi32>
      tpu.vector_store %arg12[%swap3A_657], %swap3A_660 {strides = array<i32>} : memref<128xi32, #tpu.memory_space<vmem>>, vector<16xi32>,
      %mul3A_661 = arith.constant 128 : i32
      %mul3A_662 = arith.muli %add3A_616, %mul3A_661 : i32
      %add3A_663 = arith.constant 64 : i32
      %add3A_664 = arith.addi %mul3A_662, %add3A_663 : i32
      %get3A_665 = arith.index_cast %add3A_664 : i32 to index
      %get3A_666 = tpu.vector_load %arg8[%get3A_665] {strides = array<i32>} : memref<5120xi32, #tpu.memory_space<vmem>>, vector<16xi32>,
      %get3A_667 = vector.shape_cast %get3A_666 : vector<16xi32> to vector<16xi32>
      %swap3A_668 = arith.constant 64 : index
      %swap3A_669 = tpu.vector_load %arg12[%swap3A_668] {strides = array<i32>} : memref<128xi32, #tpu.memory_space<vmem>>, vector<16xi32>,
      %swap3A_670 = vector.shape_cast %swap3A_669 : vector<16xi32> to vector<16xi32>
      %swap3A_671 = vector.shape_cast %get3A_667 : vector<16xi32> to vector<16xi32>
      tpu.vector_store %arg12[%swap3A_668], %swap3A_671 {strides = array<i32>} : memref<128xi32, #tpu.memory_space<vmem>>, vector<16xi32>,
      %mul3A_672 = arith.constant 128 : i32
      %mul3A_673 = arith.muli %add3A_616, %mul3A_672 : i32
      %add3A_674 = arith.constant 80 : i32
      %add3A_675 = arith.addi %mul3A_673, %add3A_674 : i32
      %get3A_676 = arith.index_cast %add3A_675 : i32 to index
      %get3A_677 = tpu.vector_load %arg8[%get3A_676] {strides = array<i32>} : memref<5120xi32, #tpu.memory_space<vmem>>, vector<16xi32>,
      %get3A_678 = vector.shape_cast %get3A_677 : vector<16xi32> to vector<16xi32>
      %swap3A_679 = arith.constant 80 : index
      %swap3A_680 = tpu.vector_load %arg12[%swap3A_679] {strides = array<i32>} : memref<128xi32, #tpu.memory_space<vmem>>, vector<16xi32>,
      %swap3A_681 = vector.shape_cast %swap3A_680 : vector<16xi32> to vector<16xi32>
      %swap3A_682 = vector.shape_cast %get3A_678 : vector<16xi32> to vector<16xi32>
      tpu.vector_store %arg12[%swap3A_679], %swap3A_682 {strides = array<i32>} : memref<128xi32, #tpu.memory_space<vmem>>, vector<16xi32>,
      %mul3A_683 = arith.constant 128 : i32
      %mul3A_684 = arith.muli %add3A_616, %mul3A_683 : i32
      %add3A_685 = arith.constant 96 : i32
      %add3A_686 = arith.addi %mul3A_684, %add3A_685 : i32
      %get3A_687 = arith.index_cast %add3A_686 : i32 to index
      %get3A_688 = tpu.vector_load %arg8[%get3A_687] {strides = array<i32>} : memref<5120xi32, #tpu.memory_space<vmem>>, vector<16xi32>,
      %get3A_689 = vector.shape_cast %get3A_688 : vector<16xi32> to vector<16xi32>
      %swap3A_690 = arith.constant 96 : index
      %swap3A_691 = tpu.vector_load %arg12[%swap3A_690] {strides = array<i32>} : memref<128xi32, #tpu.memory_space<vmem>>, vector<16xi32>,
      %swap3A_692 = vector.shape_cast %swap3A_691 : vector<16xi32> to vector<16xi32>
      %swap3A_693 = vector.shape_cast %get3A_689 : vector<16xi32> to vector<16xi32>
      tpu.vector_store %arg12[%swap3A_690], %swap3A_693 {strides = array<i32>} : memref<128xi32, #tpu.memory_space<vmem>>, vector<16xi32>,
      %mul3A_694 = arith.constant 128 : i32
      %mul3A_695 = arith.muli %add3A_616, %mul3A_694 : i32
      %add3A_696 = arith.constant 112 : i32
      %add3A_697 = arith.addi %mul3A_695, %add3A_696 : i32
      %get3A_698 = arith.index_cast %add3A_697 : i32 to index
      %get3A_699 = tpu.vector_load %arg8[%get3A_698] {strides = array<i32>} : memref<5120xi32, #tpu.memory_space<vmem>>, vector<16xi32>,
      %get3A_700 = vector.shape_cast %get3A_699 : vector<16xi32> to vector<16xi32>
      %swap3A_701 = arith.constant 112 : index
      %swap3A_702 = tpu.vector_load %arg12[%swap3A_701] {strides = array<i32>} : memref<128xi32, #tpu.memory_space<vmem>>, vector<16xi32>,
      %swap3A_703 = vector.shape_cast %swap3A_702 : vector<16xi32> to vector<16xi32>
      %swap3A_704 = vector.shape_cast %get3A_700 : vector<16xi32> to vector<16xi32>
      tpu.vector_store %arg12[%swap3A_701], %swap3A_704 {strides = array<i32>} : memref<128xi32, #tpu.memory_space<vmem>>, vector<16xi32>,
      "tpu.region"() ({
        %run_scoped3A = tpu.sem_alloc : memref<!tpu.dma_semaphore, #tpu.memory_space<semaphore_mem>>
        %dma_start3A_712 = arith.constant 0 : i32
        %dma_start3A_713 = arith.constant 0 : i32
        %dma_start3A_714 = tpu.memref_slice %arg15[%dma_start3A_712, %dma_start3A_713] : memref<10240x64xf32, #tpu.memory_space<vmem_shared>> -> memref<10240x64xf32, #tpu.memory_space<vmem_shared>>
        tpu.enqueue_indirect_dma source(%arg14 : memref<128x64xf32, #tpu.memory_space<vmem>>) target(%dma_start3A_714 : memref<10240x64xf32, #tpu.memory_space<vmem_shared>>) offsets(%arg12 : memref<128xi32, #tpu.memory_space<vmem>>) semaphore(%run_scoped3A : memref<!tpu.dma_semaphore, #tpu.memory_space<semaphore_mem>>) {add = true}
        %dma_wait3A_715 = arith.constant 0 : i32
        %dma_wait3A_716 = arith.constant 0 : i32
        %dma_wait3A_717 = tpu.memref_slice %arg15[%dma_wait3A_715, %dma_wait3A_716] : memref<10240x64xf32, #tpu.memory_space<vmem_shared>> -> memref<10240x64xf32, #tpu.memory_space<vmem_shared>>
        tpu.wait_indirect_dma semaphore(%run_scoped3A : memref<!tpu.dma_semaphore, #tpu.memory_space<semaphore_mem>>) src(%arg14 : memref<128x64xf32, #tpu.memory_space<vmem>>) dst(%dma_wait3A_717 : memref<10240x64xf32, #tpu.memory_space<vmem_shared>>)
        tpu.yield
      }) : () -> ()
      %add3A_705 = arith.constant 3 : i32
      %add3A_706 = arith.addi %add3A_517, %add3A_705 : i32
      %lt3A_707 = arith.constant 40 : i32
      %lt3A_708 = arith.cmpi slt, %add3A_706, %lt3A_707 : i32
      %convert_element_type3A_709 = arith.extui %lt3A_708 : i1 to i32
      %cond3A_710 = arith.constant 0 : i32
      %cond3A_711 = arith.cmpi ne, %convert_element_type3A_709, %cond3A_710 : i32
      scf.if %cond3A_711 {
        %add3A_712 = arith.constant 3 : i32
        %add3A_713 = arith.addi %add3A_517, %add3A_712 : i32
        %mul3A_714 = arith.constant 128 : i32
        %mul3A_715 = arith.muli %add3A_713, %mul3A_714 : i32
        %add3A_716 = arith.constant 0 : i32
        %add3A_717 = arith.addi %mul3A_715, %add3A_716 : i32
        %get3A_718 = arith.index_cast %add3A_717 : i32 to index
        %get3A_719 = tpu.vector_load %arg7[%get3A_718] {strides = array<i32>} : memref<5120xi32, #tpu.memory_space<vmem>>, vector<16xi32>,
        %get3A_720 = vector.shape_cast %get3A_719 : vector<16xi32> to vector<16xi32>
        %swap3A_721 = arith.constant 0 : index
        %swap3A_722 = tpu.vector_load %arg10[%swap3A_721] {strides = array<i32>} : memref<128xi32, #tpu.memory_space<vmem>>, vector<16xi32>,
        %swap3A_723 = vector.shape_cast %swap3A_722 : vector<16xi32> to vector<16xi32>
        %swap3A_724 = vector.shape_cast %get3A_720 : vector<16xi32> to vector<16xi32>
        tpu.vector_store %arg10[%swap3A_721], %swap3A_724 {strides = array<i32>} : memref<128xi32, #tpu.memory_space<vmem>>, vector<16xi32>,
        %mul3A_725 = arith.constant 128 : i32
        %mul3A_726 = arith.muli %add3A_713, %mul3A_725 : i32
        %add3A_727 = arith.constant 16 : i32
        %add3A_728 = arith.addi %mul3A_726, %add3A_727 : i32
        %get3A_729 = arith.index_cast %add3A_728 : i32 to index
        %get3A_730 = tpu.vector_load %arg7[%get3A_729] {strides = array<i32>} : memref<5120xi32, #tpu.memory_space<vmem>>, vector<16xi32>,
        %get3A_731 = vector.shape_cast %get3A_730 : vector<16xi32> to vector<16xi32>
        %swap3A_732 = arith.constant 16 : index
        %swap3A_733 = tpu.vector_load %arg10[%swap3A_732] {strides = array<i32>} : memref<128xi32, #tpu.memory_space<vmem>>, vector<16xi32>,
        %swap3A_734 = vector.shape_cast %swap3A_733 : vector<16xi32> to vector<16xi32>
        %swap3A_735 = vector.shape_cast %get3A_731 : vector<16xi32> to vector<16xi32>
        tpu.vector_store %arg10[%swap3A_732], %swap3A_735 {strides = array<i32>} : memref<128xi32, #tpu.memory_space<vmem>>, vector<16xi32>,
        %mul3A_736 = arith.constant 128 : i32
        %mul3A_737 = arith.muli %add3A_713, %mul3A_736 : i32
        %add3A_738 = arith.constant 32 : i32
        %add3A_739 = arith.addi %mul3A_737, %add3A_738 : i32
        %get3A_740 = arith.index_cast %add3A_739 : i32 to index
        %get3A_741 = tpu.vector_load %arg7[%get3A_740] {strides = array<i32>} : memref<5120xi32, #tpu.memory_space<vmem>>, vector<16xi32>,
        %get3A_742 = vector.shape_cast %get3A_741 : vector<16xi32> to vector<16xi32>
        %swap3A_743 = arith.constant 32 : index
        %swap3A_744 = tpu.vector_load %arg10[%swap3A_743] {strides = array<i32>} : memref<128xi32, #tpu.memory_space<vmem>>, vector<16xi32>,
        %swap3A_745 = vector.shape_cast %swap3A_744 : vector<16xi32> to vector<16xi32>
        %swap3A_746 = vector.shape_cast %get3A_742 : vector<16xi32> to vector<16xi32>
        tpu.vector_store %arg10[%swap3A_743], %swap3A_746 {strides = array<i32>} : memref<128xi32, #tpu.memory_space<vmem>>, vector<16xi32>,
        %mul3A_747 = arith.constant 128 : i32
        %mul3A_748 = arith.muli %add3A_713, %mul3A_747 : i32
        %add3A_749 = arith.constant 48 : i32
        %add3A_750 = arith.addi %mul3A_748, %add3A_749 : i32
        %get3A_751 = arith.index_cast %add3A_750 : i32 to index
        %get3A_752 = tpu.vector_load %arg7[%get3A_751] {strides = array<i32>} : memref<5120xi32, #tpu.memory_space<vmem>>, vector<16xi32>,
        %get3A_753 = vector.shape_cast %get3A_752 : vector<16xi32> to vector<16xi32>
        %swap3A_754 = arith.constant 48 : index
        %swap3A_755 = tpu.vector_load %arg10[%swap3A_754] {strides = array<i32>} : memref<128xi32, #tpu.memory_space<vmem>>, vector<16xi32>,
        %swap3A_756 = vector.shape_cast %swap3A_755 : vector<16xi32> to vector<16xi32>
        %swap3A_757 = vector.shape_cast %get3A_753 : vector<16xi32> to vector<16xi32>
        tpu.vector_store %arg10[%swap3A_754], %swap3A_757 {strides = array<i32>} : memref<128xi32, #tpu.memory_space<vmem>>, vector<16xi32>,
        %mul3A_758 = arith.constant 128 : i32
        %mul3A_759 = arith.muli %add3A_713, %mul3A_758 : i32
        %add3A_760 = arith.constant 64 : i32
        %add3A_761 = arith.addi %mul3A_759, %add3A_760 : i32
        %get3A_762 = arith.index_cast %add3A_761 : i32 to index
        %get3A_763 = tpu.vector_load %arg7[%get3A_762] {strides = array<i32>} : memref<5120xi32, #tpu.memory_space<vmem>>, vector<16xi32>,
        %get3A_764 = vector.shape_cast %get3A_763 : vector<16xi32> to vector<16xi32>
        %swap3A_765 = arith.constant 64 : index
        %swap3A_766 = tpu.vector_load %arg10[%swap3A_765] {strides = array<i32>} : memref<128xi32, #tpu.memory_space<vmem>>, vector<16xi32>,
        %swap3A_767 = vector.shape_cast %swap3A_766 : vector<16xi32> to vector<16xi32>
        %swap3A_768 = vector.shape_cast %get3A_764 : vector<16xi32> to vector<16xi32>
        tpu.vector_store %arg10[%swap3A_765], %swap3A_768 {strides = array<i32>} : memref<128xi32, #tpu.memory_space<vmem>>, vector<16xi32>,
        %mul3A_769 = arith.constant 128 : i32
        %mul3A_770 = arith.muli %add3A_713, %mul3A_769 : i32
        %add3A_771 = arith.constant 80 : i32
        %add3A_772 = arith.addi %mul3A_770, %add3A_771 : i32
        %get3A_773 = arith.index_cast %add3A_772 : i32 to index
        %get3A_774 = tpu.vector_load %arg7[%get3A_773] {strides = array<i32>} : memref<5120xi32, #tpu.memory_space<vmem>>, vector<16xi32>,
        %get3A_775 = vector.shape_cast %get3A_774 : vector<16xi32> to vector<16xi32>
        %swap3A_776 = arith.constant 80 : index
        %swap3A_777 = tpu.vector_load %arg10[%swap3A_776] {strides = array<i32>} : memref<128xi32, #tpu.memory_space<vmem>>, vector<16xi32>,
        %swap3A_778 = vector.shape_cast %swap3A_777 : vector<16xi32> to vector<16xi32>
        %swap3A_779 = vector.shape_cast %get3A_775 : vector<16xi32> to vector<16xi32>
        tpu.vector_store %arg10[%swap3A_776], %swap3A_779 {strides = array<i32>} : memref<128xi32, #tpu.memory_space<vmem>>, vector<16xi32>,
        %mul3A_780 = arith.constant 128 : i32
        %mul3A_781 = arith.muli %add3A_713, %mul3A_780 : i32
        %add3A_782 = arith.constant 96 : i32
        %add3A_783 = arith.addi %mul3A_781, %add3A_782 : i32
        %get3A_784 = arith.index_cast %add3A_783 : i32 to index
        %get3A_785 = tpu.vector_load %arg7[%get3A_784] {strides = array<i32>} : memref<5120xi32, #tpu.memory_space<vmem>>, vector<16xi32>,
        %get3A_786 = vector.shape_cast %get3A_785 : vector<16xi32> to vector<16xi32>
        %swap3A_787 = arith.constant 96 : index
        %swap3A_788 = tpu.vector_load %arg10[%swap3A_787] {strides = array<i32>} : memref<128xi32, #tpu.memory_space<vmem>>, vector<16xi32>,
        %swap3A_789 = vector.shape_cast %swap3A_788 : vector<16xi32> to vector<16xi32>
        %swap3A_790 = vector.shape_cast %get3A_786 : vector<16xi32> to vector<16xi32>
        tpu.vector_store %arg10[%swap3A_787], %swap3A_790 {strides = array<i32>} : memref<128xi32, #tpu.memory_space<vmem>>, vector<16xi32>,
        %mul3A_791 = arith.constant 128 : i32
        %mul3A_792 = arith.muli %add3A_713, %mul3A_791 : i32
        %add3A_793 = arith.constant 112 : i32
        %add3A_794 = arith.addi %mul3A_792, %add3A_793 : i32
        %get3A_795 = arith.index_cast %add3A_794 : i32 to index
        %get3A_796 = tpu.vector_load %arg7[%get3A_795] {strides = array<i32>} : memref<5120xi32, #tpu.memory_space<vmem>>, vector<16xi32>,
        %get3A_797 = vector.shape_cast %get3A_796 : vector<16xi32> to vector<16xi32>
        %swap3A_798 = arith.constant 112 : index
        %swap3A_799 = tpu.vector_load %arg10[%swap3A_798] {strides = array<i32>} : memref<128xi32, #tpu.memory_space<vmem>>, vector<16xi32>,
        %swap3A_800 = vector.shape_cast %swap3A_799 : vector<16xi32> to vector<16xi32>
        %swap3A_801 = vector.shape_cast %get3A_797 : vector<16xi32> to vector<16xi32>
        tpu.vector_store %arg10[%swap3A_798], %swap3A_801 {strides = array<i32>} : memref<128xi32, #tpu.memory_space<vmem>>, vector<16xi32>,
        %dma_start3A_802 = arith.constant 0 : i32
        %dma_start3A_803 = arith.constant 0 : i32
        %dma_start3A_804 = tpu.memref_slice %arg16[%dma_start3A_802, %dma_start3A_803] : memref<10000x64xf32, #tpu.memory_space<vmem_shared>> -> memref<10000x64xf32, #tpu.memory_space<vmem_shared>>
        tpu.enqueue_indirect_dma source(%dma_start3A_804 : memref<10000x64xf32, #tpu.memory_space<vmem_shared>>) target(%arg14 : memref<128x64xf32, #tpu.memory_space<vmem>>) offsets(%arg10 : memref<128xi32, #tpu.memory_space<vmem>>) semaphore(%arg18 : memref<!tpu.dma_semaphore, #tpu.memory_space<semaphore_mem>>)
      } else {
      }
    }
    %scan3A_380 = arith.constant 20 : i32
    %mul3A_381 = arith.constant 20480 : i32
    %mul3A_382 = arith.muli %arg1, %mul3A_381 : i32
    %add3A_383 = arith.constant 15360 : i32
    %add3A_384 = arith.addi %mul3A_382, %add3A_383 : i32
    "tpu.region"() ({
      %run_scoped3A = tpu.sem_alloc : memref<!tpu.dma_semaphore, #tpu.memory_space<semaphore_mem>>
      %dma_start3A_513 = tpu.memref_slice %arg3[%add3A_384] : memref<327680xi32, #tpu.memory_space<hbm>> -> memref<5120xi32, #tpu.memory_space<hbm>>
      %dma_start3A_514 = tpu.memref_slice %arg3[%add3A_384] : memref<327680xi32, #tpu.memory_space<hbm>> -> memref<5120xi32, #tpu.memory_space<hbm>>
      tpu.enqueue_dma source(%dma_start3A_514 : memref<5120xi32, #tpu.memory_space<hbm>>) target(%arg7 : memref<5120xi32, #tpu.memory_space<vmem>>) target_semaphore(%run_scoped3A : memref<!tpu.dma_semaphore, #tpu.memory_space<semaphore_mem>>)
      %dma_wait3A = tpu.memref_slice %arg3[%add3A_384] : memref<327680xi32, #tpu.memory_space<hbm>> -> memref<5120xi32, #tpu.memory_space<hbm>>
      %dma_wait3A_515 = tpu.memref_slice %arg3[%add3A_384] : memref<327680xi32, #tpu.memory_space<hbm>> -> memref<5120xi32, #tpu.memory_space<hbm>>
      tpu.wait_dma2 semaphore(%run_scoped3A : memref<!tpu.dma_semaphore, #tpu.memory_space<semaphore_mem>>) src(%dma_wait3A_515 : memref<5120xi32, #tpu.memory_space<hbm>>) dst(%arg7 : memref<5120xi32, #tpu.memory_space<vmem>>)
      tpu.yield
    }) : () -> ()
    "tpu.region"() ({
      %run_scoped3A = tpu.sem_alloc : memref<!tpu.dma_semaphore, #tpu.memory_space<semaphore_mem>>
      %dma_start3A_513 = tpu.memref_slice %arg4[%add3A_384] : memref<327680xi32, #tpu.memory_space<hbm>> -> memref<5120xi32, #tpu.memory_space<hbm>>
      %dma_start3A_514 = tpu.memref_slice %arg4[%add3A_384] : memref<327680xi32, #tpu.memory_space<hbm>> -> memref<5120xi32, #tpu.memory_space<hbm>>
      tpu.enqueue_dma source(%dma_start3A_514 : memref<5120xi32, #tpu.memory_space<hbm>>) target(%arg8 : memref<5120xi32, #tpu.memory_space<vmem>>) target_semaphore(%run_scoped3A : memref<!tpu.dma_semaphore, #tpu.memory_space<semaphore_mem>>)
      %dma_wait3A = tpu.memref_slice %arg4[%add3A_384] : memref<327680xi32, #tpu.memory_space<hbm>> -> memref<5120xi32, #tpu.memory_space<hbm>>
      %dma_wait3A_515 = tpu.memref_slice %arg4[%add3A_384] : memref<327680xi32, #tpu.memory_space<hbm>> -> memref<5120xi32, #tpu.memory_space<hbm>>
      tpu.wait_dma2 semaphore(%run_scoped3A : memref<!tpu.dma_semaphore, #tpu.memory_space<semaphore_mem>>) src(%dma_wait3A_515 : memref<5120xi32, #tpu.memory_space<hbm>>) dst(%arg8 : memref<5120xi32, #tpu.memory_space<vmem>>)
      tpu.yield
    }) : () -> ()
    %get3A_385 = arith.constant 0 : index
    %get3A_386 = tpu.vector_load %arg7[%get3A_385] {strides = array<i32>} : memref<5120xi32, #tpu.memory_space<vmem>>, vector<16xi32>,
    %get3A_387 = vector.shape_cast %get3A_386 : vector<16xi32> to vector<16xi32>
    %swap3A_388 = arith.constant 0 : index
    %swap3A_389 = tpu.vector_load %arg9[%swap3A_388] {strides = array<i32>} : memref<128xi32, #tpu.memory_space<vmem>>, vector<16xi32>,
    %swap3A_390 = vector.shape_cast %swap3A_389 : vector<16xi32> to vector<16xi32>
    %swap3A_391 = vector.shape_cast %get3A_387 : vector<16xi32> to vector<16xi32>
    tpu.vector_store %arg9[%swap3A_388], %swap3A_391 {strides = array<i32>} : memref<128xi32, #tpu.memory_space<vmem>>, vector<16xi32>,
    %get3A_392 = arith.constant 16 : index
    %get3A_393 = tpu.vector_load %arg7[%get3A_392] {strides = array<i32>} : memref<5120xi32, #tpu.memory_space<vmem>>, vector<16xi32>,
    %get3A_394 = vector.shape_cast %get3A_393 : vector<16xi32> to vector<16xi32>
    %swap3A_395 = arith.constant 16 : index
    %swap3A_396 = tpu.vector_load %arg9[%swap3A_395] {strides = array<i32>} : memref<128xi32, #tpu.memory_space<vmem>>, vector<16xi32>,
    %swap3A_397 = vector.shape_cast %swap3A_396 : vector<16xi32> to vector<16xi32>
    %swap3A_398 = vector.shape_cast %get3A_394 : vector<16xi32> to vector<16xi32>
    tpu.vector_store %arg9[%swap3A_395], %swap3A_398 {strides = array<i32>} : memref<128xi32, #tpu.memory_space<vmem>>, vector<16xi32>,
    %get3A_399 = arith.constant 32 : index
    %get3A_400 = tpu.vector_load %arg7[%get3A_399] {strides = array<i32>} : memref<5120xi32, #tpu.memory_space<vmem>>, vector<16xi32>,
    %get3A_401 = vector.shape_cast %get3A_400 : vector<16xi32> to vector<16xi32>
    %swap3A_402 = arith.constant 32 : index
    %swap3A_403 = tpu.vector_load %arg9[%swap3A_402] {strides = array<i32>} : memref<128xi32, #tpu.memory_space<vmem>>, vector<16xi32>,
    %swap3A_404 = vector.shape_cast %swap3A_403 : vector<16xi32> to vector<16xi32>
    %swap3A_405 = vector.shape_cast %get3A_401 : vector<16xi32> to vector<16xi32>
    tpu.vector_store %arg9[%swap3A_402], %swap3A_405 {strides = array<i32>} : memref<128xi32, #tpu.memory_space<vmem>>, vector<16xi32>,
    %get3A_406 = arith.constant 48 : index
    %get3A_407 = tpu.vector_load %arg7[%get3A_406] {strides = array<i32>} : memref<5120xi32, #tpu.memory_space<vmem>>, vector<16xi32>,
    %get3A_408 = vector.shape_cast %get3A_407 : vector<16xi32> to vector<16xi32>
    %swap3A_409 = arith.constant 48 : index
    %swap3A_410 = tpu.vector_load %arg9[%swap3A_409] {strides = array<i32>} : memref<128xi32, #tpu.memory_space<vmem>>, vector<16xi32>,
    %swap3A_411 = vector.shape_cast %swap3A_410 : vector<16xi32> to vector<16xi32>
    %swap3A_412 = vector.shape_cast %get3A_408 : vector<16xi32> to vector<16xi32>
    tpu.vector_store %arg9[%swap3A_409], %swap3A_412 {strides = array<i32>} : memref<128xi32, #tpu.memory_space<vmem>>, vector<16xi32>,
    %get3A_413 = arith.constant 64 : index
    %get3A_414 = tpu.vector_load %arg7[%get3A_413] {strides = array<i32>} : memref<5120xi32, #tpu.memory_space<vmem>>, vector<16xi32>,
    %get3A_415 = vector.shape_cast %get3A_414 : vector<16xi32> to vector<16xi32>
    %swap3A_416 = arith.constant 64 : index
    %swap3A_417 = tpu.vector_load %arg9[%swap3A_416] {strides = array<i32>} : memref<128xi32, #tpu.memory_space<vmem>>, vector<16xi32>,
    %swap3A_418 = vector.shape_cast %swap3A_417 : vector<16xi32> to vector<16xi32>
    %swap3A_419 = vector.shape_cast %get3A_415 : vector<16xi32> to vector<16xi32>
    tpu.vector_store %arg9[%swap3A_416], %swap3A_419 {strides = array<i32>} : memref<128xi32, #tpu.memory_space<vmem>>, vector<16xi32>,
    %get3A_420 = arith.constant 80 : index
    %get3A_421 = tpu.vector_load %arg7[%get3A_420] {strides = array<i32>} : memref<5120xi32, #tpu.memory_space<vmem>>, vector<16xi32>,
    %get3A_422 = vector.shape_cast %get3A_421 : vector<16xi32> to vector<16xi32>
    %swap3A_423 = arith.constant 80 : index
    %swap3A_424 = tpu.vector_load %arg9[%swap3A_423] {strides = array<i32>} : memref<128xi32, #tpu.memory_space<vmem>>, vector<16xi32>,
    %swap3A_425 = vector.shape_cast %swap3A_424 : vector<16xi32> to vector<16xi32>
    %swap3A_426 = vector.shape_cast %get3A_422 : vector<16xi32> to vector<16xi32>
    tpu.vector_store %arg9[%swap3A_423], %swap3A_426 {strides = array<i32>} : memref<128xi32, #tpu.memory_space<vmem>>, vector<16xi32>,
    %get3A_427 = arith.constant 96 : index
    %get3A_428 = tpu.vector_load %arg7[%get3A_427] {strides = array<i32>} : memref<5120xi32, #tpu.memory_space<vmem>>, vector<16xi32>,
    %get3A_429 = vector.shape_cast %get3A_428 : vector<16xi32> to vector<16xi32>
    %swap3A_430 = arith.constant 96 : index
    %swap3A_431 = tpu.vector_load %arg9[%swap3A_430] {strides = array<i32>} : memref<128xi32, #tpu.memory_space<vmem>>, vector<16xi32>,
    %swap3A_432 = vector.shape_cast %swap3A_431 : vector<16xi32> to vector<16xi32>
    %swap3A_433 = vector.shape_cast %get3A_429 : vector<16xi32> to vector<16xi32>
    tpu.vector_store %arg9[%swap3A_430], %swap3A_433 {strides = array<i32>} : memref<128xi32, #tpu.memory_space<vmem>>, vector<16xi32>,
    %get3A_434 = arith.constant 112 : index
    %get3A_435 = tpu.vector_load %arg7[%get3A_434] {strides = array<i32>} : memref<5120xi32, #tpu.memory_space<vmem>>, vector<16xi32>,
    %get3A_436 = vector.shape_cast %get3A_435 : vector<16xi32> to vector<16xi32>
    %swap3A_437 = arith.constant 112 : index
    %swap3A_438 = tpu.vector_load %arg9[%swap3A_437] {strides = array<i32>} : memref<128xi32, #tpu.memory_space<vmem>>, vector<16xi32>,
    %swap3A_439 = vector.shape_cast %swap3A_438 : vector<16xi32> to vector<16xi32>
    %swap3A_440 = vector.shape_cast %get3A_436 : vector<16xi32> to vector<16xi32>
    tpu.vector_store %arg9[%swap3A_437], %swap3A_440 {strides = array<i32>} : memref<128xi32, #tpu.memory_space<vmem>>, vector<16xi32>,
    %dma_start3A_441 = arith.constant 0 : i32
    %dma_start3A_442 = arith.constant 0 : i32
    %dma_start3A_443 = tpu.memref_slice %arg16[%dma_start3A_441, %dma_start3A_442] : memref<10000x64xf32, #tpu.memory_space<vmem_shared>> -> memref<10000x64xf32, #tpu.memory_space<vmem_shared>>
    tpu.enqueue_indirect_dma source(%dma_start3A_443 : memref<10000x64xf32, #tpu.memory_space<vmem_shared>>) target(%arg13 : memref<128x64xf32, #tpu.memory_space<vmem>>) offsets(%arg9 : memref<128xi32, #tpu.memory_space<vmem>>) semaphore(%arg17 : memref<!tpu.dma_semaphore, #tpu.memory_space<semaphore_mem>>)
    %get3A_444 = arith.constant 128 : index
    %get3A_445 = tpu.vector_load %arg7[%get3A_444] {strides = array<i32>} : memref<5120xi32, #tpu.memory_space<vmem>>, vector<16xi32>,
    %get3A_446 = vector.shape_cast %get3A_445 : vector<16xi32> to vector<16xi32>
    %swap3A_447 = arith.constant 0 : index
    %swap3A_448 = tpu.vector_load %arg10[%swap3A_447] {strides = array<i32>} : memref<128xi32, #tpu.memory_space<vmem>>, vector<16xi32>,
    %swap3A_449 = vector.shape_cast %swap3A_448 : vector<16xi32> to vector<16xi32>
    %swap3A_450 = vector.shape_cast %get3A_446 : vector<16xi32> to vector<16xi32>
    tpu.vector_store %arg10[%swap3A_447], %swap3A_450 {strides = array<i32>} : memref<128xi32, #tpu.memory_space<vmem>>, vector<16xi32>,
    %get3A_451 = arith.constant 144 : index
    %get3A_452 = tpu.vector_load %arg7[%get3A_451] {strides = array<i32>} : memref<5120xi32, #tpu.memory_space<vmem>>, vector<16xi32>,
    %get3A_453 = vector.shape_cast %get3A_452 : vector<16xi32> to vector<16xi32>
    %swap3A_454 = arith.constant 16 : index
    %swap3A_455 = tpu.vector_load %arg10[%swap3A_454] {strides = array<i32>} : memref<128xi32, #tpu.memory_space<vmem>>, vector<16xi32>,
    %swap3A_456 = vector.shape_cast %swap3A_455 : vector<16xi32> to vector<16xi32>
    %swap3A_457 = vector.shape_cast %get3A_453 : vector<16xi32> to vector<16xi32>
    tpu.vector_store %arg10[%swap3A_454], %swap3A_457 {strides = array<i32>} : memref<128xi32, #tpu.memory_space<vmem>>, vector<16xi32>,
    %get3A_458 = arith.constant 160 : index
    %get3A_459 = tpu.vector_load %arg7[%get3A_458] {strides = array<i32>} : memref<5120xi32, #tpu.memory_space<vmem>>, vector<16xi32>,
    %get3A_460 = vector.shape_cast %get3A_459 : vector<16xi32> to vector<16xi32>
    %swap3A_461 = arith.constant 32 : index
    %swap3A_462 = tpu.vector_load %arg10[%swap3A_461] {strides = array<i32>} : memref<128xi32, #tpu.memory_space<vmem>>, vector<16xi32>,
    %swap3A_463 = vector.shape_cast %swap3A_462 : vector<16xi32> to vector<16xi32>
    %swap3A_464 = vector.shape_cast %get3A_460 : vector<16xi32> to vector<16xi32>
    tpu.vector_store %arg10[%swap3A_461], %swap3A_464 {strides = array<i32>} : memref<128xi32, #tpu.memory_space<vmem>>, vector<16xi32>,
    %get3A_465 = arith.constant 176 : index
    %get3A_466 = tpu.vector_load %arg7[%get3A_465] {strides = array<i32>} : memref<5120xi32, #tpu.memory_space<vmem>>, vector<16xi32>,
    %get3A_467 = vector.shape_cast %get3A_466 : vector<16xi32> to vector<16xi32>
    %swap3A_468 = arith.constant 48 : index
    %swap3A_469 = tpu.vector_load %arg10[%swap3A_468] {strides = array<i32>} : memref<128xi32, #tpu.memory_space<vmem>>, vector<16xi32>,
    %swap3A_470 = vector.shape_cast %swap3A_469 : vector<16xi32> to vector<16xi32>
    %swap3A_471 = vector.shape_cast %get3A_467 : vector<16xi32> to vector<16xi32>
    tpu.vector_store %arg10[%swap3A_468], %swap3A_471 {strides = array<i32>} : memref<128xi32, #tpu.memory_space<vmem>>, vector<16xi32>,
    %get3A_472 = arith.constant 192 : index
    %get3A_473 = tpu.vector_load %arg7[%get3A_472] {strides = array<i32>} : memref<5120xi32, #tpu.memory_space<vmem>>, vector<16xi32>,
    %get3A_474 = vector.shape_cast %get3A_473 : vector<16xi32> to vector<16xi32>
    %swap3A_475 = arith.constant 64 : index
    %swap3A_476 = tpu.vector_load %arg10[%swap3A_475] {strides = array<i32>} : memref<128xi32, #tpu.memory_space<vmem>>, vector<16xi32>,
    %swap3A_477 = vector.shape_cast %swap3A_476 : vector<16xi32> to vector<16xi32>
    %swap3A_478 = vector.shape_cast %get3A_474 : vector<16xi32> to vector<16xi32>
    tpu.vector_store %arg10[%swap3A_475], %swap3A_478 {strides = array<i32>} : memref<128xi32, #tpu.memory_space<vmem>>, vector<16xi32>,
    %get3A_479 = arith.constant 208 : index
    %get3A_480 = tpu.vector_load %arg7[%get3A_479] {strides = array<i32>} : memref<5120xi32, #tpu.memory_space<vmem>>, vector<16xi32>,
    %get3A_481 = vector.shape_cast %get3A_480 : vector<16xi32> to vector<16xi32>
    %swap3A_482 = arith.constant 80 : index
    %swap3A_483 = tpu.vector_load %arg10[%swap3A_482] {strides = array<i32>} : memref<128xi32, #tpu.memory_space<vmem>>, vector<16xi32>,
    %swap3A_484 = vector.shape_cast %swap3A_483 : vector<16xi32> to vector<16xi32>
    %swap3A_485 = vector.shape_cast %get3A_481 : vector<16xi32> to vector<16xi32>
    tpu.vector_store %arg10[%swap3A_482], %swap3A_485 {strides = array<i32>} : memref<128xi32, #tpu.memory_space<vmem>>, vector<16xi32>,
    %get3A_486 = arith.constant 224 : index
    %get3A_487 = tpu.vector_load %arg7[%get3A_486] {strides = array<i32>} : memref<5120xi32, #tpu.memory_space<vmem>>, vector<16xi32>,
    %get3A_488 = vector.shape_cast %get3A_487 : vector<16xi32> to vector<16xi32>
    %swap3A_489 = arith.constant 96 : index
    %swap3A_490 = tpu.vector_load %arg10[%swap3A_489] {strides = array<i32>} : memref<128xi32, #tpu.memory_space<vmem>>, vector<16xi32>,
    %swap3A_491 = vector.shape_cast %swap3A_490 : vector<16xi32> to vector<16xi32>
    %swap3A_492 = vector.shape_cast %get3A_488 : vector<16xi32> to vector<16xi32>
    tpu.vector_store %arg10[%swap3A_489], %swap3A_492 {strides = array<i32>} : memref<128xi32, #tpu.memory_space<vmem>>, vector<16xi32>,
    %get3A_493 = arith.constant 240 : index
    %get3A_494 = tpu.vector_load %arg7[%get3A_493] {strides = array<i32>} : memref<5120xi32, #tpu.memory_space<vmem>>, vector<16xi32>,
    %get3A_495 = vector.shape_cast %get3A_494 : vector<16xi32> to vector<16xi32>
    %swap3A_496 = arith.constant 112 : index
    %swap3A_497 = tpu.vector_load %arg10[%swap3A_496] {strides = array<i32>} : memref<128xi32, #tpu.memory_space<vmem>>, vector<16xi32>,
    %swap3A_498 = vector.shape_cast %swap3A_497 : vector<16xi32> to vector<16xi32>
    %swap3A_499 = vector.shape_cast %get3A_495 : vector<16xi32> to vector<16xi32>
    tpu.vector_store %arg10[%swap3A_496], %swap3A_499 {strides = array<i32>} : memref<128xi32, #tpu.memory_space<vmem>>, vector<16xi32>,
    %dma_start3A_500 = arith.constant 0 : i32
    %dma_start3A_501 = arith.constant 0 : i32
    %dma_start3A_502 = tpu.memref_slice %arg16[%dma_start3A_500, %dma_start3A_501] : memref<10000x64xf32, #tpu.memory_space<vmem_shared>> -> memref<10000x64xf32, #tpu.memory_space<vmem_shared>>
    tpu.enqueue_indirect_dma source(%dma_start3A_502 : memref<10000x64xf32, #tpu.memory_space<vmem_shared>>) target(%arg14 : memref<128x64xf32, #tpu.memory_space<vmem>>) offsets(%arg10 : memref<128xi32, #tpu.memory_space<vmem>>) semaphore(%arg18 : memref<!tpu.dma_semaphore, #tpu.memory_space<semaphore_mem>>)
    %scan3A_503 = arith.constant 0 : i32
    %scan3A_504 = arith.constant 20 : i32
    %scan3A_505 = arith.addi %scan3A_503, %scan3A_504 : i32
    %scan3A_506 = arith.constant 1 : i32
    scf.for %scan3A_513 = %scan3A_503 to %scan3A_505 step %scan3A_506  : i32 {
      %mul3A_514 = arith.constant 2 : i32
      %mul3A_515 = arith.muli %scan3A_513, %mul3A_514 : i32
      %add3A_516 = arith.constant 0 : i32
      %add3A_517 = arith.addi %add3A_516, %mul3A_515 : i32
      %dma_wait3A = arith.constant 0 : i32
      %dma_wait3A_518 = arith.constant 0 : i32
      %dma_wait3A_519 = tpu.memref_slice %arg16[%dma_wait3A, %dma_wait3A_518] : memref<10000x64xf32, #tpu.memory_space<vmem_shared>> -> memref<10000x64xf32, #tpu.memory_space<vmem_shared>>
      tpu.wait_indirect_dma semaphore(%arg17 : memref<!tpu.dma_semaphore, #tpu.memory_space<semaphore_mem>>) src(%dma_wait3A_519 : memref<10000x64xf32, #tpu.memory_space<vmem_shared>>) dst(%arg13 : memref<128x64xf32, #tpu.memory_space<vmem>>)
      %mul3A_520 = arith.constant 128 : i32
      %mul3A_521 = arith.muli %add3A_517, %mul3A_520 : i32
      %add3A_522 = arith.constant 0 : i32
      %add3A_523 = arith.addi %mul3A_521, %add3A_522 : i32
      %get3A_524 = arith.index_cast %add3A_523 : i32 to index
      %get3A_525 = tpu.vector_load %arg8[%get3A_524] {strides = array<i32>} : memref<5120xi32, #tpu.memory_space<vmem>>, vector<16xi32>,
      %get3A_526 = vector.shape_cast %get3A_525 : vector<16xi32> to vector<16xi32>
      %swap3A_527 = arith.constant 0 : index
      %swap3A_528 = tpu.vector_load %arg11[%swap3A_527] {strides = array<i32>} : memref<128xi32, #tpu.memory_space<vmem>>, vector<16xi32>,
      %swap3A_529 = vector.shape_cast %swap3A_528 : vector<16xi32> to vector<16xi32>
      %swap3A_530 = vector.shape_cast %get3A_526 : vector<16xi32> to vector<16xi32>
      tpu.vector_store %arg11[%swap3A_527], %swap3A_530 {strides = array<i32>} : memref<128xi32, #tpu.memory_space<vmem>>, vector<16xi32>,
      %mul3A_531 = arith.constant 128 : i32
      %mul3A_532 = arith.muli %add3A_517, %mul3A_531 : i32
      %add3A_533 = arith.constant 16 : i32
      %add3A_534 = arith.addi %mul3A_532, %add3A_533 : i32
      %get3A_535 = arith.index_cast %add3A_534 : i32 to index
      %get3A_536 = tpu.vector_load %arg8[%get3A_535] {strides = array<i32>} : memref<5120xi32, #tpu.memory_space<vmem>>, vector<16xi32>,
      %get3A_537 = vector.shape_cast %get3A_536 : vector<16xi32> to vector<16xi32>
      %swap3A_538 = arith.constant 16 : index
      %swap3A_539 = tpu.vector_load %arg11[%swap3A_538] {strides = array<i32>} : memref<128xi32, #tpu.memory_space<vmem>>, vector<16xi32>,
      %swap3A_540 = vector.shape_cast %swap3A_539 : vector<16xi32> to vector<16xi32>
      %swap3A_541 = vector.shape_cast %get3A_537 : vector<16xi32> to vector<16xi32>
      tpu.vector_store %arg11[%swap3A_538], %swap3A_541 {strides = array<i32>} : memref<128xi32, #tpu.memory_space<vmem>>, vector<16xi32>,
      %mul3A_542 = arith.constant 128 : i32
      %mul3A_543 = arith.muli %add3A_517, %mul3A_542 : i32
      %add3A_544 = arith.constant 32 : i32
      %add3A_545 = arith.addi %mul3A_543, %add3A_544 : i32
      %get3A_546 = arith.index_cast %add3A_545 : i32 to index
      %get3A_547 = tpu.vector_load %arg8[%get3A_546] {strides = array<i32>} : memref<5120xi32, #tpu.memory_space<vmem>>, vector<16xi32>,
      %get3A_548 = vector.shape_cast %get3A_547 : vector<16xi32> to vector<16xi32>
      %swap3A_549 = arith.constant 32 : index
      %swap3A_550 = tpu.vector_load %arg11[%swap3A_549] {strides = array<i32>} : memref<128xi32, #tpu.memory_space<vmem>>, vector<16xi32>,
      %swap3A_551 = vector.shape_cast %swap3A_550 : vector<16xi32> to vector<16xi32>
      %swap3A_552 = vector.shape_cast %get3A_548 : vector<16xi32> to vector<16xi32>
      tpu.vector_store %arg11[%swap3A_549], %swap3A_552 {strides = array<i32>} : memref<128xi32, #tpu.memory_space<vmem>>, vector<16xi32>,
      %mul3A_553 = arith.constant 128 : i32
      %mul3A_554 = arith.muli %add3A_517, %mul3A_553 : i32
      %add3A_555 = arith.constant 48 : i32
      %add3A_556 = arith.addi %mul3A_554, %add3A_555 : i32
      %get3A_557 = arith.index_cast %add3A_556 : i32 to index
      %get3A_558 = tpu.vector_load %arg8[%get3A_557] {strides = array<i32>} : memref<5120xi32, #tpu.memory_space<vmem>>, vector<16xi32>,
      %get3A_559 = vector.shape_cast %get3A_558 : vector<16xi32> to vector<16xi32>
      %swap3A_560 = arith.constant 48 : index
      %swap3A_561 = tpu.vector_load %arg11[%swap3A_560] {strides = array<i32>} : memref<128xi32, #tpu.memory_space<vmem>>, vector<16xi32>,
      %swap3A_562 = vector.shape_cast %swap3A_561 : vector<16xi32> to vector<16xi32>
      %swap3A_563 = vector.shape_cast %get3A_559 : vector<16xi32> to vector<16xi32>
      tpu.vector_store %arg11[%swap3A_560], %swap3A_563 {strides = array<i32>} : memref<128xi32, #tpu.memory_space<vmem>>, vector<16xi32>,
      %mul3A_564 = arith.constant 128 : i32
      %mul3A_565 = arith.muli %add3A_517, %mul3A_564 : i32
      %add3A_566 = arith.constant 64 : i32
      %add3A_567 = arith.addi %mul3A_565, %add3A_566 : i32
      %get3A_568 = arith.index_cast %add3A_567 : i32 to index
      %get3A_569 = tpu.vector_load %arg8[%get3A_568] {strides = array<i32>} : memref<5120xi32, #tpu.memory_space<vmem>>, vector<16xi32>,
      %get3A_570 = vector.shape_cast %get3A_569 : vector<16xi32> to vector<16xi32>
      %swap3A_571 = arith.constant 64 : index
      %swap3A_572 = tpu.vector_load %arg11[%swap3A_571] {strides = array<i32>} : memref<128xi32, #tpu.memory_space<vmem>>, vector<16xi32>,
      %swap3A_573 = vector.shape_cast %swap3A_572 : vector<16xi32> to vector<16xi32>
      %swap3A_574 = vector.shape_cast %get3A_570 : vector<16xi32> to vector<16xi32>
      tpu.vector_store %arg11[%swap3A_571], %swap3A_574 {strides = array<i32>} : memref<128xi32, #tpu.memory_space<vmem>>, vector<16xi32>,
      %mul3A_575 = arith.constant 128 : i32
      %mul3A_576 = arith.muli %add3A_517, %mul3A_575 : i32
      %add3A_577 = arith.constant 80 : i32
      %add3A_578 = arith.addi %mul3A_576, %add3A_577 : i32
      %get3A_579 = arith.index_cast %add3A_578 : i32 to index
      %get3A_580 = tpu.vector_load %arg8[%get3A_579] {strides = array<i32>} : memref<5120xi32, #tpu.memory_space<vmem>>, vector<16xi32>,
      %get3A_581 = vector.shape_cast %get3A_580 : vector<16xi32> to vector<16xi32>
      %swap3A_582 = arith.constant 80 : index
      %swap3A_583 = tpu.vector_load %arg11[%swap3A_582] {strides = array<i32>} : memref<128xi32, #tpu.memory_space<vmem>>, vector<16xi32>,
      %swap3A_584 = vector.shape_cast %swap3A_583 : vector<16xi32> to vector<16xi32>
      %swap3A_585 = vector.shape_cast %get3A_581 : vector<16xi32> to vector<16xi32>
      tpu.vector_store %arg11[%swap3A_582], %swap3A_585 {strides = array<i32>} : memref<128xi32, #tpu.memory_space<vmem>>, vector<16xi32>,
      %mul3A_586 = arith.constant 128 : i32
      %mul3A_587 = arith.muli %add3A_517, %mul3A_586 : i32
      %add3A_588 = arith.constant 96 : i32
      %add3A_589 = arith.addi %mul3A_587, %add3A_588 : i32
      %get3A_590 = arith.index_cast %add3A_589 : i32 to index
      %get3A_591 = tpu.vector_load %arg8[%get3A_590] {strides = array<i32>} : memref<5120xi32, #tpu.memory_space<vmem>>, vector<16xi32>,
      %get3A_592 = vector.shape_cast %get3A_591 : vector<16xi32> to vector<16xi32>
      %swap3A_593 = arith.constant 96 : index
      %swap3A_594 = tpu.vector_load %arg11[%swap3A_593] {strides = array<i32>} : memref<128xi32, #tpu.memory_space<vmem>>, vector<16xi32>,
      %swap3A_595 = vector.shape_cast %swap3A_594 : vector<16xi32> to vector<16xi32>
      %swap3A_596 = vector.shape_cast %get3A_592 : vector<16xi32> to vector<16xi32>
      tpu.vector_store %arg11[%swap3A_593], %swap3A_596 {strides = array<i32>} : memref<128xi32, #tpu.memory_space<vmem>>, vector<16xi32>,
      %mul3A_597 = arith.constant 128 : i32
      %mul3A_598 = arith.muli %add3A_517, %mul3A_597 : i32
      %add3A_599 = arith.constant 112 : i32
      %add3A_600 = arith.addi %mul3A_598, %add3A_599 : i32
      %get3A_601 = arith.index_cast %add3A_600 : i32 to index
      %get3A_602 = tpu.vector_load %arg8[%get3A_601] {strides = array<i32>} : memref<5120xi32, #tpu.memory_space<vmem>>, vector<16xi32>,
      %get3A_603 = vector.shape_cast %get3A_602 : vector<16xi32> to vector<16xi32>
      %swap3A_604 = arith.constant 112 : index
      %swap3A_605 = tpu.vector_load %arg11[%swap3A_604] {strides = array<i32>} : memref<128xi32, #tpu.memory_space<vmem>>, vector<16xi32>,
      %swap3A_606 = vector.shape_cast %swap3A_605 : vector<16xi32> to vector<16xi32>
      %swap3A_607 = vector.shape_cast %get3A_603 : vector<16xi32> to vector<16xi32>
      tpu.vector_store %arg11[%swap3A_604], %swap3A_607 {strides = array<i32>} : memref<128xi32, #tpu.memory_space<vmem>>, vector<16xi32>,
      "tpu.region"() ({
        %run_scoped3A = tpu.sem_alloc : memref<!tpu.dma_semaphore, #tpu.memory_space<semaphore_mem>>
        %dma_start3A_712 = arith.constant 0 : i32
        %dma_start3A_713 = arith.constant 0 : i32
        %dma_start3A_714 = tpu.memref_slice %arg15[%dma_start3A_712, %dma_start3A_713] : memref<10240x64xf32, #tpu.memory_space<vmem_shared>> -> memref<10240x64xf32, #tpu.memory_space<vmem_shared>>
        tpu.enqueue_indirect_dma source(%arg13 : memref<128x64xf32, #tpu.memory_space<vmem>>) target(%dma_start3A_714 : memref<10240x64xf32, #tpu.memory_space<vmem_shared>>) offsets(%arg11 : memref<128xi32, #tpu.memory_space<vmem>>) semaphore(%run_scoped3A : memref<!tpu.dma_semaphore, #tpu.memory_space<semaphore_mem>>) {add = true}
        %dma_wait3A_715 = arith.constant 0 : i32
        %dma_wait3A_716 = arith.constant 0 : i32
        %dma_wait3A_717 = tpu.memref_slice %arg15[%dma_wait3A_715, %dma_wait3A_716] : memref<10240x64xf32, #tpu.memory_space<vmem_shared>> -> memref<10240x64xf32, #tpu.memory_space<vmem_shared>>
        tpu.wait_indirect_dma semaphore(%run_scoped3A : memref<!tpu.dma_semaphore, #tpu.memory_space<semaphore_mem>>) src(%arg13 : memref<128x64xf32, #tpu.memory_space<vmem>>) dst(%dma_wait3A_717 : memref<10240x64xf32, #tpu.memory_space<vmem_shared>>)
        tpu.yield
      }) : () -> ()
      %add3A_608 = arith.constant 2 : i32
      %add3A_609 = arith.addi %add3A_517, %add3A_608 : i32
      %lt3A = arith.constant 40 : i32
      %lt3A_610 = arith.cmpi slt, %add3A_609, %lt3A : i32
      %convert_element_type3A = arith.extui %lt3A_610 : i1 to i32
      %cond3A = arith.constant 0 : i32
      %cond3A_611 = arith.cmpi ne, %convert_element_type3A, %cond3A : i32
      scf.if %cond3A_611 {
        %add3A_712 = arith.constant 2 : i32
        %add3A_713 = arith.addi %add3A_517, %add3A_712 : i32
        %mul3A_714 = arith.constant 128 : i32
        %mul3A_715 = arith.muli %add3A_713, %mul3A_714 : i32
        %add3A_716 = arith.constant 0 : i32
        %add3A_717 = arith.addi %mul3A_715, %add3A_716 : i32
        %get3A_718 = arith.index_cast %add3A_717 : i32 to index
        %get3A_719 = tpu.vector_load %arg7[%get3A_718] {strides = array<i32>} : memref<5120xi32, #tpu.memory_space<vmem>>, vector<16xi32>,
        %get3A_720 = vector.shape_cast %get3A_719 : vector<16xi32> to vector<16xi32>
        %swap3A_721 = arith.constant 0 : index
        %swap3A_722 = tpu.vector_load %arg9[%swap3A_721] {strides = array<i32>} : memref<128xi32, #tpu.memory_space<vmem>>, vector<16xi32>,
        %swap3A_723 = vector.shape_cast %swap3A_722 : vector<16xi32> to vector<16xi32>
        %swap3A_724 = vector.shape_cast %get3A_720 : vector<16xi32> to vector<16xi32>
        tpu.vector_store %arg9[%swap3A_721], %swap3A_724 {strides = array<i32>} : memref<128xi32, #tpu.memory_space<vmem>>, vector<16xi32>,
        %mul3A_725 = arith.constant 128 : i32
        %mul3A_726 = arith.muli %add3A_713, %mul3A_725 : i32
        %add3A_727 = arith.constant 16 : i32
        %add3A_728 = arith.addi %mul3A_726, %add3A_727 : i32
        %get3A_729 = arith.index_cast %add3A_728 : i32 to index
        %get3A_730 = tpu.vector_load %arg7[%get3A_729] {strides = array<i32>} : memref<5120xi32, #tpu.memory_space<vmem>>, vector<16xi32>,
        %get3A_731 = vector.shape_cast %get3A_730 : vector<16xi32> to vector<16xi32>
        %swap3A_732 = arith.constant 16 : index
        %swap3A_733 = tpu.vector_load %arg9[%swap3A_732] {strides = array<i32>} : memref<128xi32, #tpu.memory_space<vmem>>, vector<16xi32>,
        %swap3A_734 = vector.shape_cast %swap3A_733 : vector<16xi32> to vector<16xi32>
        %swap3A_735 = vector.shape_cast %get3A_731 : vector<16xi32> to vector<16xi32>
        tpu.vector_store %arg9[%swap3A_732], %swap3A_735 {strides = array<i32>} : memref<128xi32, #tpu.memory_space<vmem>>, vector<16xi32>,
        %mul3A_736 = arith.constant 128 : i32
        %mul3A_737 = arith.muli %add3A_713, %mul3A_736 : i32
        %add3A_738 = arith.constant 32 : i32
        %add3A_739 = arith.addi %mul3A_737, %add3A_738 : i32
        %get3A_740 = arith.index_cast %add3A_739 : i32 to index
        %get3A_741 = tpu.vector_load %arg7[%get3A_740] {strides = array<i32>} : memref<5120xi32, #tpu.memory_space<vmem>>, vector<16xi32>,
        %get3A_742 = vector.shape_cast %get3A_741 : vector<16xi32> to vector<16xi32>
        %swap3A_743 = arith.constant 32 : index
        %swap3A_744 = tpu.vector_load %arg9[%swap3A_743] {strides = array<i32>} : memref<128xi32, #tpu.memory_space<vmem>>, vector<16xi32>,
        %swap3A_745 = vector.shape_cast %swap3A_744 : vector<16xi32> to vector<16xi32>
        %swap3A_746 = vector.shape_cast %get3A_742 : vector<16xi32> to vector<16xi32>
        tpu.vector_store %arg9[%swap3A_743], %swap3A_746 {strides = array<i32>} : memref<128xi32, #tpu.memory_space<vmem>>, vector<16xi32>,
        %mul3A_747 = arith.constant 128 : i32
        %mul3A_748 = arith.muli %add3A_713, %mul3A_747 : i32
        %add3A_749 = arith.constant 48 : i32
        %add3A_750 = arith.addi %mul3A_748, %add3A_749 : i32
        %get3A_751 = arith.index_cast %add3A_750 : i32 to index
        %get3A_752 = tpu.vector_load %arg7[%get3A_751] {strides = array<i32>} : memref<5120xi32, #tpu.memory_space<vmem>>, vector<16xi32>,
        %get3A_753 = vector.shape_cast %get3A_752 : vector<16xi32> to vector<16xi32>
        %swap3A_754 = arith.constant 48 : index
        %swap3A_755 = tpu.vector_load %arg9[%swap3A_754] {strides = array<i32>} : memref<128xi32, #tpu.memory_space<vmem>>, vector<16xi32>,
        %swap3A_756 = vector.shape_cast %swap3A_755 : vector<16xi32> to vector<16xi32>
        %swap3A_757 = vector.shape_cast %get3A_753 : vector<16xi32> to vector<16xi32>
        tpu.vector_store %arg9[%swap3A_754], %swap3A_757 {strides = array<i32>} : memref<128xi32, #tpu.memory_space<vmem>>, vector<16xi32>,
        %mul3A_758 = arith.constant 128 : i32
        %mul3A_759 = arith.muli %add3A_713, %mul3A_758 : i32
        %add3A_760 = arith.constant 64 : i32
        %add3A_761 = arith.addi %mul3A_759, %add3A_760 : i32
        %get3A_762 = arith.index_cast %add3A_761 : i32 to index
        %get3A_763 = tpu.vector_load %arg7[%get3A_762] {strides = array<i32>} : memref<5120xi32, #tpu.memory_space<vmem>>, vector<16xi32>,
        %get3A_764 = vector.shape_cast %get3A_763 : vector<16xi32> to vector<16xi32>
        %swap3A_765 = arith.constant 64 : index
        %swap3A_766 = tpu.vector_load %arg9[%swap3A_765] {strides = array<i32>} : memref<128xi32, #tpu.memory_space<vmem>>, vector<16xi32>,
        %swap3A_767 = vector.shape_cast %swap3A_766 : vector<16xi32> to vector<16xi32>
        %swap3A_768 = vector.shape_cast %get3A_764 : vector<16xi32> to vector<16xi32>
        tpu.vector_store %arg9[%swap3A_765], %swap3A_768 {strides = array<i32>} : memref<128xi32, #tpu.memory_space<vmem>>, vector<16xi32>,
        %mul3A_769 = arith.constant 128 : i32
        %mul3A_770 = arith.muli %add3A_713, %mul3A_769 : i32
        %add3A_771 = arith.constant 80 : i32
        %add3A_772 = arith.addi %mul3A_770, %add3A_771 : i32
        %get3A_773 = arith.index_cast %add3A_772 : i32 to index
        %get3A_774 = tpu.vector_load %arg7[%get3A_773] {strides = array<i32>} : memref<5120xi32, #tpu.memory_space<vmem>>, vector<16xi32>,
        %get3A_775 = vector.shape_cast %get3A_774 : vector<16xi32> to vector<16xi32>
        %swap3A_776 = arith.constant 80 : index
        %swap3A_777 = tpu.vector_load %arg9[%swap3A_776] {strides = array<i32>} : memref<128xi32, #tpu.memory_space<vmem>>, vector<16xi32>,
        %swap3A_778 = vector.shape_cast %swap3A_777 : vector<16xi32> to vector<16xi32>
        %swap3A_779 = vector.shape_cast %get3A_775 : vector<16xi32> to vector<16xi32>
        tpu.vector_store %arg9[%swap3A_776], %swap3A_779 {strides = array<i32>} : memref<128xi32, #tpu.memory_space<vmem>>, vector<16xi32>,
        %mul3A_780 = arith.constant 128 : i32
        %mul3A_781 = arith.muli %add3A_713, %mul3A_780 : i32
        %add3A_782 = arith.constant 96 : i32
        %add3A_783 = arith.addi %mul3A_781, %add3A_782 : i32
        %get3A_784 = arith.index_cast %add3A_783 : i32 to index
        %get3A_785 = tpu.vector_load %arg7[%get3A_784] {strides = array<i32>} : memref<5120xi32, #tpu.memory_space<vmem>>, vector<16xi32>,
        %get3A_786 = vector.shape_cast %get3A_785 : vector<16xi32> to vector<16xi32>
        %swap3A_787 = arith.constant 96 : index
        %swap3A_788 = tpu.vector_load %arg9[%swap3A_787] {strides = array<i32>} : memref<128xi32, #tpu.memory_space<vmem>>, vector<16xi32>,
        %swap3A_789 = vector.shape_cast %swap3A_788 : vector<16xi32> to vector<16xi32>
        %swap3A_790 = vector.shape_cast %get3A_786 : vector<16xi32> to vector<16xi32>
        tpu.vector_store %arg9[%swap3A_787], %swap3A_790 {strides = array<i32>} : memref<128xi32, #tpu.memory_space<vmem>>, vector<16xi32>,
        %mul3A_791 = arith.constant 128 : i32
        %mul3A_792 = arith.muli %add3A_713, %mul3A_791 : i32
        %add3A_793 = arith.constant 112 : i32
        %add3A_794 = arith.addi %mul3A_792, %add3A_793 : i32
        %get3A_795 = arith.index_cast %add3A_794 : i32 to index
        %get3A_796 = tpu.vector_load %arg7[%get3A_795] {strides = array<i32>} : memref<5120xi32, #tpu.memory_space<vmem>>, vector<16xi32>,
        %get3A_797 = vector.shape_cast %get3A_796 : vector<16xi32> to vector<16xi32>
        %swap3A_798 = arith.constant 112 : index
        %swap3A_799 = tpu.vector_load %arg9[%swap3A_798] {strides = array<i32>} : memref<128xi32, #tpu.memory_space<vmem>>, vector<16xi32>,
        %swap3A_800 = vector.shape_cast %swap3A_799 : vector<16xi32> to vector<16xi32>
        %swap3A_801 = vector.shape_cast %get3A_797 : vector<16xi32> to vector<16xi32>
        tpu.vector_store %arg9[%swap3A_798], %swap3A_801 {strides = array<i32>} : memref<128xi32, #tpu.memory_space<vmem>>, vector<16xi32>,
        %dma_start3A_802 = arith.constant 0 : i32
        %dma_start3A_803 = arith.constant 0 : i32
        %dma_start3A_804 = tpu.memref_slice %arg16[%dma_start3A_802, %dma_start3A_803] : memref<10000x64xf32, #tpu.memory_space<vmem_shared>> -> memref<10000x64xf32, #tpu.memory_space<vmem_shared>>
        tpu.enqueue_indirect_dma source(%dma_start3A_804 : memref<10000x64xf32, #tpu.memory_space<vmem_shared>>) target(%arg13 : memref<128x64xf32, #tpu.memory_space<vmem>>) offsets(%arg9 : memref<128xi32, #tpu.memory_space<vmem>>) semaphore(%arg17 : memref<!tpu.dma_semaphore, #tpu.memory_space<semaphore_mem>>)
      } else {
      }
      %dma_wait3A_612 = arith.constant 0 : i32
      %dma_wait3A_613 = arith.constant 0 : i32
      %dma_wait3A_614 = tpu.memref_slice %arg16[%dma_wait3A_612, %dma_wait3A_613] : memref<10000x64xf32, #tpu.memory_space<vmem_shared>> -> memref<10000x64xf32, #tpu.memory_space<vmem_shared>>
      tpu.wait_indirect_dma semaphore(%arg18 : memref<!tpu.dma_semaphore, #tpu.memory_space<semaphore_mem>>) src(%dma_wait3A_614 : memref<10000x64xf32, #tpu.memory_space<vmem_shared>>) dst(%arg14 : memref<128x64xf32, #tpu.memory_space<vmem>>)
      %add3A_615 = arith.constant 1 : i32
      %add3A_616 = arith.addi %add3A_517, %add3A_615 : i32
      %mul3A_617 = arith.constant 128 : i32
      %mul3A_618 = arith.muli %add3A_616, %mul3A_617 : i32
      %add3A_619 = arith.constant 0 : i32
      %add3A_620 = arith.addi %mul3A_618, %add3A_619 : i32
      %get3A_621 = arith.index_cast %add3A_620 : i32 to index
      %get3A_622 = tpu.vector_load %arg8[%get3A_621] {strides = array<i32>} : memref<5120xi32, #tpu.memory_space<vmem>>, vector<16xi32>,
      %get3A_623 = vector.shape_cast %get3A_622 : vector<16xi32> to vector<16xi32>
      %swap3A_624 = arith.constant 0 : index
      %swap3A_625 = tpu.vector_load %arg12[%swap3A_624] {strides = array<i32>} : memref<128xi32, #tpu.memory_space<vmem>>, vector<16xi32>,
      %swap3A_626 = vector.shape_cast %swap3A_625 : vector<16xi32> to vector<16xi32>
      %swap3A_627 = vector.shape_cast %get3A_623 : vector<16xi32> to vector<16xi32>
      tpu.vector_store %arg12[%swap3A_624], %swap3A_627 {strides = array<i32>} : memref<128xi32, #tpu.memory_space<vmem>>, vector<16xi32>,
      %mul3A_628 = arith.constant 128 : i32
      %mul3A_629 = arith.muli %add3A_616, %mul3A_628 : i32
      %add3A_630 = arith.constant 16 : i32
      %add3A_631 = arith.addi %mul3A_629, %add3A_630 : i32
      %get3A_632 = arith.index_cast %add3A_631 : i32 to index
      %get3A_633 = tpu.vector_load %arg8[%get3A_632] {strides = array<i32>} : memref<5120xi32, #tpu.memory_space<vmem>>, vector<16xi32>,
      %get3A_634 = vector.shape_cast %get3A_633 : vector<16xi32> to vector<16xi32>
      %swap3A_635 = arith.constant 16 : index
      %swap3A_636 = tpu.vector_load %arg12[%swap3A_635] {strides = array<i32>} : memref<128xi32, #tpu.memory_space<vmem>>, vector<16xi32>,
      %swap3A_637 = vector.shape_cast %swap3A_636 : vector<16xi32> to vector<16xi32>
      %swap3A_638 = vector.shape_cast %get3A_634 : vector<16xi32> to vector<16xi32>
      tpu.vector_store %arg12[%swap3A_635], %swap3A_638 {strides = array<i32>} : memref<128xi32, #tpu.memory_space<vmem>>, vector<16xi32>,
      %mul3A_639 = arith.constant 128 : i32
      %mul3A_640 = arith.muli %add3A_616, %mul3A_639 : i32
      %add3A_641 = arith.constant 32 : i32
      %add3A_642 = arith.addi %mul3A_640, %add3A_641 : i32
      %get3A_643 = arith.index_cast %add3A_642 : i32 to index
      %get3A_644 = tpu.vector_load %arg8[%get3A_643] {strides = array<i32>} : memref<5120xi32, #tpu.memory_space<vmem>>, vector<16xi32>,
      %get3A_645 = vector.shape_cast %get3A_644 : vector<16xi32> to vector<16xi32>
      %swap3A_646 = arith.constant 32 : index
      %swap3A_647 = tpu.vector_load %arg12[%swap3A_646] {strides = array<i32>} : memref<128xi32, #tpu.memory_space<vmem>>, vector<16xi32>,
      %swap3A_648 = vector.shape_cast %swap3A_647 : vector<16xi32> to vector<16xi32>
      %swap3A_649 = vector.shape_cast %get3A_645 : vector<16xi32> to vector<16xi32>
      tpu.vector_store %arg12[%swap3A_646], %swap3A_649 {strides = array<i32>} : memref<128xi32, #tpu.memory_space<vmem>>, vector<16xi32>,
      %mul3A_650 = arith.constant 128 : i32
      %mul3A_651 = arith.muli %add3A_616, %mul3A_650 : i32
      %add3A_652 = arith.constant 48 : i32
      %add3A_653 = arith.addi %mul3A_651, %add3A_652 : i32
      %get3A_654 = arith.index_cast %add3A_653 : i32 to index
      %get3A_655 = tpu.vector_load %arg8[%get3A_654] {strides = array<i32>} : memref<5120xi32, #tpu.memory_space<vmem>>, vector<16xi32>,
      %get3A_656 = vector.shape_cast %get3A_655 : vector<16xi32> to vector<16xi32>
      %swap3A_657 = arith.constant 48 : index
      %swap3A_658 = tpu.vector_load %arg12[%swap3A_657] {strides = array<i32>} : memref<128xi32, #tpu.memory_space<vmem>>, vector<16xi32>,
      %swap3A_659 = vector.shape_cast %swap3A_658 : vector<16xi32> to vector<16xi32>
      %swap3A_660 = vector.shape_cast %get3A_656 : vector<16xi32> to vector<16xi32>
      tpu.vector_store %arg12[%swap3A_657], %swap3A_660 {strides = array<i32>} : memref<128xi32, #tpu.memory_space<vmem>>, vector<16xi32>,
      %mul3A_661 = arith.constant 128 : i32
      %mul3A_662 = arith.muli %add3A_616, %mul3A_661 : i32
      %add3A_663 = arith.constant 64 : i32
      %add3A_664 = arith.addi %mul3A_662, %add3A_663 : i32
      %get3A_665 = arith.index_cast %add3A_664 : i32 to index
      %get3A_666 = tpu.vector_load %arg8[%get3A_665] {strides = array<i32>} : memref<5120xi32, #tpu.memory_space<vmem>>, vector<16xi32>,
      %get3A_667 = vector.shape_cast %get3A_666 : vector<16xi32> to vector<16xi32>
      %swap3A_668 = arith.constant 64 : index
      %swap3A_669 = tpu.vector_load %arg12[%swap3A_668] {strides = array<i32>} : memref<128xi32, #tpu.memory_space<vmem>>, vector<16xi32>,
      %swap3A_670 = vector.shape_cast %swap3A_669 : vector<16xi32> to vector<16xi32>
      %swap3A_671 = vector.shape_cast %get3A_667 : vector<16xi32> to vector<16xi32>
      tpu.vector_store %arg12[%swap3A_668], %swap3A_671 {strides = array<i32>} : memref<128xi32, #tpu.memory_space<vmem>>, vector<16xi32>,
      %mul3A_672 = arith.constant 128 : i32
      %mul3A_673 = arith.muli %add3A_616, %mul3A_672 : i32
      %add3A_674 = arith.constant 80 : i32
      %add3A_675 = arith.addi %mul3A_673, %add3A_674 : i32
      %get3A_676 = arith.index_cast %add3A_675 : i32 to index
      %get3A_677 = tpu.vector_load %arg8[%get3A_676] {strides = array<i32>} : memref<5120xi32, #tpu.memory_space<vmem>>, vector<16xi32>,
      %get3A_678 = vector.shape_cast %get3A_677 : vector<16xi32> to vector<16xi32>
      %swap3A_679 = arith.constant 80 : index
      %swap3A_680 = tpu.vector_load %arg12[%swap3A_679] {strides = array<i32>} : memref<128xi32, #tpu.memory_space<vmem>>, vector<16xi32>,
      %swap3A_681 = vector.shape_cast %swap3A_680 : vector<16xi32> to vector<16xi32>
      %swap3A_682 = vector.shape_cast %get3A_678 : vector<16xi32> to vector<16xi32>
      tpu.vector_store %arg12[%swap3A_679], %swap3A_682 {strides = array<i32>} : memref<128xi32, #tpu.memory_space<vmem>>, vector<16xi32>,
      %mul3A_683 = arith.constant 128 : i32
      %mul3A_684 = arith.muli %add3A_616, %mul3A_683 : i32
      %add3A_685 = arith.constant 96 : i32
      %add3A_686 = arith.addi %mul3A_684, %add3A_685 : i32
      %get3A_687 = arith.index_cast %add3A_686 : i32 to index
      %get3A_688 = tpu.vector_load %arg8[%get3A_687] {strides = array<i32>} : memref<5120xi32, #tpu.memory_space<vmem>>, vector<16xi32>,
      %get3A_689 = vector.shape_cast %get3A_688 : vector<16xi32> to vector<16xi32>
      %swap3A_690 = arith.constant 96 : index
      %swap3A_691 = tpu.vector_load %arg12[%swap3A_690] {strides = array<i32>} : memref<128xi32, #tpu.memory_space<vmem>>, vector<16xi32>,
      %swap3A_692 = vector.shape_cast %swap3A_691 : vector<16xi32> to vector<16xi32>
      %swap3A_693 = vector.shape_cast %get3A_689 : vector<16xi32> to vector<16xi32>
      tpu.vector_store %arg12[%swap3A_690], %swap3A_693 {strides = array<i32>} : memref<128xi32, #tpu.memory_space<vmem>>, vector<16xi32>,
      %mul3A_694 = arith.constant 128 : i32
      %mul3A_695 = arith.muli %add3A_616, %mul3A_694 : i32
      %add3A_696 = arith.constant 112 : i32
      %add3A_697 = arith.addi %mul3A_695, %add3A_696 : i32
      %get3A_698 = arith.index_cast %add3A_697 : i32 to index
      %get3A_699 = tpu.vector_load %arg8[%get3A_698] {strides = array<i32>} : memref<5120xi32, #tpu.memory_space<vmem>>, vector<16xi32>,
      %get3A_700 = vector.shape_cast %get3A_699 : vector<16xi32> to vector<16xi32>
      %swap3A_701 = arith.constant 112 : index
      %swap3A_702 = tpu.vector_load %arg12[%swap3A_701] {strides = array<i32>} : memref<128xi32, #tpu.memory_space<vmem>>, vector<16xi32>,
      %swap3A_703 = vector.shape_cast %swap3A_702 : vector<16xi32> to vector<16xi32>
      %swap3A_704 = vector.shape_cast %get3A_700 : vector<16xi32> to vector<16xi32>
      tpu.vector_store %arg12[%swap3A_701], %swap3A_704 {strides = array<i32>} : memref<128xi32, #tpu.memory_space<vmem>>, vector<16xi32>,
      "tpu.region"() ({
        %run_scoped3A = tpu.sem_alloc : memref<!tpu.dma_semaphore, #tpu.memory_space<semaphore_mem>>
        %dma_start3A_712 = arith.constant 0 : i32
        %dma_start3A_713 = arith.constant 0 : i32
        %dma_start3A_714 = tpu.memref_slice %arg15[%dma_start3A_712, %dma_start3A_713] : memref<10240x64xf32, #tpu.memory_space<vmem_shared>> -> memref<10240x64xf32, #tpu.memory_space<vmem_shared>>
        tpu.enqueue_indirect_dma source(%arg14 : memref<128x64xf32, #tpu.memory_space<vmem>>) target(%dma_start3A_714 : memref<10240x64xf32, #tpu.memory_space<vmem_shared>>) offsets(%arg12 : memref<128xi32, #tpu.memory_space<vmem>>) semaphore(%run_scoped3A : memref<!tpu.dma_semaphore, #tpu.memory_space<semaphore_mem>>) {add = true}
        %dma_wait3A_715 = arith.constant 0 : i32
        %dma_wait3A_716 = arith.constant 0 : i32
        %dma_wait3A_717 = tpu.memref_slice %arg15[%dma_wait3A_715, %dma_wait3A_716] : memref<10240x64xf32, #tpu.memory_space<vmem_shared>> -> memref<10240x64xf32, #tpu.memory_space<vmem_shared>>
        tpu.wait_indirect_dma semaphore(%run_scoped3A : memref<!tpu.dma_semaphore, #tpu.memory_space<semaphore_mem>>) src(%arg14 : memref<128x64xf32, #tpu.memory_space<vmem>>) dst(%dma_wait3A_717 : memref<10240x64xf32, #tpu.memory_space<vmem_shared>>)
        tpu.yield
      }) : () -> ()
      %add3A_705 = arith.constant 3 : i32
      %add3A_706 = arith.addi %add3A_517, %add3A_705 : i32
      %lt3A_707 = arith.constant 40 : i32
      %lt3A_708 = arith.cmpi slt, %add3A_706, %lt3A_707 : i32
      %convert_element_type3A_709 = arith.extui %lt3A_708 : i1 to i32
      %cond3A_710 = arith.constant 0 : i32
      %cond3A_711 = arith.cmpi ne, %convert_element_type3A_709, %cond3A_710 : i32
      scf.if %cond3A_711 {
        %add3A_712 = arith.constant 3 : i32
        %add3A_713 = arith.addi %add3A_517, %add3A_712 : i32
        %mul3A_714 = arith.constant 128 : i32
        %mul3A_715 = arith.muli %add3A_713, %mul3A_714 : i32
        %add3A_716 = arith.constant 0 : i32
        %add3A_717 = arith.addi %mul3A_715, %add3A_716 : i32
        %get3A_718 = arith.index_cast %add3A_717 : i32 to index
        %get3A_719 = tpu.vector_load %arg7[%get3A_718] {strides = array<i32>} : memref<5120xi32, #tpu.memory_space<vmem>>, vector<16xi32>,
        %get3A_720 = vector.shape_cast %get3A_719 : vector<16xi32> to vector<16xi32>
        %swap3A_721 = arith.constant 0 : index
        %swap3A_722 = tpu.vector_load %arg10[%swap3A_721] {strides = array<i32>} : memref<128xi32, #tpu.memory_space<vmem>>, vector<16xi32>,
        %swap3A_723 = vector.shape_cast %swap3A_722 : vector<16xi32> to vector<16xi32>
        %swap3A_724 = vector.shape_cast %get3A_720 : vector<16xi32> to vector<16xi32>
        tpu.vector_store %arg10[%swap3A_721], %swap3A_724 {strides = array<i32>} : memref<128xi32, #tpu.memory_space<vmem>>, vector<16xi32>,
        %mul3A_725 = arith.constant 128 : i32
        %mul3A_726 = arith.muli %add3A_713, %mul3A_725 : i32
        %add3A_727 = arith.constant 16 : i32
        %add3A_728 = arith.addi %mul3A_726, %add3A_727 : i32
        %get3A_729 = arith.index_cast %add3A_728 : i32 to index
        %get3A_730 = tpu.vector_load %arg7[%get3A_729] {strides = array<i32>} : memref<5120xi32, #tpu.memory_space<vmem>>, vector<16xi32>,
        %get3A_731 = vector.shape_cast %get3A_730 : vector<16xi32> to vector<16xi32>
        %swap3A_732 = arith.constant 16 : index
        %swap3A_733 = tpu.vector_load %arg10[%swap3A_732] {strides = array<i32>} : memref<128xi32, #tpu.memory_space<vmem>>, vector<16xi32>,
        %swap3A_734 = vector.shape_cast %swap3A_733 : vector<16xi32> to vector<16xi32>
        %swap3A_735 = vector.shape_cast %get3A_731 : vector<16xi32> to vector<16xi32>
        tpu.vector_store %arg10[%swap3A_732], %swap3A_735 {strides = array<i32>} : memref<128xi32, #tpu.memory_space<vmem>>, vector<16xi32>,
        %mul3A_736 = arith.constant 128 : i32
        %mul3A_737 = arith.muli %add3A_713, %mul3A_736 : i32
        %add3A_738 = arith.constant 32 : i32
        %add3A_739 = arith.addi %mul3A_737, %add3A_738 : i32
        %get3A_740 = arith.index_cast %add3A_739 : i32 to index
        %get3A_741 = tpu.vector_load %arg7[%get3A_740] {strides = array<i32>} : memref<5120xi32, #tpu.memory_space<vmem>>, vector<16xi32>,
        %get3A_742 = vector.shape_cast %get3A_741 : vector<16xi32> to vector<16xi32>
        %swap3A_743 = arith.constant 32 : index
        %swap3A_744 = tpu.vector_load %arg10[%swap3A_743] {strides = array<i32>} : memref<128xi32, #tpu.memory_space<vmem>>, vector<16xi32>,
        %swap3A_745 = vector.shape_cast %swap3A_744 : vector<16xi32> to vector<16xi32>
        %swap3A_746 = vector.shape_cast %get3A_742 : vector<16xi32> to vector<16xi32>
        tpu.vector_store %arg10[%swap3A_743], %swap3A_746 {strides = array<i32>} : memref<128xi32, #tpu.memory_space<vmem>>, vector<16xi32>,
        %mul3A_747 = arith.constant 128 : i32
        %mul3A_748 = arith.muli %add3A_713, %mul3A_747 : i32
        %add3A_749 = arith.constant 48 : i32
        %add3A_750 = arith.addi %mul3A_748, %add3A_749 : i32
        %get3A_751 = arith.index_cast %add3A_750 : i32 to index
        %get3A_752 = tpu.vector_load %arg7[%get3A_751] {strides = array<i32>} : memref<5120xi32, #tpu.memory_space<vmem>>, vector<16xi32>,
        %get3A_753 = vector.shape_cast %get3A_752 : vector<16xi32> to vector<16xi32>
        %swap3A_754 = arith.constant 48 : index
        %swap3A_755 = tpu.vector_load %arg10[%swap3A_754] {strides = array<i32>} : memref<128xi32, #tpu.memory_space<vmem>>, vector<16xi32>,
        %swap3A_756 = vector.shape_cast %swap3A_755 : vector<16xi32> to vector<16xi32>
        %swap3A_757 = vector.shape_cast %get3A_753 : vector<16xi32> to vector<16xi32>
        tpu.vector_store %arg10[%swap3A_754], %swap3A_757 {strides = array<i32>} : memref<128xi32, #tpu.memory_space<vmem>>, vector<16xi32>,
        %mul3A_758 = arith.constant 128 : i32
        %mul3A_759 = arith.muli %add3A_713, %mul3A_758 : i32
        %add3A_760 = arith.constant 64 : i32
        %add3A_761 = arith.addi %mul3A_759, %add3A_760 : i32
        %get3A_762 = arith.index_cast %add3A_761 : i32 to index
        %get3A_763 = tpu.vector_load %arg7[%get3A_762] {strides = array<i32>} : memref<5120xi32, #tpu.memory_space<vmem>>, vector<16xi32>,
        %get3A_764 = vector.shape_cast %get3A_763 : vector<16xi32> to vector<16xi32>
        %swap3A_765 = arith.constant 64 : index
        %swap3A_766 = tpu.vector_load %arg10[%swap3A_765] {strides = array<i32>} : memref<128xi32, #tpu.memory_space<vmem>>, vector<16xi32>,
        %swap3A_767 = vector.shape_cast %swap3A_766 : vector<16xi32> to vector<16xi32>
        %swap3A_768 = vector.shape_cast %get3A_764 : vector<16xi32> to vector<16xi32>
        tpu.vector_store %arg10[%swap3A_765], %swap3A_768 {strides = array<i32>} : memref<128xi32, #tpu.memory_space<vmem>>, vector<16xi32>,
        %mul3A_769 = arith.constant 128 : i32
        %mul3A_770 = arith.muli %add3A_713, %mul3A_769 : i32
        %add3A_771 = arith.constant 80 : i32
        %add3A_772 = arith.addi %mul3A_770, %add3A_771 : i32
        %get3A_773 = arith.index_cast %add3A_772 : i32 to index
        %get3A_774 = tpu.vector_load %arg7[%get3A_773] {strides = array<i32>} : memref<5120xi32, #tpu.memory_space<vmem>>, vector<16xi32>,
        %get3A_775 = vector.shape_cast %get3A_774 : vector<16xi32> to vector<16xi32>
        %swap3A_776 = arith.constant 80 : index
        %swap3A_777 = tpu.vector_load %arg10[%swap3A_776] {strides = array<i32>} : memref<128xi32, #tpu.memory_space<vmem>>, vector<16xi32>,
        %swap3A_778 = vector.shape_cast %swap3A_777 : vector<16xi32> to vector<16xi32>
        %swap3A_779 = vector.shape_cast %get3A_775 : vector<16xi32> to vector<16xi32>
        tpu.vector_store %arg10[%swap3A_776], %swap3A_779 {strides = array<i32>} : memref<128xi32, #tpu.memory_space<vmem>>, vector<16xi32>,
        %mul3A_780 = arith.constant 128 : i32
        %mul3A_781 = arith.muli %add3A_713, %mul3A_780 : i32
        %add3A_782 = arith.constant 96 : i32
        %add3A_783 = arith.addi %mul3A_781, %add3A_782 : i32
        %get3A_784 = arith.index_cast %add3A_783 : i32 to index
        %get3A_785 = tpu.vector_load %arg7[%get3A_784] {strides = array<i32>} : memref<5120xi32, #tpu.memory_space<vmem>>, vector<16xi32>,
        %get3A_786 = vector.shape_cast %get3A_785 : vector<16xi32> to vector<16xi32>
        %swap3A_787 = arith.constant 96 : index
        %swap3A_788 = tpu.vector_load %arg10[%swap3A_787] {strides = array<i32>} : memref<128xi32, #tpu.memory_space<vmem>>, vector<16xi32>,
        %swap3A_789 = vector.shape_cast %swap3A_788 : vector<16xi32> to vector<16xi32>
        %swap3A_790 = vector.shape_cast %get3A_786 : vector<16xi32> to vector<16xi32>
        tpu.vector_store %arg10[%swap3A_787], %swap3A_790 {strides = array<i32>} : memref<128xi32, #tpu.memory_space<vmem>>, vector<16xi32>,
        %mul3A_791 = arith.constant 128 : i32
        %mul3A_792 = arith.muli %add3A_713, %mul3A_791 : i32
        %add3A_793 = arith.constant 112 : i32
        %add3A_794 = arith.addi %mul3A_792, %add3A_793 : i32
        %get3A_795 = arith.index_cast %add3A_794 : i32 to index
        %get3A_796 = tpu.vector_load %arg7[%get3A_795] {strides = array<i32>} : memref<5120xi32, #tpu.memory_space<vmem>>, vector<16xi32>,
        %get3A_797 = vector.shape_cast %get3A_796 : vector<16xi32> to vector<16xi32>
        %swap3A_798 = arith.constant 112 : index
        %swap3A_799 = tpu.vector_load %arg10[%swap3A_798] {strides = array<i32>} : memref<128xi32, #tpu.memory_space<vmem>>, vector<16xi32>,
        %swap3A_800 = vector.shape_cast %swap3A_799 : vector<16xi32> to vector<16xi32>
        %swap3A_801 = vector.shape_cast %get3A_797 : vector<16xi32> to vector<16xi32>
        tpu.vector_store %arg10[%swap3A_798], %swap3A_801 {strides = array<i32>} : memref<128xi32, #tpu.memory_space<vmem>>, vector<16xi32>,
        %dma_start3A_802 = arith.constant 0 : i32
        %dma_start3A_803 = arith.constant 0 : i32
        %dma_start3A_804 = tpu.memref_slice %arg16[%dma_start3A_802, %dma_start3A_803] : memref<10000x64xf32, #tpu.memory_space<vmem_shared>> -> memref<10000x64xf32, #tpu.memory_space<vmem_shared>>
        tpu.enqueue_indirect_dma source(%dma_start3A_804 : memref<10000x64xf32, #tpu.memory_space<vmem_shared>>) target(%arg14 : memref<128x64xf32, #tpu.memory_space<vmem>>) offsets(%arg10 : memref<128xi32, #tpu.memory_space<vmem>>) semaphore(%arg18 : memref<!tpu.dma_semaphore, #tpu.memory_space<semaphore_mem>>)
      } else {
      }
    }
    %scan3A_507 = arith.constant 20 : i32
    %barrier3A_508 = arith.constant 0 : index
    tpu.barrier barrier_id(%barrier3A_508)
    %mul3A_509 = arith.constant 640 : i32
    %mul3A_510 = arith.muli %arg1, %mul3A_509 : i32
    %mul3A_511 = arith.constant 640 : i32
    %mul3A_512 = arith.muli %arg1, %mul3A_511 : i32
    "tpu.region"() ({
      %run_scoped3A = tpu.sem_alloc : memref<!tpu.dma_semaphore, #tpu.memory_space<semaphore_mem>>
      %dma_start3A_513 = arith.constant 0 : i32
      %dma_start3A_514 = tpu.memref_slice %arg6[%arg0, %mul3A_512, %dma_start3A_513] : memref<2x10240x64xf32, #tpu.memory_space<hbm>> -> memref<1x640x64xf32, #tpu.memory_space<hbm>>
      %dma_start3A_515 = tpu.memref_squeeze %dma_start3A_514 : memref<1x640x64xf32, #tpu.memory_space<hbm>> -> memref<640x64xf32, #tpu.memory_space<hbm>>
      %dma_start3A_516 = arith.constant 0 : i32
      %dma_start3A_517 = tpu.memref_slice %arg15[%mul3A_510, %dma_start3A_516] : memref<10240x64xf32, #tpu.memory_space<vmem_shared>> -> memref<640x64xf32, #tpu.memory_space<vmem_shared>>
      tpu.enqueue_dma source(%dma_start3A_517 : memref<640x64xf32, #tpu.memory_space<vmem_shared>>) target(%dma_start3A_515 : memref<640x64xf32, #tpu.memory_space<hbm>>) target_semaphore(%run_scoped3A : memref<!tpu.dma_semaphore, #tpu.memory_space<semaphore_mem>>)
      %dma_wait3A = arith.constant 0 : i32
      %dma_wait3A_518 = tpu.memref_slice %arg6[%arg0, %mul3A_512, %dma_wait3A] : memref<2x10240x64xf32, #tpu.memory_space<hbm>> -> memref<1x640x64xf32, #tpu.memory_space<hbm>>
      %dma_wait3A_519 = tpu.memref_squeeze %dma_wait3A_518 : memref<1x640x64xf32, #tpu.memory_space<hbm>> -> memref<640x64xf32, #tpu.memory_space<hbm>>
      %dma_wait3A_520 = arith.constant 0 : i32
      %dma_wait3A_521 = tpu.memref_slice %arg15[%mul3A_510, %dma_wait3A_520] : memref<10240x64xf32, #tpu.memory_space<vmem_shared>> -> memref<640x64xf32, #tpu.memory_space<vmem_shared>>
      tpu.wait_dma2 semaphore(%run_scoped3A : memref<!tpu.dma_semaphore, #tpu.memory_space<semaphore_mem>>) src(%dma_wait3A_521 : memref<640x64xf32, #tpu.memory_space<vmem_shared>>) dst(%dma_wait3A_519 : memref<640x64xf32, #tpu.memory_space<hbm>>)
      tpu.yield
    }) : () -> ()
    return
  }
}

#map = affine_map<(d0, d1) -> (0)>
#map1 = affine_map<(d0, d1) -> (0, 0)>
#map2 = affine_map<(d0, d1) -> (0, 0, 0)>
module attributes {stable_mosaic.version = 14 : i64} {
  func.func @k(%arg0: i32, %arg1: i32, %arg2: memref<327680xi32, #tpu.memory_space<hbm>>, %arg3: memref<128x16xf32, #tpu.memory_space<hbm>>, %arg4: memref<640x16xf32, #tpu.memory_space<hbm>>, %arg5: memref<2x10240x16xf32, #tpu.memory_space<hbm>>, %arg6: memref<128xi32, #tpu.memory_space<vmem>>, %arg7: memref<128x16xf32, #tpu.memory_space<vmem>>, %arg8: memref<10240x16xf32, #tpu.memory_space<vmem_shared>>, %arg9: memref<!tpu.dma_semaphore, #tpu.memory_space<semaphore_mem>>) attributes {dimension_semantics = [#tpu.dimension_semantics<core_parallel>, #tpu.dimension_semantics<subcore_parallel>], iteration_bounds = array<i64: 2, 16>, scalar_prefetch = 0 : i64, scratch_operands = 4 : i64, tpu.core_type = #tpu.core_type<sc_vector_subcore>, window_params = [{transform_indices = #map}, {transform_indices = #map1}, {transform_indices = #map1}, {transform_indices = #map2}]} {
    %mul3A = arith.constant 2 : i32
    %mul3A_0 = arith.muli %arg1, %mul3A : i32
    %add3A = arith.addi %mul3A_0, %arg0 : i32
    %mul3A_1 = arith.constant 640 : i32
    %mul3A_2 = arith.muli %arg1, %mul3A_1 : i32
    "tpu.region"() ({
      %run_scoped3A = tpu.sem_alloc : memref<!tpu.dma_semaphore, #tpu.memory_space<semaphore_mem>>
      %dma_start3A = arith.constant 0 : i32
      %dma_start3A_12 = tpu.memref_slice %arg8[%mul3A_2, %dma_start3A] : memref<10240x16xf32, #tpu.memory_space<vmem_shared>> -> memref<640x16xf32, #tpu.memory_space<vmem_shared>>
      tpu.enqueue_dma source(%arg4 : memref<640x16xf32, #tpu.memory_space<hbm>>) target(%dma_start3A_12 : memref<640x16xf32, #tpu.memory_space<vmem_shared>>) target_semaphore(%run_scoped3A : memref<!tpu.dma_semaphore, #tpu.memory_space<semaphore_mem>>)
      %dma_wait3A = arith.constant 0 : i32
      %dma_wait3A_13 = tpu.memref_slice %arg8[%mul3A_2, %dma_wait3A] : memref<10240x16xf32, #tpu.memory_space<vmem_shared>> -> memref<640x16xf32, #tpu.memory_space<vmem_shared>>
      tpu.wait_dma2 semaphore(%run_scoped3A : memref<!tpu.dma_semaphore, #tpu.memory_space<semaphore_mem>>) src(%arg4 : memref<640x16xf32, #tpu.memory_space<hbm>>) dst(%dma_wait3A_13 : memref<640x16xf32, #tpu.memory_space<vmem_shared>>)
      tpu.yield
    }) : () -> ()
    "tpu.region"() ({
      %run_scoped3A = tpu.sem_alloc : memref<!tpu.dma_semaphore, #tpu.memory_space<semaphore_mem>>
      tpu.enqueue_dma source(%arg3 : memref<128x16xf32, #tpu.memory_space<hbm>>) target(%arg7 : memref<128x16xf32, #tpu.memory_space<vmem>>) target_semaphore(%run_scoped3A : memref<!tpu.dma_semaphore, #tpu.memory_space<semaphore_mem>>)
      tpu.wait_dma2 semaphore(%run_scoped3A : memref<!tpu.dma_semaphore, #tpu.memory_space<semaphore_mem>>) src(%arg3 : memref<128x16xf32, #tpu.memory_space<hbm>>) dst(%arg7 : memref<128x16xf32, #tpu.memory_space<vmem>>)
      tpu.yield
    }) : () -> ()
    %barrier3A = arith.constant 0 : index
    tpu.barrier barrier_id(%barrier3A)
    %scan3A = arith.constant 0 : i32
    %scan3A_3 = arith.constant 80 : i32
    %scan3A_4 = arith.addi %scan3A, %scan3A_3 : i32
    %scan3A_5 = arith.constant 1 : i32
    scf.for %scan3A_12 = %scan3A to %scan3A_4 step %scan3A_5  : i32 {
      %mul3A_13 = arith.constant 1 : i32
      %mul3A_14 = arith.muli %scan3A_12, %mul3A_13 : i32
      %add3A_15 = arith.constant 0 : i32
      %add3A_16 = arith.addi %add3A_15, %mul3A_14 : i32
      %mul3A_17 = arith.constant 10240 : i32
      %mul3A_18 = arith.muli %add3A, %mul3A_17 : i32
      %mul3A_19 = arith.constant 128 : i32
      %mul3A_20 = arith.muli %add3A_16, %mul3A_19 : i32
      %add3A_21 = arith.addi %mul3A_18, %mul3A_20 : i32
      "tpu.region"() ({
        %run_scoped3A = tpu.sem_alloc : memref<!tpu.dma_semaphore, #tpu.memory_space<semaphore_mem>>
        %dma_start3A = tpu.memref_slice %arg2[%add3A_21] : memref<327680xi32, #tpu.memory_space<hbm>> -> memref<128xi32, #tpu.memory_space<hbm>>
        %dma_start3A_22 = tpu.memref_slice %arg2[%add3A_21] : memref<327680xi32, #tpu.memory_space<hbm>> -> memref<128xi32, #tpu.memory_space<hbm>>
        tpu.enqueue_dma source(%dma_start3A_22 : memref<128xi32, #tpu.memory_space<hbm>>) target(%arg6 : memref<128xi32, #tpu.memory_space<vmem>>) target_semaphore(%run_scoped3A : memref<!tpu.dma_semaphore, #tpu.memory_space<semaphore_mem>>)
        %dma_wait3A = tpu.memref_slice %arg2[%add3A_21] : memref<327680xi32, #tpu.memory_space<hbm>> -> memref<128xi32, #tpu.memory_space<hbm>>
        %dma_wait3A_23 = tpu.memref_slice %arg2[%add3A_21] : memref<327680xi32, #tpu.memory_space<hbm>> -> memref<128xi32, #tpu.memory_space<hbm>>
        tpu.wait_dma2 semaphore(%run_scoped3A : memref<!tpu.dma_semaphore, #tpu.memory_space<semaphore_mem>>) src(%dma_wait3A_23 : memref<128xi32, #tpu.memory_space<hbm>>) dst(%arg6 : memref<128xi32, #tpu.memory_space<vmem>>)
        tpu.yield
      }) : () -> ()
      "tpu.region"() ({
        %run_scoped3A = tpu.sem_alloc : memref<!tpu.dma_semaphore, #tpu.memory_space<semaphore_mem>>
        %dma_start3A = arith.constant 0 : i32
        %dma_start3A_22 = arith.constant 0 : i32
        %dma_start3A_23 = tpu.memref_slice %arg8[%dma_start3A, %dma_start3A_22] : memref<10240x16xf32, #tpu.memory_space<vmem_shared>> -> memref<10240x16xf32, #tpu.memory_space<vmem_shared>>
        tpu.enqueue_indirect_dma source(%arg7 : memref<128x16xf32, #tpu.memory_space<vmem>>) target(%dma_start3A_23 : memref<10240x16xf32, #tpu.memory_space<vmem_shared>>) offsets(%arg6 : memref<128xi32, #tpu.memory_space<vmem>>) semaphore(%run_scoped3A : memref<!tpu.dma_semaphore, #tpu.memory_space<semaphore_mem>>) {add = true}
        %dma_wait3A = arith.constant 0 : i32
        %dma_wait3A_24 = arith.constant 0 : i32
        %dma_wait3A_25 = tpu.memref_slice %arg8[%dma_wait3A, %dma_wait3A_24] : memref<10240x16xf32, #tpu.memory_space<vmem_shared>> -> memref<10240x16xf32, #tpu.memory_space<vmem_shared>>
        tpu.wait_indirect_dma semaphore(%run_scoped3A : memref<!tpu.dma_semaphore, #tpu.memory_space<semaphore_mem>>) src(%arg7 : memref<128x16xf32, #tpu.memory_space<vmem>>) dst(%dma_wait3A_25 : memref<10240x16xf32, #tpu.memory_space<vmem_shared>>)
        tpu.yield
      }) : () -> ()
    }
    %scan3A_6 = arith.constant 80 : i32
    %barrier3A_7 = arith.constant 0 : index
    tpu.barrier barrier_id(%barrier3A_7)
    %mul3A_8 = arith.constant 640 : i32
    %mul3A_9 = arith.muli %arg1, %mul3A_8 : i32
    %mul3A_10 = arith.constant 640 : i32
    %mul3A_11 = arith.muli %arg1, %mul3A_10 : i32
    "tpu.region"() ({
      %run_scoped3A = tpu.sem_alloc : memref<!tpu.dma_semaphore, #tpu.memory_space<semaphore_mem>>
      %dma_start3A = arith.constant 0 : i32
      %dma_start3A_12 = tpu.memref_slice %arg5[%arg0, %mul3A_11, %dma_start3A] : memref<2x10240x16xf32, #tpu.memory_space<hbm>> -> memref<1x640x16xf32, #tpu.memory_space<hbm>>
      %dma_start3A_13 = tpu.memref_squeeze %dma_start3A_12 : memref<1x640x16xf32, #tpu.memory_space<hbm>> -> memref<640x16xf32, #tpu.memory_space<hbm>>
      %dma_start3A_14 = arith.constant 0 : i32
      %dma_start3A_15 = tpu.memref_slice %arg8[%mul3A_9, %dma_start3A_14] : memref<10240x16xf32, #tpu.memory_space<vmem_shared>> -> memref<640x16xf32, #tpu.memory_space<vmem_shared>>
      tpu.enqueue_dma source(%dma_start3A_15 : memref<640x16xf32, #tpu.memory_space<vmem_shared>>) target(%dma_start3A_13 : memref<640x16xf32, #tpu.memory_space<hbm>>) target_semaphore(%run_scoped3A : memref<!tpu.dma_semaphore, #tpu.memory_space<semaphore_mem>>)
      %dma_wait3A = arith.constant 0 : i32
      %dma_wait3A_16 = tpu.memref_slice %arg5[%arg0, %mul3A_11, %dma_wait3A] : memref<2x10240x16xf32, #tpu.memory_space<hbm>> -> memref<1x640x16xf32, #tpu.memory_space<hbm>>
      %dma_wait3A_17 = tpu.memref_squeeze %dma_wait3A_16 : memref<1x640x16xf32, #tpu.memory_space<hbm>> -> memref<640x16xf32, #tpu.memory_space<hbm>>
      %dma_wait3A_18 = arith.constant 0 : i32
      %dma_wait3A_19 = tpu.memref_slice %arg8[%mul3A_9, %dma_wait3A_18] : memref<10240x16xf32, #tpu.memory_space<vmem_shared>> -> memref<640x16xf32, #tpu.memory_space<vmem_shared>>
      tpu.wait_dma2 semaphore(%run_scoped3A : memref<!tpu.dma_semaphore, #tpu.memory_space<semaphore_mem>>) src(%dma_wait3A_19 : memref<640x16xf32, #tpu.memory_space<vmem_shared>>) dst(%dma_wait3A_17 : memref<640x16xf32, #tpu.memory_space<hbm>>)
      tpu.yield
    }) : () -> ()
    return
  }
}

#map = affine_map<(d0, d1) -> (0, 0)>
#map1 = affine_map<(d0, d1) -> (0)>
#map2 = affine_map<(d0, d1) -> (0, 0, 0)>
module attributes {stable_mosaic.version = 14 : i64} {
  func.func @k(%arg0: i32, %arg1: i32, %arg2: memref<10000x48xf32, #tpu.memory_space<hbm>>, %arg3: memref<327680xi32, #tpu.memory_space<hbm>>, %arg4: memref<327680xi32, #tpu.memory_space<hbm>>, %arg5: memref<640x48xf32, #tpu.memory_space<hbm>>, %arg6: memref<2x10240x48xf32, #tpu.memory_space<hbm>>, %arg7: memref<5120xi32, #tpu.memory_space<vmem>>, %arg8: memref<5120xi32, #tpu.memory_space<vmem>>, %arg9: memref<128xi32, #tpu.memory_space<vmem>>, %arg10: memref<128xi32, #tpu.memory_space<vmem>>, %arg11: memref<128xi32, #tpu.memory_space<vmem>>, %arg12: memref<128xi32, #tpu.memory_space<vmem>>, %arg13: memref<128x48xf32, #tpu.memory_space<vmem>>, %arg14: memref<128x48xf32, #tpu.memory_space<vmem>>, %arg15: memref<10240x48xf32, #tpu.memory_space<vmem_shared>>, %arg16: memref<10000x48xf32, #tpu.memory_space<vmem_shared>>, %arg17: memref<!tpu.dma_semaphore, #tpu.memory_space<semaphore_mem>>, %arg18: memref<!tpu.dma_semaphore, #tpu.memory_space<semaphore_mem>>) attributes {dimension_semantics = [#tpu.dimension_semantics<core_parallel>, #tpu.dimension_semantics<subcore_parallel>], iteration_bounds = array<i64: 2, 16>, scalar_prefetch = 0 : i64, scratch_operands = 12 : i64, tpu.core_type = #tpu.core_type<sc_vector_subcore>, window_params = [{transform_indices = #map}, {transform_indices = #map1}, {transform_indices = #map1}, {transform_indices = #map}, {transform_indices = #map2}]} {
    %mul3A = arith.constant 2 : i32
    %mul3A_0 = arith.muli %arg1, %mul3A : i32
    %add3A = arith.addi %mul3A_0, %arg0 : i32
    %mul3A_1 = arith.constant 640 : i32
    %mul3A_2 = arith.muli %arg1, %mul3A_1 : i32
    "tpu.region"() ({
      %run_scoped3A = tpu.sem_alloc : memref<!tpu.dma_semaphore, #tpu.memory_space<semaphore_mem>>
      %dma_start3A_262 = arith.constant 0 : i32
      %dma_start3A_263 = tpu.memref_slice %arg15[%mul3A_2, %dma_start3A_262] : memref<10240x48xf32, #tpu.memory_space<vmem_shared>> -> memref<640x48xf32, #tpu.memory_space<vmem_shared>>
      tpu.enqueue_dma source(%arg5 : memref<640x48xf32, #tpu.memory_space<hbm>>) target(%dma_start3A_263 : memref<640x48xf32, #tpu.memory_space<vmem_shared>>) target_semaphore(%run_scoped3A : memref<!tpu.dma_semaphore, #tpu.memory_space<semaphore_mem>>)
      %dma_wait3A = arith.constant 0 : i32
      %dma_wait3A_264 = tpu.memref_slice %arg15[%mul3A_2, %dma_wait3A] : memref<10240x48xf32, #tpu.memory_space<vmem_shared>> -> memref<640x48xf32, #tpu.memory_space<vmem_shared>>
      tpu.wait_dma2 semaphore(%run_scoped3A : memref<!tpu.dma_semaphore, #tpu.memory_space<semaphore_mem>>) src(%arg5 : memref<640x48xf32, #tpu.memory_space<hbm>>) dst(%dma_wait3A_264 : memref<640x48xf32, #tpu.memory_space<vmem_shared>>)
      tpu.yield
    }) : () -> ()
    %mul3A_3 = arith.constant 625 : i32
    %mul3A_4 = arith.muli %arg1, %mul3A_3 : i32
    %mul3A_5 = arith.constant 625 : i32
    %mul3A_6 = arith.muli %arg1, %mul3A_5 : i32
    "tpu.region"() ({
      %run_scoped3A = tpu.sem_alloc : memref<!tpu.dma_semaphore, #tpu.memory_space<semaphore_mem>>
      %dma_start3A_262 = arith.constant 0 : i32
      %dma_start3A_263 = tpu.memref_slice %arg16[%mul3A_6, %dma_start3A_262] : memref<10000x48xf32, #tpu.memory_space<vmem_shared>> -> memref<625x48xf32, #tpu.memory_space<vmem_shared>>
      %dma_start3A_264 = arith.constant 0 : i32
      %dma_start3A_265 = tpu.memref_slice %arg2[%mul3A_4, %dma_start3A_264] : memref<10000x48xf32, #tpu.memory_space<hbm>> -> memref<625x48xf32, #tpu.memory_space<hbm>>
      tpu.enqueue_dma source(%dma_start3A_265 : memref<625x48xf32, #tpu.memory_space<hbm>>) target(%dma_start3A_263 : memref<625x48xf32, #tpu.memory_space<vmem_shared>>) target_semaphore(%run_scoped3A : memref<!tpu.dma_semaphore, #tpu.memory_space<semaphore_mem>>)
      %dma_wait3A = arith.constant 0 : i32
      %dma_wait3A_266 = tpu.memref_slice %arg16[%mul3A_6, %dma_wait3A] : memref<10000x48xf32, #tpu.memory_space<vmem_shared>> -> memref<625x48xf32, #tpu.memory_space<vmem_shared>>
      %dma_wait3A_267 = arith.constant 0 : i32
      %dma_wait3A_268 = tpu.memref_slice %arg2[%mul3A_4, %dma_wait3A_267] : memref<10000x48xf32, #tpu.memory_space<hbm>> -> memref<625x48xf32, #tpu.memory_space<hbm>>
      tpu.wait_dma2 semaphore(%run_scoped3A : memref<!tpu.dma_semaphore, #tpu.memory_space<semaphore_mem>>) src(%dma_wait3A_268 : memref<625x48xf32, #tpu.memory_space<hbm>>) dst(%dma_wait3A_266 : memref<625x48xf32, #tpu.memory_space<vmem_shared>>)
      tpu.yield
    }) : () -> ()
    %barrier3A = arith.constant 0 : index
    tpu.barrier barrier_id(%barrier3A)
    %mul3A_7 = arith.constant 10240 : i32
    %mul3A_8 = arith.muli %add3A, %mul3A_7 : i32
    %add3A_9 = arith.constant 0 : i32
    %add3A_10 = arith.addi %mul3A_8, %add3A_9 : i32
    "tpu.region"() ({
      %run_scoped3A = tpu.sem_alloc : memref<!tpu.dma_semaphore, #tpu.memory_space<semaphore_mem>>
      %dma_start3A_262 = tpu.memref_slice %arg3[%add3A_10] : memref<327680xi32, #tpu.memory_space<hbm>> -> memref<5120xi32, #tpu.memory_space<hbm>>
      %dma_start3A_263 = tpu.memref_slice %arg3[%add3A_10] : memref<327680xi32, #tpu.memory_space<hbm>> -> memref<5120xi32, #tpu.memory_space<hbm>>
      tpu.enqueue_dma source(%dma_start3A_263 : memref<5120xi32, #tpu.memory_space<hbm>>) target(%arg7 : memref<5120xi32, #tpu.memory_space<vmem>>) target_semaphore(%run_scoped3A : memref<!tpu.dma_semaphore, #tpu.memory_space<semaphore_mem>>)
      %dma_wait3A = tpu.memref_slice %arg3[%add3A_10] : memref<327680xi32, #tpu.memory_space<hbm>> -> memref<5120xi32, #tpu.memory_space<hbm>>
      %dma_wait3A_264 = tpu.memref_slice %arg3[%add3A_10] : memref<327680xi32, #tpu.memory_space<hbm>> -> memref<5120xi32, #tpu.memory_space<hbm>>
      tpu.wait_dma2 semaphore(%run_scoped3A : memref<!tpu.dma_semaphore, #tpu.memory_space<semaphore_mem>>) src(%dma_wait3A_264 : memref<5120xi32, #tpu.memory_space<hbm>>) dst(%arg7 : memref<5120xi32, #tpu.memory_space<vmem>>)
      tpu.yield
    }) : () -> ()
    "tpu.region"() ({
      %run_scoped3A = tpu.sem_alloc : memref<!tpu.dma_semaphore, #tpu.memory_space<semaphore_mem>>
      %dma_start3A_262 = tpu.memref_slice %arg4[%add3A_10] : memref<327680xi32, #tpu.memory_space<hbm>> -> memref<5120xi32, #tpu.memory_space<hbm>>
      %dma_start3A_263 = tpu.memref_slice %arg4[%add3A_10] : memref<327680xi32, #tpu.memory_space<hbm>> -> memref<5120xi32, #tpu.memory_space<hbm>>
      tpu.enqueue_dma source(%dma_start3A_263 : memref<5120xi32, #tpu.memory_space<hbm>>) target(%arg8 : memref<5120xi32, #tpu.memory_space<vmem>>) target_semaphore(%run_scoped3A : memref<!tpu.dma_semaphore, #tpu.memory_space<semaphore_mem>>)
      %dma_wait3A = tpu.memref_slice %arg4[%add3A_10] : memref<327680xi32, #tpu.memory_space<hbm>> -> memref<5120xi32, #tpu.memory_space<hbm>>
      %dma_wait3A_264 = tpu.memref_slice %arg4[%add3A_10] : memref<327680xi32, #tpu.memory_space<hbm>> -> memref<5120xi32, #tpu.memory_space<hbm>>
      tpu.wait_dma2 semaphore(%run_scoped3A : memref<!tpu.dma_semaphore, #tpu.memory_space<semaphore_mem>>) src(%dma_wait3A_264 : memref<5120xi32, #tpu.memory_space<hbm>>) dst(%arg8 : memref<5120xi32, #tpu.memory_space<vmem>>)
      tpu.yield
    }) : () -> ()
    %get3A = arith.constant 0 : index
    %get3A_11 = tpu.vector_load %arg7[%get3A] {strides = array<i32>} : memref<5120xi32, #tpu.memory_space<vmem>>, vector<16xi32>,
    %get3A_12 = vector.shape_cast %get3A_11 : vector<16xi32> to vector<16xi32>
    %swap3A = arith.constant 0 : index
    %swap3A_13 = tpu.vector_load %arg9[%swap3A] {strides = array<i32>} : memref<128xi32, #tpu.memory_space<vmem>>, vector<16xi32>,
    %swap3A_14 = vector.shape_cast %swap3A_13 : vector<16xi32> to vector<16xi32>
    %swap3A_15 = vector.shape_cast %get3A_12 : vector<16xi32> to vector<16xi32>
    tpu.vector_store %arg9[%swap3A], %swap3A_15 {strides = array<i32>} : memref<128xi32, #tpu.memory_space<vmem>>, vector<16xi32>,
    %get3A_16 = arith.constant 16 : index
    %get3A_17 = tpu.vector_load %arg7[%get3A_16] {strides = array<i32>} : memref<5120xi32, #tpu.memory_space<vmem>>, vector<16xi32>,
    %get3A_18 = vector.shape_cast %get3A_17 : vector<16xi32> to vector<16xi32>
    %swap3A_19 = arith.constant 16 : index
    %swap3A_20 = tpu.vector_load %arg9[%swap3A_19] {strides = array<i32>} : memref<128xi32, #tpu.memory_space<vmem>>, vector<16xi32>,
    %swap3A_21 = vector.shape_cast %swap3A_20 : vector<16xi32> to vector<16xi32>
    %swap3A_22 = vector.shape_cast %get3A_18 : vector<16xi32> to vector<16xi32>
    tpu.vector_store %arg9[%swap3A_19], %swap3A_22 {strides = array<i32>} : memref<128xi32, #tpu.memory_space<vmem>>, vector<16xi32>,
    %get3A_23 = arith.constant 32 : index
    %get3A_24 = tpu.vector_load %arg7[%get3A_23] {strides = array<i32>} : memref<5120xi32, #tpu.memory_space<vmem>>, vector<16xi32>,
    %get3A_25 = vector.shape_cast %get3A_24 : vector<16xi32> to vector<16xi32>
    %swap3A_26 = arith.constant 32 : index
    %swap3A_27 = tpu.vector_load %arg9[%swap3A_26] {strides = array<i32>} : memref<128xi32, #tpu.memory_space<vmem>>, vector<16xi32>,
    %swap3A_28 = vector.shape_cast %swap3A_27 : vector<16xi32> to vector<16xi32>
    %swap3A_29 = vector.shape_cast %get3A_25 : vector<16xi32> to vector<16xi32>
    tpu.vector_store %arg9[%swap3A_26], %swap3A_29 {strides = array<i32>} : memref<128xi32, #tpu.memory_space<vmem>>, vector<16xi32>,
    %get3A_30 = arith.constant 48 : index
    %get3A_31 = tpu.vector_load %arg7[%get3A_30] {strides = array<i32>} : memref<5120xi32, #tpu.memory_space<vmem>>, vector<16xi32>,
    %get3A_32 = vector.shape_cast %get3A_31 : vector<16xi32> to vector<16xi32>
    %swap3A_33 = arith.constant 48 : index
    %swap3A_34 = tpu.vector_load %arg9[%swap3A_33] {strides = array<i32>} : memref<128xi32, #tpu.memory_space<vmem>>, vector<16xi32>,
    %swap3A_35 = vector.shape_cast %swap3A_34 : vector<16xi32> to vector<16xi32>
    %swap3A_36 = vector.shape_cast %get3A_32 : vector<16xi32> to vector<16xi32>
    tpu.vector_store %arg9[%swap3A_33], %swap3A_36 {strides = array<i32>} : memref<128xi32, #tpu.memory_space<vmem>>, vector<16xi32>,
    %get3A_37 = arith.constant 64 : index
    %get3A_38 = tpu.vector_load %arg7[%get3A_37] {strides = array<i32>} : memref<5120xi32, #tpu.memory_space<vmem>>, vector<16xi32>,
    %get3A_39 = vector.shape_cast %get3A_38 : vector<16xi32> to vector<16xi32>
    %swap3A_40 = arith.constant 64 : index
    %swap3A_41 = tpu.vector_load %arg9[%swap3A_40] {strides = array<i32>} : memref<128xi32, #tpu.memory_space<vmem>>, vector<16xi32>,
    %swap3A_42 = vector.shape_cast %swap3A_41 : vector<16xi32> to vector<16xi32>
    %swap3A_43 = vector.shape_cast %get3A_39 : vector<16xi32> to vector<16xi32>
    tpu.vector_store %arg9[%swap3A_40], %swap3A_43 {strides = array<i32>} : memref<128xi32, #tpu.memory_space<vmem>>, vector<16xi32>,
    %get3A_44 = arith.constant 80 : index
    %get3A_45 = tpu.vector_load %arg7[%get3A_44] {strides = array<i32>} : memref<5120xi32, #tpu.memory_space<vmem>>, vector<16xi32>,
    %get3A_46 = vector.shape_cast %get3A_45 : vector<16xi32> to vector<16xi32>
    %swap3A_47 = arith.constant 80 : index
    %swap3A_48 = tpu.vector_load %arg9[%swap3A_47] {strides = array<i32>} : memref<128xi32, #tpu.memory_space<vmem>>, vector<16xi32>,
    %swap3A_49 = vector.shape_cast %swap3A_48 : vector<16xi32> to vector<16xi32>
    %swap3A_50 = vector.shape_cast %get3A_46 : vector<16xi32> to vector<16xi32>
    tpu.vector_store %arg9[%swap3A_47], %swap3A_50 {strides = array<i32>} : memref<128xi32, #tpu.memory_space<vmem>>, vector<16xi32>,
    %get3A_51 = arith.constant 96 : index
    %get3A_52 = tpu.vector_load %arg7[%get3A_51] {strides = array<i32>} : memref<5120xi32, #tpu.memory_space<vmem>>, vector<16xi32>,
    %get3A_53 = vector.shape_cast %get3A_52 : vector<16xi32> to vector<16xi32>
    %swap3A_54 = arith.constant 96 : index
    %swap3A_55 = tpu.vector_load %arg9[%swap3A_54] {strides = array<i32>} : memref<128xi32, #tpu.memory_space<vmem>>, vector<16xi32>,
    %swap3A_56 = vector.shape_cast %swap3A_55 : vector<16xi32> to vector<16xi32>
    %swap3A_57 = vector.shape_cast %get3A_53 : vector<16xi32> to vector<16xi32>
    tpu.vector_store %arg9[%swap3A_54], %swap3A_57 {strides = array<i32>} : memref<128xi32, #tpu.memory_space<vmem>>, vector<16xi32>,
    %get3A_58 = arith.constant 112 : index
    %get3A_59 = tpu.vector_load %arg7[%get3A_58] {strides = array<i32>} : memref<5120xi32, #tpu.memory_space<vmem>>, vector<16xi32>,
    %get3A_60 = vector.shape_cast %get3A_59 : vector<16xi32> to vector<16xi32>
    %swap3A_61 = arith.constant 112 : index
    %swap3A_62 = tpu.vector_load %arg9[%swap3A_61] {strides = array<i32>} : memref<128xi32, #tpu.memory_space<vmem>>, vector<16xi32>,
    %swap3A_63 = vector.shape_cast %swap3A_62 : vector<16xi32> to vector<16xi32>
    %swap3A_64 = vector.shape_cast %get3A_60 : vector<16xi32> to vector<16xi32>
    tpu.vector_store %arg9[%swap3A_61], %swap3A_64 {strides = array<i32>} : memref<128xi32, #tpu.memory_space<vmem>>, vector<16xi32>,
    %dma_start3A = arith.constant 0 : i32
    %dma_start3A_65 = arith.constant 0 : i32
    %dma_start3A_66 = tpu.memref_slice %arg16[%dma_start3A, %dma_start3A_65] : memref<10000x48xf32, #tpu.memory_space<vmem_shared>> -> memref<10000x48xf32, #tpu.memory_space<vmem_shared>>
    tpu.enqueue_indirect_dma source(%dma_start3A_66 : memref<10000x48xf32, #tpu.memory_space<vmem_shared>>) target(%arg13 : memref<128x48xf32, #tpu.memory_space<vmem>>) offsets(%arg9 : memref<128xi32, #tpu.memory_space<vmem>>) semaphore(%arg17 : memref<!tpu.dma_semaphore, #tpu.memory_space<semaphore_mem>>)
    %get3A_67 = arith.constant 128 : index
    %get3A_68 = tpu.vector_load %arg7[%get3A_67] {strides = array<i32>} : memref<5120xi32, #tpu.memory_space<vmem>>, vector<16xi32>,
    %get3A_69 = vector.shape_cast %get3A_68 : vector<16xi32> to vector<16xi32>
    %swap3A_70 = arith.constant 0 : index
    %swap3A_71 = tpu.vector_load %arg10[%swap3A_70] {strides = array<i32>} : memref<128xi32, #tpu.memory_space<vmem>>, vector<16xi32>,
    %swap3A_72 = vector.shape_cast %swap3A_71 : vector<16xi32> to vector<16xi32>
    %swap3A_73 = vector.shape_cast %get3A_69 : vector<16xi32> to vector<16xi32>
    tpu.vector_store %arg10[%swap3A_70], %swap3A_73 {strides = array<i32>} : memref<128xi32, #tpu.memory_space<vmem>>, vector<16xi32>,
    %get3A_74 = arith.constant 144 : index
    %get3A_75 = tpu.vector_load %arg7[%get3A_74] {strides = array<i32>} : memref<5120xi32, #tpu.memory_space<vmem>>, vector<16xi32>,
    %get3A_76 = vector.shape_cast %get3A_75 : vector<16xi32> to vector<16xi32>
    %swap3A_77 = arith.constant 16 : index
    %swap3A_78 = tpu.vector_load %arg10[%swap3A_77] {strides = array<i32>} : memref<128xi32, #tpu.memory_space<vmem>>, vector<16xi32>,
    %swap3A_79 = vector.shape_cast %swap3A_78 : vector<16xi32> to vector<16xi32>
    %swap3A_80 = vector.shape_cast %get3A_76 : vector<16xi32> to vector<16xi32>
    tpu.vector_store %arg10[%swap3A_77], %swap3A_80 {strides = array<i32>} : memref<128xi32, #tpu.memory_space<vmem>>, vector<16xi32>,
    %get3A_81 = arith.constant 160 : index
    %get3A_82 = tpu.vector_load %arg7[%get3A_81] {strides = array<i32>} : memref<5120xi32, #tpu.memory_space<vmem>>, vector<16xi32>,
    %get3A_83 = vector.shape_cast %get3A_82 : vector<16xi32> to vector<16xi32>
    %swap3A_84 = arith.constant 32 : index
    %swap3A_85 = tpu.vector_load %arg10[%swap3A_84] {strides = array<i32>} : memref<128xi32, #tpu.memory_space<vmem>>, vector<16xi32>,
    %swap3A_86 = vector.shape_cast %swap3A_85 : vector<16xi32> to vector<16xi32>
    %swap3A_87 = vector.shape_cast %get3A_83 : vector<16xi32> to vector<16xi32>
    tpu.vector_store %arg10[%swap3A_84], %swap3A_87 {strides = array<i32>} : memref<128xi32, #tpu.memory_space<vmem>>, vector<16xi32>,
    %get3A_88 = arith.constant 176 : index
    %get3A_89 = tpu.vector_load %arg7[%get3A_88] {strides = array<i32>} : memref<5120xi32, #tpu.memory_space<vmem>>, vector<16xi32>,
    %get3A_90 = vector.shape_cast %get3A_89 : vector<16xi32> to vector<16xi32>
    %swap3A_91 = arith.constant 48 : index
    %swap3A_92 = tpu.vector_load %arg10[%swap3A_91] {strides = array<i32>} : memref<128xi32, #tpu.memory_space<vmem>>, vector<16xi32>,
    %swap3A_93 = vector.shape_cast %swap3A_92 : vector<16xi32> to vector<16xi32>
    %swap3A_94 = vector.shape_cast %get3A_90 : vector<16xi32> to vector<16xi32>
    tpu.vector_store %arg10[%swap3A_91], %swap3A_94 {strides = array<i32>} : memref<128xi32, #tpu.memory_space<vmem>>, vector<16xi32>,
    %get3A_95 = arith.constant 192 : index
    %get3A_96 = tpu.vector_load %arg7[%get3A_95] {strides = array<i32>} : memref<5120xi32, #tpu.memory_space<vmem>>, vector<16xi32>,
    %get3A_97 = vector.shape_cast %get3A_96 : vector<16xi32> to vector<16xi32>
    %swap3A_98 = arith.constant 64 : index
    %swap3A_99 = tpu.vector_load %arg10[%swap3A_98] {strides = array<i32>} : memref<128xi32, #tpu.memory_space<vmem>>, vector<16xi32>,
    %swap3A_100 = vector.shape_cast %swap3A_99 : vector<16xi32> to vector<16xi32>
    %swap3A_101 = vector.shape_cast %get3A_97 : vector<16xi32> to vector<16xi32>
    tpu.vector_store %arg10[%swap3A_98], %swap3A_101 {strides = array<i32>} : memref<128xi32, #tpu.memory_space<vmem>>, vector<16xi32>,
    %get3A_102 = arith.constant 208 : index
    %get3A_103 = tpu.vector_load %arg7[%get3A_102] {strides = array<i32>} : memref<5120xi32, #tpu.memory_space<vmem>>, vector<16xi32>,
    %get3A_104 = vector.shape_cast %get3A_103 : vector<16xi32> to vector<16xi32>
    %swap3A_105 = arith.constant 80 : index
    %swap3A_106 = tpu.vector_load %arg10[%swap3A_105] {strides = array<i32>} : memref<128xi32, #tpu.memory_space<vmem>>, vector<16xi32>,
    %swap3A_107 = vector.shape_cast %swap3A_106 : vector<16xi32> to vector<16xi32>
    %swap3A_108 = vector.shape_cast %get3A_104 : vector<16xi32> to vector<16xi32>
    tpu.vector_store %arg10[%swap3A_105], %swap3A_108 {strides = array<i32>} : memref<128xi32, #tpu.memory_space<vmem>>, vector<16xi32>,
    %get3A_109 = arith.constant 224 : index
    %get3A_110 = tpu.vector_load %arg7[%get3A_109] {strides = array<i32>} : memref<5120xi32, #tpu.memory_space<vmem>>, vector<16xi32>,
    %get3A_111 = vector.shape_cast %get3A_110 : vector<16xi32> to vector<16xi32>
    %swap3A_112 = arith.constant 96 : index
    %swap3A_113 = tpu.vector_load %arg10[%swap3A_112] {strides = array<i32>} : memref<128xi32, #tpu.memory_space<vmem>>, vector<16xi32>,
    %swap3A_114 = vector.shape_cast %swap3A_113 : vector<16xi32> to vector<16xi32>
    %swap3A_115 = vector.shape_cast %get3A_111 : vector<16xi32> to vector<16xi32>
    tpu.vector_store %arg10[%swap3A_112], %swap3A_115 {strides = array<i32>} : memref<128xi32, #tpu.memory_space<vmem>>, vector<16xi32>,
    %get3A_116 = arith.constant 240 : index
    %get3A_117 = tpu.vector_load %arg7[%get3A_116] {strides = array<i32>} : memref<5120xi32, #tpu.memory_space<vmem>>, vector<16xi32>,
    %get3A_118 = vector.shape_cast %get3A_117 : vector<16xi32> to vector<16xi32>
    %swap3A_119 = arith.constant 112 : index
    %swap3A_120 = tpu.vector_load %arg10[%swap3A_119] {strides = array<i32>} : memref<128xi32, #tpu.memory_space<vmem>>, vector<16xi32>,
    %swap3A_121 = vector.shape_cast %swap3A_120 : vector<16xi32> to vector<16xi32>
    %swap3A_122 = vector.shape_cast %get3A_118 : vector<16xi32> to vector<16xi32>
    tpu.vector_store %arg10[%swap3A_119], %swap3A_122 {strides = array<i32>} : memref<128xi32, #tpu.memory_space<vmem>>, vector<16xi32>,
    %dma_start3A_123 = arith.constant 0 : i32
    %dma_start3A_124 = arith.constant 0 : i32
    %dma_start3A_125 = tpu.memref_slice %arg16[%dma_start3A_123, %dma_start3A_124] : memref<10000x48xf32, #tpu.memory_space<vmem_shared>> -> memref<10000x48xf32, #tpu.memory_space<vmem_shared>>
    tpu.enqueue_indirect_dma source(%dma_start3A_125 : memref<10000x48xf32, #tpu.memory_space<vmem_shared>>) target(%arg14 : memref<128x48xf32, #tpu.memory_space<vmem>>) offsets(%arg10 : memref<128xi32, #tpu.memory_space<vmem>>) semaphore(%arg18 : memref<!tpu.dma_semaphore, #tpu.memory_space<semaphore_mem>>)
    %scan3A = arith.constant 0 : i32
    %scan3A_126 = arith.constant 20 : i32
    %scan3A_127 = arith.addi %scan3A, %scan3A_126 : i32
    %scan3A_128 = arith.constant 1 : i32
    scf.for %scan3A_262 = %scan3A to %scan3A_127 step %scan3A_128  : i32 {
      %mul3A_263 = arith.constant 2 : i32
      %mul3A_264 = arith.muli %scan3A_262, %mul3A_263 : i32
      %add3A_265 = arith.constant 0 : i32
      %add3A_266 = arith.addi %add3A_265, %mul3A_264 : i32
      %dma_wait3A = arith.constant 0 : i32
      %dma_wait3A_267 = arith.constant 0 : i32
      %dma_wait3A_268 = tpu.memref_slice %arg16[%dma_wait3A, %dma_wait3A_267] : memref<10000x48xf32, #tpu.memory_space<vmem_shared>> -> memref<10000x48xf32, #tpu.memory_space<vmem_shared>>
      tpu.wait_indirect_dma semaphore(%arg17 : memref<!tpu.dma_semaphore, #tpu.memory_space<semaphore_mem>>) src(%dma_wait3A_268 : memref<10000x48xf32, #tpu.memory_space<vmem_shared>>) dst(%arg13 : memref<128x48xf32, #tpu.memory_space<vmem>>)
      %mul3A_269 = arith.constant 128 : i32
      %mul3A_270 = arith.muli %add3A_266, %mul3A_269 : i32
      %add3A_271 = arith.constant 0 : i32
      %add3A_272 = arith.addi %mul3A_270, %add3A_271 : i32
      %get3A_273 = arith.index_cast %add3A_272 : i32 to index
      %get3A_274 = tpu.vector_load %arg8[%get3A_273] {strides = array<i32>} : memref<5120xi32, #tpu.memory_space<vmem>>, vector<16xi32>,
      %get3A_275 = vector.shape_cast %get3A_274 : vector<16xi32> to vector<16xi32>
      %swap3A_276 = arith.constant 0 : index
      %swap3A_277 = tpu.vector_load %arg11[%swap3A_276] {strides = array<i32>} : memref<128xi32, #tpu.memory_space<vmem>>, vector<16xi32>,
      %swap3A_278 = vector.shape_cast %swap3A_277 : vector<16xi32> to vector<16xi32>
      %swap3A_279 = vector.shape_cast %get3A_275 : vector<16xi32> to vector<16xi32>
      tpu.vector_store %arg11[%swap3A_276], %swap3A_279 {strides = array<i32>} : memref<128xi32, #tpu.memory_space<vmem>>, vector<16xi32>,
      %mul3A_280 = arith.constant 128 : i32
      %mul3A_281 = arith.muli %add3A_266, %mul3A_280 : i32
      %add3A_282 = arith.constant 16 : i32
      %add3A_283 = arith.addi %mul3A_281, %add3A_282 : i32
      %get3A_284 = arith.index_cast %add3A_283 : i32 to index
      %get3A_285 = tpu.vector_load %arg8[%get3A_284] {strides = array<i32>} : memref<5120xi32, #tpu.memory_space<vmem>>, vector<16xi32>,
      %get3A_286 = vector.shape_cast %get3A_285 : vector<16xi32> to vector<16xi32>
      %swap3A_287 = arith.constant 16 : index
      %swap3A_288 = tpu.vector_load %arg11[%swap3A_287] {strides = array<i32>} : memref<128xi32, #tpu.memory_space<vmem>>, vector<16xi32>,
      %swap3A_289 = vector.shape_cast %swap3A_288 : vector<16xi32> to vector<16xi32>
      %swap3A_290 = vector.shape_cast %get3A_286 : vector<16xi32> to vector<16xi32>
      tpu.vector_store %arg11[%swap3A_287], %swap3A_290 {strides = array<i32>} : memref<128xi32, #tpu.memory_space<vmem>>, vector<16xi32>,
      %mul3A_291 = arith.constant 128 : i32
      %mul3A_292 = arith.muli %add3A_266, %mul3A_291 : i32
      %add3A_293 = arith.constant 32 : i32
      %add3A_294 = arith.addi %mul3A_292, %add3A_293 : i32
      %get3A_295 = arith.index_cast %add3A_294 : i32 to index
      %get3A_296 = tpu.vector_load %arg8[%get3A_295] {strides = array<i32>} : memref<5120xi32, #tpu.memory_space<vmem>>, vector<16xi32>,
      %get3A_297 = vector.shape_cast %get3A_296 : vector<16xi32> to vector<16xi32>
      %swap3A_298 = arith.constant 32 : index
      %swap3A_299 = tpu.vector_load %arg11[%swap3A_298] {strides = array<i32>} : memref<128xi32, #tpu.memory_space<vmem>>, vector<16xi32>,
      %swap3A_300 = vector.shape_cast %swap3A_299 : vector<16xi32> to vector<16xi32>
      %swap3A_301 = vector.shape_cast %get3A_297 : vector<16xi32> to vector<16xi32>
      tpu.vector_store %arg11[%swap3A_298], %swap3A_301 {strides = array<i32>} : memref<128xi32, #tpu.memory_space<vmem>>, vector<16xi32>,
      %mul3A_302 = arith.constant 128 : i32
      %mul3A_303 = arith.muli %add3A_266, %mul3A_302 : i32
      %add3A_304 = arith.constant 48 : i32
      %add3A_305 = arith.addi %mul3A_303, %add3A_304 : i32
      %get3A_306 = arith.index_cast %add3A_305 : i32 to index
      %get3A_307 = tpu.vector_load %arg8[%get3A_306] {strides = array<i32>} : memref<5120xi32, #tpu.memory_space<vmem>>, vector<16xi32>,
      %get3A_308 = vector.shape_cast %get3A_307 : vector<16xi32> to vector<16xi32>
      %swap3A_309 = arith.constant 48 : index
      %swap3A_310 = tpu.vector_load %arg11[%swap3A_309] {strides = array<i32>} : memref<128xi32, #tpu.memory_space<vmem>>, vector<16xi32>,
      %swap3A_311 = vector.shape_cast %swap3A_310 : vector<16xi32> to vector<16xi32>
      %swap3A_312 = vector.shape_cast %get3A_308 : vector<16xi32> to vector<16xi32>
      tpu.vector_store %arg11[%swap3A_309], %swap3A_312 {strides = array<i32>} : memref<128xi32, #tpu.memory_space<vmem>>, vector<16xi32>,
      %mul3A_313 = arith.constant 128 : i32
      %mul3A_314 = arith.muli %add3A_266, %mul3A_313 : i32
      %add3A_315 = arith.constant 64 : i32
      %add3A_316 = arith.addi %mul3A_314, %add3A_315 : i32
      %get3A_317 = arith.index_cast %add3A_316 : i32 to index
      %get3A_318 = tpu.vector_load %arg8[%get3A_317] {strides = array<i32>} : memref<5120xi32, #tpu.memory_space<vmem>>, vector<16xi32>,
      %get3A_319 = vector.shape_cast %get3A_318 : vector<16xi32> to vector<16xi32>
      %swap3A_320 = arith.constant 64 : index
      %swap3A_321 = tpu.vector_load %arg11[%swap3A_320] {strides = array<i32>} : memref<128xi32, #tpu.memory_space<vmem>>, vector<16xi32>,
      %swap3A_322 = vector.shape_cast %swap3A_321 : vector<16xi32> to vector<16xi32>
      %swap3A_323 = vector.shape_cast %get3A_319 : vector<16xi32> to vector<16xi32>
      tpu.vector_store %arg11[%swap3A_320], %swap3A_323 {strides = array<i32>} : memref<128xi32, #tpu.memory_space<vmem>>, vector<16xi32>,
      %mul3A_324 = arith.constant 128 : i32
      %mul3A_325 = arith.muli %add3A_266, %mul3A_324 : i32
      %add3A_326 = arith.constant 80 : i32
      %add3A_327 = arith.addi %mul3A_325, %add3A_326 : i32
      %get3A_328 = arith.index_cast %add3A_327 : i32 to index
      %get3A_329 = tpu.vector_load %arg8[%get3A_328] {strides = array<i32>} : memref<5120xi32, #tpu.memory_space<vmem>>, vector<16xi32>,
      %get3A_330 = vector.shape_cast %get3A_329 : vector<16xi32> to vector<16xi32>
      %swap3A_331 = arith.constant 80 : index
      %swap3A_332 = tpu.vector_load %arg11[%swap3A_331] {strides = array<i32>} : memref<128xi32, #tpu.memory_space<vmem>>, vector<16xi32>,
      %swap3A_333 = vector.shape_cast %swap3A_332 : vector<16xi32> to vector<16xi32>
      %swap3A_334 = vector.shape_cast %get3A_330 : vector<16xi32> to vector<16xi32>
      tpu.vector_store %arg11[%swap3A_331], %swap3A_334 {strides = array<i32>} : memref<128xi32, #tpu.memory_space<vmem>>, vector<16xi32>,
      %mul3A_335 = arith.constant 128 : i32
      %mul3A_336 = arith.muli %add3A_266, %mul3A_335 : i32
      %add3A_337 = arith.constant 96 : i32
      %add3A_338 = arith.addi %mul3A_336, %add3A_337 : i32
      %get3A_339 = arith.index_cast %add3A_338 : i32 to index
      %get3A_340 = tpu.vector_load %arg8[%get3A_339] {strides = array<i32>} : memref<5120xi32, #tpu.memory_space<vmem>>, vector<16xi32>,
      %get3A_341 = vector.shape_cast %get3A_340 : vector<16xi32> to vector<16xi32>
      %swap3A_342 = arith.constant 96 : index
      %swap3A_343 = tpu.vector_load %arg11[%swap3A_342] {strides = array<i32>} : memref<128xi32, #tpu.memory_space<vmem>>, vector<16xi32>,
      %swap3A_344 = vector.shape_cast %swap3A_343 : vector<16xi32> to vector<16xi32>
      %swap3A_345 = vector.shape_cast %get3A_341 : vector<16xi32> to vector<16xi32>
      tpu.vector_store %arg11[%swap3A_342], %swap3A_345 {strides = array<i32>} : memref<128xi32, #tpu.memory_space<vmem>>, vector<16xi32>,
      %mul3A_346 = arith.constant 128 : i32
      %mul3A_347 = arith.muli %add3A_266, %mul3A_346 : i32
      %add3A_348 = arith.constant 112 : i32
      %add3A_349 = arith.addi %mul3A_347, %add3A_348 : i32
      %get3A_350 = arith.index_cast %add3A_349 : i32 to index
      %get3A_351 = tpu.vector_load %arg8[%get3A_350] {strides = array<i32>} : memref<5120xi32, #tpu.memory_space<vmem>>, vector<16xi32>,
      %get3A_352 = vector.shape_cast %get3A_351 : vector<16xi32> to vector<16xi32>
      %swap3A_353 = arith.constant 112 : index
      %swap3A_354 = tpu.vector_load %arg11[%swap3A_353] {strides = array<i32>} : memref<128xi32, #tpu.memory_space<vmem>>, vector<16xi32>,
      %swap3A_355 = vector.shape_cast %swap3A_354 : vector<16xi32> to vector<16xi32>
      %swap3A_356 = vector.shape_cast %get3A_352 : vector<16xi32> to vector<16xi32>
      tpu.vector_store %arg11[%swap3A_353], %swap3A_356 {strides = array<i32>} : memref<128xi32, #tpu.memory_space<vmem>>, vector<16xi32>,
      "tpu.region"() ({
        %run_scoped3A = tpu.sem_alloc : memref<!tpu.dma_semaphore, #tpu.memory_space<semaphore_mem>>
        %dma_start3A_461 = arith.constant 0 : i32
        %dma_start3A_462 = arith.constant 0 : i32
        %dma_start3A_463 = tpu.memref_slice %arg15[%dma_start3A_461, %dma_start3A_462] : memref<10240x48xf32, #tpu.memory_space<vmem_shared>> -> memref<10240x48xf32, #tpu.memory_space<vmem_shared>>
        tpu.enqueue_indirect_dma source(%arg13 : memref<128x48xf32, #tpu.memory_space<vmem>>) target(%dma_start3A_463 : memref<10240x48xf32, #tpu.memory_space<vmem_shared>>) offsets(%arg11 : memref<128xi32, #tpu.memory_space<vmem>>) semaphore(%run_scoped3A : memref<!tpu.dma_semaphore, #tpu.memory_space<semaphore_mem>>) {add = true}
        %dma_wait3A_464 = arith.constant 0 : i32
        %dma_wait3A_465 = arith.constant 0 : i32
        %dma_wait3A_466 = tpu.memref_slice %arg15[%dma_wait3A_464, %dma_wait3A_465] : memref<10240x48xf32, #tpu.memory_space<vmem_shared>> -> memref<10240x48xf32, #tpu.memory_space<vmem_shared>>
        tpu.wait_indirect_dma semaphore(%run_scoped3A : memref<!tpu.dma_semaphore, #tpu.memory_space<semaphore_mem>>) src(%arg13 : memref<128x48xf32, #tpu.memory_space<vmem>>) dst(%dma_wait3A_466 : memref<10240x48xf32, #tpu.memory_space<vmem_shared>>)
        tpu.yield
      }) : () -> ()
      %add3A_357 = arith.constant 2 : i32
      %add3A_358 = arith.addi %add3A_266, %add3A_357 : i32
      %lt3A = arith.constant 40 : i32
      %lt3A_359 = arith.cmpi slt, %add3A_358, %lt3A : i32
      %convert_element_type3A = arith.extui %lt3A_359 : i1 to i32
      %cond3A = arith.constant 0 : i32
      %cond3A_360 = arith.cmpi ne, %convert_element_type3A, %cond3A : i32
      scf.if %cond3A_360 {
        %add3A_461 = arith.constant 2 : i32
        %add3A_462 = arith.addi %add3A_266, %add3A_461 : i32
        %mul3A_463 = arith.constant 128 : i32
        %mul3A_464 = arith.muli %add3A_462, %mul3A_463 : i32
        %add3A_465 = arith.constant 0 : i32
        %add3A_466 = arith.addi %mul3A_464, %add3A_465 : i32
        %get3A_467 = arith.index_cast %add3A_466 : i32 to index
        %get3A_468 = tpu.vector_load %arg7[%get3A_467] {strides = array<i32>} : memref<5120xi32, #tpu.memory_space<vmem>>, vector<16xi32>,
        %get3A_469 = vector.shape_cast %get3A_468 : vector<16xi32> to vector<16xi32>
        %swap3A_470 = arith.constant 0 : index
        %swap3A_471 = tpu.vector_load %arg9[%swap3A_470] {strides = array<i32>} : memref<128xi32, #tpu.memory_space<vmem>>, vector<16xi32>,
        %swap3A_472 = vector.shape_cast %swap3A_471 : vector<16xi32> to vector<16xi32>
        %swap3A_473 = vector.shape_cast %get3A_469 : vector<16xi32> to vector<16xi32>
        tpu.vector_store %arg9[%swap3A_470], %swap3A_473 {strides = array<i32>} : memref<128xi32, #tpu.memory_space<vmem>>, vector<16xi32>,
        %mul3A_474 = arith.constant 128 : i32
        %mul3A_475 = arith.muli %add3A_462, %mul3A_474 : i32
        %add3A_476 = arith.constant 16 : i32
        %add3A_477 = arith.addi %mul3A_475, %add3A_476 : i32
        %get3A_478 = arith.index_cast %add3A_477 : i32 to index
        %get3A_479 = tpu.vector_load %arg7[%get3A_478] {strides = array<i32>} : memref<5120xi32, #tpu.memory_space<vmem>>, vector<16xi32>,
        %get3A_480 = vector.shape_cast %get3A_479 : vector<16xi32> to vector<16xi32>
        %swap3A_481 = arith.constant 16 : index
        %swap3A_482 = tpu.vector_load %arg9[%swap3A_481] {strides = array<i32>} : memref<128xi32, #tpu.memory_space<vmem>>, vector<16xi32>,
        %swap3A_483 = vector.shape_cast %swap3A_482 : vector<16xi32> to vector<16xi32>
        %swap3A_484 = vector.shape_cast %get3A_480 : vector<16xi32> to vector<16xi32>
        tpu.vector_store %arg9[%swap3A_481], %swap3A_484 {strides = array<i32>} : memref<128xi32, #tpu.memory_space<vmem>>, vector<16xi32>,
        %mul3A_485 = arith.constant 128 : i32
        %mul3A_486 = arith.muli %add3A_462, %mul3A_485 : i32
        %add3A_487 = arith.constant 32 : i32
        %add3A_488 = arith.addi %mul3A_486, %add3A_487 : i32
        %get3A_489 = arith.index_cast %add3A_488 : i32 to index
        %get3A_490 = tpu.vector_load %arg7[%get3A_489] {strides = array<i32>} : memref<5120xi32, #tpu.memory_space<vmem>>, vector<16xi32>,
        %get3A_491 = vector.shape_cast %get3A_490 : vector<16xi32> to vector<16xi32>
        %swap3A_492 = arith.constant 32 : index
        %swap3A_493 = tpu.vector_load %arg9[%swap3A_492] {strides = array<i32>} : memref<128xi32, #tpu.memory_space<vmem>>, vector<16xi32>,
        %swap3A_494 = vector.shape_cast %swap3A_493 : vector<16xi32> to vector<16xi32>
        %swap3A_495 = vector.shape_cast %get3A_491 : vector<16xi32> to vector<16xi32>
        tpu.vector_store %arg9[%swap3A_492], %swap3A_495 {strides = array<i32>} : memref<128xi32, #tpu.memory_space<vmem>>, vector<16xi32>,
        %mul3A_496 = arith.constant 128 : i32
        %mul3A_497 = arith.muli %add3A_462, %mul3A_496 : i32
        %add3A_498 = arith.constant 48 : i32
        %add3A_499 = arith.addi %mul3A_497, %add3A_498 : i32
        %get3A_500 = arith.index_cast %add3A_499 : i32 to index
        %get3A_501 = tpu.vector_load %arg7[%get3A_500] {strides = array<i32>} : memref<5120xi32, #tpu.memory_space<vmem>>, vector<16xi32>,
        %get3A_502 = vector.shape_cast %get3A_501 : vector<16xi32> to vector<16xi32>
        %swap3A_503 = arith.constant 48 : index
        %swap3A_504 = tpu.vector_load %arg9[%swap3A_503] {strides = array<i32>} : memref<128xi32, #tpu.memory_space<vmem>>, vector<16xi32>,
        %swap3A_505 = vector.shape_cast %swap3A_504 : vector<16xi32> to vector<16xi32>
        %swap3A_506 = vector.shape_cast %get3A_502 : vector<16xi32> to vector<16xi32>
        tpu.vector_store %arg9[%swap3A_503], %swap3A_506 {strides = array<i32>} : memref<128xi32, #tpu.memory_space<vmem>>, vector<16xi32>,
        %mul3A_507 = arith.constant 128 : i32
        %mul3A_508 = arith.muli %add3A_462, %mul3A_507 : i32
        %add3A_509 = arith.constant 64 : i32
        %add3A_510 = arith.addi %mul3A_508, %add3A_509 : i32
        %get3A_511 = arith.index_cast %add3A_510 : i32 to index
        %get3A_512 = tpu.vector_load %arg7[%get3A_511] {strides = array<i32>} : memref<5120xi32, #tpu.memory_space<vmem>>, vector<16xi32>,
        %get3A_513 = vector.shape_cast %get3A_512 : vector<16xi32> to vector<16xi32>
        %swap3A_514 = arith.constant 64 : index
        %swap3A_515 = tpu.vector_load %arg9[%swap3A_514] {strides = array<i32>} : memref<128xi32, #tpu.memory_space<vmem>>, vector<16xi32>,
        %swap3A_516 = vector.shape_cast %swap3A_515 : vector<16xi32> to vector<16xi32>
        %swap3A_517 = vector.shape_cast %get3A_513 : vector<16xi32> to vector<16xi32>
        tpu.vector_store %arg9[%swap3A_514], %swap3A_517 {strides = array<i32>} : memref<128xi32, #tpu.memory_space<vmem>>, vector<16xi32>,
        %mul3A_518 = arith.constant 128 : i32
        %mul3A_519 = arith.muli %add3A_462, %mul3A_518 : i32
        %add3A_520 = arith.constant 80 : i32
        %add3A_521 = arith.addi %mul3A_519, %add3A_520 : i32
        %get3A_522 = arith.index_cast %add3A_521 : i32 to index
        %get3A_523 = tpu.vector_load %arg7[%get3A_522] {strides = array<i32>} : memref<5120xi32, #tpu.memory_space<vmem>>, vector<16xi32>,
        %get3A_524 = vector.shape_cast %get3A_523 : vector<16xi32> to vector<16xi32>
        %swap3A_525 = arith.constant 80 : index
        %swap3A_526 = tpu.vector_load %arg9[%swap3A_525] {strides = array<i32>} : memref<128xi32, #tpu.memory_space<vmem>>, vector<16xi32>,
        %swap3A_527 = vector.shape_cast %swap3A_526 : vector<16xi32> to vector<16xi32>
        %swap3A_528 = vector.shape_cast %get3A_524 : vector<16xi32> to vector<16xi32>
        tpu.vector_store %arg9[%swap3A_525], %swap3A_528 {strides = array<i32>} : memref<128xi32, #tpu.memory_space<vmem>>, vector<16xi32>,
        %mul3A_529 = arith.constant 128 : i32
        %mul3A_530 = arith.muli %add3A_462, %mul3A_529 : i32
        %add3A_531 = arith.constant 96 : i32
        %add3A_532 = arith.addi %mul3A_530, %add3A_531 : i32
        %get3A_533 = arith.index_cast %add3A_532 : i32 to index
        %get3A_534 = tpu.vector_load %arg7[%get3A_533] {strides = array<i32>} : memref<5120xi32, #tpu.memory_space<vmem>>, vector<16xi32>,
        %get3A_535 = vector.shape_cast %get3A_534 : vector<16xi32> to vector<16xi32>
        %swap3A_536 = arith.constant 96 : index
        %swap3A_537 = tpu.vector_load %arg9[%swap3A_536] {strides = array<i32>} : memref<128xi32, #tpu.memory_space<vmem>>, vector<16xi32>,
        %swap3A_538 = vector.shape_cast %swap3A_537 : vector<16xi32> to vector<16xi32>
        %swap3A_539 = vector.shape_cast %get3A_535 : vector<16xi32> to vector<16xi32>
        tpu.vector_store %arg9[%swap3A_536], %swap3A_539 {strides = array<i32>} : memref<128xi32, #tpu.memory_space<vmem>>, vector<16xi32>,
        %mul3A_540 = arith.constant 128 : i32
        %mul3A_541 = arith.muli %add3A_462, %mul3A_540 : i32
        %add3A_542 = arith.constant 112 : i32
        %add3A_543 = arith.addi %mul3A_541, %add3A_542 : i32
        %get3A_544 = arith.index_cast %add3A_543 : i32 to index
        %get3A_545 = tpu.vector_load %arg7[%get3A_544] {strides = array<i32>} : memref<5120xi32, #tpu.memory_space<vmem>>, vector<16xi32>,
        %get3A_546 = vector.shape_cast %get3A_545 : vector<16xi32> to vector<16xi32>
        %swap3A_547 = arith.constant 112 : index
        %swap3A_548 = tpu.vector_load %arg9[%swap3A_547] {strides = array<i32>} : memref<128xi32, #tpu.memory_space<vmem>>, vector<16xi32>,
        %swap3A_549 = vector.shape_cast %swap3A_548 : vector<16xi32> to vector<16xi32>
        %swap3A_550 = vector.shape_cast %get3A_546 : vector<16xi32> to vector<16xi32>
        tpu.vector_store %arg9[%swap3A_547], %swap3A_550 {strides = array<i32>} : memref<128xi32, #tpu.memory_space<vmem>>, vector<16xi32>,
        %dma_start3A_551 = arith.constant 0 : i32
        %dma_start3A_552 = arith.constant 0 : i32
        %dma_start3A_553 = tpu.memref_slice %arg16[%dma_start3A_551, %dma_start3A_552] : memref<10000x48xf32, #tpu.memory_space<vmem_shared>> -> memref<10000x48xf32, #tpu.memory_space<vmem_shared>>
        tpu.enqueue_indirect_dma source(%dma_start3A_553 : memref<10000x48xf32, #tpu.memory_space<vmem_shared>>) target(%arg13 : memref<128x48xf32, #tpu.memory_space<vmem>>) offsets(%arg9 : memref<128xi32, #tpu.memory_space<vmem>>) semaphore(%arg17 : memref<!tpu.dma_semaphore, #tpu.memory_space<semaphore_mem>>)
      } else {
      }
      %dma_wait3A_361 = arith.constant 0 : i32
      %dma_wait3A_362 = arith.constant 0 : i32
      %dma_wait3A_363 = tpu.memref_slice %arg16[%dma_wait3A_361, %dma_wait3A_362] : memref<10000x48xf32, #tpu.memory_space<vmem_shared>> -> memref<10000x48xf32, #tpu.memory_space<vmem_shared>>
      tpu.wait_indirect_dma semaphore(%arg18 : memref<!tpu.dma_semaphore, #tpu.memory_space<semaphore_mem>>) src(%dma_wait3A_363 : memref<10000x48xf32, #tpu.memory_space<vmem_shared>>) dst(%arg14 : memref<128x48xf32, #tpu.memory_space<vmem>>)
      %add3A_364 = arith.constant 1 : i32
      %add3A_365 = arith.addi %add3A_266, %add3A_364 : i32
      %mul3A_366 = arith.constant 128 : i32
      %mul3A_367 = arith.muli %add3A_365, %mul3A_366 : i32
      %add3A_368 = arith.constant 0 : i32
      %add3A_369 = arith.addi %mul3A_367, %add3A_368 : i32
      %get3A_370 = arith.index_cast %add3A_369 : i32 to index
      %get3A_371 = tpu.vector_load %arg8[%get3A_370] {strides = array<i32>} : memref<5120xi32, #tpu.memory_space<vmem>>, vector<16xi32>,
      %get3A_372 = vector.shape_cast %get3A_371 : vector<16xi32> to vector<16xi32>
      %swap3A_373 = arith.constant 0 : index
      %swap3A_374 = tpu.vector_load %arg12[%swap3A_373] {strides = array<i32>} : memref<128xi32, #tpu.memory_space<vmem>>, vector<16xi32>,
      %swap3A_375 = vector.shape_cast %swap3A_374 : vector<16xi32> to vector<16xi32>
      %swap3A_376 = vector.shape_cast %get3A_372 : vector<16xi32> to vector<16xi32>
      tpu.vector_store %arg12[%swap3A_373], %swap3A_376 {strides = array<i32>} : memref<128xi32, #tpu.memory_space<vmem>>, vector<16xi32>,
      %mul3A_377 = arith.constant 128 : i32
      %mul3A_378 = arith.muli %add3A_365, %mul3A_377 : i32
      %add3A_379 = arith.constant 16 : i32
      %add3A_380 = arith.addi %mul3A_378, %add3A_379 : i32
      %get3A_381 = arith.index_cast %add3A_380 : i32 to index
      %get3A_382 = tpu.vector_load %arg8[%get3A_381] {strides = array<i32>} : memref<5120xi32, #tpu.memory_space<vmem>>, vector<16xi32>,
      %get3A_383 = vector.shape_cast %get3A_382 : vector<16xi32> to vector<16xi32>
      %swap3A_384 = arith.constant 16 : index
      %swap3A_385 = tpu.vector_load %arg12[%swap3A_384] {strides = array<i32>} : memref<128xi32, #tpu.memory_space<vmem>>, vector<16xi32>,
      %swap3A_386 = vector.shape_cast %swap3A_385 : vector<16xi32> to vector<16xi32>
      %swap3A_387 = vector.shape_cast %get3A_383 : vector<16xi32> to vector<16xi32>
      tpu.vector_store %arg12[%swap3A_384], %swap3A_387 {strides = array<i32>} : memref<128xi32, #tpu.memory_space<vmem>>, vector<16xi32>,
      %mul3A_388 = arith.constant 128 : i32
      %mul3A_389 = arith.muli %add3A_365, %mul3A_388 : i32
      %add3A_390 = arith.constant 32 : i32
      %add3A_391 = arith.addi %mul3A_389, %add3A_390 : i32
      %get3A_392 = arith.index_cast %add3A_391 : i32 to index
      %get3A_393 = tpu.vector_load %arg8[%get3A_392] {strides = array<i32>} : memref<5120xi32, #tpu.memory_space<vmem>>, vector<16xi32>,
      %get3A_394 = vector.shape_cast %get3A_393 : vector<16xi32> to vector<16xi32>
      %swap3A_395 = arith.constant 32 : index
      %swap3A_396 = tpu.vector_load %arg12[%swap3A_395] {strides = array<i32>} : memref<128xi32, #tpu.memory_space<vmem>>, vector<16xi32>,
      %swap3A_397 = vector.shape_cast %swap3A_396 : vector<16xi32> to vector<16xi32>
      %swap3A_398 = vector.shape_cast %get3A_394 : vector<16xi32> to vector<16xi32>
      tpu.vector_store %arg12[%swap3A_395], %swap3A_398 {strides = array<i32>} : memref<128xi32, #tpu.memory_space<vmem>>, vector<16xi32>,
      %mul3A_399 = arith.constant 128 : i32
      %mul3A_400 = arith.muli %add3A_365, %mul3A_399 : i32
      %add3A_401 = arith.constant 48 : i32
      %add3A_402 = arith.addi %mul3A_400, %add3A_401 : i32
      %get3A_403 = arith.index_cast %add3A_402 : i32 to index
      %get3A_404 = tpu.vector_load %arg8[%get3A_403] {strides = array<i32>} : memref<5120xi32, #tpu.memory_space<vmem>>, vector<16xi32>,
      %get3A_405 = vector.shape_cast %get3A_404 : vector<16xi32> to vector<16xi32>
      %swap3A_406 = arith.constant 48 : index
      %swap3A_407 = tpu.vector_load %arg12[%swap3A_406] {strides = array<i32>} : memref<128xi32, #tpu.memory_space<vmem>>, vector<16xi32>,
      %swap3A_408 = vector.shape_cast %swap3A_407 : vector<16xi32> to vector<16xi32>
      %swap3A_409 = vector.shape_cast %get3A_405 : vector<16xi32> to vector<16xi32>
      tpu.vector_store %arg12[%swap3A_406], %swap3A_409 {strides = array<i32>} : memref<128xi32, #tpu.memory_space<vmem>>, vector<16xi32>,
      %mul3A_410 = arith.constant 128 : i32
      %mul3A_411 = arith.muli %add3A_365, %mul3A_410 : i32
      %add3A_412 = arith.constant 64 : i32
      %add3A_413 = arith.addi %mul3A_411, %add3A_412 : i32
      %get3A_414 = arith.index_cast %add3A_413 : i32 to index
      %get3A_415 = tpu.vector_load %arg8[%get3A_414] {strides = array<i32>} : memref<5120xi32, #tpu.memory_space<vmem>>, vector<16xi32>,
      %get3A_416 = vector.shape_cast %get3A_415 : vector<16xi32> to vector<16xi32>
      %swap3A_417 = arith.constant 64 : index
      %swap3A_418 = tpu.vector_load %arg12[%swap3A_417] {strides = array<i32>} : memref<128xi32, #tpu.memory_space<vmem>>, vector<16xi32>,
      %swap3A_419 = vector.shape_cast %swap3A_418 : vector<16xi32> to vector<16xi32>
      %swap3A_420 = vector.shape_cast %get3A_416 : vector<16xi32> to vector<16xi32>
      tpu.vector_store %arg12[%swap3A_417], %swap3A_420 {strides = array<i32>} : memref<128xi32, #tpu.memory_space<vmem>>, vector<16xi32>,
      %mul3A_421 = arith.constant 128 : i32
      %mul3A_422 = arith.muli %add3A_365, %mul3A_421 : i32
      %add3A_423 = arith.constant 80 : i32
      %add3A_424 = arith.addi %mul3A_422, %add3A_423 : i32
      %get3A_425 = arith.index_cast %add3A_424 : i32 to index
      %get3A_426 = tpu.vector_load %arg8[%get3A_425] {strides = array<i32>} : memref<5120xi32, #tpu.memory_space<vmem>>, vector<16xi32>,
      %get3A_427 = vector.shape_cast %get3A_426 : vector<16xi32> to vector<16xi32>
      %swap3A_428 = arith.constant 80 : index
      %swap3A_429 = tpu.vector_load %arg12[%swap3A_428] {strides = array<i32>} : memref<128xi32, #tpu.memory_space<vmem>>, vector<16xi32>,
      %swap3A_430 = vector.shape_cast %swap3A_429 : vector<16xi32> to vector<16xi32>
      %swap3A_431 = vector.shape_cast %get3A_427 : vector<16xi32> to vector<16xi32>
      tpu.vector_store %arg12[%swap3A_428], %swap3A_431 {strides = array<i32>} : memref<128xi32, #tpu.memory_space<vmem>>, vector<16xi32>,
      %mul3A_432 = arith.constant 128 : i32
      %mul3A_433 = arith.muli %add3A_365, %mul3A_432 : i32
      %add3A_434 = arith.constant 96 : i32
      %add3A_435 = arith.addi %mul3A_433, %add3A_434 : i32
      %get3A_436 = arith.index_cast %add3A_435 : i32 to index
      %get3A_437 = tpu.vector_load %arg8[%get3A_436] {strides = array<i32>} : memref<5120xi32, #tpu.memory_space<vmem>>, vector<16xi32>,
      %get3A_438 = vector.shape_cast %get3A_437 : vector<16xi32> to vector<16xi32>
      %swap3A_439 = arith.constant 96 : index
      %swap3A_440 = tpu.vector_load %arg12[%swap3A_439] {strides = array<i32>} : memref<128xi32, #tpu.memory_space<vmem>>, vector<16xi32>,
      %swap3A_441 = vector.shape_cast %swap3A_440 : vector<16xi32> to vector<16xi32>
      %swap3A_442 = vector.shape_cast %get3A_438 : vector<16xi32> to vector<16xi32>
      tpu.vector_store %arg12[%swap3A_439], %swap3A_442 {strides = array<i32>} : memref<128xi32, #tpu.memory_space<vmem>>, vector<16xi32>,
      %mul3A_443 = arith.constant 128 : i32
      %mul3A_444 = arith.muli %add3A_365, %mul3A_443 : i32
      %add3A_445 = arith.constant 112 : i32
      %add3A_446 = arith.addi %mul3A_444, %add3A_445 : i32
      %get3A_447 = arith.index_cast %add3A_446 : i32 to index
      %get3A_448 = tpu.vector_load %arg8[%get3A_447] {strides = array<i32>} : memref<5120xi32, #tpu.memory_space<vmem>>, vector<16xi32>,
      %get3A_449 = vector.shape_cast %get3A_448 : vector<16xi32> to vector<16xi32>
      %swap3A_450 = arith.constant 112 : index
      %swap3A_451 = tpu.vector_load %arg12[%swap3A_450] {strides = array<i32>} : memref<128xi32, #tpu.memory_space<vmem>>, vector<16xi32>,
      %swap3A_452 = vector.shape_cast %swap3A_451 : vector<16xi32> to vector<16xi32>
      %swap3A_453 = vector.shape_cast %get3A_449 : vector<16xi32> to vector<16xi32>
      tpu.vector_store %arg12[%swap3A_450], %swap3A_453 {strides = array<i32>} : memref<128xi32, #tpu.memory_space<vmem>>, vector<16xi32>,
      "tpu.region"() ({
        %run_scoped3A = tpu.sem_alloc : memref<!tpu.dma_semaphore, #tpu.memory_space<semaphore_mem>>
        %dma_start3A_461 = arith.constant 0 : i32
        %dma_start3A_462 = arith.constant 0 : i32
        %dma_start3A_463 = tpu.memref_slice %arg15[%dma_start3A_461, %dma_start3A_462] : memref<10240x48xf32, #tpu.memory_space<vmem_shared>> -> memref<10240x48xf32, #tpu.memory_space<vmem_shared>>
        tpu.enqueue_indirect_dma source(%arg14 : memref<128x48xf32, #tpu.memory_space<vmem>>) target(%dma_start3A_463 : memref<10240x48xf32, #tpu.memory_space<vmem_shared>>) offsets(%arg12 : memref<128xi32, #tpu.memory_space<vmem>>) semaphore(%run_scoped3A : memref<!tpu.dma_semaphore, #tpu.memory_space<semaphore_mem>>) {add = true}
        %dma_wait3A_464 = arith.constant 0 : i32
        %dma_wait3A_465 = arith.constant 0 : i32
        %dma_wait3A_466 = tpu.memref_slice %arg15[%dma_wait3A_464, %dma_wait3A_465] : memref<10240x48xf32, #tpu.memory_space<vmem_shared>> -> memref<10240x48xf32, #tpu.memory_space<vmem_shared>>
        tpu.wait_indirect_dma semaphore(%run_scoped3A : memref<!tpu.dma_semaphore, #tpu.memory_space<semaphore_mem>>) src(%arg14 : memref<128x48xf32, #tpu.memory_space<vmem>>) dst(%dma_wait3A_466 : memref<10240x48xf32, #tpu.memory_space<vmem_shared>>)
        tpu.yield
      }) : () -> ()
      %add3A_454 = arith.constant 3 : i32
      %add3A_455 = arith.addi %add3A_266, %add3A_454 : i32
      %lt3A_456 = arith.constant 40 : i32
      %lt3A_457 = arith.cmpi slt, %add3A_455, %lt3A_456 : i32
      %convert_element_type3A_458 = arith.extui %lt3A_457 : i1 to i32
      %cond3A_459 = arith.constant 0 : i32
      %cond3A_460 = arith.cmpi ne, %convert_element_type3A_458, %cond3A_459 : i32
      scf.if %cond3A_460 {
        %add3A_461 = arith.constant 3 : i32
        %add3A_462 = arith.addi %add3A_266, %add3A_461 : i32
        %mul3A_463 = arith.constant 128 : i32
        %mul3A_464 = arith.muli %add3A_462, %mul3A_463 : i32
        %add3A_465 = arith.constant 0 : i32
        %add3A_466 = arith.addi %mul3A_464, %add3A_465 : i32
        %get3A_467 = arith.index_cast %add3A_466 : i32 to index
        %get3A_468 = tpu.vector_load %arg7[%get3A_467] {strides = array<i32>} : memref<5120xi32, #tpu.memory_space<vmem>>, vector<16xi32>,
        %get3A_469 = vector.shape_cast %get3A_468 : vector<16xi32> to vector<16xi32>
        %swap3A_470 = arith.constant 0 : index
        %swap3A_471 = tpu.vector_load %arg10[%swap3A_470] {strides = array<i32>} : memref<128xi32, #tpu.memory_space<vmem>>, vector<16xi32>,
        %swap3A_472 = vector.shape_cast %swap3A_471 : vector<16xi32> to vector<16xi32>
        %swap3A_473 = vector.shape_cast %get3A_469 : vector<16xi32> to vector<16xi32>
        tpu.vector_store %arg10[%swap3A_470], %swap3A_473 {strides = array<i32>} : memref<128xi32, #tpu.memory_space<vmem>>, vector<16xi32>,
        %mul3A_474 = arith.constant 128 : i32
        %mul3A_475 = arith.muli %add3A_462, %mul3A_474 : i32
        %add3A_476 = arith.constant 16 : i32
        %add3A_477 = arith.addi %mul3A_475, %add3A_476 : i32
        %get3A_478 = arith.index_cast %add3A_477 : i32 to index
        %get3A_479 = tpu.vector_load %arg7[%get3A_478] {strides = array<i32>} : memref<5120xi32, #tpu.memory_space<vmem>>, vector<16xi32>,
        %get3A_480 = vector.shape_cast %get3A_479 : vector<16xi32> to vector<16xi32>
        %swap3A_481 = arith.constant 16 : index
        %swap3A_482 = tpu.vector_load %arg10[%swap3A_481] {strides = array<i32>} : memref<128xi32, #tpu.memory_space<vmem>>, vector<16xi32>,
        %swap3A_483 = vector.shape_cast %swap3A_482 : vector<16xi32> to vector<16xi32>
        %swap3A_484 = vector.shape_cast %get3A_480 : vector<16xi32> to vector<16xi32>
        tpu.vector_store %arg10[%swap3A_481], %swap3A_484 {strides = array<i32>} : memref<128xi32, #tpu.memory_space<vmem>>, vector<16xi32>,
        %mul3A_485 = arith.constant 128 : i32
        %mul3A_486 = arith.muli %add3A_462, %mul3A_485 : i32
        %add3A_487 = arith.constant 32 : i32
        %add3A_488 = arith.addi %mul3A_486, %add3A_487 : i32
        %get3A_489 = arith.index_cast %add3A_488 : i32 to index
        %get3A_490 = tpu.vector_load %arg7[%get3A_489] {strides = array<i32>} : memref<5120xi32, #tpu.memory_space<vmem>>, vector<16xi32>,
        %get3A_491 = vector.shape_cast %get3A_490 : vector<16xi32> to vector<16xi32>
        %swap3A_492 = arith.constant 32 : index
        %swap3A_493 = tpu.vector_load %arg10[%swap3A_492] {strides = array<i32>} : memref<128xi32, #tpu.memory_space<vmem>>, vector<16xi32>,
        %swap3A_494 = vector.shape_cast %swap3A_493 : vector<16xi32> to vector<16xi32>
        %swap3A_495 = vector.shape_cast %get3A_491 : vector<16xi32> to vector<16xi32>
        tpu.vector_store %arg10[%swap3A_492], %swap3A_495 {strides = array<i32>} : memref<128xi32, #tpu.memory_space<vmem>>, vector<16xi32>,
        %mul3A_496 = arith.constant 128 : i32
        %mul3A_497 = arith.muli %add3A_462, %mul3A_496 : i32
        %add3A_498 = arith.constant 48 : i32
        %add3A_499 = arith.addi %mul3A_497, %add3A_498 : i32
        %get3A_500 = arith.index_cast %add3A_499 : i32 to index
        %get3A_501 = tpu.vector_load %arg7[%get3A_500] {strides = array<i32>} : memref<5120xi32, #tpu.memory_space<vmem>>, vector<16xi32>,
        %get3A_502 = vector.shape_cast %get3A_501 : vector<16xi32> to vector<16xi32>
        %swap3A_503 = arith.constant 48 : index
        %swap3A_504 = tpu.vector_load %arg10[%swap3A_503] {strides = array<i32>} : memref<128xi32, #tpu.memory_space<vmem>>, vector<16xi32>,
        %swap3A_505 = vector.shape_cast %swap3A_504 : vector<16xi32> to vector<16xi32>
        %swap3A_506 = vector.shape_cast %get3A_502 : vector<16xi32> to vector<16xi32>
        tpu.vector_store %arg10[%swap3A_503], %swap3A_506 {strides = array<i32>} : memref<128xi32, #tpu.memory_space<vmem>>, vector<16xi32>,
        %mul3A_507 = arith.constant 128 : i32
        %mul3A_508 = arith.muli %add3A_462, %mul3A_507 : i32
        %add3A_509 = arith.constant 64 : i32
        %add3A_510 = arith.addi %mul3A_508, %add3A_509 : i32
        %get3A_511 = arith.index_cast %add3A_510 : i32 to index
        %get3A_512 = tpu.vector_load %arg7[%get3A_511] {strides = array<i32>} : memref<5120xi32, #tpu.memory_space<vmem>>, vector<16xi32>,
        %get3A_513 = vector.shape_cast %get3A_512 : vector<16xi32> to vector<16xi32>
        %swap3A_514 = arith.constant 64 : index
        %swap3A_515 = tpu.vector_load %arg10[%swap3A_514] {strides = array<i32>} : memref<128xi32, #tpu.memory_space<vmem>>, vector<16xi32>,
        %swap3A_516 = vector.shape_cast %swap3A_515 : vector<16xi32> to vector<16xi32>
        %swap3A_517 = vector.shape_cast %get3A_513 : vector<16xi32> to vector<16xi32>
        tpu.vector_store %arg10[%swap3A_514], %swap3A_517 {strides = array<i32>} : memref<128xi32, #tpu.memory_space<vmem>>, vector<16xi32>,
        %mul3A_518 = arith.constant 128 : i32
        %mul3A_519 = arith.muli %add3A_462, %mul3A_518 : i32
        %add3A_520 = arith.constant 80 : i32
        %add3A_521 = arith.addi %mul3A_519, %add3A_520 : i32
        %get3A_522 = arith.index_cast %add3A_521 : i32 to index
        %get3A_523 = tpu.vector_load %arg7[%get3A_522] {strides = array<i32>} : memref<5120xi32, #tpu.memory_space<vmem>>, vector<16xi32>,
        %get3A_524 = vector.shape_cast %get3A_523 : vector<16xi32> to vector<16xi32>
        %swap3A_525 = arith.constant 80 : index
        %swap3A_526 = tpu.vector_load %arg10[%swap3A_525] {strides = array<i32>} : memref<128xi32, #tpu.memory_space<vmem>>, vector<16xi32>,
        %swap3A_527 = vector.shape_cast %swap3A_526 : vector<16xi32> to vector<16xi32>
        %swap3A_528 = vector.shape_cast %get3A_524 : vector<16xi32> to vector<16xi32>
        tpu.vector_store %arg10[%swap3A_525], %swap3A_528 {strides = array<i32>} : memref<128xi32, #tpu.memory_space<vmem>>, vector<16xi32>,
        %mul3A_529 = arith.constant 128 : i32
        %mul3A_530 = arith.muli %add3A_462, %mul3A_529 : i32
        %add3A_531 = arith.constant 96 : i32
        %add3A_532 = arith.addi %mul3A_530, %add3A_531 : i32
        %get3A_533 = arith.index_cast %add3A_532 : i32 to index
        %get3A_534 = tpu.vector_load %arg7[%get3A_533] {strides = array<i32>} : memref<5120xi32, #tpu.memory_space<vmem>>, vector<16xi32>,
        %get3A_535 = vector.shape_cast %get3A_534 : vector<16xi32> to vector<16xi32>
        %swap3A_536 = arith.constant 96 : index
        %swap3A_537 = tpu.vector_load %arg10[%swap3A_536] {strides = array<i32>} : memref<128xi32, #tpu.memory_space<vmem>>, vector<16xi32>,
        %swap3A_538 = vector.shape_cast %swap3A_537 : vector<16xi32> to vector<16xi32>
        %swap3A_539 = vector.shape_cast %get3A_535 : vector<16xi32> to vector<16xi32>
        tpu.vector_store %arg10[%swap3A_536], %swap3A_539 {strides = array<i32>} : memref<128xi32, #tpu.memory_space<vmem>>, vector<16xi32>,
        %mul3A_540 = arith.constant 128 : i32
        %mul3A_541 = arith.muli %add3A_462, %mul3A_540 : i32
        %add3A_542 = arith.constant 112 : i32
        %add3A_543 = arith.addi %mul3A_541, %add3A_542 : i32
        %get3A_544 = arith.index_cast %add3A_543 : i32 to index
        %get3A_545 = tpu.vector_load %arg7[%get3A_544] {strides = array<i32>} : memref<5120xi32, #tpu.memory_space<vmem>>, vector<16xi32>,
        %get3A_546 = vector.shape_cast %get3A_545 : vector<16xi32> to vector<16xi32>
        %swap3A_547 = arith.constant 112 : index
        %swap3A_548 = tpu.vector_load %arg10[%swap3A_547] {strides = array<i32>} : memref<128xi32, #tpu.memory_space<vmem>>, vector<16xi32>,
        %swap3A_549 = vector.shape_cast %swap3A_548 : vector<16xi32> to vector<16xi32>
        %swap3A_550 = vector.shape_cast %get3A_546 : vector<16xi32> to vector<16xi32>
        tpu.vector_store %arg10[%swap3A_547], %swap3A_550 {strides = array<i32>} : memref<128xi32, #tpu.memory_space<vmem>>, vector<16xi32>,
        %dma_start3A_551 = arith.constant 0 : i32
        %dma_start3A_552 = arith.constant 0 : i32
        %dma_start3A_553 = tpu.memref_slice %arg16[%dma_start3A_551, %dma_start3A_552] : memref<10000x48xf32, #tpu.memory_space<vmem_shared>> -> memref<10000x48xf32, #tpu.memory_space<vmem_shared>>
        tpu.enqueue_indirect_dma source(%dma_start3A_553 : memref<10000x48xf32, #tpu.memory_space<vmem_shared>>) target(%arg14 : memref<128x48xf32, #tpu.memory_space<vmem>>) offsets(%arg10 : memref<128xi32, #tpu.memory_space<vmem>>) semaphore(%arg18 : memref<!tpu.dma_semaphore, #tpu.memory_space<semaphore_mem>>)
      } else {
      }
    }
    %scan3A_129 = arith.constant 20 : i32
    %mul3A_130 = arith.constant 10240 : i32
    %mul3A_131 = arith.muli %add3A, %mul3A_130 : i32
    %add3A_132 = arith.constant 5120 : i32
    %add3A_133 = arith.addi %mul3A_131, %add3A_132 : i32
    "tpu.region"() ({
      %run_scoped3A = tpu.sem_alloc : memref<!tpu.dma_semaphore, #tpu.memory_space<semaphore_mem>>
      %dma_start3A_262 = tpu.memref_slice %arg3[%add3A_133] : memref<327680xi32, #tpu.memory_space<hbm>> -> memref<5120xi32, #tpu.memory_space<hbm>>
      %dma_start3A_263 = tpu.memref_slice %arg3[%add3A_133] : memref<327680xi32, #tpu.memory_space<hbm>> -> memref<5120xi32, #tpu.memory_space<hbm>>
      tpu.enqueue_dma source(%dma_start3A_263 : memref<5120xi32, #tpu.memory_space<hbm>>) target(%arg7 : memref<5120xi32, #tpu.memory_space<vmem>>) target_semaphore(%run_scoped3A : memref<!tpu.dma_semaphore, #tpu.memory_space<semaphore_mem>>)
      %dma_wait3A = tpu.memref_slice %arg3[%add3A_133] : memref<327680xi32, #tpu.memory_space<hbm>> -> memref<5120xi32, #tpu.memory_space<hbm>>
      %dma_wait3A_264 = tpu.memref_slice %arg3[%add3A_133] : memref<327680xi32, #tpu.memory_space<hbm>> -> memref<5120xi32, #tpu.memory_space<hbm>>
      tpu.wait_dma2 semaphore(%run_scoped3A : memref<!tpu.dma_semaphore, #tpu.memory_space<semaphore_mem>>) src(%dma_wait3A_264 : memref<5120xi32, #tpu.memory_space<hbm>>) dst(%arg7 : memref<5120xi32, #tpu.memory_space<vmem>>)
      tpu.yield
    }) : () -> ()
    "tpu.region"() ({
      %run_scoped3A = tpu.sem_alloc : memref<!tpu.dma_semaphore, #tpu.memory_space<semaphore_mem>>
      %dma_start3A_262 = tpu.memref_slice %arg4[%add3A_133] : memref<327680xi32, #tpu.memory_space<hbm>> -> memref<5120xi32, #tpu.memory_space<hbm>>
      %dma_start3A_263 = tpu.memref_slice %arg4[%add3A_133] : memref<327680xi32, #tpu.memory_space<hbm>> -> memref<5120xi32, #tpu.memory_space<hbm>>
      tpu.enqueue_dma source(%dma_start3A_263 : memref<5120xi32, #tpu.memory_space<hbm>>) target(%arg8 : memref<5120xi32, #tpu.memory_space<vmem>>) target_semaphore(%run_scoped3A : memref<!tpu.dma_semaphore, #tpu.memory_space<semaphore_mem>>)
      %dma_wait3A = tpu.memref_slice %arg4[%add3A_133] : memref<327680xi32, #tpu.memory_space<hbm>> -> memref<5120xi32, #tpu.memory_space<hbm>>
      %dma_wait3A_264 = tpu.memref_slice %arg4[%add3A_133] : memref<327680xi32, #tpu.memory_space<hbm>> -> memref<5120xi32, #tpu.memory_space<hbm>>
      tpu.wait_dma2 semaphore(%run_scoped3A : memref<!tpu.dma_semaphore, #tpu.memory_space<semaphore_mem>>) src(%dma_wait3A_264 : memref<5120xi32, #tpu.memory_space<hbm>>) dst(%arg8 : memref<5120xi32, #tpu.memory_space<vmem>>)
      tpu.yield
    }) : () -> ()
    %get3A_134 = arith.constant 0 : index
    %get3A_135 = tpu.vector_load %arg7[%get3A_134] {strides = array<i32>} : memref<5120xi32, #tpu.memory_space<vmem>>, vector<16xi32>,
    %get3A_136 = vector.shape_cast %get3A_135 : vector<16xi32> to vector<16xi32>
    %swap3A_137 = arith.constant 0 : index
    %swap3A_138 = tpu.vector_load %arg9[%swap3A_137] {strides = array<i32>} : memref<128xi32, #tpu.memory_space<vmem>>, vector<16xi32>,
    %swap3A_139 = vector.shape_cast %swap3A_138 : vector<16xi32> to vector<16xi32>
    %swap3A_140 = vector.shape_cast %get3A_136 : vector<16xi32> to vector<16xi32>
    tpu.vector_store %arg9[%swap3A_137], %swap3A_140 {strides = array<i32>} : memref<128xi32, #tpu.memory_space<vmem>>, vector<16xi32>,
    %get3A_141 = arith.constant 16 : index
    %get3A_142 = tpu.vector_load %arg7[%get3A_141] {strides = array<i32>} : memref<5120xi32, #tpu.memory_space<vmem>>, vector<16xi32>,
    %get3A_143 = vector.shape_cast %get3A_142 : vector<16xi32> to vector<16xi32>
    %swap3A_144 = arith.constant 16 : index
    %swap3A_145 = tpu.vector_load %arg9[%swap3A_144] {strides = array<i32>} : memref<128xi32, #tpu.memory_space<vmem>>, vector<16xi32>,
    %swap3A_146 = vector.shape_cast %swap3A_145 : vector<16xi32> to vector<16xi32>
    %swap3A_147 = vector.shape_cast %get3A_143 : vector<16xi32> to vector<16xi32>
    tpu.vector_store %arg9[%swap3A_144], %swap3A_147 {strides = array<i32>} : memref<128xi32, #tpu.memory_space<vmem>>, vector<16xi32>,
    %get3A_148 = arith.constant 32 : index
    %get3A_149 = tpu.vector_load %arg7[%get3A_148] {strides = array<i32>} : memref<5120xi32, #tpu.memory_space<vmem>>, vector<16xi32>,
    %get3A_150 = vector.shape_cast %get3A_149 : vector<16xi32> to vector<16xi32>
    %swap3A_151 = arith.constant 32 : index
    %swap3A_152 = tpu.vector_load %arg9[%swap3A_151] {strides = array<i32>} : memref<128xi32, #tpu.memory_space<vmem>>, vector<16xi32>,
    %swap3A_153 = vector.shape_cast %swap3A_152 : vector<16xi32> to vector<16xi32>
    %swap3A_154 = vector.shape_cast %get3A_150 : vector<16xi32> to vector<16xi32>
    tpu.vector_store %arg9[%swap3A_151], %swap3A_154 {strides = array<i32>} : memref<128xi32, #tpu.memory_space<vmem>>, vector<16xi32>,
    %get3A_155 = arith.constant 48 : index
    %get3A_156 = tpu.vector_load %arg7[%get3A_155] {strides = array<i32>} : memref<5120xi32, #tpu.memory_space<vmem>>, vector<16xi32>,
    %get3A_157 = vector.shape_cast %get3A_156 : vector<16xi32> to vector<16xi32>
    %swap3A_158 = arith.constant 48 : index
    %swap3A_159 = tpu.vector_load %arg9[%swap3A_158] {strides = array<i32>} : memref<128xi32, #tpu.memory_space<vmem>>, vector<16xi32>,
    %swap3A_160 = vector.shape_cast %swap3A_159 : vector<16xi32> to vector<16xi32>
    %swap3A_161 = vector.shape_cast %get3A_157 : vector<16xi32> to vector<16xi32>
    tpu.vector_store %arg9[%swap3A_158], %swap3A_161 {strides = array<i32>} : memref<128xi32, #tpu.memory_space<vmem>>, vector<16xi32>,
    %get3A_162 = arith.constant 64 : index
    %get3A_163 = tpu.vector_load %arg7[%get3A_162] {strides = array<i32>} : memref<5120xi32, #tpu.memory_space<vmem>>, vector<16xi32>,
    %get3A_164 = vector.shape_cast %get3A_163 : vector<16xi32> to vector<16xi32>
    %swap3A_165 = arith.constant 64 : index
    %swap3A_166 = tpu.vector_load %arg9[%swap3A_165] {strides = array<i32>} : memref<128xi32, #tpu.memory_space<vmem>>, vector<16xi32>,
    %swap3A_167 = vector.shape_cast %swap3A_166 : vector<16xi32> to vector<16xi32>
    %swap3A_168 = vector.shape_cast %get3A_164 : vector<16xi32> to vector<16xi32>
    tpu.vector_store %arg9[%swap3A_165], %swap3A_168 {strides = array<i32>} : memref<128xi32, #tpu.memory_space<vmem>>, vector<16xi32>,
    %get3A_169 = arith.constant 80 : index
    %get3A_170 = tpu.vector_load %arg7[%get3A_169] {strides = array<i32>} : memref<5120xi32, #tpu.memory_space<vmem>>, vector<16xi32>,
    %get3A_171 = vector.shape_cast %get3A_170 : vector<16xi32> to vector<16xi32>
    %swap3A_172 = arith.constant 80 : index
    %swap3A_173 = tpu.vector_load %arg9[%swap3A_172] {strides = array<i32>} : memref<128xi32, #tpu.memory_space<vmem>>, vector<16xi32>,
    %swap3A_174 = vector.shape_cast %swap3A_173 : vector<16xi32> to vector<16xi32>
    %swap3A_175 = vector.shape_cast %get3A_171 : vector<16xi32> to vector<16xi32>
    tpu.vector_store %arg9[%swap3A_172], %swap3A_175 {strides = array<i32>} : memref<128xi32, #tpu.memory_space<vmem>>, vector<16xi32>,
    %get3A_176 = arith.constant 96 : index
    %get3A_177 = tpu.vector_load %arg7[%get3A_176] {strides = array<i32>} : memref<5120xi32, #tpu.memory_space<vmem>>, vector<16xi32>,
    %get3A_178 = vector.shape_cast %get3A_177 : vector<16xi32> to vector<16xi32>
    %swap3A_179 = arith.constant 96 : index
    %swap3A_180 = tpu.vector_load %arg9[%swap3A_179] {strides = array<i32>} : memref<128xi32, #tpu.memory_space<vmem>>, vector<16xi32>,
    %swap3A_181 = vector.shape_cast %swap3A_180 : vector<16xi32> to vector<16xi32>
    %swap3A_182 = vector.shape_cast %get3A_178 : vector<16xi32> to vector<16xi32>
    tpu.vector_store %arg9[%swap3A_179], %swap3A_182 {strides = array<i32>} : memref<128xi32, #tpu.memory_space<vmem>>, vector<16xi32>,
    %get3A_183 = arith.constant 112 : index
    %get3A_184 = tpu.vector_load %arg7[%get3A_183] {strides = array<i32>} : memref<5120xi32, #tpu.memory_space<vmem>>, vector<16xi32>,
    %get3A_185 = vector.shape_cast %get3A_184 : vector<16xi32> to vector<16xi32>
    %swap3A_186 = arith.constant 112 : index
    %swap3A_187 = tpu.vector_load %arg9[%swap3A_186] {strides = array<i32>} : memref<128xi32, #tpu.memory_space<vmem>>, vector<16xi32>,
    %swap3A_188 = vector.shape_cast %swap3A_187 : vector<16xi32> to vector<16xi32>
    %swap3A_189 = vector.shape_cast %get3A_185 : vector<16xi32> to vector<16xi32>
    tpu.vector_store %arg9[%swap3A_186], %swap3A_189 {strides = array<i32>} : memref<128xi32, #tpu.memory_space<vmem>>, vector<16xi32>,
    %dma_start3A_190 = arith.constant 0 : i32
    %dma_start3A_191 = arith.constant 0 : i32
    %dma_start3A_192 = tpu.memref_slice %arg16[%dma_start3A_190, %dma_start3A_191] : memref<10000x48xf32, #tpu.memory_space<vmem_shared>> -> memref<10000x48xf32, #tpu.memory_space<vmem_shared>>
    tpu.enqueue_indirect_dma source(%dma_start3A_192 : memref<10000x48xf32, #tpu.memory_space<vmem_shared>>) target(%arg13 : memref<128x48xf32, #tpu.memory_space<vmem>>) offsets(%arg9 : memref<128xi32, #tpu.memory_space<vmem>>) semaphore(%arg17 : memref<!tpu.dma_semaphore, #tpu.memory_space<semaphore_mem>>)
    %get3A_193 = arith.constant 128 : index
    %get3A_194 = tpu.vector_load %arg7[%get3A_193] {strides = array<i32>} : memref<5120xi32, #tpu.memory_space<vmem>>, vector<16xi32>,
    %get3A_195 = vector.shape_cast %get3A_194 : vector<16xi32> to vector<16xi32>
    %swap3A_196 = arith.constant 0 : index
    %swap3A_197 = tpu.vector_load %arg10[%swap3A_196] {strides = array<i32>} : memref<128xi32, #tpu.memory_space<vmem>>, vector<16xi32>,
    %swap3A_198 = vector.shape_cast %swap3A_197 : vector<16xi32> to vector<16xi32>
    %swap3A_199 = vector.shape_cast %get3A_195 : vector<16xi32> to vector<16xi32>
    tpu.vector_store %arg10[%swap3A_196], %swap3A_199 {strides = array<i32>} : memref<128xi32, #tpu.memory_space<vmem>>, vector<16xi32>,
    %get3A_200 = arith.constant 144 : index
    %get3A_201 = tpu.vector_load %arg7[%get3A_200] {strides = array<i32>} : memref<5120xi32, #tpu.memory_space<vmem>>, vector<16xi32>,
    %get3A_202 = vector.shape_cast %get3A_201 : vector<16xi32> to vector<16xi32>
    %swap3A_203 = arith.constant 16 : index
    %swap3A_204 = tpu.vector_load %arg10[%swap3A_203] {strides = array<i32>} : memref<128xi32, #tpu.memory_space<vmem>>, vector<16xi32>,
    %swap3A_205 = vector.shape_cast %swap3A_204 : vector<16xi32> to vector<16xi32>
    %swap3A_206 = vector.shape_cast %get3A_202 : vector<16xi32> to vector<16xi32>
    tpu.vector_store %arg10[%swap3A_203], %swap3A_206 {strides = array<i32>} : memref<128xi32, #tpu.memory_space<vmem>>, vector<16xi32>,
    %get3A_207 = arith.constant 160 : index
    %get3A_208 = tpu.vector_load %arg7[%get3A_207] {strides = array<i32>} : memref<5120xi32, #tpu.memory_space<vmem>>, vector<16xi32>,
    %get3A_209 = vector.shape_cast %get3A_208 : vector<16xi32> to vector<16xi32>
    %swap3A_210 = arith.constant 32 : index
    %swap3A_211 = tpu.vector_load %arg10[%swap3A_210] {strides = array<i32>} : memref<128xi32, #tpu.memory_space<vmem>>, vector<16xi32>,
    %swap3A_212 = vector.shape_cast %swap3A_211 : vector<16xi32> to vector<16xi32>
    %swap3A_213 = vector.shape_cast %get3A_209 : vector<16xi32> to vector<16xi32>
    tpu.vector_store %arg10[%swap3A_210], %swap3A_213 {strides = array<i32>} : memref<128xi32, #tpu.memory_space<vmem>>, vector<16xi32>,
    %get3A_214 = arith.constant 176 : index
    %get3A_215 = tpu.vector_load %arg7[%get3A_214] {strides = array<i32>} : memref<5120xi32, #tpu.memory_space<vmem>>, vector<16xi32>,
    %get3A_216 = vector.shape_cast %get3A_215 : vector<16xi32> to vector<16xi32>
    %swap3A_217 = arith.constant 48 : index
    %swap3A_218 = tpu.vector_load %arg10[%swap3A_217] {strides = array<i32>} : memref<128xi32, #tpu.memory_space<vmem>>, vector<16xi32>,
    %swap3A_219 = vector.shape_cast %swap3A_218 : vector<16xi32> to vector<16xi32>
    %swap3A_220 = vector.shape_cast %get3A_216 : vector<16xi32> to vector<16xi32>
    tpu.vector_store %arg10[%swap3A_217], %swap3A_220 {strides = array<i32>} : memref<128xi32, #tpu.memory_space<vmem>>, vector<16xi32>,
    %get3A_221 = arith.constant 192 : index
    %get3A_222 = tpu.vector_load %arg7[%get3A_221] {strides = array<i32>} : memref<5120xi32, #tpu.memory_space<vmem>>, vector<16xi32>,
    %get3A_223 = vector.shape_cast %get3A_222 : vector<16xi32> to vector<16xi32>
    %swap3A_224 = arith.constant 64 : index
    %swap3A_225 = tpu.vector_load %arg10[%swap3A_224] {strides = array<i32>} : memref<128xi32, #tpu.memory_space<vmem>>, vector<16xi32>,
    %swap3A_226 = vector.shape_cast %swap3A_225 : vector<16xi32> to vector<16xi32>
    %swap3A_227 = vector.shape_cast %get3A_223 : vector<16xi32> to vector<16xi32>
    tpu.vector_store %arg10[%swap3A_224], %swap3A_227 {strides = array<i32>} : memref<128xi32, #tpu.memory_space<vmem>>, vector<16xi32>,
    %get3A_228 = arith.constant 208 : index
    %get3A_229 = tpu.vector_load %arg7[%get3A_228] {strides = array<i32>} : memref<5120xi32, #tpu.memory_space<vmem>>, vector<16xi32>,
    %get3A_230 = vector.shape_cast %get3A_229 : vector<16xi32> to vector<16xi32>
    %swap3A_231 = arith.constant 80 : index
    %swap3A_232 = tpu.vector_load %arg10[%swap3A_231] {strides = array<i32>} : memref<128xi32, #tpu.memory_space<vmem>>, vector<16xi32>,
    %swap3A_233 = vector.shape_cast %swap3A_232 : vector<16xi32> to vector<16xi32>
    %swap3A_234 = vector.shape_cast %get3A_230 : vector<16xi32> to vector<16xi32>
    tpu.vector_store %arg10[%swap3A_231], %swap3A_234 {strides = array<i32>} : memref<128xi32, #tpu.memory_space<vmem>>, vector<16xi32>,
    %get3A_235 = arith.constant 224 : index
    %get3A_236 = tpu.vector_load %arg7[%get3A_235] {strides = array<i32>} : memref<5120xi32, #tpu.memory_space<vmem>>, vector<16xi32>,
    %get3A_237 = vector.shape_cast %get3A_236 : vector<16xi32> to vector<16xi32>
    %swap3A_238 = arith.constant 96 : index
    %swap3A_239 = tpu.vector_load %arg10[%swap3A_238] {strides = array<i32>} : memref<128xi32, #tpu.memory_space<vmem>>, vector<16xi32>,
    %swap3A_240 = vector.shape_cast %swap3A_239 : vector<16xi32> to vector<16xi32>
    %swap3A_241 = vector.shape_cast %get3A_237 : vector<16xi32> to vector<16xi32>
    tpu.vector_store %arg10[%swap3A_238], %swap3A_241 {strides = array<i32>} : memref<128xi32, #tpu.memory_space<vmem>>, vector<16xi32>,
    %get3A_242 = arith.constant 240 : index
    %get3A_243 = tpu.vector_load %arg7[%get3A_242] {strides = array<i32>} : memref<5120xi32, #tpu.memory_space<vmem>>, vector<16xi32>,
    %get3A_244 = vector.shape_cast %get3A_243 : vector<16xi32> to vector<16xi32>
    %swap3A_245 = arith.constant 112 : index
    %swap3A_246 = tpu.vector_load %arg10[%swap3A_245] {strides = array<i32>} : memref<128xi32, #tpu.memory_space<vmem>>, vector<16xi32>,
    %swap3A_247 = vector.shape_cast %swap3A_246 : vector<16xi32> to vector<16xi32>
    %swap3A_248 = vector.shape_cast %get3A_244 : vector<16xi32> to vector<16xi32>
    tpu.vector_store %arg10[%swap3A_245], %swap3A_248 {strides = array<i32>} : memref<128xi32, #tpu.memory_space<vmem>>, vector<16xi32>,
    %dma_start3A_249 = arith.constant 0 : i32
    %dma_start3A_250 = arith.constant 0 : i32
    %dma_start3A_251 = tpu.memref_slice %arg16[%dma_start3A_249, %dma_start3A_250] : memref<10000x48xf32, #tpu.memory_space<vmem_shared>> -> memref<10000x48xf32, #tpu.memory_space<vmem_shared>>
    tpu.enqueue_indirect_dma source(%dma_start3A_251 : memref<10000x48xf32, #tpu.memory_space<vmem_shared>>) target(%arg14 : memref<128x48xf32, #tpu.memory_space<vmem>>) offsets(%arg10 : memref<128xi32, #tpu.memory_space<vmem>>) semaphore(%arg18 : memref<!tpu.dma_semaphore, #tpu.memory_space<semaphore_mem>>)
    %scan3A_252 = arith.constant 0 : i32
    %scan3A_253 = arith.constant 20 : i32
    %scan3A_254 = arith.addi %scan3A_252, %scan3A_253 : i32
    %scan3A_255 = arith.constant 1 : i32
    scf.for %scan3A_262 = %scan3A_252 to %scan3A_254 step %scan3A_255  : i32 {
      %mul3A_263 = arith.constant 2 : i32
      %mul3A_264 = arith.muli %scan3A_262, %mul3A_263 : i32
      %add3A_265 = arith.constant 0 : i32
      %add3A_266 = arith.addi %add3A_265, %mul3A_264 : i32
      %dma_wait3A = arith.constant 0 : i32
      %dma_wait3A_267 = arith.constant 0 : i32
      %dma_wait3A_268 = tpu.memref_slice %arg16[%dma_wait3A, %dma_wait3A_267] : memref<10000x48xf32, #tpu.memory_space<vmem_shared>> -> memref<10000x48xf32, #tpu.memory_space<vmem_shared>>
      tpu.wait_indirect_dma semaphore(%arg17 : memref<!tpu.dma_semaphore, #tpu.memory_space<semaphore_mem>>) src(%dma_wait3A_268 : memref<10000x48xf32, #tpu.memory_space<vmem_shared>>) dst(%arg13 : memref<128x48xf32, #tpu.memory_space<vmem>>)
      %mul3A_269 = arith.constant 128 : i32
      %mul3A_270 = arith.muli %add3A_266, %mul3A_269 : i32
      %add3A_271 = arith.constant 0 : i32
      %add3A_272 = arith.addi %mul3A_270, %add3A_271 : i32
      %get3A_273 = arith.index_cast %add3A_272 : i32 to index
      %get3A_274 = tpu.vector_load %arg8[%get3A_273] {strides = array<i32>} : memref<5120xi32, #tpu.memory_space<vmem>>, vector<16xi32>,
      %get3A_275 = vector.shape_cast %get3A_274 : vector<16xi32> to vector<16xi32>
      %swap3A_276 = arith.constant 0 : index
      %swap3A_277 = tpu.vector_load %arg11[%swap3A_276] {strides = array<i32>} : memref<128xi32, #tpu.memory_space<vmem>>, vector<16xi32>,
      %swap3A_278 = vector.shape_cast %swap3A_277 : vector<16xi32> to vector<16xi32>
      %swap3A_279 = vector.shape_cast %get3A_275 : vector<16xi32> to vector<16xi32>
      tpu.vector_store %arg11[%swap3A_276], %swap3A_279 {strides = array<i32>} : memref<128xi32, #tpu.memory_space<vmem>>, vector<16xi32>,
      %mul3A_280 = arith.constant 128 : i32
      %mul3A_281 = arith.muli %add3A_266, %mul3A_280 : i32
      %add3A_282 = arith.constant 16 : i32
      %add3A_283 = arith.addi %mul3A_281, %add3A_282 : i32
      %get3A_284 = arith.index_cast %add3A_283 : i32 to index
      %get3A_285 = tpu.vector_load %arg8[%get3A_284] {strides = array<i32>} : memref<5120xi32, #tpu.memory_space<vmem>>, vector<16xi32>,
      %get3A_286 = vector.shape_cast %get3A_285 : vector<16xi32> to vector<16xi32>
      %swap3A_287 = arith.constant 16 : index
      %swap3A_288 = tpu.vector_load %arg11[%swap3A_287] {strides = array<i32>} : memref<128xi32, #tpu.memory_space<vmem>>, vector<16xi32>,
      %swap3A_289 = vector.shape_cast %swap3A_288 : vector<16xi32> to vector<16xi32>
      %swap3A_290 = vector.shape_cast %get3A_286 : vector<16xi32> to vector<16xi32>
      tpu.vector_store %arg11[%swap3A_287], %swap3A_290 {strides = array<i32>} : memref<128xi32, #tpu.memory_space<vmem>>, vector<16xi32>,
      %mul3A_291 = arith.constant 128 : i32
      %mul3A_292 = arith.muli %add3A_266, %mul3A_291 : i32
      %add3A_293 = arith.constant 32 : i32
      %add3A_294 = arith.addi %mul3A_292, %add3A_293 : i32
      %get3A_295 = arith.index_cast %add3A_294 : i32 to index
      %get3A_296 = tpu.vector_load %arg8[%get3A_295] {strides = array<i32>} : memref<5120xi32, #tpu.memory_space<vmem>>, vector<16xi32>,
      %get3A_297 = vector.shape_cast %get3A_296 : vector<16xi32> to vector<16xi32>
      %swap3A_298 = arith.constant 32 : index
      %swap3A_299 = tpu.vector_load %arg11[%swap3A_298] {strides = array<i32>} : memref<128xi32, #tpu.memory_space<vmem>>, vector<16xi32>,
      %swap3A_300 = vector.shape_cast %swap3A_299 : vector<16xi32> to vector<16xi32>
      %swap3A_301 = vector.shape_cast %get3A_297 : vector<16xi32> to vector<16xi32>
      tpu.vector_store %arg11[%swap3A_298], %swap3A_301 {strides = array<i32>} : memref<128xi32, #tpu.memory_space<vmem>>, vector<16xi32>,
      %mul3A_302 = arith.constant 128 : i32
      %mul3A_303 = arith.muli %add3A_266, %mul3A_302 : i32
      %add3A_304 = arith.constant 48 : i32
      %add3A_305 = arith.addi %mul3A_303, %add3A_304 : i32
      %get3A_306 = arith.index_cast %add3A_305 : i32 to index
      %get3A_307 = tpu.vector_load %arg8[%get3A_306] {strides = array<i32>} : memref<5120xi32, #tpu.memory_space<vmem>>, vector<16xi32>,
      %get3A_308 = vector.shape_cast %get3A_307 : vector<16xi32> to vector<16xi32>
      %swap3A_309 = arith.constant 48 : index
      %swap3A_310 = tpu.vector_load %arg11[%swap3A_309] {strides = array<i32>} : memref<128xi32, #tpu.memory_space<vmem>>, vector<16xi32>,
      %swap3A_311 = vector.shape_cast %swap3A_310 : vector<16xi32> to vector<16xi32>
      %swap3A_312 = vector.shape_cast %get3A_308 : vector<16xi32> to vector<16xi32>
      tpu.vector_store %arg11[%swap3A_309], %swap3A_312 {strides = array<i32>} : memref<128xi32, #tpu.memory_space<vmem>>, vector<16xi32>,
      %mul3A_313 = arith.constant 128 : i32
      %mul3A_314 = arith.muli %add3A_266, %mul3A_313 : i32
      %add3A_315 = arith.constant 64 : i32
      %add3A_316 = arith.addi %mul3A_314, %add3A_315 : i32
      %get3A_317 = arith.index_cast %add3A_316 : i32 to index
      %get3A_318 = tpu.vector_load %arg8[%get3A_317] {strides = array<i32>} : memref<5120xi32, #tpu.memory_space<vmem>>, vector<16xi32>,
      %get3A_319 = vector.shape_cast %get3A_318 : vector<16xi32> to vector<16xi32>
      %swap3A_320 = arith.constant 64 : index
      %swap3A_321 = tpu.vector_load %arg11[%swap3A_320] {strides = array<i32>} : memref<128xi32, #tpu.memory_space<vmem>>, vector<16xi32>,
      %swap3A_322 = vector.shape_cast %swap3A_321 : vector<16xi32> to vector<16xi32>
      %swap3A_323 = vector.shape_cast %get3A_319 : vector<16xi32> to vector<16xi32>
      tpu.vector_store %arg11[%swap3A_320], %swap3A_323 {strides = array<i32>} : memref<128xi32, #tpu.memory_space<vmem>>, vector<16xi32>,
      %mul3A_324 = arith.constant 128 : i32
      %mul3A_325 = arith.muli %add3A_266, %mul3A_324 : i32
      %add3A_326 = arith.constant 80 : i32
      %add3A_327 = arith.addi %mul3A_325, %add3A_326 : i32
      %get3A_328 = arith.index_cast %add3A_327 : i32 to index
      %get3A_329 = tpu.vector_load %arg8[%get3A_328] {strides = array<i32>} : memref<5120xi32, #tpu.memory_space<vmem>>, vector<16xi32>,
      %get3A_330 = vector.shape_cast %get3A_329 : vector<16xi32> to vector<16xi32>
      %swap3A_331 = arith.constant 80 : index
      %swap3A_332 = tpu.vector_load %arg11[%swap3A_331] {strides = array<i32>} : memref<128xi32, #tpu.memory_space<vmem>>, vector<16xi32>,
      %swap3A_333 = vector.shape_cast %swap3A_332 : vector<16xi32> to vector<16xi32>
      %swap3A_334 = vector.shape_cast %get3A_330 : vector<16xi32> to vector<16xi32>
      tpu.vector_store %arg11[%swap3A_331], %swap3A_334 {strides = array<i32>} : memref<128xi32, #tpu.memory_space<vmem>>, vector<16xi32>,
      %mul3A_335 = arith.constant 128 : i32
      %mul3A_336 = arith.muli %add3A_266, %mul3A_335 : i32
      %add3A_337 = arith.constant 96 : i32
      %add3A_338 = arith.addi %mul3A_336, %add3A_337 : i32
      %get3A_339 = arith.index_cast %add3A_338 : i32 to index
      %get3A_340 = tpu.vector_load %arg8[%get3A_339] {strides = array<i32>} : memref<5120xi32, #tpu.memory_space<vmem>>, vector<16xi32>,
      %get3A_341 = vector.shape_cast %get3A_340 : vector<16xi32> to vector<16xi32>
      %swap3A_342 = arith.constant 96 : index
      %swap3A_343 = tpu.vector_load %arg11[%swap3A_342] {strides = array<i32>} : memref<128xi32, #tpu.memory_space<vmem>>, vector<16xi32>,
      %swap3A_344 = vector.shape_cast %swap3A_343 : vector<16xi32> to vector<16xi32>
      %swap3A_345 = vector.shape_cast %get3A_341 : vector<16xi32> to vector<16xi32>
      tpu.vector_store %arg11[%swap3A_342], %swap3A_345 {strides = array<i32>} : memref<128xi32, #tpu.memory_space<vmem>>, vector<16xi32>,
      %mul3A_346 = arith.constant 128 : i32
      %mul3A_347 = arith.muli %add3A_266, %mul3A_346 : i32
      %add3A_348 = arith.constant 112 : i32
      %add3A_349 = arith.addi %mul3A_347, %add3A_348 : i32
      %get3A_350 = arith.index_cast %add3A_349 : i32 to index
      %get3A_351 = tpu.vector_load %arg8[%get3A_350] {strides = array<i32>} : memref<5120xi32, #tpu.memory_space<vmem>>, vector<16xi32>,
      %get3A_352 = vector.shape_cast %get3A_351 : vector<16xi32> to vector<16xi32>
      %swap3A_353 = arith.constant 112 : index
      %swap3A_354 = tpu.vector_load %arg11[%swap3A_353] {strides = array<i32>} : memref<128xi32, #tpu.memory_space<vmem>>, vector<16xi32>,
      %swap3A_355 = vector.shape_cast %swap3A_354 : vector<16xi32> to vector<16xi32>
      %swap3A_356 = vector.shape_cast %get3A_352 : vector<16xi32> to vector<16xi32>
      tpu.vector_store %arg11[%swap3A_353], %swap3A_356 {strides = array<i32>} : memref<128xi32, #tpu.memory_space<vmem>>, vector<16xi32>,
      "tpu.region"() ({
        %run_scoped3A = tpu.sem_alloc : memref<!tpu.dma_semaphore, #tpu.memory_space<semaphore_mem>>
        %dma_start3A_461 = arith.constant 0 : i32
        %dma_start3A_462 = arith.constant 0 : i32
        %dma_start3A_463 = tpu.memref_slice %arg15[%dma_start3A_461, %dma_start3A_462] : memref<10240x48xf32, #tpu.memory_space<vmem_shared>> -> memref<10240x48xf32, #tpu.memory_space<vmem_shared>>
        tpu.enqueue_indirect_dma source(%arg13 : memref<128x48xf32, #tpu.memory_space<vmem>>) target(%dma_start3A_463 : memref<10240x48xf32, #tpu.memory_space<vmem_shared>>) offsets(%arg11 : memref<128xi32, #tpu.memory_space<vmem>>) semaphore(%run_scoped3A : memref<!tpu.dma_semaphore, #tpu.memory_space<semaphore_mem>>) {add = true}
        %dma_wait3A_464 = arith.constant 0 : i32
        %dma_wait3A_465 = arith.constant 0 : i32
        %dma_wait3A_466 = tpu.memref_slice %arg15[%dma_wait3A_464, %dma_wait3A_465] : memref<10240x48xf32, #tpu.memory_space<vmem_shared>> -> memref<10240x48xf32, #tpu.memory_space<vmem_shared>>
        tpu.wait_indirect_dma semaphore(%run_scoped3A : memref<!tpu.dma_semaphore, #tpu.memory_space<semaphore_mem>>) src(%arg13 : memref<128x48xf32, #tpu.memory_space<vmem>>) dst(%dma_wait3A_466 : memref<10240x48xf32, #tpu.memory_space<vmem_shared>>)
        tpu.yield
      }) : () -> ()
      %add3A_357 = arith.constant 2 : i32
      %add3A_358 = arith.addi %add3A_266, %add3A_357 : i32
      %lt3A = arith.constant 40 : i32
      %lt3A_359 = arith.cmpi slt, %add3A_358, %lt3A : i32
      %convert_element_type3A = arith.extui %lt3A_359 : i1 to i32
      %cond3A = arith.constant 0 : i32
      %cond3A_360 = arith.cmpi ne, %convert_element_type3A, %cond3A : i32
      scf.if %cond3A_360 {
        %add3A_461 = arith.constant 2 : i32
        %add3A_462 = arith.addi %add3A_266, %add3A_461 : i32
        %mul3A_463 = arith.constant 128 : i32
        %mul3A_464 = arith.muli %add3A_462, %mul3A_463 : i32
        %add3A_465 = arith.constant 0 : i32
        %add3A_466 = arith.addi %mul3A_464, %add3A_465 : i32
        %get3A_467 = arith.index_cast %add3A_466 : i32 to index
        %get3A_468 = tpu.vector_load %arg7[%get3A_467] {strides = array<i32>} : memref<5120xi32, #tpu.memory_space<vmem>>, vector<16xi32>,
        %get3A_469 = vector.shape_cast %get3A_468 : vector<16xi32> to vector<16xi32>
        %swap3A_470 = arith.constant 0 : index
        %swap3A_471 = tpu.vector_load %arg9[%swap3A_470] {strides = array<i32>} : memref<128xi32, #tpu.memory_space<vmem>>, vector<16xi32>,
        %swap3A_472 = vector.shape_cast %swap3A_471 : vector<16xi32> to vector<16xi32>
        %swap3A_473 = vector.shape_cast %get3A_469 : vector<16xi32> to vector<16xi32>
        tpu.vector_store %arg9[%swap3A_470], %swap3A_473 {strides = array<i32>} : memref<128xi32, #tpu.memory_space<vmem>>, vector<16xi32>,
        %mul3A_474 = arith.constant 128 : i32
        %mul3A_475 = arith.muli %add3A_462, %mul3A_474 : i32
        %add3A_476 = arith.constant 16 : i32
        %add3A_477 = arith.addi %mul3A_475, %add3A_476 : i32
        %get3A_478 = arith.index_cast %add3A_477 : i32 to index
        %get3A_479 = tpu.vector_load %arg7[%get3A_478] {strides = array<i32>} : memref<5120xi32, #tpu.memory_space<vmem>>, vector<16xi32>,
        %get3A_480 = vector.shape_cast %get3A_479 : vector<16xi32> to vector<16xi32>
        %swap3A_481 = arith.constant 16 : index
        %swap3A_482 = tpu.vector_load %arg9[%swap3A_481] {strides = array<i32>} : memref<128xi32, #tpu.memory_space<vmem>>, vector<16xi32>,
        %swap3A_483 = vector.shape_cast %swap3A_482 : vector<16xi32> to vector<16xi32>
        %swap3A_484 = vector.shape_cast %get3A_480 : vector<16xi32> to vector<16xi32>
        tpu.vector_store %arg9[%swap3A_481], %swap3A_484 {strides = array<i32>} : memref<128xi32, #tpu.memory_space<vmem>>, vector<16xi32>,
        %mul3A_485 = arith.constant 128 : i32
        %mul3A_486 = arith.muli %add3A_462, %mul3A_485 : i32
        %add3A_487 = arith.constant 32 : i32
        %add3A_488 = arith.addi %mul3A_486, %add3A_487 : i32
        %get3A_489 = arith.index_cast %add3A_488 : i32 to index
        %get3A_490 = tpu.vector_load %arg7[%get3A_489] {strides = array<i32>} : memref<5120xi32, #tpu.memory_space<vmem>>, vector<16xi32>,
        %get3A_491 = vector.shape_cast %get3A_490 : vector<16xi32> to vector<16xi32>
        %swap3A_492 = arith.constant 32 : index
        %swap3A_493 = tpu.vector_load %arg9[%swap3A_492] {strides = array<i32>} : memref<128xi32, #tpu.memory_space<vmem>>, vector<16xi32>,
        %swap3A_494 = vector.shape_cast %swap3A_493 : vector<16xi32> to vector<16xi32>
        %swap3A_495 = vector.shape_cast %get3A_491 : vector<16xi32> to vector<16xi32>
        tpu.vector_store %arg9[%swap3A_492], %swap3A_495 {strides = array<i32>} : memref<128xi32, #tpu.memory_space<vmem>>, vector<16xi32>,
        %mul3A_496 = arith.constant 128 : i32
        %mul3A_497 = arith.muli %add3A_462, %mul3A_496 : i32
        %add3A_498 = arith.constant 48 : i32
        %add3A_499 = arith.addi %mul3A_497, %add3A_498 : i32
        %get3A_500 = arith.index_cast %add3A_499 : i32 to index
        %get3A_501 = tpu.vector_load %arg7[%get3A_500] {strides = array<i32>} : memref<5120xi32, #tpu.memory_space<vmem>>, vector<16xi32>,
        %get3A_502 = vector.shape_cast %get3A_501 : vector<16xi32> to vector<16xi32>
        %swap3A_503 = arith.constant 48 : index
        %swap3A_504 = tpu.vector_load %arg9[%swap3A_503] {strides = array<i32>} : memref<128xi32, #tpu.memory_space<vmem>>, vector<16xi32>,
        %swap3A_505 = vector.shape_cast %swap3A_504 : vector<16xi32> to vector<16xi32>
        %swap3A_506 = vector.shape_cast %get3A_502 : vector<16xi32> to vector<16xi32>
        tpu.vector_store %arg9[%swap3A_503], %swap3A_506 {strides = array<i32>} : memref<128xi32, #tpu.memory_space<vmem>>, vector<16xi32>,
        %mul3A_507 = arith.constant 128 : i32
        %mul3A_508 = arith.muli %add3A_462, %mul3A_507 : i32
        %add3A_509 = arith.constant 64 : i32
        %add3A_510 = arith.addi %mul3A_508, %add3A_509 : i32
        %get3A_511 = arith.index_cast %add3A_510 : i32 to index
        %get3A_512 = tpu.vector_load %arg7[%get3A_511] {strides = array<i32>} : memref<5120xi32, #tpu.memory_space<vmem>>, vector<16xi32>,
        %get3A_513 = vector.shape_cast %get3A_512 : vector<16xi32> to vector<16xi32>
        %swap3A_514 = arith.constant 64 : index
        %swap3A_515 = tpu.vector_load %arg9[%swap3A_514] {strides = array<i32>} : memref<128xi32, #tpu.memory_space<vmem>>, vector<16xi32>,
        %swap3A_516 = vector.shape_cast %swap3A_515 : vector<16xi32> to vector<16xi32>
        %swap3A_517 = vector.shape_cast %get3A_513 : vector<16xi32> to vector<16xi32>
        tpu.vector_store %arg9[%swap3A_514], %swap3A_517 {strides = array<i32>} : memref<128xi32, #tpu.memory_space<vmem>>, vector<16xi32>,
        %mul3A_518 = arith.constant 128 : i32
        %mul3A_519 = arith.muli %add3A_462, %mul3A_518 : i32
        %add3A_520 = arith.constant 80 : i32
        %add3A_521 = arith.addi %mul3A_519, %add3A_520 : i32
        %get3A_522 = arith.index_cast %add3A_521 : i32 to index
        %get3A_523 = tpu.vector_load %arg7[%get3A_522] {strides = array<i32>} : memref<5120xi32, #tpu.memory_space<vmem>>, vector<16xi32>,
        %get3A_524 = vector.shape_cast %get3A_523 : vector<16xi32> to vector<16xi32>
        %swap3A_525 = arith.constant 80 : index
        %swap3A_526 = tpu.vector_load %arg9[%swap3A_525] {strides = array<i32>} : memref<128xi32, #tpu.memory_space<vmem>>, vector<16xi32>,
        %swap3A_527 = vector.shape_cast %swap3A_526 : vector<16xi32> to vector<16xi32>
        %swap3A_528 = vector.shape_cast %get3A_524 : vector<16xi32> to vector<16xi32>
        tpu.vector_store %arg9[%swap3A_525], %swap3A_528 {strides = array<i32>} : memref<128xi32, #tpu.memory_space<vmem>>, vector<16xi32>,
        %mul3A_529 = arith.constant 128 : i32
        %mul3A_530 = arith.muli %add3A_462, %mul3A_529 : i32
        %add3A_531 = arith.constant 96 : i32
        %add3A_532 = arith.addi %mul3A_530, %add3A_531 : i32
        %get3A_533 = arith.index_cast %add3A_532 : i32 to index
        %get3A_534 = tpu.vector_load %arg7[%get3A_533] {strides = array<i32>} : memref<5120xi32, #tpu.memory_space<vmem>>, vector<16xi32>,
        %get3A_535 = vector.shape_cast %get3A_534 : vector<16xi32> to vector<16xi32>
        %swap3A_536 = arith.constant 96 : index
        %swap3A_537 = tpu.vector_load %arg9[%swap3A_536] {strides = array<i32>} : memref<128xi32, #tpu.memory_space<vmem>>, vector<16xi32>,
        %swap3A_538 = vector.shape_cast %swap3A_537 : vector<16xi32> to vector<16xi32>
        %swap3A_539 = vector.shape_cast %get3A_535 : vector<16xi32> to vector<16xi32>
        tpu.vector_store %arg9[%swap3A_536], %swap3A_539 {strides = array<i32>} : memref<128xi32, #tpu.memory_space<vmem>>, vector<16xi32>,
        %mul3A_540 = arith.constant 128 : i32
        %mul3A_541 = arith.muli %add3A_462, %mul3A_540 : i32
        %add3A_542 = arith.constant 112 : i32
        %add3A_543 = arith.addi %mul3A_541, %add3A_542 : i32
        %get3A_544 = arith.index_cast %add3A_543 : i32 to index
        %get3A_545 = tpu.vector_load %arg7[%get3A_544] {strides = array<i32>} : memref<5120xi32, #tpu.memory_space<vmem>>, vector<16xi32>,
        %get3A_546 = vector.shape_cast %get3A_545 : vector<16xi32> to vector<16xi32>
        %swap3A_547 = arith.constant 112 : index
        %swap3A_548 = tpu.vector_load %arg9[%swap3A_547] {strides = array<i32>} : memref<128xi32, #tpu.memory_space<vmem>>, vector<16xi32>,
        %swap3A_549 = vector.shape_cast %swap3A_548 : vector<16xi32> to vector<16xi32>
        %swap3A_550 = vector.shape_cast %get3A_546 : vector<16xi32> to vector<16xi32>
        tpu.vector_store %arg9[%swap3A_547], %swap3A_550 {strides = array<i32>} : memref<128xi32, #tpu.memory_space<vmem>>, vector<16xi32>,
        %dma_start3A_551 = arith.constant 0 : i32
        %dma_start3A_552 = arith.constant 0 : i32
        %dma_start3A_553 = tpu.memref_slice %arg16[%dma_start3A_551, %dma_start3A_552] : memref<10000x48xf32, #tpu.memory_space<vmem_shared>> -> memref<10000x48xf32, #tpu.memory_space<vmem_shared>>
        tpu.enqueue_indirect_dma source(%dma_start3A_553 : memref<10000x48xf32, #tpu.memory_space<vmem_shared>>) target(%arg13 : memref<128x48xf32, #tpu.memory_space<vmem>>) offsets(%arg9 : memref<128xi32, #tpu.memory_space<vmem>>) semaphore(%arg17 : memref<!tpu.dma_semaphore, #tpu.memory_space<semaphore_mem>>)
      } else {
      }
      %dma_wait3A_361 = arith.constant 0 : i32
      %dma_wait3A_362 = arith.constant 0 : i32
      %dma_wait3A_363 = tpu.memref_slice %arg16[%dma_wait3A_361, %dma_wait3A_362] : memref<10000x48xf32, #tpu.memory_space<vmem_shared>> -> memref<10000x48xf32, #tpu.memory_space<vmem_shared>>
      tpu.wait_indirect_dma semaphore(%arg18 : memref<!tpu.dma_semaphore, #tpu.memory_space<semaphore_mem>>) src(%dma_wait3A_363 : memref<10000x48xf32, #tpu.memory_space<vmem_shared>>) dst(%arg14 : memref<128x48xf32, #tpu.memory_space<vmem>>)
      %add3A_364 = arith.constant 1 : i32
      %add3A_365 = arith.addi %add3A_266, %add3A_364 : i32
      %mul3A_366 = arith.constant 128 : i32
      %mul3A_367 = arith.muli %add3A_365, %mul3A_366 : i32
      %add3A_368 = arith.constant 0 : i32
      %add3A_369 = arith.addi %mul3A_367, %add3A_368 : i32
      %get3A_370 = arith.index_cast %add3A_369 : i32 to index
      %get3A_371 = tpu.vector_load %arg8[%get3A_370] {strides = array<i32>} : memref<5120xi32, #tpu.memory_space<vmem>>, vector<16xi32>,
      %get3A_372 = vector.shape_cast %get3A_371 : vector<16xi32> to vector<16xi32>
      %swap3A_373 = arith.constant 0 : index
      %swap3A_374 = tpu.vector_load %arg12[%swap3A_373] {strides = array<i32>} : memref<128xi32, #tpu.memory_space<vmem>>, vector<16xi32>,
      %swap3A_375 = vector.shape_cast %swap3A_374 : vector<16xi32> to vector<16xi32>
      %swap3A_376 = vector.shape_cast %get3A_372 : vector<16xi32> to vector<16xi32>
      tpu.vector_store %arg12[%swap3A_373], %swap3A_376 {strides = array<i32>} : memref<128xi32, #tpu.memory_space<vmem>>, vector<16xi32>,
      %mul3A_377 = arith.constant 128 : i32
      %mul3A_378 = arith.muli %add3A_365, %mul3A_377 : i32
      %add3A_379 = arith.constant 16 : i32
      %add3A_380 = arith.addi %mul3A_378, %add3A_379 : i32
      %get3A_381 = arith.index_cast %add3A_380 : i32 to index
      %get3A_382 = tpu.vector_load %arg8[%get3A_381] {strides = array<i32>} : memref<5120xi32, #tpu.memory_space<vmem>>, vector<16xi32>,
      %get3A_383 = vector.shape_cast %get3A_382 : vector<16xi32> to vector<16xi32>
      %swap3A_384 = arith.constant 16 : index
      %swap3A_385 = tpu.vector_load %arg12[%swap3A_384] {strides = array<i32>} : memref<128xi32, #tpu.memory_space<vmem>>, vector<16xi32>,
      %swap3A_386 = vector.shape_cast %swap3A_385 : vector<16xi32> to vector<16xi32>
      %swap3A_387 = vector.shape_cast %get3A_383 : vector<16xi32> to vector<16xi32>
      tpu.vector_store %arg12[%swap3A_384], %swap3A_387 {strides = array<i32>} : memref<128xi32, #tpu.memory_space<vmem>>, vector<16xi32>,
      %mul3A_388 = arith.constant 128 : i32
      %mul3A_389 = arith.muli %add3A_365, %mul3A_388 : i32
      %add3A_390 = arith.constant 32 : i32
      %add3A_391 = arith.addi %mul3A_389, %add3A_390 : i32
      %get3A_392 = arith.index_cast %add3A_391 : i32 to index
      %get3A_393 = tpu.vector_load %arg8[%get3A_392] {strides = array<i32>} : memref<5120xi32, #tpu.memory_space<vmem>>, vector<16xi32>,
      %get3A_394 = vector.shape_cast %get3A_393 : vector<16xi32> to vector<16xi32>
      %swap3A_395 = arith.constant 32 : index
      %swap3A_396 = tpu.vector_load %arg12[%swap3A_395] {strides = array<i32>} : memref<128xi32, #tpu.memory_space<vmem>>, vector<16xi32>,
      %swap3A_397 = vector.shape_cast %swap3A_396 : vector<16xi32> to vector<16xi32>
      %swap3A_398 = vector.shape_cast %get3A_394 : vector<16xi32> to vector<16xi32>
      tpu.vector_store %arg12[%swap3A_395], %swap3A_398 {strides = array<i32>} : memref<128xi32, #tpu.memory_space<vmem>>, vector<16xi32>,
      %mul3A_399 = arith.constant 128 : i32
      %mul3A_400 = arith.muli %add3A_365, %mul3A_399 : i32
      %add3A_401 = arith.constant 48 : i32
      %add3A_402 = arith.addi %mul3A_400, %add3A_401 : i32
      %get3A_403 = arith.index_cast %add3A_402 : i32 to index
      %get3A_404 = tpu.vector_load %arg8[%get3A_403] {strides = array<i32>} : memref<5120xi32, #tpu.memory_space<vmem>>, vector<16xi32>,
      %get3A_405 = vector.shape_cast %get3A_404 : vector<16xi32> to vector<16xi32>
      %swap3A_406 = arith.constant 48 : index
      %swap3A_407 = tpu.vector_load %arg12[%swap3A_406] {strides = array<i32>} : memref<128xi32, #tpu.memory_space<vmem>>, vector<16xi32>,
      %swap3A_408 = vector.shape_cast %swap3A_407 : vector<16xi32> to vector<16xi32>
      %swap3A_409 = vector.shape_cast %get3A_405 : vector<16xi32> to vector<16xi32>
      tpu.vector_store %arg12[%swap3A_406], %swap3A_409 {strides = array<i32>} : memref<128xi32, #tpu.memory_space<vmem>>, vector<16xi32>,
      %mul3A_410 = arith.constant 128 : i32
      %mul3A_411 = arith.muli %add3A_365, %mul3A_410 : i32
      %add3A_412 = arith.constant 64 : i32
      %add3A_413 = arith.addi %mul3A_411, %add3A_412 : i32
      %get3A_414 = arith.index_cast %add3A_413 : i32 to index
      %get3A_415 = tpu.vector_load %arg8[%get3A_414] {strides = array<i32>} : memref<5120xi32, #tpu.memory_space<vmem>>, vector<16xi32>,
      %get3A_416 = vector.shape_cast %get3A_415 : vector<16xi32> to vector<16xi32>
      %swap3A_417 = arith.constant 64 : index
      %swap3A_418 = tpu.vector_load %arg12[%swap3A_417] {strides = array<i32>} : memref<128xi32, #tpu.memory_space<vmem>>, vector<16xi32>,
      %swap3A_419 = vector.shape_cast %swap3A_418 : vector<16xi32> to vector<16xi32>
      %swap3A_420 = vector.shape_cast %get3A_416 : vector<16xi32> to vector<16xi32>
      tpu.vector_store %arg12[%swap3A_417], %swap3A_420 {strides = array<i32>} : memref<128xi32, #tpu.memory_space<vmem>>, vector<16xi32>,
      %mul3A_421 = arith.constant 128 : i32
      %mul3A_422 = arith.muli %add3A_365, %mul3A_421 : i32
      %add3A_423 = arith.constant 80 : i32
      %add3A_424 = arith.addi %mul3A_422, %add3A_423 : i32
      %get3A_425 = arith.index_cast %add3A_424 : i32 to index
      %get3A_426 = tpu.vector_load %arg8[%get3A_425] {strides = array<i32>} : memref<5120xi32, #tpu.memory_space<vmem>>, vector<16xi32>,
      %get3A_427 = vector.shape_cast %get3A_426 : vector<16xi32> to vector<16xi32>
      %swap3A_428 = arith.constant 80 : index
      %swap3A_429 = tpu.vector_load %arg12[%swap3A_428] {strides = array<i32>} : memref<128xi32, #tpu.memory_space<vmem>>, vector<16xi32>,
      %swap3A_430 = vector.shape_cast %swap3A_429 : vector<16xi32> to vector<16xi32>
      %swap3A_431 = vector.shape_cast %get3A_427 : vector<16xi32> to vector<16xi32>
      tpu.vector_store %arg12[%swap3A_428], %swap3A_431 {strides = array<i32>} : memref<128xi32, #tpu.memory_space<vmem>>, vector<16xi32>,
      %mul3A_432 = arith.constant 128 : i32
      %mul3A_433 = arith.muli %add3A_365, %mul3A_432 : i32
      %add3A_434 = arith.constant 96 : i32
      %add3A_435 = arith.addi %mul3A_433, %add3A_434 : i32
      %get3A_436 = arith.index_cast %add3A_435 : i32 to index
      %get3A_437 = tpu.vector_load %arg8[%get3A_436] {strides = array<i32>} : memref<5120xi32, #tpu.memory_space<vmem>>, vector<16xi32>,
      %get3A_438 = vector.shape_cast %get3A_437 : vector<16xi32> to vector<16xi32>
      %swap3A_439 = arith.constant 96 : index
      %swap3A_440 = tpu.vector_load %arg12[%swap3A_439] {strides = array<i32>} : memref<128xi32, #tpu.memory_space<vmem>>, vector<16xi32>,
      %swap3A_441 = vector.shape_cast %swap3A_440 : vector<16xi32> to vector<16xi32>
      %swap3A_442 = vector.shape_cast %get3A_438 : vector<16xi32> to vector<16xi32>
      tpu.vector_store %arg12[%swap3A_439], %swap3A_442 {strides = array<i32>} : memref<128xi32, #tpu.memory_space<vmem>>, vector<16xi32>,
      %mul3A_443 = arith.constant 128 : i32
      %mul3A_444 = arith.muli %add3A_365, %mul3A_443 : i32
      %add3A_445 = arith.constant 112 : i32
      %add3A_446 = arith.addi %mul3A_444, %add3A_445 : i32
      %get3A_447 = arith.index_cast %add3A_446 : i32 to index
      %get3A_448 = tpu.vector_load %arg8[%get3A_447] {strides = array<i32>} : memref<5120xi32, #tpu.memory_space<vmem>>, vector<16xi32>,
      %get3A_449 = vector.shape_cast %get3A_448 : vector<16xi32> to vector<16xi32>
      %swap3A_450 = arith.constant 112 : index
      %swap3A_451 = tpu.vector_load %arg12[%swap3A_450] {strides = array<i32>} : memref<128xi32, #tpu.memory_space<vmem>>, vector<16xi32>,
      %swap3A_452 = vector.shape_cast %swap3A_451 : vector<16xi32> to vector<16xi32>
      %swap3A_453 = vector.shape_cast %get3A_449 : vector<16xi32> to vector<16xi32>
      tpu.vector_store %arg12[%swap3A_450], %swap3A_453 {strides = array<i32>} : memref<128xi32, #tpu.memory_space<vmem>>, vector<16xi32>,
      "tpu.region"() ({
        %run_scoped3A = tpu.sem_alloc : memref<!tpu.dma_semaphore, #tpu.memory_space<semaphore_mem>>
        %dma_start3A_461 = arith.constant 0 : i32
        %dma_start3A_462 = arith.constant 0 : i32
        %dma_start3A_463 = tpu.memref_slice %arg15[%dma_start3A_461, %dma_start3A_462] : memref<10240x48xf32, #tpu.memory_space<vmem_shared>> -> memref<10240x48xf32, #tpu.memory_space<vmem_shared>>
        tpu.enqueue_indirect_dma source(%arg14 : memref<128x48xf32, #tpu.memory_space<vmem>>) target(%dma_start3A_463 : memref<10240x48xf32, #tpu.memory_space<vmem_shared>>) offsets(%arg12 : memref<128xi32, #tpu.memory_space<vmem>>) semaphore(%run_scoped3A : memref<!tpu.dma_semaphore, #tpu.memory_space<semaphore_mem>>) {add = true}
        %dma_wait3A_464 = arith.constant 0 : i32
        %dma_wait3A_465 = arith.constant 0 : i32
        %dma_wait3A_466 = tpu.memref_slice %arg15[%dma_wait3A_464, %dma_wait3A_465] : memref<10240x48xf32, #tpu.memory_space<vmem_shared>> -> memref<10240x48xf32, #tpu.memory_space<vmem_shared>>
        tpu.wait_indirect_dma semaphore(%run_scoped3A : memref<!tpu.dma_semaphore, #tpu.memory_space<semaphore_mem>>) src(%arg14 : memref<128x48xf32, #tpu.memory_space<vmem>>) dst(%dma_wait3A_466 : memref<10240x48xf32, #tpu.memory_space<vmem_shared>>)
        tpu.yield
      }) : () -> ()
      %add3A_454 = arith.constant 3 : i32
      %add3A_455 = arith.addi %add3A_266, %add3A_454 : i32
      %lt3A_456 = arith.constant 40 : i32
      %lt3A_457 = arith.cmpi slt, %add3A_455, %lt3A_456 : i32
      %convert_element_type3A_458 = arith.extui %lt3A_457 : i1 to i32
      %cond3A_459 = arith.constant 0 : i32
      %cond3A_460 = arith.cmpi ne, %convert_element_type3A_458, %cond3A_459 : i32
      scf.if %cond3A_460 {
        %add3A_461 = arith.constant 3 : i32
        %add3A_462 = arith.addi %add3A_266, %add3A_461 : i32
        %mul3A_463 = arith.constant 128 : i32
        %mul3A_464 = arith.muli %add3A_462, %mul3A_463 : i32
        %add3A_465 = arith.constant 0 : i32
        %add3A_466 = arith.addi %mul3A_464, %add3A_465 : i32
        %get3A_467 = arith.index_cast %add3A_466 : i32 to index
        %get3A_468 = tpu.vector_load %arg7[%get3A_467] {strides = array<i32>} : memref<5120xi32, #tpu.memory_space<vmem>>, vector<16xi32>,
        %get3A_469 = vector.shape_cast %get3A_468 : vector<16xi32> to vector<16xi32>
        %swap3A_470 = arith.constant 0 : index
        %swap3A_471 = tpu.vector_load %arg10[%swap3A_470] {strides = array<i32>} : memref<128xi32, #tpu.memory_space<vmem>>, vector<16xi32>,
        %swap3A_472 = vector.shape_cast %swap3A_471 : vector<16xi32> to vector<16xi32>
        %swap3A_473 = vector.shape_cast %get3A_469 : vector<16xi32> to vector<16xi32>
        tpu.vector_store %arg10[%swap3A_470], %swap3A_473 {strides = array<i32>} : memref<128xi32, #tpu.memory_space<vmem>>, vector<16xi32>,
        %mul3A_474 = arith.constant 128 : i32
        %mul3A_475 = arith.muli %add3A_462, %mul3A_474 : i32
        %add3A_476 = arith.constant 16 : i32
        %add3A_477 = arith.addi %mul3A_475, %add3A_476 : i32
        %get3A_478 = arith.index_cast %add3A_477 : i32 to index
        %get3A_479 = tpu.vector_load %arg7[%get3A_478] {strides = array<i32>} : memref<5120xi32, #tpu.memory_space<vmem>>, vector<16xi32>,
        %get3A_480 = vector.shape_cast %get3A_479 : vector<16xi32> to vector<16xi32>
        %swap3A_481 = arith.constant 16 : index
        %swap3A_482 = tpu.vector_load %arg10[%swap3A_481] {strides = array<i32>} : memref<128xi32, #tpu.memory_space<vmem>>, vector<16xi32>,
        %swap3A_483 = vector.shape_cast %swap3A_482 : vector<16xi32> to vector<16xi32>
        %swap3A_484 = vector.shape_cast %get3A_480 : vector<16xi32> to vector<16xi32>
        tpu.vector_store %arg10[%swap3A_481], %swap3A_484 {strides = array<i32>} : memref<128xi32, #tpu.memory_space<vmem>>, vector<16xi32>,
        %mul3A_485 = arith.constant 128 : i32
        %mul3A_486 = arith.muli %add3A_462, %mul3A_485 : i32
        %add3A_487 = arith.constant 32 : i32
        %add3A_488 = arith.addi %mul3A_486, %add3A_487 : i32
        %get3A_489 = arith.index_cast %add3A_488 : i32 to index
        %get3A_490 = tpu.vector_load %arg7[%get3A_489] {strides = array<i32>} : memref<5120xi32, #tpu.memory_space<vmem>>, vector<16xi32>,
        %get3A_491 = vector.shape_cast %get3A_490 : vector<16xi32> to vector<16xi32>
        %swap3A_492 = arith.constant 32 : index
        %swap3A_493 = tpu.vector_load %arg10[%swap3A_492] {strides = array<i32>} : memref<128xi32, #tpu.memory_space<vmem>>, vector<16xi32>,
        %swap3A_494 = vector.shape_cast %swap3A_493 : vector<16xi32> to vector<16xi32>
        %swap3A_495 = vector.shape_cast %get3A_491 : vector<16xi32> to vector<16xi32>
        tpu.vector_store %arg10[%swap3A_492], %swap3A_495 {strides = array<i32>} : memref<128xi32, #tpu.memory_space<vmem>>, vector<16xi32>,
        %mul3A_496 = arith.constant 128 : i32
        %mul3A_497 = arith.muli %add3A_462, %mul3A_496 : i32
        %add3A_498 = arith.constant 48 : i32
        %add3A_499 = arith.addi %mul3A_497, %add3A_498 : i32
        %get3A_500 = arith.index_cast %add3A_499 : i32 to index
        %get3A_501 = tpu.vector_load %arg7[%get3A_500] {strides = array<i32>} : memref<5120xi32, #tpu.memory_space<vmem>>, vector<16xi32>,
        %get3A_502 = vector.shape_cast %get3A_501 : vector<16xi32> to vector<16xi32>
        %swap3A_503 = arith.constant 48 : index
        %swap3A_504 = tpu.vector_load %arg10[%swap3A_503] {strides = array<i32>} : memref<128xi32, #tpu.memory_space<vmem>>, vector<16xi32>,
        %swap3A_505 = vector.shape_cast %swap3A_504 : vector<16xi32> to vector<16xi32>
        %swap3A_506 = vector.shape_cast %get3A_502 : vector<16xi32> to vector<16xi32>
        tpu.vector_store %arg10[%swap3A_503], %swap3A_506 {strides = array<i32>} : memref<128xi32, #tpu.memory_space<vmem>>, vector<16xi32>,
        %mul3A_507 = arith.constant 128 : i32
        %mul3A_508 = arith.muli %add3A_462, %mul3A_507 : i32
        %add3A_509 = arith.constant 64 : i32
        %add3A_510 = arith.addi %mul3A_508, %add3A_509 : i32
        %get3A_511 = arith.index_cast %add3A_510 : i32 to index
        %get3A_512 = tpu.vector_load %arg7[%get3A_511] {strides = array<i32>} : memref<5120xi32, #tpu.memory_space<vmem>>, vector<16xi32>,
        %get3A_513 = vector.shape_cast %get3A_512 : vector<16xi32> to vector<16xi32>
        %swap3A_514 = arith.constant 64 : index
        %swap3A_515 = tpu.vector_load %arg10[%swap3A_514] {strides = array<i32>} : memref<128xi32, #tpu.memory_space<vmem>>, vector<16xi32>,
        %swap3A_516 = vector.shape_cast %swap3A_515 : vector<16xi32> to vector<16xi32>
        %swap3A_517 = vector.shape_cast %get3A_513 : vector<16xi32> to vector<16xi32>
        tpu.vector_store %arg10[%swap3A_514], %swap3A_517 {strides = array<i32>} : memref<128xi32, #tpu.memory_space<vmem>>, vector<16xi32>,
        %mul3A_518 = arith.constant 128 : i32
        %mul3A_519 = arith.muli %add3A_462, %mul3A_518 : i32
        %add3A_520 = arith.constant 80 : i32
        %add3A_521 = arith.addi %mul3A_519, %add3A_520 : i32
        %get3A_522 = arith.index_cast %add3A_521 : i32 to index
        %get3A_523 = tpu.vector_load %arg7[%get3A_522] {strides = array<i32>} : memref<5120xi32, #tpu.memory_space<vmem>>, vector<16xi32>,
        %get3A_524 = vector.shape_cast %get3A_523 : vector<16xi32> to vector<16xi32>
        %swap3A_525 = arith.constant 80 : index
        %swap3A_526 = tpu.vector_load %arg10[%swap3A_525] {strides = array<i32>} : memref<128xi32, #tpu.memory_space<vmem>>, vector<16xi32>,
        %swap3A_527 = vector.shape_cast %swap3A_526 : vector<16xi32> to vector<16xi32>
        %swap3A_528 = vector.shape_cast %get3A_524 : vector<16xi32> to vector<16xi32>
        tpu.vector_store %arg10[%swap3A_525], %swap3A_528 {strides = array<i32>} : memref<128xi32, #tpu.memory_space<vmem>>, vector<16xi32>,
        %mul3A_529 = arith.constant 128 : i32
        %mul3A_530 = arith.muli %add3A_462, %mul3A_529 : i32
        %add3A_531 = arith.constant 96 : i32
        %add3A_532 = arith.addi %mul3A_530, %add3A_531 : i32
        %get3A_533 = arith.index_cast %add3A_532 : i32 to index
        %get3A_534 = tpu.vector_load %arg7[%get3A_533] {strides = array<i32>} : memref<5120xi32, #tpu.memory_space<vmem>>, vector<16xi32>,
        %get3A_535 = vector.shape_cast %get3A_534 : vector<16xi32> to vector<16xi32>
        %swap3A_536 = arith.constant 96 : index
        %swap3A_537 = tpu.vector_load %arg10[%swap3A_536] {strides = array<i32>} : memref<128xi32, #tpu.memory_space<vmem>>, vector<16xi32>,
        %swap3A_538 = vector.shape_cast %swap3A_537 : vector<16xi32> to vector<16xi32>
        %swap3A_539 = vector.shape_cast %get3A_535 : vector<16xi32> to vector<16xi32>
        tpu.vector_store %arg10[%swap3A_536], %swap3A_539 {strides = array<i32>} : memref<128xi32, #tpu.memory_space<vmem>>, vector<16xi32>,
        %mul3A_540 = arith.constant 128 : i32
        %mul3A_541 = arith.muli %add3A_462, %mul3A_540 : i32
        %add3A_542 = arith.constant 112 : i32
        %add3A_543 = arith.addi %mul3A_541, %add3A_542 : i32
        %get3A_544 = arith.index_cast %add3A_543 : i32 to index
        %get3A_545 = tpu.vector_load %arg7[%get3A_544] {strides = array<i32>} : memref<5120xi32, #tpu.memory_space<vmem>>, vector<16xi32>,
        %get3A_546 = vector.shape_cast %get3A_545 : vector<16xi32> to vector<16xi32>
        %swap3A_547 = arith.constant 112 : index
        %swap3A_548 = tpu.vector_load %arg10[%swap3A_547] {strides = array<i32>} : memref<128xi32, #tpu.memory_space<vmem>>, vector<16xi32>,
        %swap3A_549 = vector.shape_cast %swap3A_548 : vector<16xi32> to vector<16xi32>
        %swap3A_550 = vector.shape_cast %get3A_546 : vector<16xi32> to vector<16xi32>
        tpu.vector_store %arg10[%swap3A_547], %swap3A_550 {strides = array<i32>} : memref<128xi32, #tpu.memory_space<vmem>>, vector<16xi32>,
        %dma_start3A_551 = arith.constant 0 : i32
        %dma_start3A_552 = arith.constant 0 : i32
        %dma_start3A_553 = tpu.memref_slice %arg16[%dma_start3A_551, %dma_start3A_552] : memref<10000x48xf32, #tpu.memory_space<vmem_shared>> -> memref<10000x48xf32, #tpu.memory_space<vmem_shared>>
        tpu.enqueue_indirect_dma source(%dma_start3A_553 : memref<10000x48xf32, #tpu.memory_space<vmem_shared>>) target(%arg14 : memref<128x48xf32, #tpu.memory_space<vmem>>) offsets(%arg10 : memref<128xi32, #tpu.memory_space<vmem>>) semaphore(%arg18 : memref<!tpu.dma_semaphore, #tpu.memory_space<semaphore_mem>>)
      } else {
      }
    }
    %scan3A_256 = arith.constant 20 : i32
    %barrier3A_257 = arith.constant 0 : index
    tpu.barrier barrier_id(%barrier3A_257)
    %mul3A_258 = arith.constant 640 : i32
    %mul3A_259 = arith.muli %arg1, %mul3A_258 : i32
    %mul3A_260 = arith.constant 640 : i32
    %mul3A_261 = arith.muli %arg1, %mul3A_260 : i32
    "tpu.region"() ({
      %run_scoped3A = tpu.sem_alloc : memref<!tpu.dma_semaphore, #tpu.memory_space<semaphore_mem>>
      %dma_start3A_262 = arith.constant 0 : i32
      %dma_start3A_263 = tpu.memref_slice %arg6[%arg0, %mul3A_261, %dma_start3A_262] : memref<2x10240x48xf32, #tpu.memory_space<hbm>> -> memref<1x640x48xf32, #tpu.memory_space<hbm>>
      %dma_start3A_264 = tpu.memref_squeeze %dma_start3A_263 : memref<1x640x48xf32, #tpu.memory_space<hbm>> -> memref<640x48xf32, #tpu.memory_space<hbm>>
      %dma_start3A_265 = arith.constant 0 : i32
      %dma_start3A_266 = tpu.memref_slice %arg15[%mul3A_259, %dma_start3A_265] : memref<10240x48xf32, #tpu.memory_space<vmem_shared>> -> memref<640x48xf32, #tpu.memory_space<vmem_shared>>
      tpu.enqueue_dma source(%dma_start3A_266 : memref<640x48xf32, #tpu.memory_space<vmem_shared>>) target(%dma_start3A_264 : memref<640x48xf32, #tpu.memory_space<hbm>>) target_semaphore(%run_scoped3A : memref<!tpu.dma_semaphore, #tpu.memory_space<semaphore_mem>>)
      %dma_wait3A = arith.constant 0 : i32
      %dma_wait3A_267 = tpu.memref_slice %arg6[%arg0, %mul3A_261, %dma_wait3A] : memref<2x10240x48xf32, #tpu.memory_space<hbm>> -> memref<1x640x48xf32, #tpu.memory_space<hbm>>
      %dma_wait3A_268 = tpu.memref_squeeze %dma_wait3A_267 : memref<1x640x48xf32, #tpu.memory_space<hbm>> -> memref<640x48xf32, #tpu.memory_space<hbm>>
      %dma_wait3A_269 = arith.constant 0 : i32
      %dma_wait3A_270 = tpu.memref_slice %arg15[%mul3A_259, %dma_wait3A_269] : memref<10240x48xf32, #tpu.memory_space<vmem_shared>> -> memref<640x48xf32, #tpu.memory_space<vmem_shared>>
      tpu.wait_dma2 semaphore(%run_scoped3A : memref<!tpu.dma_semaphore, #tpu.memory_space<semaphore_mem>>) src(%dma_wait3A_270 : memref<640x48xf32, #tpu.memory_space<vmem_shared>>) dst(%dma_wait3A_268 : memref<640x48xf32, #tpu.memory_space<hbm>>)
      tpu.yield
    }) : () -> ()
    return
  }
}

module attributes {stable_mosaic.version = 14 : i64} {
  func.func @_mm1_body(%arg0: i32, %arg1: memref<1000x128xf32, #tpu.memory_space<vmem>>, %arg2: memref<2x1000x16xf32, #tpu.memory_space<vmem>>, %arg3: memref<128x128xf32, #tpu.memory_space<vmem>>, %arg4: memref<1000x128xf32, #tpu.memory_space<vmem>>, %arg5: memref<1000x1xf32, #tpu.memory_space<vmem>>) attributes {dimension_semantics = [#tpu.dimension_semantics<arbitrary>], iteration_bounds = array<i64: 10>, scalar_prefetch = 0 : i64, scratch_operands = 0 : i64, tpu.core_type = #tpu.core_type<tc>, window_params = [{transform_indices = @transform_0, window_bounds = array<i64: 1000, 128>}, {transform_indices = @transform_1, window_bounds = array<i64: 2, 1000, 16>}, {pipeline_mode = #tpu.pipeline_mode<synchronous>, transform_indices = @transform_2, window_bounds = array<i64: 128, 128>}, {transform_indices = @transform_3, window_bounds = array<i64: 1000, 128>}, {transform_indices = @transform_4, window_bounds = array<i64: 1000, 1>}]} {
    %get3A = arith.constant 0 : index
    %get3A_0 = arith.constant 0 : index
    %get3A_1 = arith.constant 0 : index
    %get3A_2 = vector.load %arg2[%get3A, %get3A_0, %get3A_1] : memref<2x1000x16xf32, #tpu.memory_space<vmem>>, vector<1x1000x1xf32>
    %get3A_3 = vector.shape_cast %get3A_2 : vector<1x1000x1xf32> to vector<1000xf32>
    %add3A = arith.constant 1.000000e+00 : f32
    %add3A_4 = vector.broadcast %add3A : f32 to vector<1000xf32>
    %add3A_5 = arith.addf %add3A_4, %get3A_3 : vector<1000xf32>
    %get3A_6 = arith.constant 1 : index
    %get3A_7 = arith.constant 0 : index
    %get3A_8 = arith.constant 0 : index
    %get3A_9 = vector.load %arg2[%get3A_6, %get3A_7, %get3A_8] : memref<2x1000x16xf32, #tpu.memory_space<vmem>>, vector<1x1000x1xf32>
    %get3A_10 = vector.shape_cast %get3A_9 : vector<1x1000x1xf32> to vector<1000xf32>
    %add3A_11 = arith.addf %add3A_5, %get3A_10 : vector<1000xf32>
    %rsqrt3A = math.rsqrt %add3A_11 : vector<1000xf32>
    %broadcast_in_dim3A = vector.shape_cast %rsqrt3A : vector<1000xf32> to vector<1000x1xf32>
    %swap3A = arith.constant 0 : index
    %swap3A_12 = arith.constant 0 : index
    %swap3A_13 = vector.load %arg5[%swap3A, %swap3A_12] : memref<1000x1xf32, #tpu.memory_space<vmem>>, vector<1000x1xf32>
    tpu.vector_store %arg5[%swap3A, %swap3A_12], %broadcast_in_dim3A {strides = array<i32>} : memref<1000x1xf32, #tpu.memory_space<vmem>>, vector<1000x1xf32>,
    %get3A_14 = arith.constant 0 : index
    %get3A_15 = arith.constant 0 : index
    %get3A_16 = vector.load %arg1[%get3A_14, %get3A_15] : memref<1000x128xf32, #tpu.memory_space<vmem>>, vector<1000x128xf32>
    %mul3A = vector.broadcast %broadcast_in_dim3A : vector<1000x1xf32> to vector<1000x128xf32>
    %mul3A_17 = arith.mulf %get3A_16, %mul3A : vector<1000x128xf32>
    %get3A_18 = arith.constant 0 : index
    %get3A_19 = arith.constant 0 : index
    %get3A_20 = vector.load %arg3[%get3A_18, %get3A_19] : memref<128x128xf32, #tpu.memory_space<vmem>>, vector<128x128xf32>
    %dot_general3A = arith.constant dense<0.000000e+00> : vector<1000x128xf32>
    %dot_general3A_21 = tpu.matmul %mul3A_17, %get3A_20, %dot_general3A {dimension_numbers = #tpu.dot_dimension_numbers<[1], [0], [0], [1], [0, 0, 1, 1], [], []>, transpose_lhs_hint = false} : vector<1000x128xf32>, vector<128x128xf32>, vector<1000x128xf32> -> vector<1000x128xf32>
    %swap3A_22 = arith.constant 0 : index
    %swap3A_23 = arith.constant 0 : index
    %swap3A_24 = vector.load %arg4[%swap3A_22, %swap3A_23] : memref<1000x128xf32, #tpu.memory_space<vmem>>, vector<1000x128xf32>
    tpu.vector_store %arg4[%swap3A_22, %swap3A_23], %dot_general3A_21 {strides = array<i32>} : memref<1000x128xf32, #tpu.memory_space<vmem>>, vector<1000x128xf32>,
    return
  }
  func.func @transform_0(%arg0: i32) -> (i32, i32) {
    %c0_i32 = arith.constant 0 : i32
    %c0_i32_0 = arith.constant 0 : i32
    return %arg0, %c0_i32 : i32, i32
  }
  func.func @transform_1(%arg0: i32) -> (i32, i32, i32) {
    %c0_i32 = arith.constant 0 : i32
    %c0_i32_0 = arith.constant 0 : i32
    %c0_i32_1 = arith.constant 0 : i32
    return %c0_i32, %arg0, %c0_i32_0 : i32, i32, i32
  }
  func.func @transform_2(%arg0: i32) -> (i32, i32) {
    %c0_i32 = arith.constant 0 : i32
    %c0_i32_0 = arith.constant 0 : i32
    %c0_i32_1 = arith.constant 0 : i32
    return %c0_i32, %c0_i32_0 : i32, i32
  }
  func.func @transform_3(%arg0: i32) -> (i32, i32) {
    %c0_i32 = arith.constant 0 : i32
    %c0_i32_0 = arith.constant 0 : i32
    return %arg0, %c0_i32 : i32, i32
  }
  func.func @transform_4(%arg0: i32) -> (i32, i32) {
    %c0_i32 = arith.constant 0 : i32
    %c0_i32_0 = arith.constant 0 : i32
    return %arg0, %c0_i32 : i32, i32
  }
}

module attributes {stable_mosaic.version = 14 : i64} {
  func.func @_mid_body(%arg0: i32, %arg1: memref<2x1000x64xf32, #tpu.memory_space<vmem>>, %arg2: memref<1000x128xf32, #tpu.memory_space<vmem>>, %arg3: memref<1000x1xf32, #tpu.memory_space<vmem>>, %arg4: memref<1x128xf32, #tpu.memory_space<vmem>>, %arg5: memref<128x48xf32, #tpu.memory_space<vmem>>, %arg6: memref<1000x48xf32, #tpu.memory_space<vmem>>) attributes {dimension_semantics = [#tpu.dimension_semantics<arbitrary>], iteration_bounds = array<i64: 10>, scalar_prefetch = 0 : i64, scratch_operands = 0 : i64, tpu.core_type = #tpu.core_type<tc>, window_params = [{transform_indices = @transform_0, window_bounds = array<i64: 2, 1000, 64>}, {transform_indices = @transform_1, window_bounds = array<i64: 1000, 128>}, {transform_indices = @transform_2, window_bounds = array<i64: 1000, 1>}, {pipeline_mode = #tpu.pipeline_mode<synchronous>, transform_indices = @transform_3, window_bounds = array<i64: 1, 128>}, {pipeline_mode = #tpu.pipeline_mode<synchronous>, transform_indices = @transform_4, window_bounds = array<i64: 128, 48>}, {transform_indices = @transform_5, window_bounds = array<i64: 1000, 48>}]} {
    %get3A = arith.constant 0 : index
    %get3A_0 = arith.constant 0 : index
    %get3A_1 = vector.load %arg3[%get3A, %get3A_0] : memref<1000x1xf32, #tpu.memory_space<vmem>>, vector<1000x1xf32>
    %get3A_2 = arith.constant 0 : index
    %get3A_3 = arith.constant 0 : index
    %get3A_4 = arith.constant 0 : index
    %get3A_5 = vector.load %arg1[%get3A_2, %get3A_3, %get3A_4] : memref<2x1000x64xf32, #tpu.memory_space<vmem>>, vector<1x1000x64xf32>
    %get3A_6 = vector.shape_cast %get3A_5 : vector<1x1000x64xf32> to vector<1000x64xf32>
    %get3A_7 = arith.constant 1 : index
    %get3A_8 = arith.constant 0 : index
    %get3A_9 = arith.constant 0 : index
    %get3A_10 = vector.load %arg1[%get3A_7, %get3A_8, %get3A_9] : memref<2x1000x64xf32, #tpu.memory_space<vmem>>, vector<1x1000x64xf32>
    %get3A_11 = vector.shape_cast %get3A_10 : vector<1x1000x64xf32> to vector<1000x64xf32>
    %concatenate3A = tpu.concatenate %get3A_6, %get3A_11 in 1 : vector<1000x64xf32>, vector<1000x64xf32> -> vector<1000x128xf32>
    %get3A_12 = arith.constant 0 : index
    %get3A_13 = arith.constant 0 : index
    %get3A_14 = vector.load %arg2[%get3A_12, %get3A_13] : memref<1000x128xf32, #tpu.memory_space<vmem>>, vector<1000x128xf32>
    %add3A = arith.addf %concatenate3A, %get3A_14 : vector<1000x128xf32>
    %mul3A = vector.broadcast %get3A_1 : vector<1000x1xf32> to vector<1000x128xf32>
    %mul3A_15 = arith.mulf %mul3A, %add3A : vector<1000x128xf32>
    %get3A_16 = arith.constant 0 : index
    %get3A_17 = arith.constant 0 : index
    %get3A_18 = vector.load %arg4[%get3A_16, %get3A_17] : memref<1x128xf32, #tpu.memory_space<vmem>>, vector<1x128xf32>
    %add3A_19 = vector.broadcast %get3A_18 : vector<1x128xf32> to vector<1000x128xf32>
    %add3A_20 = arith.addf %mul3A_15, %add3A_19 : vector<1000x128xf32>
    %max3A = arith.constant 0.000000e+00 : f32
    %max3A_21 = vector.broadcast %max3A : f32 to vector<1000x128xf32>
    %max3A_22 = arith.maximumf %add3A_20, %max3A_21 : vector<1000x128xf32>
    %mul3A_23 = vector.broadcast %get3A_1 : vector<1000x1xf32> to vector<1000x128xf32>
    %mul3A_24 = arith.mulf %max3A_22, %mul3A_23 : vector<1000x128xf32>
    %get3A_25 = arith.constant 0 : index
    %get3A_26 = arith.constant 0 : index
    %get3A_27 = vector.load %arg5[%get3A_25, %get3A_26] : memref<128x48xf32, #tpu.memory_space<vmem>>, vector<128x48xf32>
    %dot_general3A = arith.constant dense<0.000000e+00> : vector<1000x48xf32>
    %dot_general3A_28 = tpu.matmul %mul3A_24, %get3A_27, %dot_general3A {dimension_numbers = #tpu.dot_dimension_numbers<[1], [0], [0], [1], [0, 0, 1, 1], [], []>, transpose_lhs_hint = false} : vector<1000x128xf32>, vector<128x48xf32>, vector<1000x48xf32> -> vector<1000x48xf32>
    %swap3A = arith.constant 0 : index
    %swap3A_29 = arith.constant 0 : index
    %swap3A_30 = vector.load %arg6[%swap3A, %swap3A_29] : memref<1000x48xf32, #tpu.memory_space<vmem>>, vector<1000x48xf32>
    tpu.vector_store %arg6[%swap3A, %swap3A_29], %dot_general3A_28 {strides = array<i32>} : memref<1000x48xf32, #tpu.memory_space<vmem>>, vector<1000x48xf32>,
    return
  }
  func.func @transform_0(%arg0: i32) -> (i32, i32, i32) {
    %c0_i32 = arith.constant 0 : i32
    %c0_i32_0 = arith.constant 0 : i32
    %c0_i32_1 = arith.constant 0 : i32
    return %c0_i32, %arg0, %c0_i32_0 : i32, i32, i32
  }
  func.func @transform_1(%arg0: i32) -> (i32, i32) {
    %c0_i32 = arith.constant 0 : i32
    %c0_i32_0 = arith.constant 0 : i32
    return %arg0, %c0_i32 : i32, i32
  }
  func.func @transform_2(%arg0: i32) -> (i32, i32) {
    %c0_i32 = arith.constant 0 : i32
    %c0_i32_0 = arith.constant 0 : i32
    return %arg0, %c0_i32 : i32, i32
  }
  func.func @transform_3(%arg0: i32) -> (i32, i32) {
    %c0_i32 = arith.constant 0 : i32
    %c0_i32_0 = arith.constant 0 : i32
    %c0_i32_1 = arith.constant 0 : i32
    return %c0_i32, %c0_i32_0 : i32, i32
  }
  func.func @transform_4(%arg0: i32) -> (i32, i32) {
    %c0_i32 = arith.constant 0 : i32
    %c0_i32_0 = arith.constant 0 : i32
    %c0_i32_1 = arith.constant 0 : i32
    return %c0_i32, %c0_i32_0 : i32, i32
  }
  func.func @transform_5(%arg0: i32) -> (i32, i32) {
    %c0_i32 = arith.constant 0 : i32
    %c0_i32_0 = arith.constant 0 : i32
    return %arg0, %c0_i32 : i32, i32
  }
}

module attributes {stable_mosaic.version = 14 : i64} {
  func.func @_fin_body(%arg0: i32, %arg1: memref<2x1000x48xf32, #tpu.memory_space<vmem>>, %arg2: memref<1000x48xf32, #tpu.memory_space<vmem>>, %arg3: memref<1000x1xf32, #tpu.memory_space<vmem>>, %arg4: memref<1x40xf32, #tpu.memory_space<vmem>>, %arg5: memref<1000x40xf32, #tpu.memory_space<vmem>>) attributes {dimension_semantics = [#tpu.dimension_semantics<arbitrary>], iteration_bounds = array<i64: 10>, scalar_prefetch = 0 : i64, scratch_operands = 0 : i64, tpu.core_type = #tpu.core_type<tc>, window_params = [{transform_indices = @transform_0, window_bounds = array<i64: 2, 1000, 48>}, {transform_indices = @transform_1, window_bounds = array<i64: 1000, 48>}, {transform_indices = @transform_2, window_bounds = array<i64: 1000, 1>}, {pipeline_mode = #tpu.pipeline_mode<synchronous>, transform_indices = @transform_3, window_bounds = array<i64: 1, 40>}, {transform_indices = @transform_4, window_bounds = array<i64: 1000, 40>}]} {
    %get3A = arith.constant 0 : index
    %get3A_0 = arith.constant 0 : index
    %get3A_1 = vector.load %arg3[%get3A, %get3A_0] : memref<1000x1xf32, #tpu.memory_space<vmem>>, vector<1000x1xf32>
    %get3A_2 = arith.constant 0 : index
    %get3A_3 = arith.constant 0 : index
    %get3A_4 = arith.constant 0 : index
    %get3A_5 = vector.load %arg1[%get3A_2, %get3A_3, %get3A_4] : memref<2x1000x48xf32, #tpu.memory_space<vmem>>, vector<1x1000x40xf32>
    %get3A_6 = vector.shape_cast %get3A_5 : vector<1x1000x40xf32> to vector<1000x40xf32>
    %get3A_7 = arith.constant 1 : index
    %get3A_8 = arith.constant 0 : index
    %get3A_9 = arith.constant 0 : index
    %get3A_10 = vector.load %arg1[%get3A_7, %get3A_8, %get3A_9] : memref<2x1000x48xf32, #tpu.memory_space<vmem>>, vector<1x1000x40xf32>
    %get3A_11 = vector.shape_cast %get3A_10 : vector<1x1000x40xf32> to vector<1000x40xf32>
    %add3A = arith.addf %get3A_6, %get3A_11 : vector<1000x40xf32>
    %get3A_12 = arith.constant 0 : index
    %get3A_13 = arith.constant 0 : index
    %get3A_14 = vector.load %arg2[%get3A_12, %get3A_13] : memref<1000x48xf32, #tpu.memory_space<vmem>>, vector<1000x40xf32>
    %add3A_15 = arith.addf %add3A, %get3A_14 : vector<1000x40xf32>
    %mul3A = vector.broadcast %get3A_1 : vector<1000x1xf32> to vector<1000x40xf32>
    %mul3A_16 = arith.mulf %mul3A, %add3A_15 : vector<1000x40xf32>
    %get3A_17 = arith.constant 0 : index
    %get3A_18 = arith.constant 0 : index
    %get3A_19 = vector.load %arg4[%get3A_17, %get3A_18] : memref<1x40xf32, #tpu.memory_space<vmem>>, vector<1x40xf32>
    %add3A_20 = vector.broadcast %get3A_19 : vector<1x40xf32> to vector<1000x40xf32>
    %add3A_21 = arith.addf %mul3A_16, %add3A_20 : vector<1000x40xf32>
    %reduce_max3A = arith.constant dense<0xFF800000> : vector<1000xf32>
    %reduce_max3A_22 = vector.multi_reduction <maximumf>, %add3A_21, %reduce_max3A [1] : vector<1000x40xf32> to vector<1000xf32>
    %broadcast_in_dim3A = vector.shape_cast %reduce_max3A_22 : vector<1000xf32> to vector<1000x1xf32>
    %sub3A = vector.broadcast %broadcast_in_dim3A : vector<1000x1xf32> to vector<1000x40xf32>
    %sub3A_23 = arith.subf %add3A_21, %sub3A : vector<1000x40xf32>
    %exp3A = math.exp %sub3A_23 : vector<1000x40xf32>
    %reduce_sum3A = arith.constant dense<0.000000e+00> : vector<1000xf32>
    %reduce_sum3A_24 = vector.multi_reduction <add>, %exp3A, %reduce_sum3A [1] : vector<1000x40xf32> to vector<1000xf32>
    %broadcast_in_dim3A_25 = vector.shape_cast %reduce_sum3A_24 : vector<1000xf32> to vector<1000x1xf32>
    %log3A = math.log %broadcast_in_dim3A_25 : vector<1000x1xf32>
    %add3A_26 = arith.addf %broadcast_in_dim3A, %log3A : vector<1000x1xf32>
    %sub3A_27 = vector.broadcast %add3A_26 : vector<1000x1xf32> to vector<1000x40xf32>
    %sub3A_28 = arith.subf %add3A_21, %sub3A_27 : vector<1000x40xf32>
    %swap3A = arith.constant 0 : index
    %swap3A_29 = arith.constant 0 : index
    %swap3A_30 = vector.load %arg5[%swap3A, %swap3A_29] : memref<1000x40xf32, #tpu.memory_space<vmem>>, vector<1000x40xf32>
    tpu.vector_store %arg5[%swap3A, %swap3A_29], %sub3A_28 {strides = array<i32>} : memref<1000x40xf32, #tpu.memory_space<vmem>>, vector<1000x40xf32>,
    return
  }
  func.func @transform_0(%arg0: i32) -> (i32, i32, i32) {
    %c0_i32 = arith.constant 0 : i32
    %c0_i32_0 = arith.constant 0 : i32
    %c0_i32_1 = arith.constant 0 : i32
    return %c0_i32, %arg0, %c0_i32_0 : i32, i32, i32
  }
  func.func @transform_1(%arg0: i32) -> (i32, i32) {
    %c0_i32 = arith.constant 0 : i32
    %c0_i32_0 = arith.constant 0 : i32
    return %arg0, %c0_i32 : i32, i32
  }
  func.func @transform_2(%arg0: i32) -> (i32, i32) {
    %c0_i32 = arith.constant 0 : i32
    %c0_i32_0 = arith.constant 0 : i32
    return %arg0, %c0_i32 : i32, i32
  }
  func.func @transform_3(%arg0: i32) -> (i32, i32) {
    %c0_i32 = arith.constant 0 : i32
    %c0_i32_0 = arith.constant 0 : i32
    %c0_i32_1 = arith.constant 0 : i32
    return %c0_i32, %c0_i32_0 : i32, i32
  }
  func.func @transform_4(%arg0: i32) -> (i32, i32) {
    %c0_i32 = arith.constant 0 : i32
    %c0_i32_0 = arith.constant 0 : i32
    return %arg0, %c0_i32 : i32, i32
  }
}

</mosaic_0001>

<sc_bundles>
// kernel: kernel.11.cloned.1.call-start
scs
__scs_entry_jumppad:
0x0: {  	(pc) =	sbr.rel $0x88, $3  }
0x1: {  	(tag) =	ssettag $0x0;
	lr =	simm.s32 $0x1  }
0x2: {  	[smem:$0x3F9B] =	sst lr;
	_ =	strace $0xD0000000  }
0x3: {  	_ = 	snop  }
0x4: {  	_ = 	snop  }
0x5: {  	_ = 	snop  }
0x6: {  	_ = 	snop  }
0x7: {  	_ = 	snop  }
__scs_overlays_trampoline_lowered:
0x8: {  	[smem:$0x3FAA] =	sst s0  }
0x9: {  	[smem:$0x3FAB] =	sst s1  }
0xa: {  	[smem:$0x3FAC] =	sst s2  }
0xb: {  	[smem:$0x3FAD] =	sst s3  }
0xc: {  	[smem:$0x3FAE] =	sst s4  }
0xd: {  	[smem:$0x3FAF] =	sst s5  }
0xe: {  	[smem:$0x3FB0] =	sst s6  }
0xf: {  	[smem:$0x3FB1] =	sst s7  }
0x10: {  	[smem:$0x3FB2] =	sst s8  }
0x11: {  	[smem:$0x3FB3] =	sst s9;
	s0 =	simm.s32 @!p0 $0x0  }
0x12: {  	s1 =	sld [smem:$0x3F99];
	s0 =	simm.s32 @p0 $0x1  }
0x13: {  	[smem:$0x3FB4] =	sst s0;
	s0 =	simm.s32 @!p1 $0x0  }
0x14: {  	s2 =	sld [smem:$0x3F98];
	s0 =	simm.s32 @p1 $0x1  }
0x15: {  	[smem:$0x3FB5] =	sst s0;
	s0 =	simm.s32 @!p2 $0x0  }
0x16: {  	s3 =	sld [smem:$0x3FDB];
	s0 =	simm.s32 @p2 $0x1  }
0x17: {  	s4 =	simm.s32 $0x1BF5;
	[smem:$0x3FB7] =	sst s0  }
0x18: {  	s0 =	sld [smem:$0x3F9A];
	_ =	swait.ge [sflag:s4], $0x0  }
0x19: {  	s7 =	sld [smem:$0x3F9B]  }
0x1a: {  	s8 =	sadd.s32 $0xFFFFE003, lr  }
0x1b: {  	s9 =	sadd.s32 $0xFFFFFEF7, lr;
	s5 =	simm.s32 $0xFFFFFFFF;
	p2 =	slt.u32 s8, $0xFFFFF086  }
0x1c: {  	p1 =	slt.u32 s9, $0xF7A;
	s5 =	simm.s32 @!p2 $0x0  }
0x1d: {  	s5 =	simm.s32 @p1 $0x1;
	p0 =	seq.s32 s7, s2  }
0x1e: {  	s7 =	smul.u32 @!p0 $0xF7A, s2;
	p2 =	seq.s32 @!p0 s5, $0x0  }
0x1f: {  	s9 =	smul.u32 $0xF7A, s1;
	s8 =	simm.s32 @!p0 $0x1BF5;
	p2 =	por !p2, p0  }
0x20: {  	[sflag:s8] =	ssyncset.s32 @!p0 $0xFFFFF086;
	s6 =	sadd.s32 @!p0 s3, s7;
	s7 =	simm.s32 @!p0 $0x108  }
0x21: {  	s3 =	sadd.s32 s3, s9;
	s6 =	sadd.s32 @!p0 $0x88, s6;
	s7 =	simm.s32 @p2 $0x1082  }
0x22: {  	[simem:s7], [sflag:s8] =	dma.local @!p0 [hbm:s6], $0xF7A  }
0x23: {  	s9 =	sor.u32 $0xD0000000, s2;
	s6 =	simm.s32 $0x108;
	_ =	swait.ge @!p0 [sflag:s8], $0x0  }
0x24: {  	s3 =	sadd.s32 $0x88, s3;
	s6 =	simm.s32 @!p1 $0x1082;
	[sflag:s4] =	ssyncset.s32 $0xFFFFF086  }
0x25: {  	[simem:s6], [sflag:s4] =	dma.local [hbm:s3], $0xF7A  }
0x26: {  	[smem:$0x3F9B] =	sst s1;
	(tag) =	ssettag s2;
	_ =	strace s9  }
0x27: {  	s1 =	sld [smem:$0x3FAB]  }
0x28: {  	s2 =	sld [smem:$0x3FAC]  }
0x29: {  	s4 =	sld [smem:$0x3FAE]  }
0x2a: {  	p0 =	seq.s32 s5, $0x0;
	s5 =	sld [smem:$0x3FAF]  }
0x2b: {  	s6 =	sld [smem:$0x3FB0]  }
0x2c: {  	s7 =	sld [smem:$0x3FB1]  }
0x2d: {  	s3 =	simm.s32 $0x108;
	s8 =	sld [smem:$0x3FB2]  }
0x2e: {  	s3 =	simm.s32 @!p0 $0x1082;
	s9 =	sld [smem:$0x3FB3]  }
0x2f: {  	lr =	sadd.s32 s0, s3;
	s0 =	sld [smem:$0x3FAA]  }
0x30: {  	s3 =	sld [smem:$0x3FAD]  }
0x31: {  	[smem:$0x3FB6] =	sst s10  }
0x32: {  	s10 =	sld [smem:$0x3FB4];
	_ =	sdelay $0x3  }
0x33: {  	p0 =	seq.s32 s10, $0x1;
	s10 =	sld [smem:$0x3FB6];
	_ =	sdelay $0x3  }
0x34: {  	[smem:$0x3FB6] =	sst s10  }
0x35: {  	s10 =	sld [smem:$0x3FB5];
	_ =	sdelay $0x3  }
0x36: {  	p1 =	seq.s32 s10, $0x1;
	s10 =	sld [smem:$0x3FB6];
	_ =	sdelay $0x3  }
0x37: {  	[smem:$0x3FB6] =	sst s10  }
0x38: {  	s10 =	sld [smem:$0x3FB7]  }
0x39: {  	_ = 	snop;
	(pc) =	sbr.ind lr, $3  }
0x3a: {  	_ = 	snop  }
0x3b: {  	_ = 	snop  }
0x3c: {  	p2 =	seq.s32 s10, $0x1;
	s10 =	sld [smem:$0x3FB6]  }
0x3d: {  	_ =	shalt  }
0x3e: {  	_ =	shalt  }
0x3f: {  	_ =	shalt  }
0x40: {  	_ =	shalt  }
0x41: {  	_ =	shalt  }
0x42: {  	_ =	shalt  }
0x43: {  	_ =	shalt  }
0x44: {  	_ =	shalt  }
0x45: {  	_ =	shalt  }
0x46: {  	_ =	shalt  }
0x47: {  	_ =	shalt  }
0x48: {  	_ =	shalt  }
0x49: {  	_ =	shalt  }
0x4a: {  	_ =	shalt  }
0x4b: {  	_ =	shalt  }
0x4c: {  	_ =	shalt  }
0x4d: {  	_ =	shalt  }
0x4e: {  	_ =	shalt  }
0x4f: {  	_ =	shalt  }
0x50: {  	_ =	shalt  }
0x51: {  	_ =	shalt  }
0x52: {  	_ =	shalt  }
0x53: {  	_ =	shalt  }
0x54: {  	_ =	shalt  }
0x55: {  	_ =	shalt  }
0x56: {  	_ =	shalt  }
0x57: {  	_ =	shalt  }
0x58: {  	_ =	shalt  }
0x59: {  	_ =	shalt  }
0x5a: {  	_ =	shalt  }
0x5b: {  	_ =	shalt  }
0x5c: {  	_ =	shalt  }
0x5d: {  	_ =	shalt  }
0x5e: {  	_ =	shalt  }
0x5f: {  	_ =	shalt  }
0x60: {  	_ =	shalt  }
0x61: {  	_ =	shalt  }
0x62: {  	_ =	shalt  }
0x63: {  	_ =	shalt  }
0x64: {  	_ =	shalt  }
0x65: {  	_ =	shalt  }
0x66: {  	_ =	shalt  }
0x67: {  	_ =	shalt  }
0x68: {  	_ =	shalt  }
0x69: {  	_ =	shalt  }
0x6a: {  	_ =	shalt  }
0x6b: {  	_ =	shalt  }
0x6c: {  	_ =	shalt  }
0x6d: {  	_ =	shalt  }
0x6e: {  	_ =	shalt  }
0x6f: {  	_ =	shalt  }
0x70: {  	_ =	shalt  }
0x71: {  	_ =	shalt  }
0x72: {  	_ =	shalt  }
0x73: {  	_ =	shalt  }
0x74: {  	_ =	shalt  }
0x75: {  	_ =	shalt  }
0x76: {  	_ =	shalt  }
0x77: {  	_ =	shalt  }
0x78: {  	_ =	shalt  }
0x79: {  	_ =	shalt  }
0x7a: {  	_ =	shalt  }
0x7b: {  	_ =	shalt  }
0x7c: {  	_ =	shalt  }
0x7d: {  	_ =	shalt  }
0x7e: {  	_ =	shalt  }
0x7f: {  	_ =	shalt  }
0x80: {  	_ =	shalt  }
0x81: {  	_ =	shalt  }
0x82: {  	_ =	shalt  }
0x83: {  	_ =	shalt  }
0x84: {  	_ =	shalt  }
0x85: {  	_ =	shalt  }
0x86: {  	_ =	shalt  }
0x87: {  	_ =	shalt  }
.Lfunc_end0:
.L_simem_size_0:
called_computation.1_lowered:
.L_overlay_start_0:
0x88: {  	s2 =	sld [smem:$0x3FD9]  }
0x89: {  	s3 =	sld [smem:$0x3FFE];
	_ =	sdelay $0x1  }
0x8a: {  	s1 =	srdreg.scid  }
0x8b: {  	s0 =	sand.u32 $0x1, s1  }
0x8c: {  	s17 =	sshll.u32 s0, $0xA;
	s2 =	sadd.s32 s3, s2  }
0x8d: {  	s2 =	sadd.s32 s2, s17  }
0x8e: {  	[smem:$0x3FC2] =	sst s2  }
0x8f: {  	_ = 	snop  }
0x90: {  	s2 =	sld [smem:$0x3FD0];
	(tm) =	ssettm $0x1  }
0x91: {  	s18 =	sld [smem:$0x3FFB];
	_ =	sdelay $0x3  }
0x92: {  	_ =	strace s18  }
0x93: {  	s3 =	sld [smem:$0x3FFC];
	_ =	sdelay $0x3  }
0x94: {  	_ =	strace s3  }
0x95: {  	s3 =	sld [smem:$0x3FFD];
	_ =	sdelay $0x3  }
0x96: {  	_ =	strace s3  }
0x97: {  	_ =	strace $0x8FFFFFFF  }
0x98: {  	s19 =	sld [smem:$0x3FDB];
	_ =	sdelay $0x1  }
0x99: {  	s4 =	simm.s32 $_scs_section_size  }
0x9a: {  	s5 =	simm.s32 $_size__tile_overlayer_lowered;
	s6 =	simm.s32 $_tile_overlayer_lowered  }
0x9b: {  	s22 =	simm.s32 $0x1BFF;
	s21 =	sshll.u32 s6, $0x1;
	s3 =	sadd.s32 s4, s19  }
0x9c: {  	s7 =	simm.s32 $0x0;
	s20 =	sshll.u32 s5, $0x1;
	s5 =	sadd.s32 s21, s3  }
0x9d: {  	[timem:s7], [sflag:s22] =	dma.local [hbm:s5], s20  }
0x9e: {  	_ =	swait.ge [sflag:s22], s20  }
0x9f: {  	s4 =	ssub.s32 $0x0, s20;
	[sflag:s22] =	ssyncset.done $0x0  }
0xa0: {  	[sflag:s22] =	ssyncadd.s32 s4;
	_ =	sdelay $0x1  }
0xa1: {  	s23 =	simm.s32 $0x1B8B  }
0xa2: {  	_ =	swait.ge [sflag:s23], $0x1  }
0xa3: {  	[sflag:s23] =	ssyncset.done $0x0  }
0xa4: {  	s25 =	simm.s32 $0x1B8E;
	s24 =	sld [smem:$0x3FFE];
	[sflag:s23] =	ssyncadd.s32 $0xFFFFFFFF  }
0xa5: {  	s26 =	simm.s32 $execute0_lowered;
	[smem:$0x3FD2] =	sst s25  }
0xa6: {  	s5 =	sshll.u32 s26, $0x1;
	_ =	strace $0x80000049;
	[dreg:$0x1] =	wrdreg $0xFFFFFFFF  }
0xa7: {  	s28 =	simm.s32 $_size_execute0_lowered;
	s3 =	sadd.s32 s3, s5;
	[dreg:$0x0] =	wrdreg $0x0  }
0xa8: {  	s5 =	sshll.u32 s28, $0x1;
	[dreg:$0x2] =	wrdreg s3  }
0xa9: {  	[dreg:$0x3] =	wrdreg s5  }
0xaa: {  	[dreg:$0x4] =	wrdreg $0xC0  }
0xab: {  	_ =	task [dreg:s7], $0x5FFFF  }
0xac: {  	[dreg:$0x1] =	wrdreg $0xFFFFFFFF  }
0xad: {  	[dreg:$0x0] =	wrdreg $0x60  }
0xae: {  	[dreg:$0x2] =	wrdreg s24  }
0xaf: {  	[dreg:$0x3] =	wrdreg s2  }
0xb0: {  	[dreg:$0x4] =	wrdreg $0x6A000  }
0xb1: {  	[dreg:$0x5] =	wrdreg $0x10A000  }
0xb2: {  	[dreg:$0x6] =	wrdreg $0x9  }
0xb3: {  	_ =	task.clear_ibuf [dreg:s7], $0x7FFFF;
	_ =	strace $0x90000049  }
0xb4: {  	s29 =	simm.s32 $0x9;
	_ =	strace $0x8000004B  }
0xb5: {  	_ =	swait.ge [sflag:s29], $0x1  }
0xb6: {  	[sflag:s29] =	ssyncadd.s32 $0xFFFFFFFF  }
0xb7: {  	_ =	strace $0x9000004B  }
0xb8: {  	_ =	sfence  }
0xb9: {  	s30 =	sld [smem:$0x0];
	_ =	sdelay $0x2  }
0xba: {  	s31 =	sshll.u32 s1, $0xD;
	s1 =	sshrl.u32 s1, $0x2  }
0xbb: {  	s3 =	sand.u32 $0x4000, s31;
	s1 =	sadd.s32 s1, s30  }
0xbc: {  	s0 =	sor.u32 s3, s0;
	s1 =	sshll.u32 s1, $0x11  }
0xbd: {  	s0 =	sor.u32 s1, s0  }
0xbe: {  	s0 =	sadd.s32 $0x8F2B, s0  }
0xbf: {  	[sflag:s0] =	ssyncadd.remote.s32 $0x1  }
0xc0: {  	_ =	sfence.sel $0xFFFF  }
0xc1: {  	[dreg:$0x0] =	wrdreg $0xFFFFFFFF;
	(pc) =	sbr.abs _section_cstart, $3  }
0xc2: {  	[dreg:$0x1] =	wrdreg $0xFFFFFFFF  }
0xc3: {  	_ =	task.clear_ibuf [dreg:s7], $0x2FFFF;
	_ =	strace $0x9FFFFFFF  }
0xc4: {  	(tm) =	ssettm $0x7FFFFFFF  }
0xc5: {  	_ =	shalt  }
tec
execute0_lowered:
.L_overlay_start_1:
0x0: {  	(tag) =	ssettag $0x1  }
0x1: {  	s0 =	rddreg [dreg:$0x0]  }
0x2: {  	s1 =	rddreg [dreg:$0x1];
	s3 =	srdreg.scid  }
0x3: {  	s2 =	rddreg [dreg:$0x2];
	s10 =	stileid.u32;
	s7 =	simm.s32 $0x0  }
0x4: {  	s19 =	simm.s32 $0x3;
	s28 =	simm.s32 $0x1;
	s29 =	simm.s32 $0x2900  }
0x5: {  	s30 =	simm.s32 $0x2;
	s31 =	simm.s32 $0x2980;
	s8 =	smul.u32 $0x9C40, s10  }
0x6: {  	s4 =	sand.u32 $0x1, s3;
	s3 =	rddreg [dreg:$0x3];
	s6 =	smul.u32 $0xA000, s10  }
0x7: {  	[smem:$0x7FF] =	sst s7;
	s15 =	sadd.s32 $0xC000, s0;
	s22 =	smul.u32 $0x5000, s10  }
0x8: {  	s9 =	sadd.s32 $0x1800, s0;
	s23 =	sshll.u32 s10, $0x6;
	s5 =	smul.u32 $0x9C400, s4  }
0x9: {  	s20 =	smul.u32 $0xA0000, s4;
	_ =	strace $0x8000004A;
	s4 =	ssub.s32 $0x2, s4  }
0xa: {  	[dreg:$0x5] =	wrdreg s9;
	s21 =	sshrl.u32 s4, $0x1;
	s14 =	sshrl.u32 s22, $0x3  }
0xb: {  	s22 =	simm.s32 $0x80;
	s5 =	sadd.s32 s8, s5;
	s7 =	sadd.s32 s6, s20  }
0xc: {  	s4 =	ssub.s32 s4, s21;
	s6 =	sadd.s32 s6, s2;
	s20 =	sadd.s32 s8, s3  }
0xd: {  	s24 =	sadd.s32 s15, s14;
	s25 =	sadd.s32 $0x280, s14;
	s10 =	sadd.s32 s1, s14  }
0xe: {  	s16 =	sadd.s32 $0x500, s14;
	s26 =	sadd.s32 $0x780, s14;
	s21 =	simm.s32 $0x1400  }
0xf: {  	s5 =	sshrl.u32 s5, $0x3;
	s7 =	sshrl.u32 s7, $0x3;
	[dreg:$0x6] =	wrdreg s6  }
0x10: {  	[dreg:$0x8] =	wrdreg s24;
	s11 =	sadd.s32 s15, s25;
	s12 =	sadd.s32 s1, s25  }
0x11: {  	s13 =	sadd.s32 s15, s16;
	s14 =	sadd.s32 s1, s16;
	s15 =	sadd.s32 s15, s26  }
.Ltmp0:
0x12: {  	s16 =	sadd.s32 s1, s26;
	s18 =	smax.u32 s4, $0x1;
	(pc) =	sbr.rel .LBB2_1-.Ltmp0, $4  }
0x13: {  	s20 =	sshrl.u32 s20, $0x3;
	s24 =	simm.s32 $0x2A00;
	s25 =	simm.s32 $0x2880  }
0x14: {  	s26 =	simm.s32 $0x4A00;
	s1 =	simm.s32 $0x0;
	s5 =	sadd.s32 s5, s0  }
0x15: {  	s0 =	sadd.s32 s7, s0;
	s7 =	sor.u32 $0x1C03, s23;
	s5 =	sadd.s32 $0x16000, s5  }
0x16: {  	s23 =	simm.s32 $0x2800;
	s17 =	sadd.s32 $0x3D200, s0;
	[dreg:$0x7] =	wrdreg s5  }
.LBB2_13:
0x17: {  	s1 =	sadd.s32 $0x1, s1  }
0x18: {  	p0 =	sne.s32 s1, s18  }
.Ltmp1:
0x19: {  	[bflag:$0x0] =	sbarrier.arrive $0xFFFF;
	(pc) =	sbr.rel @!p0 .LBB2_14-.Ltmp1, $4  }
0x1a: {  	[hbm:s17], [sflag:s7] =	dma.local [spmem:s0], $0x1400  }
0x1b: {  	_ =	swait.ge [sflag:s19], $0x1400  }
0x1c: {  	[sflag:s19] =	ssyncset.done $0x0  }
0x1d: {  	[sflag:s19] =	ssyncadd.s32 $0xFFFFEC00  }
.LBB2_1:
0x1e: {  	s0 =	rddreg [dreg:$0x6]  }
0x1f: {  	s4 =	rddreg [dreg:$0x5];
	s0 =	sshrl.u32 s0, $0x3  }
0x20: {  	[spmem:s0], [sflag:s7] =	dma.local [hbm:s4], $0x1400  }
0x21: {  	_ =	swait.ge [sflag:s19], $0x1400  }
0x22: {  	[sflag:s19] =	ssyncset.done $0x0  }
0x23: {  	s8 =	rddreg [dreg:$0x7];
	[sflag:s19] =	ssyncadd.s32 $0xFFFFEC00  }
0x24: {  	[spmem:s20], [sflag:s7] =	dma.local [hbm:s8], $0x1388  }
0x25: {  	_ =	swait.ge [sflag:s19], $0x1388  }
0x26: {  	[sflag:s19] =	ssyncset.done $0x0  }
0x27: {  	[sflag:s19] =	ssyncadd.s32 $0xFFFFEC78  }
0x28: {  	[bflag:$0x0] =	sbarrier.arrive $0xFFFF  }
0x29: {  	s9 =	simm.s32 $0x0;
	s5 =	rddreg [dreg:$0x8]  }
0x2a: {  	[tilespmem:s9], [sflag:$0x3] =	stream.linear.gather [hbm4b:s5+s9], $0x1400, $0x38;
	[tilespmem:$0x1A640] =	vst v63  }
0x2b: {  	_ =	swait.ge [sflag:s19], $0x1400  }
0x2c: {  	[sflag:s19] =	ssyncset.done $0x0  }
0x2d: {  	[sflag:s19] =	ssyncadd.s32 $0xFFFFEC00  }
0x2e: {  	[tilespmem:s21], [sflag:$0x3] =	stream.linear.gather [hbm4b:s10+s9], $0x1400, $0x38;
	[tilespmem:$0x1A640] =	vst v63  }
0x2f: {  	_ =	swait.ge [sflag:s19], $0x1400  }
0x30: {  	[sflag:s19] =	ssyncset.done $0x0  }
0x31: {  	[sflag:s19] =	ssyncadd.s32 $0xFFFFEC00  }
0x32: {  	v0 =	vld [tilespmem:$0x0]  }
0x33: {  	v1 =	vld [tilespmem:$0x10]  }
0x34: {  	v2 =	vld [tilespmem:$0x20]  }
0x35: {  	v3 =	vld [tilespmem:$0x30]  }
0x36: {  	v4 =	vld [tilespmem:$0x40]  }
0x37: {  	v53 =	vld [tilespmem:$0x50];
	[tilespmem:$0x2800] =	vst v0  }
0x38: {  	v54 =	vld [tilespmem:$0x60];
	[tilespmem:$0x2810] =	vst v1  }
0x39: {  	v55 =	vld [tilespmem:$0x70];
	[tilespmem:$0x2820] =	vst v2  }
0x3a: {  	[tilespmem:$0x2830] =	vst v3  }
0x3b: {  	[tilespmem:$0x2840] =	vst v4  }
0x3c: {  	[tilespmem:$0x2850] =	vst v53  }
0x3d: {  	[tilespmem:$0x2860] =	vst v54  }
0x3e: {  	[tilespmem:$0x2870] =	vst v55  }
0x3f: {  	[tilespmem:s24], [sflag:$0x1] =	stream.indirect.gather [spmem:s3], $0x40, s23, s22, $0xb8;
	[tilespmem:$0x1A640] =	vst v63  }
0x40: {  	v56 =	vld [tilespmem:$0x80]  }
0x41: {  	v57 =	vld [tilespmem:$0x90]  }
0x42: {  	v58 =	vld [tilespmem:$0xA0]  }
0x43: {  	v59 =	vld [tilespmem:$0xB0]  }
0x44: {  	v60 =	vld [tilespmem:$0xC0]  }
0x45: {  	v61 =	vld [tilespmem:$0xD0];
	[tilespmem:$0x2880] =	vst v56  }
0x46: {  	v62 =	vld [tilespmem:$0xE0];
	[tilespmem:$0x2890] =	vst v57  }
0x47: {  	v63 =	vld [tilespmem:$0xF0];
	[tilespmem:$0x28A0] =	vst v58  }
0x48: {  	[tilespmem:$0x28B0] =	vst v59  }
0x49: {  	[tilespmem:$0x28C0] =	vst v60  }
0x4a: {  	[tilespmem:$0x28D0] =	vst v61  }
0x4b: {  	[tilespmem:$0x28E0] =	vst v62  }
0x4c: {  	s4 =	simm.s32 $0x0;
	[tilespmem:$0x28F0] =	vst v63  }
0x4d: {  	[tilespmem:s26], [sflag:$0x2] =	stream.indirect.gather [spmem:s3], $0x40, s25, s22, $0xb8;
	[tilespmem:$0x1A640] =	vst v63  }
.LBB2_2:
0x4e: {  	_ =	swait.ge [sflag:s28], $0x2000  }
0x4f: {  	[sflag:s28] =	ssyncset.done $0x0  }
0x50: {  	s5 =	sshra.s32 s4, $0x2;
	[sflag:s28] =	ssyncadd.s32 $0xFFFFE000  }
0x51: {  	v0 =	vld [tilespmem:s5+$0x1400];
	_ =	sdelay $0x4  }
0x52: {  	[tilespmem:$0x2900] =	vst v0  }
0x53: {  	v0 =	vld [tilespmem:s5+$0x1410];
	_ =	sdelay $0x4  }
0x54: {  	[tilespmem:$0x2910] =	vst v0  }
0x55: {  	v0 =	vld [tilespmem:s5+$0x1420];
	_ =	sdelay $0x4  }
0x56: {  	[tilespmem:$0x2920] =	vst v0  }
0x57: {  	v0 =	vld [tilespmem:s5+$0x1430];
	_ =	sdelay $0x4  }
0x58: {  	[tilespmem:$0x2930] =	vst v0  }
0x59: {  	v0 =	vld [tilespmem:s5+$0x1440];
	_ =	sdelay $0x4  }
0x5a: {  	[tilespmem:$0x2940] =	vst v0  }
0x5b: {  	v0 =	vld [tilespmem:s5+$0x1450];
	_ =	sdelay $0x4  }
0x5c: {  	[tilespmem:$0x2950] =	vst v0  }
0x5d: {  	v0 =	vld [tilespmem:s5+$0x1460];
	_ =	sdelay $0x4  }
0x5e: {  	[tilespmem:$0x2960] =	vst v0  }
0x5f: {  	v0 =	vld [tilespmem:s5+$0x1470];
	_ =	sdelay $0x4  }
0x60: {  	[tilespmem:$0x2970] =	vst v0  }
0x61: {  	[spmem:s2] =	stream.indirect.scatter.add.f32 [tilespmem:s24], [sflag:$0x3], $0x40, s29, s22, $0xb8;
	[tilespmem:$0x1A640] =	vst v63  }
0x62: {  	_ =	swait.ge [sflag:s19], $0x2000  }
0x63: {  	p0 =	seq.s32 s4, $0x4C00;
	[sflag:s19] =	ssyncset.done $0x0  }
0x64: {  	s6 =	sshra.s32 @!p0 s4, $0x2;
	[sflag:s19] =	ssyncadd.s32 $0xFFFFE000  }
0x65: {  	v0 =	vld @!p0 [tilespmem:s6+$0x100];
	_ =	sdelay $0x4  }
0x66: {  	[tilespmem:$0x2800] =	vst @!p0 v0  }
0x67: {  	v0 =	vld @!p0 [tilespmem:s6+$0x110];
	_ =	sdelay $0x4  }
0x68: {  	[tilespmem:$0x2810] =	vst @!p0 v0  }
0x69: {  	v0 =	vld @!p0 [tilespmem:s6+$0x120];
	_ =	sdelay $0x4  }
0x6a: {  	[tilespmem:$0x2820] =	vst @!p0 v0  }
0x6b: {  	v0 =	vld @!p0 [tilespmem:s6+$0x130];
	_ =	sdelay $0x4  }
0x6c: {  	[tilespmem:$0x2830] =	vst @!p0 v0  }
0x6d: {  	v0 =	vld @!p0 [tilespmem:s6+$0x140];
	_ =	sdelay $0x4  }
0x6e: {  	[tilespmem:$0x2840] =	vst @!p0 v0  }
0x6f: {  	v0 =	vld @!p0 [tilespmem:s6+$0x150];
	_ =	sdelay $0x4  }
0x70: {  	[tilespmem:$0x2850] =	vst @!p0 v0  }
0x71: {  	v0 =	vld @!p0 [tilespmem:s6+$0x160];
	_ =	sdelay $0x4  }
0x72: {  	[tilespmem:$0x2860] =	vst @!p0 v0  }
0x73: {  	v0 =	vld @!p0 [tilespmem:s6+$0x170];
	_ =	sdelay $0x4  }
0x74: {  	s8 =	simm.s32 @!p0 $0x2800;
	s9 =	simm.s32 @!p0 $0x2A00;
	s6 =	simm.s32 @!p0 $0x80;
	[tilespmem:$0x2870] =	vst @!p0 v0  }
0x75: {  	[tilespmem:s9], [sflag:$0x1] =	stream.indirect.gather @!p0 [spmem:s3], $0x40, s8, s6, $0xb8;
	[tilespmem:$0x1A640] =	vst v63  }
0x76: {  	_ =	swait.ge [sflag:s30], $0x2000  }
0x77: {  	[sflag:s30] =	ssyncset.done $0x0  }
0x78: {  	[sflag:s30] =	ssyncadd.s32 $0xFFFFE000  }
0x79: {  	v63 =	vld [tilespmem:s5+$0x1480];
	_ =	sdelay $0x4  }
0x7a: {  	[tilespmem:$0x2980] =	vst v63  }
0x7b: {  	v0 =	vld [tilespmem:s5+$0x1490];
	_ =	sdelay $0x4  }
0x7c: {  	[tilespmem:$0x2990] =	vst v0  }
0x7d: {  	v0 =	vld [tilespmem:s5+$0x14A0];
	_ =	sdelay $0x4  }
0x7e: {  	[tilespmem:$0x29A0] =	vst v0  }
0x7f: {  	v0 =	vld [tilespmem:s5+$0x14B0];
	_ =	sdelay $0x4  }
0x80: {  	[tilespmem:$0x29B0] =	vst v0  }
0x81: {  	v0 =	vld [tilespmem:s5+$0x14C0];
	_ =	sdelay $0x4  }
0x82: {  	[tilespmem:$0x29C0] =	vst v0  }
0x83: {  	v0 =	vld [tilespmem:s5+$0x14D0];
	_ =	sdelay $0x4  }
0x84: {  	[tilespmem:$0x29D0] =	vst v0  }
0x85: {  	v0 =	vld [tilespmem:s5+$0x14E0];
	_ =	sdelay $0x4  }
0x86: {  	[tilespmem:$0x29E0] =	vst v0  }
0x87: {  	v0 =	vld [tilespmem:s5+$0x14F0];
	_ =	sdelay $0x4  }
.Ltmp2:
0x88: {  	[tilespmem:$0x29F0] =	vst v0;
	(pc) =	sbr.rel @p0 .LBB2_4-.Ltmp2, $4  }
0x89: {  	[spmem:s2] =	stream.indirect.scatter.add.f32 [tilespmem:s26], [sflag:$0x3], $0x40, s31, s22, $0xb8;
	[tilespmem:$0x1A640] =	vst v63  }
0x8a: {  	_ =	swait.ge [sflag:s19], $0x2000  }
0x8b: {  	[sflag:s19] =	ssyncset.done $0x0  }
0x8c: {  	[sflag:s19] =	ssyncadd.s32 $0xFFFFE000  }
0x8d: {  	v0 =	vld [tilespmem:s5+$0x180];
	_ =	sdelay $0x4  }
0x8e: {  	[tilespmem:$0x2880] =	vst v0  }
0x8f: {  	v0 =	vld [tilespmem:s5+$0x190];
	_ =	sdelay $0x4  }
0x90: {  	[tilespmem:$0x2890] =	vst v0  }
0x91: {  	v0 =	vld [tilespmem:s5+$0x1A0];
	_ =	sdelay $0x4  }
0x92: {  	[tilespmem:$0x28A0] =	vst v0  }
0x93: {  	v0 =	vld [tilespmem:s5+$0x1B0];
	_ =	sdelay $0x4  }
0x94: {  	[tilespmem:$0x28B0] =	vst v0  }
0x95: {  	v0 =	vld [tilespmem:s5+$0x1C0];
	_ =	sdelay $0x4  }
0x96: {  	[tilespmem:$0x28C0] =	vst v0  }
0x97: {  	v0 =	vld [tilespmem:s5+$0x1D0];
	_ =	sdelay $0x4  }
0x98: {  	[tilespmem:$0x28D0] =	vst v0  }
0x99: {  	v0 =	vld [tilespmem:s5+$0x1E0];
	_ =	sdelay $0x4  }
0x9a: {  	[tilespmem:$0x28E0] =	vst v0  }
0x9b: {  	v0 =	vld [tilespmem:s5+$0x1F0];
	_ =	sdelay $0x1  }
.Ltmp3:
0x9c: {  	_ = 	snop;
	(pc) =	sbr.rel .LBB2_2-.Ltmp3, $3  }
0x9d: {  	_ =	sdelay $0x1  }
0x9e: {  	s4 =	sadd.s32 $0x400, s4;
	[tilespmem:$0x28F0] =	vst v0  }
0x9f: {  	[tilespmem:s26], [sflag:$0x2] =	stream.indirect.gather [spmem:s3], $0x40, s25, s22, $0xb8;
	[tilespmem:$0x1A640] =	vst v63  }
.LBB2_4:
0xa0: {  	s4 =	simm.s32 $0x0  }
0xa1: {  	[tilespmem:s4], [sflag:$0x3] =	stream.linear.gather [hbm4b:s11+s4], $0x1400, $0x38;
	[tilespmem:$0x1A640] =	vst v63  }
0xa2: {  	_ =	swait.ge [sflag:s19], $0x1400  }
0xa3: {  	[sflag:s19] =	ssyncset.done $0x0  }
0xa4: {  	[sflag:s19] =	ssyncadd.s32 $0xFFFFEC00  }
0xa5: {  	[tilespmem:s21], [sflag:$0x3] =	stream.linear.gather [hbm4b:s12+s4], $0x1400, $0x38;
	[tilespmem:$0x1A640] =	vst v63  }
0xa6: {  	_ =	swait.ge [sflag:s19], $0x1400  }
0xa7: {  	[sflag:s19] =	ssyncset.done $0x0  }
0xa8: {  	[sflag:s19] =	ssyncadd.s32 $0xFFFFEC00  }
0xa9: {  	v0 =	vld [tilespmem:$0x0]  }
0xaa: {  	v1 =	vld [tilespmem:$0x10]  }
0xab: {  	v2 =	vld [tilespmem:$0x20]  }
0xac: {  	v3 =	vld [tilespmem:$0x30]  }
0xad: {  	v4 =	vld [tilespmem:$0x40]  }
0xae: {  	v53 =	vld [tilespmem:$0x50];
	[tilespmem:$0x2800] =	vst v0  }
0xaf: {  	v54 =	vld [tilespmem:$0x60];
	[tilespmem:$0x2810] =	vst v1  }
0xb0: {  	v55 =	vld [tilespmem:$0x70];
	[tilespmem:$0x2820] =	vst v2  }
0xb1: {  	[tilespmem:$0x2830] =	vst v3  }
0xb2: {  	[tilespmem:$0x2840] =	vst v4  }
0xb3: {  	[tilespmem:$0x2850] =	vst v53  }
0xb4: {  	[tilespmem:$0x2860] =	vst v54  }
0xb5: {  	[tilespmem:$0x2870] =	vst v55  }
0xb6: {  	[tilespmem:s24], [sflag:$0x1] =	stream.indirect.gather [spmem:s3], $0x40, s23, s22, $0xb8;
	[tilespmem:$0x1A640] =	vst v63  }
0xb7: {  	v56 =	vld [tilespmem:$0x80]  }
0xb8: {  	v57 =	vld [tilespmem:$0x90]  }
0xb9: {  	v58 =	vld [tilespmem:$0xA0]  }
0xba: {  	v59 =	vld [tilespmem:$0xB0]  }
0xbb: {  	v60 =	vld [tilespmem:$0xC0]  }
0xbc: {  	v61 =	vld [tilespmem:$0xD0];
	[tilespmem:$0x2880] =	vst v56  }
0xbd: {  	v62 =	vld [tilespmem:$0xE0];
	[tilespmem:$0x2890] =	vst v57  }
0xbe: {  	v63 =	vld [tilespmem:$0xF0];
	[tilespmem:$0x28A0] =	vst v58  }
0xbf: {  	[tilespmem:$0x28B0] =	vst v59  }
0xc0: {  	[tilespmem:$0x28C0] =	vst v60  }
0xc1: {  	[tilespmem:$0x28D0] =	vst v61  }
0xc2: {  	[tilespmem:$0x28E0] =	vst v62  }
0xc3: {  	[tilespmem:$0x28F0] =	vst v63  }
0xc4: {  	[tilespmem:s26], [sflag:$0x2] =	stream.indirect.gather [spmem:s3], $0x40, s25, s22, $0xb8;
	[tilespmem:$0x1A640] =	vst v63  }
.LBB2_5:
0xc5: {  	_ =	swait.ge [sflag:s28], $0x2000  }
0xc6: {  	[sflag:s28] =	ssyncset.done $0x0  }
0xc7: {  	s5 =	sshra.s32 s4, $0x2;
	[sflag:s28] =	ssyncadd.s32 $0xFFFFE000  }
0xc8: {  	v0 =	vld [tilespmem:s5+$0x1400];
	_ =	sdelay $0x4  }
0xc9: {  	[tilespmem:$0x2900] =	vst v0  }
0xca: {  	v0 =	vld [tilespmem:s5+$0x1410];
	_ =	sdelay $0x4  }
0xcb: {  	[tilespmem:$0x2910] =	vst v0  }
0xcc: {  	v0 =	vld [tilespmem:s5+$0x1420];
	_ =	sdelay $0x4  }
0xcd: {  	[tilespmem:$0x2920] =	vst v0  }
0xce: {  	v0 =	vld [tilespmem:s5+$0x1430];
	_ =	sdelay $0x4  }
0xcf: {  	[tilespmem:$0x2930] =	vst v0  }
0xd0: {  	v0 =	vld [tilespmem:s5+$0x1440];
	_ =	sdelay $0x4  }
0xd1: {  	[tilespmem:$0x2940] =	vst v0  }
0xd2: {  	v0 =	vld [tilespmem:s5+$0x1450];
	_ =	sdelay $0x4  }
0xd3: {  	[tilespmem:$0x2950] =	vst v0  }
0xd4: {  	v0 =	vld [tilespmem:s5+$0x1460];
	_ =	sdelay $0x4  }
0xd5: {  	[tilespmem:$0x2960] =	vst v0  }
0xd6: {  	v0 =	vld [tilespmem:s5+$0x1470];
	_ =	sdelay $0x4  }
0xd7: {  	[tilespmem:$0x2970] =	vst v0  }
0xd8: {  	[spmem:s2] =	stream.indirect.scatter.add.f32 [tilespmem:s24], [sflag:$0x3], $0x40, s29, s22, $0xb8;
	[tilespmem:$0x1A640] =	vst v63  }
0xd9: {  	_ =	swait.ge [sflag:s19], $0x2000  }
0xda: {  	p0 =	seq.s32 s4, $0x4C00;
	[sflag:s19] =	ssyncset.done $0x0  }
0xdb: {  	s6 =	sshra.s32 @!p0 s4, $0x2;
	[sflag:s19] =	ssyncadd.s32 $0xFFFFE000  }
0xdc: {  	v0 =	vld @!p0 [tilespmem:s6+$0x100];
	_ =	sdelay $0x4  }
0xdd: {  	[tilespmem:$0x2800] =	vst @!p0 v0  }
0xde: {  	v0 =	vld @!p0 [tilespmem:s6+$0x110];
	_ =	sdelay $0x4  }
0xdf: {  	[tilespmem:$0x2810] =	vst @!p0 v0  }
0xe0: {  	v0 =	vld @!p0 [tilespmem:s6+$0x120];
	_ =	sdelay $0x4  }
0xe1: {  	[tilespmem:$0x2820] =	vst @!p0 v0  }
0xe2: {  	v0 =	vld @!p0 [tilespmem:s6+$0x130];
	_ =	sdelay $0x4  }
0xe3: {  	[tilespmem:$0x2830] =	vst @!p0 v0  }
0xe4: {  	v0 =	vld @!p0 [tilespmem:s6+$0x140];
	_ =	sdelay $0x4  }
0xe5: {  	[tilespmem:$0x2840] =	vst @!p0 v0  }
0xe6: {  	v0 =	vld @!p0 [tilespmem:s6+$0x150];
	_ =	sdelay $0x4  }
0xe7: {  	[tilespmem:$0x2850] =	vst @!p0 v0  }
0xe8: {  	v0 =	vld @!p0 [tilespmem:s6+$0x160];
	_ =	sdelay $0x4  }
0xe9: {  	[tilespmem:$0x2860] =	vst @!p0 v0  }
0xea: {  	v0 =	vld @!p0 [tilespmem:s6+$0x170];
	_ =	sdelay $0x4  }
0xeb: {  	s8 =	simm.s32 @!p0 $0x2800;
	s9 =	simm.s32 @!p0 $0x2A00;
	s6 =	simm.s32 @!p0 $0x80;
	[tilespmem:$0x2870] =	vst @!p0 v0  }
0xec: {  	[tilespmem:s9], [sflag:$0x1] =	stream.indirect.gather @!p0 [spmem:s3], $0x40, s8, s6, $0xb8;
	[tilespmem:$0x1A640] =	vst v63  }
0xed: {  	_ =	swait.ge [sflag:s30], $0x2000  }
0xee: {  	[sflag:s30] =	ssyncset.done $0x0  }
0xef: {  	[sflag:s30] =	ssyncadd.s32 $0xFFFFE000  }
0xf0: {  	v63 =	vld [tilespmem:s5+$0x1480];
	_ =	sdelay $0x4  }
0xf1: {  	[tilespmem:$0x2980] =	vst v63  }
0xf2: {  	v0 =	vld [tilespmem:s5+$0x1490];
	_ =	sdelay $0x4  }
0xf3: {  	[tilespmem:$0x2990] =	vst v0  }
0xf4: {  	v0 =	vld [tilespmem:s5+$0x14A0];
	_ =	sdelay $0x4  }
0xf5: {  	[tilespmem:$0x29A0] =	vst v0  }
0xf6: {  	v0 =	vld [tilespmem:s5+$0x14B0];
	_ =	sdelay $0x4  }
0xf7: {  	[tilespmem:$0x29B0] =	vst v0  }
0xf8: {  	v0 =	vld [tilespmem:s5+$0x14C0];
	_ =	sdelay $0x4  }
0xf9: {  	[tilespmem:$0x29C0] =	vst v0  }
0xfa: {  	v0 =	vld [tilespmem:s5+$0x14D0];
	_ =	sdelay $0x4  }
0xfb: {  	[tilespmem:$0x29D0] =	vst v0  }
0xfc: {  	v0 =	vld [tilespmem:s5+$0x14E0];
	_ =	sdelay $0x4  }
0xfd: {  	[tilespmem:$0x29E0] =	vst v0  }
0xfe: {  	v0 =	vld [tilespmem:s5+$0x14F0];
	_ =	sdelay $0x4  }
.Ltmp4:
0xff: {  	[tilespmem:$0x29F0] =	vst v0;
	(pc) =	sbr.rel @p0 .LBB2_7-.Ltmp4, $4  }
0x100: {  	[spmem:s2] =	stream.indirect.scatter.add.f32 [tilespmem:s26], [sflag:$0x3], $0x40, s31, s22, $0xb8;
	[tilespmem:$0x1A640] =	vst v63  }
0x101: {  	_ =	swait.ge [sflag:s19], $0x2000  }
0x102: {  	[sflag:s19] =	ssyncset.done $0x0  }
0x103: {  	[sflag:s19] =	ssyncadd.s32 $0xFFFFE000  }
0x104: {  	v0 =	vld [tilespmem:s5+$0x180];
	_ =	sdelay $0x4  }
0x105: {  	[tilespmem:$0x2880] =	vst v0  }
0x106: {  	v0 =	vld [tilespmem:s5+$0x190];
	_ =	sdelay $0x4  }
0x107: {  	[tilespmem:$0x2890] =	vst v0  }
0x108: {  	v0 =	vld [tilespmem:s5+$0x1A0];
	_ =	sdelay $0x4  }
0x109: {  	[tilespmem:$0x28A0] =	vst v0  }
0x10a: {  	v0 =	vld [tilespmem:s5+$0x1B0];
	_ =	sdelay $0x4  }
0x10b: {  	[tilespmem:$0x28B0] =	vst v0  }
0x10c: {  	v0 =	vld [tilespmem:s5+$0x1C0];
	_ =	sdelay $0x4  }
0x10d: {  	[tilespmem:$0x28C0] =	vst v0  }
0x10e: {  	v0 =	vld [tilespmem:s5+$0x1D0];
	_ =	sdelay $0x4  }
0x10f: {  	[tilespmem:$0x28D0] =	vst v0  }
0x110: {  	v0 =	vld [tilespmem:s5+$0x1E0];
	_ =	sdelay $0x4  }
0x111: {  	[tilespmem:$0x28E0] =	vst v0  }
0x112: {  	v0 =	vld [tilespmem:s5+$0x1F0];
	_ =	sdelay $0x1  }
.Ltmp5:
0x113: {  	_ = 	snop;
	(pc) =	sbr.rel .LBB2_5-.Ltmp5, $3  }
0x114: {  	_ =	sdelay $0x1  }
0x115: {  	s4 =	sadd.s32 $0x400, s4;
	[tilespmem:$0x28F0] =	vst v0  }
0x116: {  	[tilespmem:s26], [sflag:$0x2] =	stream.indirect.gather [spmem:s3], $0x40, s25, s22, $0xb8;
	[tilespmem:$0x1A640] =	vst v63  }
.LBB2_7:
0x117: {  	s4 =	simm.s32 $0x0  }
0x118: {  	[tilespmem:s4], [sflag:$0x3] =	stream.linear.gather [hbm4b:s13+s4], $0x1400, $0x38;
	[tilespmem:$0x1A640] =	vst v63  }
0x119: {  	_ =	swait.ge [sflag:s19], $0x1400  }
0x11a: {  	[sflag:s19] =	ssyncset.done $0x0  }
0x11b: {  	[sflag:s19] =	ssyncadd.s32 $0xFFFFEC00  }
0x11c: {  	[tilespmem:s21], [sflag:$0x3] =	stream.linear.gather [hbm4b:s14+s4], $0x1400, $0x38;
	[tilespmem:$0x1A640] =	vst v63  }
0x11d: {  	_ =	swait.ge [sflag:s19], $0x1400  }
0x11e: {  	[sflag:s19] =	ssyncset.done $0x0  }
0x11f: {  	[sflag:s19] =	ssyncadd.s32 $0xFFFFEC00  }
0x120: {  	v0 =	vld [tilespmem:$0x0]  }
0x121: {  	v1 =	vld [tilespmem:$0x10]  }
0x122: {  	v2 =	vld [tilespmem:$0x20]  }
0x123: {  	v3 =	vld [tilespmem:$0x30]  }
0x124: {  	v4 =	vld [tilespmem:$0x40]  }
0x125: {  	v53 =	vld [tilespmem:$0x50];
	[tilespmem:$0x2800] =	vst v0  }
0x126: {  	v54 =	vld [tilespmem:$0x60];
	[tilespmem:$0x2810] =	vst v1  }
0x127: {  	v55 =	vld [tilespmem:$0x70];
	[tilespmem:$0x2820] =	vst v2  }
0x128: {  	[tilespmem:$0x2830] =	vst v3  }
0x129: {  	[tilespmem:$0x2840] =	vst v4  }
0x12a: {  	[tilespmem:$0x2850] =	vst v53  }
0x12b: {  	[tilespmem:$0x2860] =	vst v54  }
0x12c: {  	[tilespmem:$0x2870] =	vst v55  }
0x12d: {  	[tilespmem:s24], [sflag:$0x1] =	stream.indirect.gather [spmem:s3], $0x40, s23, s22, $0xb8;
	[tilespmem:$0x1A640] =	vst v63  }
0x12e: {  	v56 =	vld [tilespmem:$0x80]  }
0x12f: {  	v57 =	vld [tilespmem:$0x90]  }
0x130: {  	v58 =	vld [tilespmem:$0xA0]  }
0x131: {  	v59 =	vld [tilespmem:$0xB0]  }
0x132: {  	v60 =	vld [tilespmem:$0xC0]  }
0x133: {  	v61 =	vld [tilespmem:$0xD0];
	[tilespmem:$0x2880] =	vst v56  }
0x134: {  	v62 =	vld [tilespmem:$0xE0];
	[tilespmem:$0x2890] =	vst v57  }
0x135: {  	v63 =	vld [tilespmem:$0xF0];
	[tilespmem:$0x28A0] =	vst v58  }
0x136: {  	[tilespmem:$0x28B0] =	vst v59  }
0x137: {  	[tilespmem:$0x28C0] =	vst v60  }
0x138: {  	[tilespmem:$0x28D0] =	vst v61  }
0x139: {  	[tilespmem:$0x28E0] =	vst v62  }
0x13a: {  	[tilespmem:$0x28F0] =	vst v63  }
0x13b: {  	[tilespmem:s26], [sflag:$0x2] =	stream.indirect.gather [spmem:s3], $0x40, s25, s22, $0xb8;
	[tilespmem:$0x1A640] =	vst v63  }
.LBB2_8:
0x13c: {  	_ =	swait.ge [sflag:s28], $0x2000  }
0x13d: {  	[sflag:s28] =	ssyncset.done $0x0  }
0x13e: {  	s5 =	sshra.s32 s4, $0x2;
	[sflag:s28] =	ssyncadd.s32 $0xFFFFE000  }
0x13f: {  	v0 =	vld [tilespmem:s5+$0x1400];
	_ =	sdelay $0x4  }
0x140: {  	[tilespmem:$0x2900] =	vst v0  }
0x141: {  	v0 =	vld [tilespmem:s5+$0x1410];
	_ =	sdelay $0x4  }
0x142: {  	[tilespmem:$0x2910] =	vst v0  }
0x143: {  	v0 =	vld [tilespmem:s5+$0x1420];
	_ =	sdelay $0x4  }
0x144: {  	[tilespmem:$0x2920] =	vst v0  }
0x145: {  	v0 =	vld [tilespmem:s5+$0x1430];
	_ =	sdelay $0x4  }
0x146: {  	[tilespmem:$0x2930] =	vst v0  }
0x147: {  	v0 =	vld [tilespmem:s5+$0x1440];
	_ =	sdelay $0x4  }
0x148: {  	[tilespmem:$0x2940] =	vst v0  }
0x149: {  	v0 =	vld [tilespmem:s5+$0x1450];
	_ =	sdelay $0x4  }
0x14a: {  	[tilespmem:$0x2950] =	vst v0  }
0x14b: {  	v0 =	vld [tilespmem:s5+$0x1460];
	_ =	sdelay $0x4  }
0x14c: {  	[tilespmem:$0x2960] =	vst v0  }
0x14d: {  	v0 =	vld [tilespmem:s5+$0x1470];
	_ =	sdelay $0x4  }
0x14e: {  	[tilespmem:$0x2970] =	vst v0  }
0x14f: {  	[spmem:s2] =	stream.indirect.scatter.add.f32 [tilespmem:s24], [sflag:$0x3], $0x40, s29, s22, $0xb8;
	[tilespmem:$0x1A640] =	vst v63  }
0x150: {  	_ =	swait.ge [sflag:s19], $0x2000  }
0x151: {  	p0 =	seq.s32 s4, $0x4C00;
	[sflag:s19] =	ssyncset.done $0x0  }
0x152: {  	s6 =	sshra.s32 @!p0 s4, $0x2;
	[sflag:s19] =	ssyncadd.s32 $0xFFFFE000  }
0x153: {  	v0 =	vld @!p0 [tilespmem:s6+$0x100];
	_ =	sdelay $0x4  }
0x154: {  	[tilespmem:$0x2800] =	vst @!p0 v0  }
0x155: {  	v0 =	vld @!p0 [tilespmem:s6+$0x110];
	_ =	sdelay $0x4  }
0x156: {  	[tilespmem:$0x2810] =	vst @!p0 v0  }
0x157: {  	v0 =	vld @!p0 [tilespmem:s6+$0x120];
	_ =	sdelay $0x4  }
0x158: {  	[tilespmem:$0x2820] =	vst @!p0 v0  }
0x159: {  	v0 =	vld @!p0 [tilespmem:s6+$0x130];
	_ =	sdelay $0x4  }
0x15a: {  	[tilespmem:$0x2830] =	vst @!p0 v0  }
0x15b: {  	v0 =	vld @!p0 [tilespmem:s6+$0x140];
	_ =	sdelay $0x4  }
0x15c: {  	[tilespmem:$0x2840] =	vst @!p0 v0  }
0x15d: {  	v0 =	vld @!p0 [tilespmem:s6+$0x150];
	_ =	sdelay $0x4  }
0x15e: {  	[tilespmem:$0x2850] =	vst @!p0 v0  }
0x15f: {  	v0 =	vld @!p0 [tilespmem:s6+$0x160];
	_ =	sdelay $0x4  }
0x160: {  	[tilespmem:$0x2860] =	vst @!p0 v0  }
0x161: {  	v0 =	vld @!p0 [tilespmem:s6+$0x170];
	_ =	sdelay $0x4  }
0x162: {  	s8 =	simm.s32 @!p0 $0x2800;
	s9 =	simm.s32 @!p0 $0x2A00;
	s6 =	simm.s32 @!p0 $0x80;
	[tilespmem:$0x2870] =	vst @!p0 v0  }
0x163: {  	[tilespmem:s9], [sflag:$0x1] =	stream.indirect.gather @!p0 [spmem:s3], $0x40, s8, s6, $0xb8;
	[tilespmem:$0x1A640] =	vst v63  }
0x164: {  	_ =	swait.ge [sflag:s30], $0x2000  }
0x165: {  	[sflag:s30] =	ssyncset.done $0x0  }
0x166: {  	[sflag:s30] =	ssyncadd.s32 $0xFFFFE000  }
0x167: {  	v63 =	vld [tilespmem:s5+$0x1480];
	_ =	sdelay $0x4  }
0x168: {  	[tilespmem:$0x2980] =	vst v63  }
0x169: {  	v0 =	vld [tilespmem:s5+$0x1490];
	_ =	sdelay $0x4  }
0x16a: {  	[tilespmem:$0x2990] =	vst v0  }
0x16b: {  	v0 =	vld [tilespmem:s5+$0x14A0];
	_ =	sdelay $0x4  }
0x16c: {  	[tilespmem:$0x29A0] =	vst v0  }
0x16d: {  	v0 =	vld [tilespmem:s5+$0x14B0];
	_ =	sdelay $0x4  }
0x16e: {  	[tilespmem:$0x29B0] =	vst v0  }
0x16f: {  	v0 =	vld [tilespmem:s5+$0x14C0];
	_ =	sdelay $0x4  }
0x170: {  	[tilespmem:$0x29C0] =	vst v0  }
0x171: {  	v0 =	vld [tilespmem:s5+$0x14D0];
	_ =	sdelay $0x4  }
0x172: {  	[tilespmem:$0x29D0] =	vst v0  }
0x173: {  	v0 =	vld [tilespmem:s5+$0x14E0];
	_ =	sdelay $0x4  }
0x174: {  	[tilespmem:$0x29E0] =	vst v0  }
0x175: {  	v0 =	vld [tilespmem:s5+$0x14F0];
	_ =	sdelay $0x4  }
.Ltmp6:
0x176: {  	[tilespmem:$0x29F0] =	vst v0;
	(pc) =	sbr.rel @p0 .LBB2_10-.Ltmp6, $4  }
0x177: {  	[spmem:s2] =	stream.indirect.scatter.add.f32 [tilespmem:s26], [sflag:$0x3], $0x40, s31, s22, $0xb8;
	[tilespmem:$0x1A640] =	vst v63  }
0x178: {  	_ =	swait.ge [sflag:s19], $0x2000  }
0x179: {  	[sflag:s19] =	ssyncset.done $0x0  }
0x17a: {  	[sflag:s19] =	ssyncadd.s32 $0xFFFFE000  }
0x17b: {  	v0 =	vld [tilespmem:s5+$0x180];
	_ =	sdelay $0x4  }
0x17c: {  	[tilespmem:$0x2880] =	vst v0  }
0x17d: {  	v0 =	vld [tilespmem:s5+$0x190];
	_ =	sdelay $0x4  }
0x17e: {  	[tilespmem:$0x2890] =	vst v0  }
0x17f: {  	v0 =	vld [tilespmem:s5+$0x1A0];
	_ =	sdelay $0x4  }
0x180: {  	[tilespmem:$0x28A0] =	vst v0  }
0x181: {  	v0 =	vld [tilespmem:s5+$0x1B0];
	_ =	sdelay $0x4  }
0x182: {  	[tilespmem:$0x28B0] =	vst v0  }
0x183: {  	v0 =	vld [tilespmem:s5+$0x1C0];
	_ =	sdelay $0x4  }
0x184: {  	[tilespmem:$0x28C0] =	vst v0  }
0x185: {  	v0 =	vld [tilespmem:s5+$0x1D0];
	_ =	sdelay $0x4  }
0x186: {  	[tilespmem:$0x28D0] =	vst v0  }
0x187: {  	v0 =	vld [tilespmem:s5+$0x1E0];
	_ =	sdelay $0x4  }
0x188: {  	[tilespmem:$0x28E0] =	vst v0  }
0x189: {  	v0 =	vld [tilespmem:s5+$0x1F0];
	_ =	sdelay $0x1  }
.Ltmp7:
0x18a: {  	_ = 	snop;
	(pc) =	sbr.rel .LBB2_8-.Ltmp7, $3  }
0x18b: {  	_ =	sdelay $0x1  }
0x18c: {  	s4 =	sadd.s32 $0x400, s4;
	[tilespmem:$0x28F0] =	vst v0  }
0x18d: {  	[tilespmem:s26], [sflag:$0x2] =	stream.indirect.gather [spmem:s3], $0x40, s25, s22, $0xb8;
	[tilespmem:$0x1A640] =	vst v63  }
.LBB2_10:
0x18e: {  	s4 =	simm.s32 $0x0  }
0x18f: {  	[tilespmem:s4], [sflag:$0x3] =	stream.linear.gather [hbm4b:s15+s4], $0x1400, $0x38;
	[tilespmem:$0x1A640] =	vst v63  }
0x190: {  	_ =	swait.ge [sflag:s19], $0x1400  }
0x191: {  	[sflag:s19] =	ssyncset.done $0x0  }
0x192: {  	[sflag:s19] =	ssyncadd.s32 $0xFFFFEC00  }
0x193: {  	[tilespmem:s21], [sflag:$0x3] =	stream.linear.gather [hbm4b:s16+s4], $0x1400, $0x38;
	[tilespmem:$0x1A640] =	vst v63  }
0x194: {  	_ =	swait.ge [sflag:s19], $0x1400  }
0x195: {  	[sflag:s19] =	ssyncset.done $0x0  }
0x196: {  	[sflag:s19] =	ssyncadd.s32 $0xFFFFEC00  }
0x197: {  	v0 =	vld [tilespmem:$0x0]  }
0x198: {  	v1 =	vld [tilespmem:$0x10]  }
0x199: {  	v2 =	vld [tilespmem:$0x20]  }
0x19a: {  	v3 =	vld [tilespmem:$0x30]  }
0x19b: {  	v4 =	vld [tilespmem:$0x40]  }
0x19c: {  	v53 =	vld [tilespmem:$0x50];
	[tilespmem:$0x2800] =	vst v0  }
0x19d: {  	v54 =	vld [tilespmem:$0x60];
	[tilespmem:$0x2810] =	vst v1  }
0x19e: {  	v55 =	vld [tilespmem:$0x70];
	[tilespmem:$0x2820] =	vst v2  }
0x19f: {  	[tilespmem:$0x2830] =	vst v3  }
0x1a0: {  	[tilespmem:$0x2840] =	vst v4  }
0x1a1: {  	[tilespmem:$0x2850] =	vst v53  }
0x1a2: {  	[tilespmem:$0x2860] =	vst v54  }
0x1a3: {  	[tilespmem:$0x2870] =	vst v55  }
0x1a4: {  	[tilespmem:s24], [sflag:$0x1] =	stream.indirect.gather [spmem:s3], $0x40, s23, s22, $0xb8;
	[tilespmem:$0x1A640] =	vst v63  }
0x1a5: {  	v56 =	vld [tilespmem:$0x80]  }
0x1a6: {  	v57 =	vld [tilespmem:$0x90]  }
0x1a7: {  	v58 =	vld [tilespmem:$0xA0]  }
0x1a8: {  	v59 =	vld [tilespmem:$0xB0]  }
0x1a9: {  	v60 =	vld [tilespmem:$0xC0]  }
0x1aa: {  	v61 =	vld [tilespmem:$0xD0];
	[tilespmem:$0x2880] =	vst v56  }
0x1ab: {  	v62 =	vld [tilespmem:$0xE0];
	[tilespmem:$0x2890] =	vst v57  }
0x1ac: {  	v63 =	vld [tilespmem:$0xF0];
	[tilespmem:$0x28A0] =	vst v58  }
0x1ad: {  	[tilespmem:$0x28B0] =	vst v59  }
0x1ae: {  	[tilespmem:$0x28C0] =	vst v60  }
0x1af: {  	[tilespmem:$0x28D0] =	vst v61  }
0x1b0: {  	[tilespmem:$0x28E0] =	vst v62  }
0x1b1: {  	[tilespmem:$0x28F0] =	vst v63  }
0x1b2: {  	[tilespmem:s26], [sflag:$0x2] =	stream.indirect.gather [spmem:s3], $0x40, s25, s22, $0xb8;
	[tilespmem:$0x1A640] =	vst v63  }
.LBB2_11:
0x1b3: {  	_ =	swait.ge [sflag:s28], $0x2000  }
0x1b4: {  	[sflag:s28] =	ssyncset.done $0x0  }
0x1b5: {  	s5 =	sshra.s32 s4, $0x2;
	[sflag:s28] =	ssyncadd.s32 $0xFFFFE000  }
0x1b6: {  	v0 =	vld [tilespmem:s5+$0x1400];
	_ =	sdelay $0x4  }
0x1b7: {  	[tilespmem:$0x2900] =	vst v0  }
0x1b8: {  	v0 =	vld [tilespmem:s5+$0x1410];
	_ =	sdelay $0x4  }
0x1b9: {  	[tilespmem:$0x2910] =	vst v0  }
0x1ba: {  	v0 =	vld [tilespmem:s5+$0x1420];
	_ =	sdelay $0x4  }
0x1bb: {  	[tilespmem:$0x2920] =	vst v0  }
0x1bc: {  	v0 =	vld [tilespmem:s5+$0x1430];
	_ =	sdelay $0x4  }
0x1bd: {  	[tilespmem:$0x2930] =	vst v0  }
0x1be: {  	v0 =	vld [tilespmem:s5+$0x1440];
	_ =	sdelay $0x4  }
0x1bf: {  	[tilespmem:$0x2940] =	vst v0  }
0x1c0: {  	v0 =	vld [tilespmem:s5+$0x1450];
	_ =	sdelay $0x4  }
0x1c1: {  	[tilespmem:$0x2950] =	vst v0  }
0x1c2: {  	v0 =	vld [tilespmem:s5+$0x1460];
	_ =	sdelay $0x4  }
0x1c3: {  	[tilespmem:$0x2960] =	vst v0  }
0x1c4: {  	v0 =	vld [tilespmem:s5+$0x1470];
	_ =	sdelay $0x4  }
0x1c5: {  	[tilespmem:$0x2970] =	vst v0  }
0x1c6: {  	[spmem:s2] =	stream.indirect.scatter.add.f32 [tilespmem:s24], [sflag:$0x3], $0x40, s29, s22, $0xb8;
	[tilespmem:$0x1A640] =	vst v63  }
0x1c7: {  	_ =	swait.ge [sflag:s19], $0x2000  }
0x1c8: {  	p0 =	seq.s32 s4, $0x4C00;
	[sflag:s19] =	ssyncset.done $0x0  }
0x1c9: {  	s6 =	sshra.s32 @!p0 s4, $0x2;
	[sflag:s19] =	ssyncadd.s32 $0xFFFFE000  }
0x1ca: {  	v0 =	vld @!p0 [tilespmem:s6+$0x100];
	_ =	sdelay $0x4  }
0x1cb: {  	[tilespmem:$0x2800] =	vst @!p0 v0  }
0x1cc: {  	v0 =	vld @!p0 [tilespmem:s6+$0x110];
	_ =	sdelay $0x4  }
0x1cd: {  	[tilespmem:$0x2810] =	vst @!p0 v0  }
0x1ce: {  	v0 =	vld @!p0 [tilespmem:s6+$0x120];
	_ =	sdelay $0x4  }
0x1cf: {  	[tilespmem:$0x2820] =	vst @!p0 v0  }
0x1d0: {  	v0 =	vld @!p0 [tilespmem:s6+$0x130];
	_ =	sdelay $0x4  }
0x1d1: {  	[tilespmem:$0x2830] =	vst @!p0 v0  }
0x1d2: {  	v0 =	vld @!p0 [tilespmem:s6+$0x140];
	_ =	sdelay $0x4  }
0x1d3: {  	[tilespmem:$0x2840] =	vst @!p0 v0  }
0x1d4: {  	v0 =	vld @!p0 [tilespmem:s6+$0x150];
	_ =	sdelay $0x4  }
0x1d5: {  	[tilespmem:$0x2850] =	vst @!p0 v0  }
0x1d6: {  	v0 =	vld @!p0 [tilespmem:s6+$0x160];
	_ =	sdelay $0x4  }
0x1d7: {  	[tilespmem:$0x2860] =	vst @!p0 v0  }
0x1d8: {  	v0 =	vld @!p0 [tilespmem:s6+$0x170];
	_ =	sdelay $0x4  }
0x1d9: {  	s8 =	simm.s32 @!p0 $0x2800;
	s9 =	simm.s32 @!p0 $0x2A00;
	s6 =	simm.s32 @!p0 $0x80;
	[tilespmem:$0x2870] =	vst @!p0 v0  }
0x1da: {  	[tilespmem:s9], [sflag:$0x1] =	stream.indirect.gather @!p0 [spmem:s3], $0x40, s8, s6, $0xb8;
	[tilespmem:$0x1A640] =	vst v63  }
0x1db: {  	_ =	swait.ge [sflag:s30], $0x2000  }
0x1dc: {  	[sflag:s30] =	ssyncset.done $0x0  }
0x1dd: {  	[sflag:s30] =	ssyncadd.s32 $0xFFFFE000  }
0x1de: {  	v63 =	vld [tilespmem:s5+$0x1480];
	_ =	sdelay $0x4  }
0x1df: {  	[tilespmem:$0x2980] =	vst v63  }
0x1e0: {  	v0 =	vld [tilespmem:s5+$0x1490];
	_ =	sdelay $0x4  }
0x1e1: {  	[tilespmem:$0x2990] =	vst v0  }
0x1e2: {  	v0 =	vld [tilespmem:s5+$0x14A0];
	_ =	sdelay $0x4  }
0x1e3: {  	[tilespmem:$0x29A0] =	vst v0  }
0x1e4: {  	v0 =	vld [tilespmem:s5+$0x14B0];
	_ =	sdelay $0x4  }
0x1e5: {  	[tilespmem:$0x29B0] =	vst v0  }
0x1e6: {  	v0 =	vld [tilespmem:s5+$0x14C0];
	_ =	sdelay $0x4  }
0x1e7: {  	[tilespmem:$0x29C0] =	vst v0  }
0x1e8: {  	v0 =	vld [tilespmem:s5+$0x14D0];
	_ =	sdelay $0x4  }
0x1e9: {  	[tilespmem:$0x29D0] =	vst v0  }
0x1ea: {  	v0 =	vld [tilespmem:s5+$0x14E0];
	_ =	sdelay $0x4  }
0x1eb: {  	[tilespmem:$0x29E0] =	vst v0  }
0x1ec: {  	v0 =	vld [tilespmem:s5+$0x14F0];
	_ =	sdelay $0x4  }
.Ltmp8:
0x1ed: {  	[tilespmem:$0x29F0] =	vst v0;
	(pc) =	sbr.rel @p0 .LBB2_13-.Ltmp8, $4  }
0x1ee: {  	[spmem:s2] =	stream.indirect.scatter.add.f32 [tilespmem:s26], [sflag:$0x3], $0x40, s31, s22, $0xb8;
	[tilespmem:$0x1A640] =	vst v63  }
0x1ef: {  	_ =	swait.ge [sflag:s19], $0x2000  }
0x1f0: {  	[sflag:s19] =	ssyncset.done $0x0  }
0x1f1: {  	[sflag:s19] =	ssyncadd.s32 $0xFFFFE000  }
0x1f2: {  	v0 =	vld [tilespmem:s5+$0x180];
	_ =	sdelay $0x4  }
0x1f3: {  	[tilespmem:$0x2880] =	vst v0  }
0x1f4: {  	v0 =	vld [tilespmem:s5+$0x190];
	_ =	sdelay $0x4  }
0x1f5: {  	[tilespmem:$0x2890] =	vst v0  }
0x1f6: {  	v0 =	vld [tilespmem:s5+$0x1A0];
	_ =	sdelay $0x4  }
0x1f7: {  	[tilespmem:$0x28A0] =	vst v0  }
0x1f8: {  	v0 =	vld [tilespmem:s5+$0x1B0];
	_ =	sdelay $0x4  }
0x1f9: {  	[tilespmem:$0x28B0] =	vst v0  }
0x1fa: {  	v0 =	vld [tilespmem:s5+$0x1C0];
	_ =	sdelay $0x4  }
0x1fb: {  	[tilespmem:$0x28C0] =	vst v0  }
0x1fc: {  	v0 =	vld [tilespmem:s5+$0x1D0];
	_ =	sdelay $0x4  }
0x1fd: {  	[tilespmem:$0x28D0] =	vst v0  }
0x1fe: {  	v0 =	vld [tilespmem:s5+$0x1E0];
	_ =	sdelay $0x4  }
0x1ff: {  	[tilespmem:$0x28E0] =	vst v0  }
0x200: {  	v0 =	vld [tilespmem:s5+$0x1F0];
	_ =	sdelay $0x1  }
.Ltmp9:
0x201: {  	_ = 	snop;
	(pc) =	sbr.rel .LBB2_11-.Ltmp9, $3  }
0x202: {  	_ =	sdelay $0x1  }
0x203: {  	s4 =	sadd.s32 $0x400, s4;
	[tilespmem:$0x28F0] =	vst v0  }
0x204: {  	[tilespmem:s26], [sflag:$0x2] =	stream.indirect.gather [spmem:s3], $0x40, s25, s22, $0xb8;
	[tilespmem:$0x1A640] =	vst v63  }
.LBB2_14:
0x205: {  	_ =	sfence.sel $0x180000  }
0x206: {  	[bflag:$0x0] =	sbarrier.arrive $0xFFFF  }
0x207: {  	_ =	strace $0x9000004A  }
0x208: {  	s0 =	stileid.u32;
	[bflag:$0x2] =	sbarrier.arrive $0xFFFF  }
0x209: {  	p0 =	sne.s32 s0, $0x0;
	s0 =	rddreg [dreg:$0x4]  }
0x20a: {  	s0 =	sadd.s32 @!p0 $0x100000, s0  }
0x20b: {  	[sflag:s0] =	ssyncadd.tile.s32 @!p0 $0x1;
	_ =	shalt  }
.Lfunc_end2:
_tile_overlayer_lowered:
.L_overlay_start_2:
0x20c: {  	(tag) =	ssettag $0x2  }
0x20d: {  	s0 =	rddreg [dreg:$0x0];
	s2 =	stileid.u32  }
0x20e: {  	s1 =	rddreg [dreg:$0x1];
	p0 =	sne.s32 s2, $0x0  }
0x20f: {  	s3 =	rddreg [dreg:$0x2];
	[bflag:$0x3] =	sbarrier.arrive $0xFFFF;
	s2 =	simm.s32 @!p0 $0x1C03  }
0x210: {  	[timem:s3], [sflag:s2] =	dma.local @!p0 [hbm:s0], s1  }
0x211: {  	s0 =	simm.s32 @!p0 $0x3  }
0x212: {  	_ =	swait.ge @!p0 [sflag:s0], s1  }
0x213: {  	s1 =	ssub.s32 @!p0 $0x0, s1;
	[sflag:s0] =	ssyncset.done @!p0 $0x0  }
0x214: {  	[sflag:s0] =	ssyncadd.s32 @!p0 s1  }
0x215: {  	[bflag:$0x3] =	sbarrier.arrive $0xFFFF  }
0x216: {  	_ =	shalt  }

// kernel: kernel.14.cloned.1.call-start
scs
__scs_entry_jumppad:
0x0: {  	(pc) =	sbr.rel $0x88, $3  }
0x1: {  	(tag) =	ssettag $0x0;
	lr =	simm.s32 $0x1  }
0x2: {  	[smem:$0x3F9B] =	sst lr;
	_ =	strace $0xD0000000  }
0x3: {  	_ = 	snop  }
0x4: {  	_ = 	snop  }
0x5: {  	_ = 	snop  }
0x6: {  	_ = 	snop  }
0x7: {  	_ = 	snop  }
__scs_overlays_trampoline_lowered:
0x8: {  	[smem:$0x3FAA] =	sst s0  }
0x9: {  	[smem:$0x3FAB] =	sst s1  }
0xa: {  	[smem:$0x3FAC] =	sst s2  }
0xb: {  	[smem:$0x3FAD] =	sst s3  }
0xc: {  	[smem:$0x3FAE] =	sst s4  }
0xd: {  	[smem:$0x3FAF] =	sst s5  }
0xe: {  	[smem:$0x3FB0] =	sst s6  }
0xf: {  	[smem:$0x3FB1] =	sst s7  }
0x10: {  	[smem:$0x3FB2] =	sst s8  }
0x11: {  	[smem:$0x3FB3] =	sst s9;
	s0 =	simm.s32 @!p0 $0x0  }
0x12: {  	s1 =	sld [smem:$0x3F99];
	s0 =	simm.s32 @p0 $0x1  }
0x13: {  	[smem:$0x3FB4] =	sst s0;
	s0 =	simm.s32 @!p1 $0x0  }
0x14: {  	s2 =	sld [smem:$0x3F98];
	s0 =	simm.s32 @p1 $0x1  }
0x15: {  	[smem:$0x3FB5] =	sst s0;
	s0 =	simm.s32 @!p2 $0x0  }
0x16: {  	s3 =	sld [smem:$0x3FDB];
	s0 =	simm.s32 @p2 $0x1  }
0x17: {  	s4 =	simm.s32 $0x1BF5;
	[smem:$0x3FB7] =	sst s0  }
0x18: {  	s0 =	sld [smem:$0x3F9A];
	_ =	swait.ge [sflag:s4], $0x0  }
0x19: {  	s7 =	sld [smem:$0x3F9B]  }
0x1a: {  	s8 =	sadd.s32 $0xFFFFE003, lr  }
0x1b: {  	s9 =	sadd.s32 $0xFFFFFEF7, lr;
	s5 =	simm.s32 $0xFFFFFFFF;
	p2 =	slt.u32 s8, $0xFFFFF086  }
0x1c: {  	p1 =	slt.u32 s9, $0xF7A;
	s5 =	simm.s32 @!p2 $0x0  }
0x1d: {  	s5 =	simm.s32 @p1 $0x1;
	p0 =	seq.s32 s7, s2  }
0x1e: {  	s7 =	smul.u32 @!p0 $0xF7A, s2;
	p2 =	seq.s32 @!p0 s5, $0x0  }
0x1f: {  	s9 =	smul.u32 $0xF7A, s1;
	s8 =	simm.s32 @!p0 $0x1BF5;
	p2 =	por !p2, p0  }
0x20: {  	[sflag:s8] =	ssyncset.s32 @!p0 $0xFFFFF086;
	s6 =	sadd.s32 @!p0 s3, s7;
	s7 =	simm.s32 @!p0 $0x108  }
0x21: {  	s3 =	sadd.s32 s3, s9;
	s6 =	sadd.s32 @!p0 $0x88, s6;
	s7 =	simm.s32 @p2 $0x1082  }
0x22: {  	[simem:s7], [sflag:s8] =	dma.local @!p0 [hbm:s6], $0xF7A  }
0x23: {  	s9 =	sor.u32 $0xD0000000, s2;
	s6 =	simm.s32 $0x108;
	_ =	swait.ge @!p0 [sflag:s8], $0x0  }
0x24: {  	s3 =	sadd.s32 $0x88, s3;
	s6 =	simm.s32 @!p1 $0x1082;
	[sflag:s4] =	ssyncset.s32 $0xFFFFF086  }
0x25: {  	[simem:s6], [sflag:s4] =	dma.local [hbm:s3], $0xF7A  }
0x26: {  	[smem:$0x3F9B] =	sst s1;
	(tag) =	ssettag s2;
	_ =	strace s9  }
0x27: {  	s1 =	sld [smem:$0x3FAB]  }
0x28: {  	s2 =	sld [smem:$0x3FAC]  }
0x29: {  	s4 =	sld [smem:$0x3FAE]  }
0x2a: {  	p0 =	seq.s32 s5, $0x0;
	s5 =	sld [smem:$0x3FAF]  }
0x2b: {  	s6 =	sld [smem:$0x3FB0]  }
0x2c: {  	s7 =	sld [smem:$0x3FB1]  }
0x2d: {  	s3 =	simm.s32 $0x108;
	s8 =	sld [smem:$0x3FB2]  }
0x2e: {  	s3 =	simm.s32 @!p0 $0x1082;
	s9 =	sld [smem:$0x3FB3]  }
0x2f: {  	lr =	sadd.s32 s0, s3;
	s0 =	sld [smem:$0x3FAA]  }
0x30: {  	s3 =	sld [smem:$0x3FAD]  }
0x31: {  	[smem:$0x3FB6] =	sst s10  }
0x32: {  	s10 =	sld [smem:$0x3FB4];
	_ =	sdelay $0x3  }
0x33: {  	p0 =	seq.s32 s10, $0x1;
	s10 =	sld [smem:$0x3FB6];
	_ =	sdelay $0x3  }
0x34: {  	[smem:$0x3FB6] =	sst s10  }
0x35: {  	s10 =	sld [smem:$0x3FB5];
	_ =	sdelay $0x3  }
0x36: {  	p1 =	seq.s32 s10, $0x1;
	s10 =	sld [smem:$0x3FB6];
	_ =	sdelay $0x3  }
0x37: {  	[smem:$0x3FB6] =	sst s10  }
0x38: {  	s10 =	sld [smem:$0x3FB7]  }
0x39: {  	_ = 	snop;
	(pc) =	sbr.ind lr, $3  }
0x3a: {  	_ = 	snop  }
0x3b: {  	_ = 	snop  }
0x3c: {  	p2 =	seq.s32 s10, $0x1;
	s10 =	sld [smem:$0x3FB6]  }
0x3d: {  	_ =	shalt  }
0x3e: {  	_ =	shalt  }
0x3f: {  	_ =	shalt  }
0x40: {  	_ =	shalt  }
0x41: {  	_ =	shalt  }
0x42: {  	_ =	shalt  }
0x43: {  	_ =	shalt  }
0x44: {  	_ =	shalt  }
0x45: {  	_ =	shalt  }
0x46: {  	_ =	shalt  }
0x47: {  	_ =	shalt  }
0x48: {  	_ =	shalt  }
0x49: {  	_ =	shalt  }
0x4a: {  	_ =	shalt  }
0x4b: {  	_ =	shalt  }
0x4c: {  	_ =	shalt  }
0x4d: {  	_ =	shalt  }
0x4e: {  	_ =	shalt  }
0x4f: {  	_ =	shalt  }
0x50: {  	_ =	shalt  }
0x51: {  	_ =	shalt  }
0x52: {  	_ =	shalt  }
0x53: {  	_ =	shalt  }
0x54: {  	_ =	shalt  }
0x55: {  	_ =	shalt  }
0x56: {  	_ =	shalt  }
0x57: {  	_ =	shalt  }
0x58: {  	_ =	shalt  }
0x59: {  	_ =	shalt  }
0x5a: {  	_ =	shalt  }
0x5b: {  	_ =	shalt  }
0x5c: {  	_ =	shalt  }
0x5d: {  	_ =	shalt  }
0x5e: {  	_ =	shalt  }
0x5f: {  	_ =	shalt  }
0x60: {  	_ =	shalt  }
0x61: {  	_ =	shalt  }
0x62: {  	_ =	shalt  }
0x63: {  	_ =	shalt  }
0x64: {  	_ =	shalt  }
0x65: {  	_ =	shalt  }
0x66: {  	_ =	shalt  }
0x67: {  	_ =	shalt  }
0x68: {  	_ =	shalt  }
0x69: {  	_ =	shalt  }
0x6a: {  	_ =	shalt  }
0x6b: {  	_ =	shalt  }
0x6c: {  	_ =	shalt  }
0x6d: {  	_ =	shalt  }
0x6e: {  	_ =	shalt  }
0x6f: {  	_ =	shalt  }
0x70: {  	_ =	shalt  }
0x71: {  	_ =	shalt  }
0x72: {  	_ =	shalt  }
0x73: {  	_ =	shalt  }
0x74: {  	_ =	shalt  }
0x75: {  	_ =	shalt  }
0x76: {  	_ =	shalt  }
0x77: {  	_ =	shalt  }
0x78: {  	_ =	shalt  }
0x79: {  	_ =	shalt  }
0x7a: {  	_ =	shalt  }
0x7b: {  	_ =	shalt  }
0x7c: {  	_ =	shalt  }
0x7d: {  	_ =	shalt  }
0x7e: {  	_ =	shalt  }
0x7f: {  	_ =	shalt  }
0x80: {  	_ =	shalt  }
0x81: {  	_ =	shalt  }
0x82: {  	_ =	shalt  }
0x83: {  	_ =	shalt  }
0x84: {  	_ =	shalt  }
0x85: {  	_ =	shalt  }
0x86: {  	_ =	shalt  }
0x87: {  	_ =	shalt  }
.Lfunc_end0:
.L_simem_size_0:
called_computation.2_lowered:
.L_overlay_start_0:
0x88: {  	s2 =	sld [smem:$0x3FD9]  }
0x89: {  	s3 =	sld [smem:$0x3FFE];
	_ =	sdelay $0x1  }
0x8a: {  	s1 =	srdreg.scid  }
0x8b: {  	s0 =	sand.u32 $0x1, s1  }
0x8c: {  	s17 =	sshll.u32 s0, $0xA;
	s2 =	sadd.s32 s3, s2  }
0x8d: {  	s2 =	sadd.s32 s2, s17  }
0x8e: {  	[smem:$0x3FC2] =	sst s2  }
0x8f: {  	_ = 	snop  }
0x90: {  	s2 =	sld [smem:$0x3FD0];
	(tm) =	ssettm $0x1  }
0x91: {  	s18 =	sld [smem:$0x3FFB];
	_ =	sdelay $0x3  }
0x92: {  	_ =	strace s18  }
0x93: {  	s3 =	sld [smem:$0x3FFC];
	_ =	sdelay $0x3  }
0x94: {  	_ =	strace s3  }
0x95: {  	s3 =	sld [smem:$0x3FFD];
	_ =	sdelay $0x3  }
0x96: {  	_ =	strace s3  }
0x97: {  	_ =	strace $0x8FFFFFFF  }
0x98: {  	s19 =	sld [smem:$0x3FDB];
	_ =	sdelay $0x1  }
0x99: {  	s4 =	simm.s32 $_scs_section_size  }
0x9a: {  	s5 =	simm.s32 $_size__tile_overlayer_lowered;
	s6 =	simm.s32 $_tile_overlayer_lowered  }
0x9b: {  	s22 =	simm.s32 $0x1BFF;
	s21 =	sshll.u32 s6, $0x1;
	s3 =	sadd.s32 s4, s19  }
0x9c: {  	s7 =	simm.s32 $0x0;
	s20 =	sshll.u32 s5, $0x1;
	s5 =	sadd.s32 s21, s3  }
0x9d: {  	[timem:s7], [sflag:s22] =	dma.local [hbm:s5], s20  }
0x9e: {  	_ =	swait.ge [sflag:s22], s20  }
0x9f: {  	s4 =	ssub.s32 $0x0, s20;
	[sflag:s22] =	ssyncset.done $0x0  }
0xa0: {  	[sflag:s22] =	ssyncadd.s32 s4;
	_ =	sdelay $0x1  }
0xa1: {  	s23 =	simm.s32 $0x1B8B  }
0xa2: {  	_ =	swait.ge [sflag:s23], $0x1  }
0xa3: {  	[sflag:s23] =	ssyncset.done $0x0  }
0xa4: {  	s25 =	simm.s32 $0x1B8E;
	s24 =	sld [smem:$0x3FFE];
	[sflag:s23] =	ssyncadd.s32 $0xFFFFFFFF  }
0xa5: {  	s26 =	simm.s32 $execute0_lowered;
	[smem:$0x3FD2] =	sst s25  }
0xa6: {  	s5 =	sshll.u32 s26, $0x1;
	_ =	strace $0x8000004C;
	[dreg:$0x1] =	wrdreg $0xFFFFFFFF  }
0xa7: {  	s28 =	simm.s32 $_size_execute0_lowered;
	s3 =	sadd.s32 s3, s5;
	[dreg:$0x0] =	wrdreg $0x0  }
0xa8: {  	s5 =	sshll.u32 s28, $0x1;
	[dreg:$0x2] =	wrdreg s3  }
0xa9: {  	[dreg:$0x3] =	wrdreg s5  }
0xaa: {  	[dreg:$0x4] =	wrdreg $0xC0  }
0xab: {  	_ =	task [dreg:s7], $0x5FFFF  }
0xac: {  	[dreg:$0x1] =	wrdreg $0xFFFFFFFF  }
0xad: {  	[dreg:$0x0] =	wrdreg $0x60  }
0xae: {  	[dreg:$0x2] =	wrdreg s24  }
0xaf: {  	[dreg:$0x3] =	wrdreg s2  }
0xb0: {  	[dreg:$0x4] =	wrdreg $0x5A000  }
0xb1: {  	[dreg:$0x5] =	wrdreg $0xD2000  }
0xb2: {  	[dreg:$0x6] =	wrdreg $0x9  }
0xb3: {  	_ =	task.clear_ibuf [dreg:s7], $0x7FFFF;
	_ =	strace $0x9000004C  }
0xb4: {  	s29 =	simm.s32 $0x9;
	_ =	strace $0x8000004E  }
0xb5: {  	_ =	swait.ge [sflag:s29], $0x1  }
0xb6: {  	[sflag:s29] =	ssyncadd.s32 $0xFFFFFFFF  }
0xb7: {  	_ =	strace $0x9000004E  }
0xb8: {  	_ =	sfence  }
0xb9: {  	s30 =	sld [smem:$0x0];
	_ =	sdelay $0x2  }
0xba: {  	s31 =	sshll.u32 s1, $0xD;
	s1 =	sshrl.u32 s1, $0x2  }
0xbb: {  	s3 =	sand.u32 $0x4000, s31;
	s1 =	sadd.s32 s1, s30  }
0xbc: {  	s0 =	sor.u32 s3, s0;
	s1 =	sshll.u32 s1, $0x11  }
0xbd: {  	s0 =	sor.u32 s1, s0  }
0xbe: {  	s0 =	sadd.s32 $0x8F2B, s0  }
0xbf: {  	[sflag:s0] =	ssyncadd.remote.s32 $0x1  }
0xc0: {  	_ =	sfence.sel $0xFFFF  }
0xc1: {  	[dreg:$0x0] =	wrdreg $0xFFFFFFFF;
	(pc) =	sbr.abs _section_cstart, $3  }
0xc2: {  	[dreg:$0x1] =	wrdreg $0xFFFFFFFF  }
0xc3: {  	_ =	task.clear_ibuf [dreg:s7], $0x2FFFF;
	_ =	strace $0x9FFFFFFF  }
0xc4: {  	(tm) =	ssettm $0x7FFFFFFF  }
0xc5: {  	_ =	shalt  }
tec
execute0_lowered:
.L_overlay_start_1:
0x0: {  	(tag) =	ssettag $0x1  }
0x1: {  	s6 =	rddreg [dreg:$0x0]  }
0x2: {  	s11 =	rddreg [dreg:$0x1]  }
0x3: {  	s2 =	rddreg [dreg:$0x2]  }
0x4: {  	s3 =	rddreg [dreg:$0x3]  }
0x5: {  	s0 =	stileid.u32;
	s5 =	srdreg.scid  }
0x6: {  	s4 =	simm.s32 $0x0;
	s18 =	simm.s32 $0x80;
	s19 =	simm.s32 $0x2800  }
0x7: {  	s20 =	simm.s32 $0x2A00;
	s21 =	simm.s32 $0x2880;
	s22 =	simm.s32 $0x4200  }
0x8: {  	s23 =	simm.s32 $0x1;
	s24 =	simm.s32 $0x2900;
	s25 =	simm.s32 $0x2  }
0x9: {  	s28 =	simm.s32 $0x0;
	s7 =	smul.u32 $0x7530, s0;
	s8 =	sand.u32 $0x1, s5  }
0xa: {  	s9 =	smul.u32 $0x7800, s0;
	[smem:$0x7FF] =	sst s4;
	s12 =	sadd.s32 $0xC000, s6  }
0xb: {  	s14 =	sshll.u32 s0, $0x1;
	s15 =	sshll.u32 s0, $0x6;
	s5 =	smul.u32 $0x78000, s8  }
0xc: {  	_ =	strace $0x8000004D;
	s26 =	ssub.s32 $0x2, s8;
	s8 =	sor.u32 s8, s14  }
0xd: {  	s10 =	sshrl.u32 s7, $0x3;
	s29 =	sshrl.u32 s26, $0x1;
	s8 =	smul.u32 $0x2800, s8  }
0xe: {  	s16 =	sadd.s32 s9, s2;
	s17 =	sadd.s32 s7, s3;
	s10 =	sadd.s32 s10, s6  }
0xf: {  	s13 =	sadd.s32 s9, s5;
	s5 =	sadd.s32 $0x1800, s6;
	s14 =	ssub.s32 s26, s29  }
0x10: {  	s26 =	simm.s32 $0x2980;
	s13 =	sshrl.u32 s13, $0x3;
	s7 =	sadd.s32 $0x16000, s10  }
.Ltmp0:
0x11: {  	s30 =	sshrl.u32 s8, $0x3;
	s13 =	sadd.s32 s13, s6;
	(pc) =	sbr.rel .LBB2_1-.Ltmp0, $4  }
0x12: {  	s6 =	sor.u32 $0x1C03, s15;
	s8 =	sadd.s32 s12, s30;
	s31 =	sadd.s32 $0x280, s30  }
0x13: {  	s9 =	sadd.s32 s11, s30;
	s15 =	simm.s32 $0x3;
	s10 =	sadd.s32 s12, s31  }
0x14: {  	s11 =	sadd.s32 s11, s31;
	s12 =	sadd.s32 $0x24C00, s13;
	s13 =	smax.u32 s14, $0x1  }
0x15: {  	s14 =	sshrl.u32 s16, $0x3;
	s16 =	sshrl.u32 s17, $0x3;
	s17 =	simm.s32 $0x1400  }
.LBB2_7:
0x16: {  	s28 =	sadd.s32 $0x1, s28  }
0x17: {  	p0 =	sne.s32 s28, s13  }
.Ltmp1:
0x18: {  	[bflag:$0x0] =	sbarrier.arrive $0xFFFF;
	(pc) =	sbr.rel @!p0 .LBB2_8-.Ltmp1, $4  }
0x19: {  	[hbm:s12], [sflag:s6] =	dma.local [spmem:s14], $0xF00  }
0x1a: {  	_ =	swait.ge [sflag:s15], $0xF00  }
0x1b: {  	[sflag:s15] =	ssyncset.done $0x0  }
0x1c: {  	[sflag:s15] =	ssyncadd.s32 $0xFFFFF100  }
.LBB2_1:
0x1d: {  	[spmem:s14], [sflag:s6] =	dma.local [hbm:s5], $0xF00  }
0x1e: {  	_ =	swait.ge [sflag:s15], $0xF00  }
0x1f: {  	[sflag:s15] =	ssyncset.done $0x0  }
0x20: {  	[sflag:s15] =	ssyncadd.s32 $0xFFFFF100  }
0x21: {  	[spmem:s16], [sflag:s6] =	dma.local [hbm:s7], $0xEA6  }
0x22: {  	_ =	swait.ge [sflag:s15], $0xEA6  }
0x23: {  	[sflag:s15] =	ssyncset.done $0x0  }
0x24: {  	[sflag:s15] =	ssyncadd.s32 $0xFFFFF15A  }
0x25: {  	[bflag:$0x0] =	sbarrier.arrive $0xFFFF  }
0x26: {  	[tilespmem:s4], [sflag:$0x3] =	stream.linear.gather [hbm4b:s8+s4], $0x1400, $0x38;
	[tilespmem:$0x14730] =	vst v63  }
0x27: {  	_ =	swait.ge [sflag:s15], $0x1400  }
0x28: {  	[sflag:s15] =	ssyncset.done $0x0  }
0x29: {  	[sflag:s15] =	ssyncadd.s32 $0xFFFFEC00  }
0x2a: {  	[tilespmem:s17], [sflag:$0x3] =	stream.linear.gather [hbm4b:s9+s4], $0x1400, $0x38;
	[tilespmem:$0x14730] =	vst v63  }
0x2b: {  	_ =	swait.ge [sflag:s15], $0x1400  }
0x2c: {  	[sflag:s15] =	ssyncset.done $0x0  }
0x2d: {  	[sflag:s15] =	ssyncadd.s32 $0xFFFFEC00  }
0x2e: {  	v0 =	vld [tilespmem:$0x0]  }
0x2f: {  	v1 =	vld [tilespmem:$0x10]  }
0x30: {  	v2 =	vld [tilespmem:$0x20]  }
0x31: {  	v3 =	vld [tilespmem:$0x30]  }
0x32: {  	v4 =	vld [tilespmem:$0x40]  }
0x33: {  	v53 =	vld [tilespmem:$0x50];
	[tilespmem:$0x2800] =	vst v0  }
0x34: {  	v54 =	vld [tilespmem:$0x60];
	[tilespmem:$0x2810] =	vst v1  }
0x35: {  	v55 =	vld [tilespmem:$0x70];
	[tilespmem:$0x2820] =	vst v2  }
0x36: {  	[tilespmem:$0x2830] =	vst v3  }
0x37: {  	[tilespmem:$0x2840] =	vst v4  }
0x38: {  	[tilespmem:$0x2850] =	vst v53  }
0x39: {  	[tilespmem:$0x2860] =	vst v54  }
0x3a: {  	[tilespmem:$0x2870] =	vst v55  }
0x3b: {  	[tilespmem:s20], [sflag:$0x1] =	stream.indirect.gather [spmem:s3], $0x30, s19, s18, $0xb8;
	[tilespmem:$0x14730] =	vst v63  }
0x3c: {  	v56 =	vld [tilespmem:$0x80]  }
0x3d: {  	v57 =	vld [tilespmem:$0x90]  }
0x3e: {  	v58 =	vld [tilespmem:$0xA0]  }
0x3f: {  	v59 =	vld [tilespmem:$0xB0]  }
0x40: {  	v60 =	vld [tilespmem:$0xC0]  }
0x41: {  	v61 =	vld [tilespmem:$0xD0];
	[tilespmem:$0x2880] =	vst v56  }
0x42: {  	v62 =	vld [tilespmem:$0xE0];
	[tilespmem:$0x2890] =	vst v57  }
0x43: {  	v63 =	vld [tilespmem:$0xF0];
	[tilespmem:$0x28A0] =	vst v58  }
0x44: {  	[tilespmem:$0x28B0] =	vst v59  }
0x45: {  	[tilespmem:$0x28C0] =	vst v60  }
0x46: {  	[tilespmem:$0x28D0] =	vst v61  }
0x47: {  	[tilespmem:$0x28E0] =	vst v62  }
0x48: {  	s29 =	simm.s32 $0x0;
	[tilespmem:$0x28F0] =	vst v63  }
0x49: {  	[tilespmem:s22], [sflag:$0x2] =	stream.indirect.gather [spmem:s3], $0x30, s21, s18, $0xb8;
	[tilespmem:$0x14730] =	vst v63  }
.LBB2_2:
0x4a: {  	_ =	swait.ge [sflag:s23], $0x1800  }
0x4b: {  	[sflag:s23] =	ssyncset.done $0x0  }
0x4c: {  	s30 =	sshra.s32 s29, $0x2;
	[sflag:s23] =	ssyncadd.s32 $0xFFFFE800  }
0x4d: {  	v0 =	vld [tilespmem:s30+$0x1400];
	_ =	sdelay $0x4  }
0x4e: {  	[tilespmem:$0x2900] =	vst v0  }
0x4f: {  	v0 =	vld [tilespmem:s30+$0x1410];
	_ =	sdelay $0x4  }
0x50: {  	[tilespmem:$0x2910] =	vst v0  }
0x51: {  	v0 =	vld [tilespmem:s30+$0x1420];
	_ =	sdelay $0x4  }
0x52: {  	[tilespmem:$0x2920] =	vst v0  }
0x53: {  	v0 =	vld [tilespmem:s30+$0x1430];
	_ =	sdelay $0x4  }
0x54: {  	[tilespmem:$0x2930] =	vst v0  }
0x55: {  	v0 =	vld [tilespmem:s30+$0x1440];
	_ =	sdelay $0x4  }
0x56: {  	[tilespmem:$0x2940] =	vst v0  }
0x57: {  	v0 =	vld [tilespmem:s30+$0x1450];
	_ =	sdelay $0x4  }
0x58: {  	[tilespmem:$0x2950] =	vst v0  }
0x59: {  	v0 =	vld [tilespmem:s30+$0x1460];
	_ =	sdelay $0x4  }
0x5a: {  	[tilespmem:$0x2960] =	vst v0  }
0x5b: {  	v0 =	vld [tilespmem:s30+$0x1470];
	_ =	sdelay $0x4  }
0x5c: {  	[tilespmem:$0x2970] =	vst v0  }
0x5d: {  	[spmem:s2] =	stream.indirect.scatter.add.f32 [tilespmem:s20], [sflag:$0x3], $0x30, s24, s18, $0xb8;
	[tilespmem:$0x14730] =	vst v63  }
0x5e: {  	_ =	swait.ge [sflag:s15], $0x1800  }
0x5f: {  	p0 =	seq.s32 s29, $0x4C00;
	[sflag:s15] =	ssyncset.done $0x0  }
0x60: {  	s31 =	sshra.s32 @!p0 s29, $0x2;
	[sflag:s15] =	ssyncadd.s32 $0xFFFFE800  }
0x61: {  	v0 =	vld @!p0 [tilespmem:s31+$0x100];
	_ =	sdelay $0x4  }
0x62: {  	[tilespmem:$0x2800] =	vst @!p0 v0  }
0x63: {  	v0 =	vld @!p0 [tilespmem:s31+$0x110];
	_ =	sdelay $0x4  }
0x64: {  	[tilespmem:$0x2810] =	vst @!p0 v0  }
0x65: {  	v0 =	vld @!p0 [tilespmem:s31+$0x120];
	_ =	sdelay $0x4  }
0x66: {  	[tilespmem:$0x2820] =	vst @!p0 v0  }
0x67: {  	v0 =	vld @!p0 [tilespmem:s31+$0x130];
	_ =	sdelay $0x4  }
0x68: {  	[tilespmem:$0x2830] =	vst @!p0 v0  }
0x69: {  	v0 =	vld @!p0 [tilespmem:s31+$0x140];
	_ =	sdelay $0x4  }
0x6a: {  	[tilespmem:$0x2840] =	vst @!p0 v0  }
0x6b: {  	v0 =	vld @!p0 [tilespmem:s31+$0x150];
	_ =	sdelay $0x4  }
0x6c: {  	[tilespmem:$0x2850] =	vst @!p0 v0  }
0x6d: {  	v0 =	vld @!p0 [tilespmem:s31+$0x160];
	_ =	sdelay $0x4  }
0x6e: {  	[tilespmem:$0x2860] =	vst @!p0 v0  }
0x6f: {  	v0 =	vld @!p0 [tilespmem:s31+$0x170];
	_ =	sdelay $0x4  }
0x70: {  	s0 =	simm.s32 @!p0 $0x2800;
	s1 =	simm.s32 @!p0 $0x2A00;
	s31 =	simm.s32 @!p0 $0x80;
	[tilespmem:$0x2870] =	vst @!p0 v0  }
0x71: {  	[tilespmem:s1], [sflag:$0x1] =	stream.indirect.gather @!p0 [spmem:s3], $0x30, s0, s31, $0xb8;
	[tilespmem:$0x14730] =	vst v63  }
0x72: {  	_ =	swait.ge [sflag:s25], $0x1800  }
0x73: {  	[sflag:s25] =	ssyncset.done $0x0  }
0x74: {  	[sflag:s25] =	ssyncadd.s32 $0xFFFFE800  }
0x75: {  	v63 =	vld [tilespmem:s30+$0x1480];
	_ =	sdelay $0x4  }
0x76: {  	[tilespmem:$0x2980] =	vst v63  }
0x77: {  	v0 =	vld [tilespmem:s30+$0x1490];
	_ =	sdelay $0x4  }
0x78: {  	[tilespmem:$0x2990] =	vst v0  }
0x79: {  	v0 =	vld [tilespmem:s30+$0x14A0];
	_ =	sdelay $0x4  }
0x7a: {  	[tilespmem:$0x29A0] =	vst v0  }
0x7b: {  	v0 =	vld [tilespmem:s30+$0x14B0];
	_ =	sdelay $0x4  }
0x7c: {  	[tilespmem:$0x29B0] =	vst v0  }
0x7d: {  	v0 =	vld [tilespmem:s30+$0x14C0];
	_ =	sdelay $0x4  }
0x7e: {  	[tilespmem:$0x29C0] =	vst v0  }
0x7f: {  	v0 =	vld [tilespmem:s30+$0x14D0];
	_ =	sdelay $0x4  }
0x80: {  	[tilespmem:$0x29D0] =	vst v0  }
0x81: {  	v0 =	vld [tilespmem:s30+$0x14E0];
	_ =	sdelay $0x4  }
0x82: {  	[tilespmem:$0x29E0] =	vst v0  }
0x83: {  	v0 =	vld [tilespmem:s30+$0x14F0];
	_ =	sdelay $0x4  }
.Ltmp2:
0x84: {  	[tilespmem:$0x29F0] =	vst v0;
	(pc) =	sbr.rel @p0 .LBB2_4-.Ltmp2, $4  }
0x85: {  	[spmem:s2] =	stream.indirect.scatter.add.f32 [tilespmem:s22], [sflag:$0x3], $0x30, s26, s18, $0xb8;
	[tilespmem:$0x14730] =	vst v63  }
0x86: {  	_ =	swait.ge [sflag:s15], $0x1800  }
0x87: {  	[sflag:s15] =	ssyncset.done $0x0  }
0x88: {  	[sflag:s15] =	ssyncadd.s32 $0xFFFFE800  }
0x89: {  	v0 =	vld [tilespmem:s30+$0x180];
	_ =	sdelay $0x4  }
0x8a: {  	[tilespmem:$0x2880] =	vst v0  }
0x8b: {  	v0 =	vld [tilespmem:s30+$0x190];
	_ =	sdelay $0x4  }
0x8c: {  	[tilespmem:$0x2890] =	vst v0  }
0x8d: {  	v0 =	vld [tilespmem:s30+$0x1A0];
	_ =	sdelay $0x4  }
0x8e: {  	[tilespmem:$0x28A0] =	vst v0  }
0x8f: {  	v0 =	vld [tilespmem:s30+$0x1B0];
	_ =	sdelay $0x4  }
0x90: {  	[tilespmem:$0x28B0] =	vst v0  }
0x91: {  	v0 =	vld [tilespmem:s30+$0x1C0];
	_ =	sdelay $0x4  }
0x92: {  	[tilespmem:$0x28C0] =	vst v0  }
0x93: {  	v0 =	vld [tilespmem:s30+$0x1D0];
	_ =	sdelay $0x4  }
0x94: {  	[tilespmem:$0x28D0] =	vst v0  }
0x95: {  	v0 =	vld [tilespmem:s30+$0x1E0];
	_ =	sdelay $0x4  }
0x96: {  	[tilespmem:$0x28E0] =	vst v0  }
0x97: {  	v0 =	vld [tilespmem:s30+$0x1F0];
	_ =	sdelay $0x1  }
.Ltmp3:
0x98: {  	_ = 	snop;
	(pc) =	sbr.rel .LBB2_2-.Ltmp3, $3  }
0x99: {  	_ =	sdelay $0x1  }
0x9a: {  	s29 =	sadd.s32 $0x400, s29;
	[tilespmem:$0x28F0] =	vst v0  }
0x9b: {  	[tilespmem:s22], [sflag:$0x2] =	stream.indirect.gather [spmem:s3], $0x30, s21, s18, $0xb8;
	[tilespmem:$0x14730] =	vst v63  }
.LBB2_4:
0x9c: {  	s29 =	simm.s32 $0x0  }
0x9d: {  	[tilespmem:s29], [sflag:$0x3] =	stream.linear.gather [hbm4b:s10+s29], $0x1400, $0x38;
	[tilespmem:$0x14730] =	vst v63  }
0x9e: {  	_ =	swait.ge [sflag:s15], $0x1400  }
0x9f: {  	[sflag:s15] =	ssyncset.done $0x0  }
0xa0: {  	[sflag:s15] =	ssyncadd.s32 $0xFFFFEC00  }
0xa1: {  	[tilespmem:s17], [sflag:$0x3] =	stream.linear.gather [hbm4b:s11+s29], $0x1400, $0x38;
	[tilespmem:$0x14730] =	vst v63  }
0xa2: {  	_ =	swait.ge [sflag:s15], $0x1400  }
0xa3: {  	[sflag:s15] =	ssyncset.done $0x0  }
0xa4: {  	[sflag:s15] =	ssyncadd.s32 $0xFFFFEC00  }
0xa5: {  	v0 =	vld [tilespmem:$0x0]  }
0xa6: {  	v1 =	vld [tilespmem:$0x10]  }
0xa7: {  	v2 =	vld [tilespmem:$0x20]  }
0xa8: {  	v3 =	vld [tilespmem:$0x30]  }
0xa9: {  	v4 =	vld [tilespmem:$0x40]  }
0xaa: {  	v53 =	vld [tilespmem:$0x50];
	[tilespmem:$0x2800] =	vst v0  }
0xab: {  	v54 =	vld [tilespmem:$0x60];
	[tilespmem:$0x2810] =	vst v1  }
0xac: {  	v55 =	vld [tilespmem:$0x70];
	[tilespmem:$0x2820] =	vst v2  }
0xad: {  	[tilespmem:$0x2830] =	vst v3  }
0xae: {  	[tilespmem:$0x2840] =	vst v4  }
0xaf: {  	[tilespmem:$0x2850] =	vst v53  }
0xb0: {  	[tilespmem:$0x2860] =	vst v54  }
0xb1: {  	[tilespmem:$0x2870] =	vst v55  }
0xb2: {  	[tilespmem:s20], [sflag:$0x1] =	stream.indirect.gather [spmem:s3], $0x30, s19, s18, $0xb8;
	[tilespmem:$0x14730] =	vst v63  }
0xb3: {  	v56 =	vld [tilespmem:$0x80]  }
0xb4: {  	v57 =	vld [tilespmem:$0x90]  }
0xb5: {  	v58 =	vld [tilespmem:$0xA0]  }
0xb6: {  	v59 =	vld [tilespmem:$0xB0]  }
0xb7: {  	v60 =	vld [tilespmem:$0xC0]  }
0xb8: {  	v61 =	vld [tilespmem:$0xD0];
	[tilespmem:$0x2880] =	vst v56  }
0xb9: {  	v62 =	vld [tilespmem:$0xE0];
	[tilespmem:$0x2890] =	vst v57  }
0xba: {  	v63 =	vld [tilespmem:$0xF0];
	[tilespmem:$0x28A0] =	vst v58  }
0xbb: {  	[tilespmem:$0x28B0] =	vst v59  }
0xbc: {  	[tilespmem:$0x28C0] =	vst v60  }
0xbd: {  	[tilespmem:$0x28D0] =	vst v61  }
0xbe: {  	[tilespmem:$0x28E0] =	vst v62  }
0xbf: {  	[tilespmem:$0x28F0] =	vst v63  }
0xc0: {  	[tilespmem:s22], [sflag:$0x2] =	stream.indirect.gather [spmem:s3], $0x30, s21, s18, $0xb8;
	[tilespmem:$0x14730] =	vst v63  }
.LBB2_5:
0xc1: {  	_ =	swait.ge [sflag:s23], $0x1800  }
0xc2: {  	[sflag:s23] =	ssyncset.done $0x0  }
0xc3: {  	s30 =	sshra.s32 s29, $0x2;
	[sflag:s23] =	ssyncadd.s32 $0xFFFFE800  }
0xc4: {  	v0 =	vld [tilespmem:s30+$0x1400];
	_ =	sdelay $0x4  }
0xc5: {  	[tilespmem:$0x2900] =	vst v0  }
0xc6: {  	v0 =	vld [tilespmem:s30+$0x1410];
	_ =	sdelay $0x4  }
0xc7: {  	[tilespmem:$0x2910] =	vst v0  }
0xc8: {  	v0 =	vld [tilespmem:s30+$0x1420];
	_ =	sdelay $0x4  }
0xc9: {  	[tilespmem:$0x2920] =	vst v0  }
0xca: {  	v0 =	vld [tilespmem:s30+$0x1430];
	_ =	sdelay $0x4  }
0xcb: {  	[tilespmem:$0x2930] =	vst v0  }
0xcc: {  	v0 =	vld [tilespmem:s30+$0x1440];
	_ =	sdelay $0x4  }
0xcd: {  	[tilespmem:$0x2940] =	vst v0  }
0xce: {  	v0 =	vld [tilespmem:s30+$0x1450];
	_ =	sdelay $0x4  }
0xcf: {  	[tilespmem:$0x2950] =	vst v0  }
0xd0: {  	v0 =	vld [tilespmem:s30+$0x1460];
	_ =	sdelay $0x4  }
0xd1: {  	[tilespmem:$0x2960] =	vst v0  }
0xd2: {  	v0 =	vld [tilespmem:s30+$0x1470];
	_ =	sdelay $0x4  }
0xd3: {  	[tilespmem:$0x2970] =	vst v0  }
0xd4: {  	[spmem:s2] =	stream.indirect.scatter.add.f32 [tilespmem:s20], [sflag:$0x3], $0x30, s24, s18, $0xb8;
	[tilespmem:$0x14730] =	vst v63  }
0xd5: {  	_ =	swait.ge [sflag:s15], $0x1800  }
0xd6: {  	p0 =	seq.s32 s29, $0x4C00;
	[sflag:s15] =	ssyncset.done $0x0  }
0xd7: {  	s0 =	sshra.s32 @!p0 s29, $0x2;
	[sflag:s15] =	ssyncadd.s32 $0xFFFFE800  }
0xd8: {  	v0 =	vld @!p0 [tilespmem:s0+$0x100];
	_ =	sdelay $0x4  }
0xd9: {  	[tilespmem:$0x2800] =	vst @!p0 v0  }
0xda: {  	v0 =	vld @!p0 [tilespmem:s0+$0x110];
	_ =	sdelay $0x4  }
0xdb: {  	[tilespmem:$0x2810] =	vst @!p0 v0  }
0xdc: {  	v0 =	vld @!p0 [tilespmem:s0+$0x120];
	_ =	sdelay $0x4  }
0xdd: {  	[tilespmem:$0x2820] =	vst @!p0 v0  }
0xde: {  	v0 =	vld @!p0 [tilespmem:s0+$0x130];
	_ =	sdelay $0x4  }
0xdf: {  	[tilespmem:$0x2830] =	vst @!p0 v0  }
0xe0: {  	v0 =	vld @!p0 [tilespmem:s0+$0x140];
	_ =	sdelay $0x4  }
0xe1: {  	[tilespmem:$0x2840] =	vst @!p0 v0  }
0xe2: {  	v0 =	vld @!p0 [tilespmem:s0+$0x150];
	_ =	sdelay $0x4  }
0xe3: {  	[tilespmem:$0x2850] =	vst @!p0 v0  }
0xe4: {  	v0 =	vld @!p0 [tilespmem:s0+$0x160];
	_ =	sdelay $0x4  }
0xe5: {  	[tilespmem:$0x2860] =	vst @!p0 v0  }
0xe6: {  	v0 =	vld @!p0 [tilespmem:s0+$0x170];
	_ =	sdelay $0x4  }
0xe7: {  	s1 =	simm.s32 @!p0 $0x2800;
	s31 =	simm.s32 @!p0 $0x2A00;
	s0 =	simm.s32 @!p0 $0x80;
	[tilespmem:$0x2870] =	vst @!p0 v0  }
0xe8: {  	[tilespmem:s31], [sflag:$0x1] =	stream.indirect.gather @!p0 [spmem:s3], $0x30, s1, s0, $0xb8;
	[tilespmem:$0x14730] =	vst v63  }
0xe9: {  	_ =	swait.ge [sflag:s25], $0x1800  }
0xea: {  	[sflag:s25] =	ssyncset.done $0x0  }
0xeb: {  	[sflag:s25] =	ssyncadd.s32 $0xFFFFE800  }
0xec: {  	v63 =	vld [tilespmem:s30+$0x1480];
	_ =	sdelay $0x4  }
0xed: {  	[tilespmem:$0x2980] =	vst v63  }
0xee: {  	v0 =	vld [tilespmem:s30+$0x1490];
	_ =	sdelay $0x4  }
0xef: {  	[tilespmem:$0x2990] =	vst v0  }
0xf0: {  	v0 =	vld [tilespmem:s30+$0x14A0];
	_ =	sdelay $0x4  }
0xf1: {  	[tilespmem:$0x29A0] =	vst v0  }
0xf2: {  	v0 =	vld [tilespmem:s30+$0x14B0];
	_ =	sdelay $0x4  }
0xf3: {  	[tilespmem:$0x29B0] =	vst v0  }
0xf4: {  	v0 =	vld [tilespmem:s30+$0x14C0];
	_ =	sdelay $0x4  }
0xf5: {  	[tilespmem:$0x29C0] =	vst v0  }
0xf6: {  	v0 =	vld [tilespmem:s30+$0x14D0];
	_ =	sdelay $0x4  }
0xf7: {  	[tilespmem:$0x29D0] =	vst v0  }
0xf8: {  	v0 =	vld [tilespmem:s30+$0x14E0];
	_ =	sdelay $0x4  }
0xf9: {  	[tilespmem:$0x29E0] =	vst v0  }
0xfa: {  	v0 =	vld [tilespmem:s30+$0x14F0];
	_ =	sdelay $0x4  }
.Ltmp4:
0xfb: {  	[tilespmem:$0x29F0] =	vst v0;
	(pc) =	sbr.rel @p0 .LBB2_7-.Ltmp4, $4  }
0xfc: {  	[spmem:s2] =	stream.indirect.scatter.add.f32 [tilespmem:s22], [sflag:$0x3], $0x30, s26, s18, $0xb8;
	[tilespmem:$0x14730] =	vst v63  }
0xfd: {  	_ =	swait.ge [sflag:s15], $0x1800  }
0xfe: {  	[sflag:s15] =	ssyncset.done $0x0  }
0xff: {  	[sflag:s15] =	ssyncadd.s32 $0xFFFFE800  }
0x100: {  	v0 =	vld [tilespmem:s30+$0x180];
	_ =	sdelay $0x4  }
0x101: {  	[tilespmem:$0x2880] =	vst v0  }
0x102: {  	v0 =	vld [tilespmem:s30+$0x190];
	_ =	sdelay $0x4  }
0x103: {  	[tilespmem:$0x2890] =	vst v0  }
0x104: {  	v0 =	vld [tilespmem:s30+$0x1A0];
	_ =	sdelay $0x4  }
0x105: {  	[tilespmem:$0x28A0] =	vst v0  }
0x106: {  	v0 =	vld [tilespmem:s30+$0x1B0];
	_ =	sdelay $0x4  }
0x107: {  	[tilespmem:$0x28B0] =	vst v0  }
0x108: {  	v0 =	vld [tilespmem:s30+$0x1C0];
	_ =	sdelay $0x4  }
0x109: {  	[tilespmem:$0x28C0] =	vst v0  }
0x10a: {  	v0 =	vld [tilespmem:s30+$0x1D0];
	_ =	sdelay $0x4  }
0x10b: {  	[tilespmem:$0x28D0] =	vst v0  }
0x10c: {  	v0 =	vld [tilespmem:s30+$0x1E0];
	_ =	sdelay $0x4  }
0x10d: {  	[tilespmem:$0x28E0] =	vst v0  }
0x10e: {  	v0 =	vld [tilespmem:s30+$0x1F0];
	_ =	sdelay $0x1  }
.Ltmp5:
0x10f: {  	_ = 	snop;
	(pc) =	sbr.rel .LBB2_5-.Ltmp5, $3  }
0x110: {  	_ =	sdelay $0x1  }
0x111: {  	s29 =	sadd.s32 $0x400, s29;
	[tilespmem:$0x28F0] =	vst v0  }
0x112: {  	[tilespmem:s22], [sflag:$0x2] =	stream.indirect.gather [spmem:s3], $0x30, s21, s18, $0xb8;
	[tilespmem:$0x14730] =	vst v63  }
.LBB2_8:
0x113: {  	_ =	sfence.sel $0x180000  }
0x114: {  	[bflag:$0x0] =	sbarrier.arrive $0xFFFF  }
0x115: {  	_ =	strace $0x9000004D  }
0x116: {  	s0 =	stileid.u32;
	[bflag:$0x2] =	sbarrier.arrive $0xFFFF  }
0x117: {  	p0 =	sne.s32 s0, $0x0;
	s0 =	rddreg [dreg:$0x4]  }
0x118: {  	s0 =	sadd.s32 @!p0 $0x100000, s0  }
0x119: {  	[sflag:s0] =	ssyncadd.tile.s32 @!p0 $0x1;
	_ =	shalt  }
.Lfunc_end2:
_tile_overlayer_lowered:
.L_overlay_start_2:
0x11a: {  	(tag) =	ssettag $0x2  }
0x11b: {  	s0 =	rddreg [dreg:$0x0];
	s2 =	stileid.u32  }
0x11c: {  	s1 =	rddreg [dreg:$0x1];
	p0 =	sne.s32 s2, $0x0  }
0x11d: {  	s3 =	rddreg [dreg:$0x2];
	[bflag:$0x3] =	sbarrier.arrive $0xFFFF;
	s2 =	simm.s32 @!p0 $0x1C03  }
0x11e: {  	[timem:s3], [sflag:s2] =	dma.local @!p0 [hbm:s0], s1  }
0x11f: {  	s0 =	simm.s32 @!p0 $0x3  }
0x120: {  	_ =	swait.ge @!p0 [sflag:s0], s1  }
0x121: {  	s1 =	ssub.s32 @!p0 $0x0, s1;
	[sflag:s0] =	ssyncset.done @!p0 $0x0  }
0x122: {  	[sflag:s0] =	ssyncadd.s32 @!p0 s1  }
0x123: {  	[bflag:$0x3] =	sbarrier.arrive $0xFFFF  }
0x124: {  	_ =	shalt  }

// kernel: kernel.8.cloned.1.call-start
scs
__scs_entry_jumppad:
0x0: {  	(pc) =	sbr.rel $0x88, $3  }
0x1: {  	(tag) =	ssettag $0x0;
	lr =	simm.s32 $0x1  }
0x2: {  	[smem:$0x3F9B] =	sst lr;
	_ =	strace $0xD0000000  }
0x3: {  	_ = 	snop  }
0x4: {  	_ = 	snop  }
0x5: {  	_ = 	snop  }
0x6: {  	_ = 	snop  }
0x7: {  	_ = 	snop  }
__scs_overlays_trampoline_lowered:
0x8: {  	[smem:$0x3FAA] =	sst s0  }
0x9: {  	[smem:$0x3FAB] =	sst s1  }
0xa: {  	[smem:$0x3FAC] =	sst s2  }
0xb: {  	[smem:$0x3FAD] =	sst s3  }
0xc: {  	[smem:$0x3FAE] =	sst s4  }
0xd: {  	[smem:$0x3FAF] =	sst s5  }
0xe: {  	[smem:$0x3FB0] =	sst s6  }
0xf: {  	[smem:$0x3FB1] =	sst s7  }
0x10: {  	[smem:$0x3FB2] =	sst s8  }
0x11: {  	[smem:$0x3FB3] =	sst s9;
	s0 =	simm.s32 @!p0 $0x0  }
0x12: {  	s1 =	sld [smem:$0x3F99];
	s0 =	simm.s32 @p0 $0x1  }
0x13: {  	[smem:$0x3FB4] =	sst s0;
	s0 =	simm.s32 @!p1 $0x0  }
0x14: {  	s2 =	sld [smem:$0x3F98];
	s0 =	simm.s32 @p1 $0x1  }
0x15: {  	[smem:$0x3FB5] =	sst s0;
	s0 =	simm.s32 @!p2 $0x0  }
0x16: {  	s3 =	sld [smem:$0x3FDB];
	s0 =	simm.s32 @p2 $0x1  }
0x17: {  	s4 =	simm.s32 $0x1BF5;
	[smem:$0x3FB7] =	sst s0  }
0x18: {  	s0 =	sld [smem:$0x3F9A];
	_ =	swait.ge [sflag:s4], $0x0  }
0x19: {  	s7 =	sld [smem:$0x3F9B]  }
0x1a: {  	s8 =	sadd.s32 $0xFFFFE003, lr  }
0x1b: {  	s9 =	sadd.s32 $0xFFFFFEF7, lr;
	s5 =	simm.s32 $0xFFFFFFFF;
	p2 =	slt.u32 s8, $0xFFFFF086  }
0x1c: {  	p1 =	slt.u32 s9, $0xF7A;
	s5 =	simm.s32 @!p2 $0x0  }
0x1d: {  	s5 =	simm.s32 @p1 $0x1;
	p0 =	seq.s32 s7, s2  }
0x1e: {  	s7 =	smul.u32 @!p0 $0xF7A, s2;
	p2 =	seq.s32 @!p0 s5, $0x0  }
0x1f: {  	s9 =	smul.u32 $0xF7A, s1;
	s8 =	simm.s32 @!p0 $0x1BF5;
	p2 =	por !p2, p0  }
0x20: {  	[sflag:s8] =	ssyncset.s32 @!p0 $0xFFFFF086;
	s6 =	sadd.s32 @!p0 s3, s7;
	s7 =	simm.s32 @!p0 $0x108  }
0x21: {  	s3 =	sadd.s32 s3, s9;
	s6 =	sadd.s32 @!p0 $0x88, s6;
	s7 =	simm.s32 @p2 $0x1082  }
0x22: {  	[simem:s7], [sflag:s8] =	dma.local @!p0 [hbm:s6], $0xF7A  }
0x23: {  	s9 =	sor.u32 $0xD0000000, s2;
	s6 =	simm.s32 $0x108;
	_ =	swait.ge @!p0 [sflag:s8], $0x0  }
0x24: {  	s3 =	sadd.s32 $0x88, s3;
	s6 =	simm.s32 @!p1 $0x1082;
	[sflag:s4] =	ssyncset.s32 $0xFFFFF086  }
0x25: {  	[simem:s6], [sflag:s4] =	dma.local [hbm:s3], $0xF7A  }
0x26: {  	[smem:$0x3F9B] =	sst s1;
	(tag) =	ssettag s2;
	_ =	strace s9  }
0x27: {  	s1 =	sld [smem:$0x3FAB]  }
0x28: {  	s2 =	sld [smem:$0x3FAC]  }
0x29: {  	s4 =	sld [smem:$0x3FAE]  }
0x2a: {  	p0 =	seq.s32 s5, $0x0;
	s5 =	sld [smem:$0x3FAF]  }
0x2b: {  	s6 =	sld [smem:$0x3FB0]  }
0x2c: {  	s7 =	sld [smem:$0x3FB1]  }
0x2d: {  	s3 =	simm.s32 $0x108;
	s8 =	sld [smem:$0x3FB2]  }
0x2e: {  	s3 =	simm.s32 @!p0 $0x1082;
	s9 =	sld [smem:$0x3FB3]  }
0x2f: {  	lr =	sadd.s32 s0, s3;
	s0 =	sld [smem:$0x3FAA]  }
0x30: {  	s3 =	sld [smem:$0x3FAD]  }
0x31: {  	[smem:$0x3FB6] =	sst s10  }
0x32: {  	s10 =	sld [smem:$0x3FB4];
	_ =	sdelay $0x3  }
0x33: {  	p0 =	seq.s32 s10, $0x1;
	s10 =	sld [smem:$0x3FB6];
	_ =	sdelay $0x3  }
0x34: {  	[smem:$0x3FB6] =	sst s10  }
0x35: {  	s10 =	sld [smem:$0x3FB5];
	_ =	sdelay $0x3  }
0x36: {  	p1 =	seq.s32 s10, $0x1;
	s10 =	sld [smem:$0x3FB6];
	_ =	sdelay $0x3  }
0x37: {  	[smem:$0x3FB6] =	sst s10  }
0x38: {  	s10 =	sld [smem:$0x3FB7]  }
0x39: {  	_ = 	snop;
	(pc) =	sbr.ind lr, $3  }
0x3a: {  	_ = 	snop  }
0x3b: {  	_ = 	snop  }
0x3c: {  	p2 =	seq.s32 s10, $0x1;
	s10 =	sld [smem:$0x3FB6]  }
0x3d: {  	_ =	shalt  }
0x3e: {  	_ =	shalt  }
0x3f: {  	_ =	shalt  }
0x40: {  	_ =	shalt  }
0x41: {  	_ =	shalt  }
0x42: {  	_ =	shalt  }
0x43: {  	_ =	shalt  }
0x44: {  	_ =	shalt  }
0x45: {  	_ =	shalt  }
0x46: {  	_ =	shalt  }
0x47: {  	_ =	shalt  }
0x48: {  	_ =	shalt  }
0x49: {  	_ =	shalt  }
0x4a: {  	_ =	shalt  }
0x4b: {  	_ =	shalt  }
0x4c: {  	_ =	shalt  }
0x4d: {  	_ =	shalt  }
0x4e: {  	_ =	shalt  }
0x4f: {  	_ =	shalt  }
0x50: {  	_ =	shalt  }
0x51: {  	_ =	shalt  }
0x52: {  	_ =	shalt  }
0x53: {  	_ =	shalt  }
0x54: {  	_ =	shalt  }
0x55: {  	_ =	shalt  }
0x56: {  	_ =	shalt  }
0x57: {  	_ =	shalt  }
0x58: {  	_ =	shalt  }
0x59: {  	_ =	shalt  }
0x5a: {  	_ =	shalt  }
0x5b: {  	_ =	shalt  }
0x5c: {  	_ =	shalt  }
0x5d: {  	_ =	shalt  }
0x5e: {  	_ =	shalt  }
0x5f: {  	_ =	shalt  }
0x60: {  	_ =	shalt  }
0x61: {  	_ =	shalt  }
0x62: {  	_ =	shalt  }
0x63: {  	_ =	shalt  }
0x64: {  	_ =	shalt  }
0x65: {  	_ =	shalt  }
0x66: {  	_ =	shalt  }
0x67: {  	_ =	shalt  }
0x68: {  	_ =	shalt  }
0x69: {  	_ =	shalt  }
0x6a: {  	_ =	shalt  }
0x6b: {  	_ =	shalt  }
0x6c: {  	_ =	shalt  }
0x6d: {  	_ =	shalt  }
0x6e: {  	_ =	shalt  }
0x6f: {  	_ =	shalt  }
0x70: {  	_ =	shalt  }
0x71: {  	_ =	shalt  }
0x72: {  	_ =	shalt  }
0x73: {  	_ =	shalt  }
0x74: {  	_ =	shalt  }
0x75: {  	_ =	shalt  }
0x76: {  	_ =	shalt  }
0x77: {  	_ =	shalt  }
0x78: {  	_ =	shalt  }
0x79: {  	_ =	shalt  }
0x7a: {  	_ =	shalt  }
0x7b: {  	_ =	shalt  }
0x7c: {  	_ =	shalt  }
0x7d: {  	_ =	shalt  }
0x7e: {  	_ =	shalt  }
0x7f: {  	_ =	shalt  }
0x80: {  	_ =	shalt  }
0x81: {  	_ =	shalt  }
0x82: {  	_ =	shalt  }
0x83: {  	_ =	shalt  }
0x84: {  	_ =	shalt  }
0x85: {  	_ =	shalt  }
0x86: {  	_ =	shalt  }
0x87: {  	_ =	shalt  }
.Lfunc_end0:
.L_simem_size_0:
called_computation_lowered:
.L_overlay_start_0:
0x88: {  	s2 =	sld [smem:$0x3FD9]  }
0x89: {  	s3 =	sld [smem:$0x3FFE];
	_ =	sdelay $0x1  }
0x8a: {  	s1 =	srdreg.scid  }
0x8b: {  	s0 =	sand.u32 $0x1, s1  }
0x8c: {  	s17 =	sshll.u32 s0, $0xA;
	s2 =	sadd.s32 s3, s2  }
0x8d: {  	s2 =	sadd.s32 s2, s17  }
0x8e: {  	[smem:$0x3FC2] =	sst s2  }
0x8f: {  	_ = 	snop  }
0x90: {  	s2 =	sld [smem:$0x3FD0];
	(tm) =	ssettm $0x1  }
0x91: {  	s18 =	sld [smem:$0x3FFB];
	_ =	sdelay $0x3  }
0x92: {  	_ =	strace s18  }
0x93: {  	s3 =	sld [smem:$0x3FFC];
	_ =	sdelay $0x3  }
0x94: {  	_ =	strace s3  }
0x95: {  	s3 =	sld [smem:$0x3FFD];
	_ =	sdelay $0x3  }
0x96: {  	_ =	strace s3  }
0x97: {  	_ =	strace $0x8FFFFFFF  }
0x98: {  	s19 =	sld [smem:$0x3FDB];
	_ =	sdelay $0x1  }
0x99: {  	s4 =	simm.s32 $_scs_section_size  }
0x9a: {  	s5 =	simm.s32 $_size__tile_overlayer_lowered;
	s6 =	simm.s32 $_tile_overlayer_lowered  }
0x9b: {  	s22 =	simm.s32 $0x1BFF;
	s21 =	sshll.u32 s6, $0x1;
	s3 =	sadd.s32 s4, s19  }
0x9c: {  	s7 =	simm.s32 $0x0;
	s20 =	sshll.u32 s5, $0x1;
	s5 =	sadd.s32 s21, s3  }
0x9d: {  	[timem:s7], [sflag:s22] =	dma.local [hbm:s5], s20  }
0x9e: {  	_ =	swait.ge [sflag:s22], s20  }
0x9f: {  	s4 =	ssub.s32 $0x0, s20;
	[sflag:s22] =	ssyncset.done $0x0  }
0xa0: {  	[sflag:s22] =	ssyncadd.s32 s4;
	_ =	sdelay $0x1  }
0xa1: {  	s23 =	simm.s32 $0x1B8B  }
0xa2: {  	_ =	swait.ge [sflag:s23], $0x1  }
0xa3: {  	[sflag:s23] =	ssyncset.done $0x0  }
0xa4: {  	s25 =	simm.s32 $0x1B8E;
	s24 =	sld [smem:$0x3FFE];
	[sflag:s23] =	ssyncadd.s32 $0xFFFFFFFF  }
0xa5: {  	s26 =	simm.s32 $execute0_lowered;
	[smem:$0x3FD2] =	sst s25  }
0xa6: {  	s5 =	sshll.u32 s26, $0x1;
	_ =	strace $0x80000046;
	[dreg:$0x1] =	wrdreg $0xFFFFFFFF  }
0xa7: {  	s28 =	simm.s32 $_size_execute0_lowered;
	s3 =	sadd.s32 s3, s5;
	[dreg:$0x0] =	wrdreg $0x0  }
0xa8: {  	s5 =	sshll.u32 s28, $0x1;
	[dreg:$0x2] =	wrdreg s3  }
0xa9: {  	[dreg:$0x3] =	wrdreg s5  }
0xaa: {  	[dreg:$0x4] =	wrdreg $0xC0  }
0xab: {  	_ =	task [dreg:s7], $0x5FFFF  }
0xac: {  	[dreg:$0x1] =	wrdreg $0xFFFFFFFF  }
0xad: {  	[dreg:$0x0] =	wrdreg $0x60  }
0xae: {  	[dreg:$0x2] =	wrdreg s2  }
0xaf: {  	[dreg:$0x3] =	wrdreg s24  }
0xb0: {  	[dreg:$0x4] =	wrdreg $0x8800  }
0xb1: {  	[dreg:$0x5] =	wrdreg $0x9  }
0xb2: {  	_ =	task.clear_ibuf [dreg:s7], $0x6FFFF;
	_ =	strace $0x90000046  }
0xb3: {  	s29 =	simm.s32 $0x9;
	_ =	strace $0x80000048  }
0xb4: {  	_ =	swait.ge [sflag:s29], $0x1  }
0xb5: {  	[sflag:s29] =	ssyncadd.s32 $0xFFFFFFFF  }
0xb6: {  	_ =	strace $0x90000048  }
0xb7: {  	_ =	sfence  }
0xb8: {  	s30 =	sld [smem:$0x0];
	_ =	sdelay $0x2  }
0xb9: {  	s31 =	sshll.u32 s1, $0xD;
	s1 =	sshrl.u32 s1, $0x2  }
0xba: {  	s3 =	sand.u32 $0x4000, s31;
	s1 =	sadd.s32 s1, s30  }
0xbb: {  	s0 =	sor.u32 s3, s0;
	s1 =	sshll.u32 s1, $0x11  }
0xbc: {  	s0 =	sor.u32 s1, s0  }
0xbd: {  	s0 =	sadd.s32 $0x8F2B, s0  }
0xbe: {  	[sflag:s0] =	ssyncadd.remote.s32 $0x1  }
0xbf: {  	_ =	sfence.sel $0xFFFF  }
0xc0: {  	[dreg:$0x0] =	wrdreg $0xFFFFFFFF;
	(pc) =	sbr.abs _section_cstart, $3  }
0xc1: {  	[dreg:$0x1] =	wrdreg $0xFFFFFFFF  }
0xc2: {  	_ =	task.clear_ibuf [dreg:s7], $0x2FFFF;
	_ =	strace $0x9FFFFFFF  }
0xc3: {  	(tm) =	ssettm $0x7FFFFFFF  }
tec
execute0_lowered:
.L_overlay_start_1:
0x0: {  	(tag) =	ssettag $0x1  }
0x1: {  	s9 =	rddreg [dreg:$0x0]  }
0x2: {  	s6 =	rddreg [dreg:$0x1]  }
0x3: {  	s2 =	rddreg [dreg:$0x2]  }
0x4: {  	s0 =	rddreg [dreg:$0x3]  }
0x5: {  	s4 =	srdreg.scid;
	s1 =	stileid.u32;
	s3 =	simm.s32 $0x0  }
0x6: {  	s5 =	sand.u32 $0x1, s4;
	s7 =	smul.u32 $0x2800, s1;
	[smem:$0x7FF] =	sst s3  }
0x7: {  	s4 =	sadd.s32 $0x1E00, s6;
	s11 =	smul.u32 $0x5000, s1;
	s31 =	sshll.u32 s1, $0x6  }
0x8: {  	s8 =	smul.u32 $0x28000, s5;
	_ =	strace $0x80000047;
	s10 =	ssub.s32 $0x2, s5  }
0x9: {  	s13 =	smul.u32 $0x2800, s5;
	s5 =	sadd.s32 $0x1800, s6;
	s12 =	sshrl.u32 s10, $0x1  }
0xa: {  	s30 =	sadd.s32 s7, s2;
	s8 =	sadd.s32 s7, s8;
	s10 =	ssub.s32 s10, s12  }
0xb: {  	s11 =	sadd.s32 s13, s11;
	s12 =	simm.s32 $0x80;
	s8 =	sshrl.u32 s8, $0x3  }
0xc: {  	s13 =	simm.s32 $0x0;
	s11 =	sshrl.u32 s11, $0x3;
	s8 =	sadd.s32 s8, s6  }
0xd: {  	s6 =	sor.u32 $0x1C01, s31;
	s9 =	sadd.s32 s11, s9;
	s11 =	simm.s32 $0x1  }
0xe: {  	s7 =	sadd.s32 $0x2000, s8;
	s8 =	smax.u32 s10, $0x1;
	s10 =	sshrl.u32 s30, $0x3  }
.LBB2_1:
0xf: {  	[spmem:s10], [sflag:s6] =	dma.local [hbm:s5], $0x500  }
0x10: {  	_ =	swait.ge [sflag:s11], $0x500  }
0x11: {  	[sflag:s11] =	ssyncset.done $0x0  }
0x12: {  	[sflag:s11] =	ssyncadd.s32 $0xFFFFFB00  }
0x13: {  	[tilespmem:s12], [sflag:$0x1] =	stream.linear.gather [hbm4b:s4+s3], $0x800, $0x38;
	[tilespmem:$0x3080] =	vst v63  }
0x14: {  	_ =	swait.ge [sflag:s11], $0x800  }
0x15: {  	[sflag:s11] =	ssyncset.done $0x0  }
0x16: {  	[sflag:s11] =	ssyncadd.s32 $0xFFFFF800  }
0x17: {  	s14 =	sadd.s32 $0x0, s9;
	[bflag:$0x0] =	sbarrier.arrive $0xFFFF  }
0x18: {  	[tilespmem:s3], [sflag:$0x1] =	stream.linear.gather [hbm4b:s14+s3], $0x80, $0x38;
	[tilespmem:$0x3080] =	vst v63  }
0x19: {  	_ =	swait.ge [sflag:s11], $0x80  }
0x1a: {  	[sflag:s11] =	ssyncset.done $0x0  }
0x1b: {  	[sflag:s11] =	ssyncadd.s32 $0xFFFFFF80  }
0x1c: {  	[spmem:s2] =	stream.indirect.scatter.add.f32 [tilespmem:s12], [sflag:$0x1], $0x10, s3, s12, $0xb8;
	[tilespmem:$0x3080] =	vst v63  }
0x1d: {  	_ =	swait.ge [sflag:s11], $0x800  }
0x1e: {  	s15 =	simm.s32 $0x20;
	s14 =	simm.s32 $0x10;
	[sflag:s11] =	ssyncset.done $0x0  }
.LBB2_2:
0x1f: {  	s16 =	sadd.s32 s14, s9  }
0x20: {  	[sflag:s11] =	ssyncadd.s32 $0xFFFFF800;
	s14 =	smov.u32 s15;
	s17 =	sadd.s32 $0x10, s15  }
0x21: {  	[tilespmem:s3], [sflag:$0x1] =	stream.linear.gather [hbm4b:s16+s3], $0x80, $0x38;
	[tilespmem:$0x3080] =	vst v63  }
0x22: {  	p0 =	sne.s32 s15, $0x4F0;
	_ =	swait.ge [sflag:s11], $0x80  }
.Ltmp0:
0x23: {  	[sflag:s11] =	ssyncset.done $0x0;
	(pc) =	sbr.rel @p0 .LBB2_2-.Ltmp0, $4  }
0x24: {  	[sflag:s11] =	ssyncadd.s32 $0xFFFFFF80  }
0x25: {  	[spmem:s2] =	stream.indirect.scatter.add.f32 [tilespmem:s12], [sflag:$0x1], $0x10, s3, s12, $0xb8;
	[tilespmem:$0x3080] =	vst v63  }
0x26: {  	_ =	swait.ge [sflag:s11], $0x800  }
0x27: {  	s15 =	smov.u32 s17;
	[sflag:s11] =	ssyncset.done $0x0  }
0x28: {  	s14 =	sadd.s32 s14, s9;
	[sflag:s11] =	ssyncadd.s32 $0xFFFFF800  }
0x29: {  	[tilespmem:s3], [sflag:$0x1] =	stream.linear.gather [hbm4b:s14+s3], $0x80, $0x38;
	[tilespmem:$0x3080] =	vst v63  }
0x2a: {  	_ =	swait.ge [sflag:s11], $0x80  }
0x2b: {  	[sflag:s11] =	ssyncset.done $0x0  }
0x2c: {  	[sflag:s11] =	ssyncadd.s32 $0xFFFFFF80  }
0x2d: {  	[spmem:s2] =	stream.indirect.scatter.add.f32 [tilespmem:s12], [sflag:$0x1], $0x10, s3, s12, $0xb8;
	[tilespmem:$0x3080] =	vst v63  }
0x2e: {  	_ =	swait.ge [sflag:s11], $0x800  }
0x2f: {  	s13 =	sadd.s32 $0x1, s13;
	[sflag:s11] =	ssyncset.done $0x0  }
0x30: {  	p0 =	sne.s32 s13, s8;
	[sflag:s11] =	ssyncadd.s32 $0xFFFFF800  }
.Ltmp1:
0x31: {  	[bflag:$0x0] =	sbarrier.arrive $0xFFFF;
	(pc) =	sbr.rel @p0 .LBB2_1-.Ltmp1, $4  }
0x32: {  	[hbm:s7], [sflag:s6] =	dma.local [spmem:s10], $0x500  }
0x33: {  	_ =	swait.ge [sflag:s11], $0x500  }
0x34: {  	[sflag:s11] =	ssyncset.done $0x0  }
0x35: {  	[sflag:s11] =	ssyncadd.s32 $0xFFFFFB00  }
0x36: {  	_ =	sfence.sel $0x180000  }
0x37: {  	[bflag:$0x0] =	sbarrier.arrive $0xFFFF  }
0x38: {  	p0 =	sne.s32 s1, $0x0;
	_ =	strace $0x90000047  }
0x39: {  	s0 =	sadd.s32 @!p0 $0x100000, s0;
	[bflag:$0x2] =	sbarrier.arrive $0xFFFF  }
0x3a: {  	[sflag:s0] =	ssyncadd.tile.s32 @!p0 $0x1;
	_ =	shalt  }
.Lfunc_end2:
_tile_overlayer_lowered:
.L_overlay_start_2:
0x3b: {  	(tag) =	ssettag $0x2  }
0x3c: {  	s0 =	rddreg [dreg:$0x0];
	s2 =	stileid.u32  }
0x3d: {  	s1 =	rddreg [dreg:$0x1];
	p0 =	sne.s32 s2, $0x0  }
0x3e: {  	s3 =	rddreg [dreg:$0x2];
	[bflag:$0x3] =	sbarrier.arrive $0xFFFF;
	s2 =	simm.s32 @!p0 $0x1C01  }
0x3f: {  	[timem:s3], [sflag:s2] =	dma.local @!p0 [hbm:s0], s1  }
0x40: {  	s0 =	simm.s32 @!p0 $0x1  }
0x41: {  	_ =	swait.ge @!p0 [sflag:s0], s1  }
0x42: {  	s1 =	ssub.s32 @!p0 $0x0, s1;
	[sflag:s0] =	ssyncset.done @!p0 $0x0  }
0x43: {  	[sflag:s0] =	ssyncadd.s32 @!p0 s1  }
0x44: {  	[bflag:$0x3] =	sbarrier.arrive $0xFFFF  }
0x45: {  	_ =	shalt  }

</sc_bundles>
